<compile_context>
chip_gen: v7x
topology: tpu7x:2x2x1
jax: 0.10.2.dev20260603
libtpu: 0.0.44.dev20260713+nightly
codegen_flags: <defaults>
</compile_context>

<pallas_src>
import jax
import jax.numpy as jnp
from jax import lax
from jax.experimental import pallas as pl
from jax.experimental.pallas import tpu as pltpu
from jax.experimental.pallas import tpu_sc as plsc

N = 10000
NP = 10240
R = 8
D = 128
NB = 4
EP = 40000
TILES = 16
CHUNK = 64
CHUNKS = 40
NBUF = 4
EPT = CHUNK * CHUNKS
EPAD = TILES * EPT
RPT = NP // TILES
RELS_PER_SC = R // 2


def _sc_body(x_hbm, cols_hbm, rows_hbm, a_hbm, deg_hbm,
             cols_v, rows_v, gbuf,
             gsem0, gsem1, gsem2, gsem3, ssem0, ssem1, ssem2, ssem3, a_sh):
    c = lax.axis_index("c")
    s = lax.axis_index("s")
    base = s * RPT
    gsems = (gsem0, gsem1, gsem2, gsem3)
    ssems = (ssem0, ssem1, ssem2, ssem3)

    def _fill_gbuf0(val):
        def _row(i, carry):
            for j in range(D // 16):
                gbuf[0, i, pl.ds(j * 16, 16)] = jnp.full((16,), val,
                                                         jnp.float32)
            return carry

        lax.fori_loop(0, CHUNK, _row, 0)

    def _g_issue(j, b):
        pltpu.async_copy(x_hbm.at[cols_v.at[j]], gbuf.at[b], gsems[b])

    def _g_wait(j, b):
        pltpu.make_async_copy(x_hbm.at[cols_v.at[j]], gbuf.at[b],
                              gsems[b]).wait()

    def _s_issue(j, b):
        pltpu.async_copy(gbuf.at[b], a_sh.at[rows_v.at[j]], ssems[b],
                         add=True)

    def _s_wait(j, b):
        pltpu.make_async_copy(gbuf.at[b], a_sh.at[rows_v.at[j]],
                              ssems[b]).wait()

    pltpu.sync_copy(cols_hbm.at[c * RELS_PER_SC, s], cols_v)
    pltpu.sync_copy(rows_hbm.at[c * RELS_PER_SC, s], rows_v)
    for b in range(1, NBUF):
        _g_issue(b, b)
    _fill_gbuf0(0.0)
    for k in range(RPT // CHUNK):
        pltpu.sync_copy(gbuf.at[0], a_sh.at[pl.ds(base + k * CHUNK, CHUNK)])
    _g_issue(0, 0)
    plsc.subcore_barrier()

    for r_i in range(RELS_PER_SC):
        r = c * RELS_PER_SC + r_i


        def _pipe(jj, carry):
            for b in range(NBUF):
                j = NBUF * jj + b
                _g_wait(j, b)
                _s_issue(j, b)
            for b in range(NBUF):
                j = NBUF * jj + b
                _s_wait(j, b)

                @pl.when(jj < CHUNKS // NBUF - 1)
                def _pf():
                    _g_issue(j + NBUF, b)

            return carry

        lax.fori_loop(0, CHUNKS // NBUF, _pipe, 0)

        if r_i + 1 < RELS_PER_SC:
            pltpu.sync_copy(cols_hbm.at[r + 1, s], cols_v)
            for b in range(1, NBUF):
                _g_issue(b, b)

        plsc.subcore_barrier()
        pltpu.sync_copy(a_sh.at[pl.ds(base, RPT)],
                        a_hbm.at[r, pl.ds(base, RPT)])
        plsc.subcore_barrier()

        _fill_gbuf0(1.0)

        def _dpipe(jj, carry):
            for b in range(NBUF):
                pltpu.async_copy(gbuf.at[0],
                                 a_sh.at[rows_v.at[NBUF * jj + b]],
                                 ssems[b], add=True)
            for b in range(NBUF):
                pltpu.make_async_copy(gbuf.at[0],
                                      a_sh.at[rows_v.at[NBUF * jj + b]],
                                      ssems[b]).wait()
            return carry

        lax.fori_loop(0, CHUNKS // NBUF, _dpipe, 0)
        plsc.subcore_barrier()
        pltpu.sync_copy(a_sh.at[pl.ds(base, RPT)],
                        deg_hbm.at[r, pl.ds(base, RPT)])
        if r_i + 1 < RELS_PER_SC:
            pltpu.sync_copy(rows_hbm.at[r + 1, s], rows_v)
            _g_issue(0, 0)
        plsc.subcore_barrier()


def _make_aggregate():
    return pl.kernel(
        _sc_body,
        out_type=(jax.ShapeDtypeStruct((R, NP, D), jnp.float32),
                  jax.ShapeDtypeStruct((R, NP, D), jnp.float32)),
        mesh=plsc.VectorSubcoreMesh(core_axis_name="c", subcore_axis_name="s"),
        scratch_types=[
            pltpu.VMEM((CHUNKS, CHUNK), jnp.int32),
            pltpu.VMEM((CHUNKS, CHUNK), jnp.int32),
            pltpu.VMEM((NBUF, CHUNK, D), jnp.float32),
            pltpu.SemaphoreType.DMA,
            pltpu.SemaphoreType.DMA,
            pltpu.SemaphoreType.DMA,
            pltpu.SemaphoreType.DMA,
            pltpu.SemaphoreType.DMA,
            pltpu.SemaphoreType.DMA,
            pltpu.SemaphoreType.DMA,
            pltpu.SemaphoreType.DMA,
            pltpu.VMEM_SHARED((NP, D), jnp.float32),
        ],
    )


BN = 512
GRID = (N + BN - 1) // BN


def _tc_body(x_ref, a_ref, deg_ref, bases_ref, coeffs_ref, slw_ref, bias_ref,
             o_ref):
    acc = jnp.dot(x_ref[...], slw_ref[...], preferred_element_type=jnp.float32)
    acc = acc + bias_ref[...]
    scale = jnp.ones((BN, D), jnp.float32)
    for r in range(R - 1, -1, -1):
        cnt = jnp.round(deg_ref[r] - a_ref[r])
        scale = scale / jnp.maximum(cnt, 1.0)
        if r % RELS_PER_SC == 0:
            a_r = a_ref[r]
        else:
            a_r = a_ref[r] - deg_ref[r - 1]
        w = coeffs_ref[r, 0] * bases_ref[0]
        for b in range(1, NB):
            w = w + coeffs_ref[r, b] * bases_ref[b]
        acc = acc + jnp.dot(a_r, w,
                            preferred_element_type=jnp.float32) * scale
    o_ref[...] = acc


def _make_combine():
    return pl.pallas_call(
        _tc_body,
        grid=(GRID,),
        in_specs=[
            pl.BlockSpec((BN, D), lambda i: (i, 0)),
            pl.BlockSpec((R, BN, D), lambda i: (0, i, 0)),
            pl.BlockSpec((R, BN, D), lambda i: (0, i, 0)),
            pl.BlockSpec((NB, D, D), lambda i: (0, 0, 0)),
            pl.BlockSpec(memory_space=pltpu.SMEM),
            pl.BlockSpec((D, D), lambda i: (0, 0)),
            pl.BlockSpec((1, D), lambda i: (0, 0)),
        ],
        out_specs=pl.BlockSpec((BN, D), lambda i: (i, 0)),
        out_shape=jax.ShapeDtypeStruct((N, D), jnp.float32),
    )


def kernel(x, edge_indices_by_type, bases, coeffs, self_loop_w, bias):
    rows = edge_indices_by_type[:, 0, :]
    cols = edge_indices_by_type[:, 1, :]
    pad = EPAD - EP
    rows_p = jnp.concatenate(
        [rows, jnp.full((R, pad), N, jnp.int32)],
        axis=1).reshape(R, TILES, CHUNKS, CHUNK)
    cols_p = jnp.concatenate(
        [cols, jnp.zeros((R, pad), jnp.int32)],
        axis=1).reshape(R, TILES, CHUNKS, CHUNK)

    a, deg = _make_aggregate()(x, cols_p, rows_p)

    return _make_combine()(x, a, deg, bases, coeffs, self_loop_w.T,
                           bias.reshape(1, D))

# --- scband reference (transcript-rebuilt; emitter-appended) ---
"""Pipeline reference for scband-rgcnconv-55190329754177 (READ-ONLY COPY).

The authoritative reference and input builder live on the scoring server;
editing this copy changes nothing except your own understanding.
"""

import jax, jax.numpy as jnp
import numpy as np

NUM_NODES = 10000
NUM_RELATIONS = 8
NUM_BASES = 4
IN_CH = 128
OUT_CH = 128
E_PER_REL = 40000


def setup_inputs(seed: int = 0):
    key = jax.random.key(seed)
    ks = jax.random.split(key, 6)
    x = jax.random.normal(ks[0], (NUM_NODES, IN_CH), dtype=jnp.float32)
    edge_indices_by_type = jax.random.randint(ks[1], (NUM_RELATIONS, 2, E_PER_REL), 0, NUM_NODES, dtype=jnp.int32)
    sb = (6.0 / (IN_CH + OUT_CH)) ** 0.5
    bases = jax.random.uniform(ks[2], (NUM_BASES, IN_CH, OUT_CH), dtype=jnp.float32, minval=-sb, maxval=sb)
    sc = (6.0 / (NUM_RELATIONS + NUM_BASES)) ** 0.5
    coeffs = jax.random.uniform(ks[3], (NUM_RELATIONS, NUM_BASES), dtype=jnp.float32, minval=-sc, maxval=sc)
    sl = (6.0 / (IN_CH + OUT_CH)) ** 0.5
    self_loop_w = jax.random.uniform(ks[4], (OUT_CH, IN_CH), dtype=jnp.float32, minval=-sl, maxval=sl)
    bias = jnp.zeros((OUT_CH,), dtype=jnp.float32)
    return {"x": x, "edge_indices_by_type": edge_indices_by_type, "bases": bases, "coeffs": coeffs, "self_loop_w": self_loop_w, "bias": bias}


def reference(x, edge_indices_by_type, bases, coeffs, self_loop_w, bias):
    num_nodes = x.shape[0]
    out = jnp.zeros((num_nodes, OUT_CH), dtype=jnp.float32)
    for rel_id in range(NUM_RELATIONS):
        edge_index = edge_indices_by_type[rel_id]
        # weight = sum_b coeffs[rel_id, b] * bases[b]
        weight = jnp.sum(coeffs[rel_id][:, None, None] * bases, axis=0)
        row = edge_index[0]
        col = edge_index[1]
        messages = jnp.take(x, col, axis=0) @ weight
        out = out.at[row].add(messages)
        deg = jnp.clip(jnp.bincount(row, length=num_nodes).astype(jnp.float32), 1.0, None)
        out = out / deg[:, None]
    out = out + x @ self_loop_w.T + bias
    return out

if __name__ == "__main__":
    import jax
    _d = setup_inputs()
    print(jax.jit(kernel)(*tuple(_d.values())))

</pallas_src>

<mosaic_0001>
#map = affine_map<(d0, d1) -> (0, 0)>
#map1 = affine_map<(d0, d1) -> (0, 0, 0, 0)>
#map2 = affine_map<(d0, d1) -> (0, 0, 0)>
module attributes {stable_mosaic.version = 14 : i64} {
  func.func @_sc_body(%arg0: i32, %arg1: i32, %arg2: memref<10000x128xf32, #tpu.memory_space<hbm>>, %arg3: memref<8x16x40x64xi32, #tpu.memory_space<hbm>>, %arg4: memref<8x16x40x64xi32, #tpu.memory_space<hbm>>, %arg5: memref<8x10240x128xf32, #tpu.memory_space<hbm>>, %arg6: memref<8x10240x128xf32, #tpu.memory_space<hbm>>, %arg7: memref<40x64xi32, #tpu.memory_space<vmem>>, %arg8: memref<40x64xi32, #tpu.memory_space<vmem>>, %arg9: memref<4x64x128xf32, #tpu.memory_space<vmem>>, %arg10: memref<!tpu.dma_semaphore, #tpu.memory_space<semaphore_mem>>, %arg11: memref<!tpu.dma_semaphore, #tpu.memory_space<semaphore_mem>>, %arg12: memref<!tpu.dma_semaphore, #tpu.memory_space<semaphore_mem>>, %arg13: memref<!tpu.dma_semaphore, #tpu.memory_space<semaphore_mem>>, %arg14: memref<!tpu.dma_semaphore, #tpu.memory_space<semaphore_mem>>, %arg15: memref<!tpu.dma_semaphore, #tpu.memory_space<semaphore_mem>>, %arg16: memref<!tpu.dma_semaphore, #tpu.memory_space<semaphore_mem>>, %arg17: memref<!tpu.dma_semaphore, #tpu.memory_space<semaphore_mem>>, %arg18: memref<10240x128xf32, #tpu.memory_space<vmem_shared>>) attributes {dimension_semantics = [#tpu.dimension_semantics<core_parallel>, #tpu.dimension_semantics<subcore_parallel>], iteration_bounds = array<i64: 2, 16>, scalar_prefetch = 0 : i64, scratch_operands = 12 : i64, tpu.core_type = #tpu.core_type<sc_vector_subcore>, window_params = [{transform_indices = #map}, {transform_indices = #map1}, {transform_indices = #map1}, {transform_indices = #map2}, {transform_indices = #map2}]} {
    %mul3A = arith.constant 640 : i32
    %mul3A_0 = arith.muli %arg1, %mul3A : i32
    %mul3A_1 = arith.constant 4 : i32
    %mul3A_2 = arith.muli %arg0, %mul3A_1 : i32
    "tpu.region"() ({
      %run_scoped3A_345 = tpu.sem_alloc : memref<!tpu.dma_semaphore, #tpu.memory_space<semaphore_mem>>
      %dma_start3A_346 = arith.constant 0 : i32
      %dma_start3A_347 = arith.constant 0 : i32
      %dma_start3A_348 = tpu.memref_slice %arg3[%mul3A_2, %arg1, %dma_start3A_346, %dma_start3A_347] : memref<8x16x40x64xi32, #tpu.memory_space<hbm>> -> memref<1x1x40x64xi32, #tpu.memory_space<hbm>>
      %dma_start3A_349 = tpu.memref_squeeze %dma_start3A_348 : memref<1x1x40x64xi32, #tpu.memory_space<hbm>> -> memref<40x64xi32, #tpu.memory_space<hbm>>
      %dma_start3A_350 = arith.constant 0 : i32
      %dma_start3A_351 = arith.constant 0 : i32
      %dma_start3A_352 = tpu.memref_slice %arg3[%mul3A_2, %arg1, %dma_start3A_350, %dma_start3A_351] : memref<8x16x40x64xi32, #tpu.memory_space<hbm>> -> memref<1x1x40x64xi32, #tpu.memory_space<hbm>>
      %dma_start3A_353 = tpu.memref_squeeze %dma_start3A_352 : memref<1x1x40x64xi32, #tpu.memory_space<hbm>> -> memref<40x64xi32, #tpu.memory_space<hbm>>
      tpu.enqueue_dma source(%dma_start3A_353 : memref<40x64xi32, #tpu.memory_space<hbm>>) target(%arg7 : memref<40x64xi32, #tpu.memory_space<vmem>>) target_semaphore(%run_scoped3A_345 : memref<!tpu.dma_semaphore, #tpu.memory_space<semaphore_mem>>)
      %dma_wait3A = arith.constant 0 : i32
      %dma_wait3A_354 = arith.constant 0 : i32
      %dma_wait3A_355 = tpu.memref_slice %arg3[%mul3A_2, %arg1, %dma_wait3A, %dma_wait3A_354] : memref<8x16x40x64xi32, #tpu.memory_space<hbm>> -> memref<1x1x40x64xi32, #tpu.memory_space<hbm>>
      %dma_wait3A_356 = tpu.memref_squeeze %dma_wait3A_355 : memref<1x1x40x64xi32, #tpu.memory_space<hbm>> -> memref<40x64xi32, #tpu.memory_space<hbm>>
      %dma_wait3A_357 = arith.constant 0 : i32
      %dma_wait3A_358 = arith.constant 0 : i32
      %dma_wait3A_359 = tpu.memref_slice %arg3[%mul3A_2, %arg1, %dma_wait3A_357, %dma_wait3A_358] : memref<8x16x40x64xi32, #tpu.memory_space<hbm>> -> memref<1x1x40x64xi32, #tpu.memory_space<hbm>>
      %dma_wait3A_360 = tpu.memref_squeeze %dma_wait3A_359 : memref<1x1x40x64xi32, #tpu.memory_space<hbm>> -> memref<40x64xi32, #tpu.memory_space<hbm>>
      tpu.wait_dma2 semaphore(%run_scoped3A_345 : memref<!tpu.dma_semaphore, #tpu.memory_space<semaphore_mem>>) src(%dma_wait3A_360 : memref<40x64xi32, #tpu.memory_space<hbm>>) dst(%arg7 : memref<40x64xi32, #tpu.memory_space<vmem>>)
      tpu.yield
    }) : () -> ()
    %mul3A_3 = arith.constant 4 : i32
    %mul3A_4 = arith.muli %arg0, %mul3A_3 : i32
    "tpu.region"() ({
      %run_scoped3A_345 = tpu.sem_alloc : memref<!tpu.dma_semaphore, #tpu.memory_space<semaphore_mem>>
      %dma_start3A_346 = arith.constant 0 : i32
      %dma_start3A_347 = arith.constant 0 : i32
      %dma_start3A_348 = tpu.memref_slice %arg4[%mul3A_4, %arg1, %dma_start3A_346, %dma_start3A_347] : memref<8x16x40x64xi32, #tpu.memory_space<hbm>> -> memref<1x1x40x64xi32, #tpu.memory_space<hbm>>
      %dma_start3A_349 = tpu.memref_squeeze %dma_start3A_348 : memref<1x1x40x64xi32, #tpu.memory_space<hbm>> -> memref<40x64xi32, #tpu.memory_space<hbm>>
      %dma_start3A_350 = arith.constant 0 : i32
      %dma_start3A_351 = arith.constant 0 : i32
      %dma_start3A_352 = tpu.memref_slice %arg4[%mul3A_4, %arg1, %dma_start3A_350, %dma_start3A_351] : memref<8x16x40x64xi32, #tpu.memory_space<hbm>> -> memref<1x1x40x64xi32, #tpu.memory_space<hbm>>
      %dma_start3A_353 = tpu.memref_squeeze %dma_start3A_352 : memref<1x1x40x64xi32, #tpu.memory_space<hbm>> -> memref<40x64xi32, #tpu.memory_space<hbm>>
      tpu.enqueue_dma source(%dma_start3A_353 : memref<40x64xi32, #tpu.memory_space<hbm>>) target(%arg8 : memref<40x64xi32, #tpu.memory_space<vmem>>) target_semaphore(%run_scoped3A_345 : memref<!tpu.dma_semaphore, #tpu.memory_space<semaphore_mem>>)
      %dma_wait3A = arith.constant 0 : i32
      %dma_wait3A_354 = arith.constant 0 : i32
      %dma_wait3A_355 = tpu.memref_slice %arg4[%mul3A_4, %arg1, %dma_wait3A, %dma_wait3A_354] : memref<8x16x40x64xi32, #tpu.memory_space<hbm>> -> memref<1x1x40x64xi32, #tpu.memory_space<hbm>>
      %dma_wait3A_356 = tpu.memref_squeeze %dma_wait3A_355 : memref<1x1x40x64xi32, #tpu.memory_space<hbm>> -> memref<40x64xi32, #tpu.memory_space<hbm>>
      %dma_wait3A_357 = arith.constant 0 : i32
      %dma_wait3A_358 = arith.constant 0 : i32
      %dma_wait3A_359 = tpu.memref_slice %arg4[%mul3A_4, %arg1, %dma_wait3A_357, %dma_wait3A_358] : memref<8x16x40x64xi32, #tpu.memory_space<hbm>> -> memref<1x1x40x64xi32, #tpu.memory_space<hbm>>
      %dma_wait3A_360 = tpu.memref_squeeze %dma_wait3A_359 : memref<1x1x40x64xi32, #tpu.memory_space<hbm>> -> memref<40x64xi32, #tpu.memory_space<hbm>>
      tpu.wait_dma2 semaphore(%run_scoped3A_345 : memref<!tpu.dma_semaphore, #tpu.memory_space<semaphore_mem>>) src(%dma_wait3A_360 : memref<40x64xi32, #tpu.memory_space<hbm>>) dst(%arg8 : memref<40x64xi32, #tpu.memory_space<vmem>>)
      tpu.yield
    }) : () -> ()
    %dma_start3A = arith.constant 1 : i32
    %dma_start3A_5 = arith.constant 1 : i32
    %dma_start3A_6 = arith.constant 0 : i32
    %dma_start3A_7 = arith.constant 0 : i32
    %dma_start3A_8 = tpu.memref_slice %arg9[%dma_start3A_5, %dma_start3A_6, %dma_start3A_7] : memref<4x64x128xf32, #tpu.memory_space<vmem>> -> memref<1x64x128xf32, #tpu.memory_space<vmem>>
    %dma_start3A_9 = tpu.memref_squeeze %dma_start3A_8 : memref<1x64x128xf32, #tpu.memory_space<vmem>> -> memref<64x128xf32, #tpu.memory_space<vmem>>
    %dma_start3A_10 = arith.constant 0 : i32
    %dma_start3A_11 = tpu.memref_slice %arg7[%dma_start3A, %dma_start3A_10] : memref<40x64xi32, #tpu.memory_space<vmem>> -> memref<1x64xi32, #tpu.memory_space<vmem>>
    %dma_start3A_12 = tpu.memref_squeeze %dma_start3A_11 : memref<1x64xi32, #tpu.memory_space<vmem>> -> memref<64xi32, #tpu.memory_space<vmem>>
    %dma_start3A_13 = arith.constant 0 : i32
    %dma_start3A_14 = arith.constant 0 : i32
    %dma_start3A_15 = tpu.memref_slice %arg2[%dma_start3A_13, %dma_start3A_14] : memref<10000x128xf32, #tpu.memory_space<hbm>> -> memref<10000x128xf32, #tpu.memory_space<hbm>>
    tpu.enqueue_indirect_dma source(%dma_start3A_15 : memref<10000x128xf32, #tpu.memory_space<hbm>>) target(%dma_start3A_9 : memref<64x128xf32, #tpu.memory_space<vmem>>) offsets(%dma_start3A_12 : memref<64xi32, #tpu.memory_space<vmem>>) semaphore(%arg11 : memref<!tpu.dma_semaphore, #tpu.memory_space<semaphore_mem>>)
    %dma_start3A_16 = arith.constant 2 : i32
    %dma_start3A_17 = arith.constant 2 : i32
    %dma_start3A_18 = arith.constant 0 : i32
    %dma_start3A_19 = arith.constant 0 : i32
    %dma_start3A_20 = tpu.memref_slice %arg9[%dma_start3A_17, %dma_start3A_18, %dma_start3A_19] : memref<4x64x128xf32, #tpu.memory_space<vmem>> -> memref<1x64x128xf32, #tpu.memory_space<vmem>>
    %dma_start3A_21 = tpu.memref_squeeze %dma_start3A_20 : memref<1x64x128xf32, #tpu.memory_space<vmem>> -> memref<64x128xf32, #tpu.memory_space<vmem>>
    %dma_start3A_22 = arith.constant 0 : i32
    %dma_start3A_23 = tpu.memref_slice %arg7[%dma_start3A_16, %dma_start3A_22] : memref<40x64xi32, #tpu.memory_space<vmem>> -> memref<1x64xi32, #tpu.memory_space<vmem>>
    %dma_start3A_24 = tpu.memref_squeeze %dma_start3A_23 : memref<1x64xi32, #tpu.memory_space<vmem>> -> memref<64xi32, #tpu.memory_space<vmem>>
    %dma_start3A_25 = arith.constant 0 : i32
    %dma_start3A_26 = arith.constant 0 : i32
    %dma_start3A_27 = tpu.memref_slice %arg2[%dma_start3A_25, %dma_start3A_26] : memref<10000x128xf32, #tpu.memory_space<hbm>> -> memref<10000x128xf32, #tpu.memory_space<hbm>>
    tpu.enqueue_indirect_dma source(%dma_start3A_27 : memref<10000x128xf32, #tpu.memory_space<hbm>>) target(%dma_start3A_21 : memref<64x128xf32, #tpu.memory_space<vmem>>) offsets(%dma_start3A_24 : memref<64xi32, #tpu.memory_space<vmem>>) semaphore(%arg12 : memref<!tpu.dma_semaphore, #tpu.memory_space<semaphore_mem>>)
    %dma_start3A_28 = arith.constant 3 : i32
    %dma_start3A_29 = arith.constant 3 : i32
    %dma_start3A_30 = arith.constant 0 : i32
    %dma_start3A_31 = arith.constant 0 : i32
    %dma_start3A_32 = tpu.memref_slice %arg9[%dma_start3A_29, %dma_start3A_30, %dma_start3A_31] : memref<4x64x128xf32, #tpu.memory_space<vmem>> -> memref<1x64x128xf32, #tpu.memory_space<vmem>>
    %dma_start3A_33 = tpu.memref_squeeze %dma_start3A_32 : memref<1x64x128xf32, #tpu.memory_space<vmem>> -> memref<64x128xf32, #tpu.memory_space<vmem>>
    %dma_start3A_34 = arith.constant 0 : i32
    %dma_start3A_35 = tpu.memref_slice %arg7[%dma_start3A_28, %dma_start3A_34] : memref<40x64xi32, #tpu.memory_space<vmem>> -> memref<1x64xi32, #tpu.memory_space<vmem>>
    %dma_start3A_36 = tpu.memref_squeeze %dma_start3A_35 : memref<1x64xi32, #tpu.memory_space<vmem>> -> memref<64xi32, #tpu.memory_space<vmem>>
    %dma_start3A_37 = arith.constant 0 : i32
    %dma_start3A_38 = arith.constant 0 : i32
    %dma_start3A_39 = tpu.memref_slice %arg2[%dma_start3A_37, %dma_start3A_38] : memref<10000x128xf32, #tpu.memory_space<hbm>> -> memref<10000x128xf32, #tpu.memory_space<hbm>>
    tpu.enqueue_indirect_dma source(%dma_start3A_39 : memref<10000x128xf32, #tpu.memory_space<hbm>>) target(%dma_start3A_33 : memref<64x128xf32, #tpu.memory_space<vmem>>) offsets(%dma_start3A_36 : memref<64xi32, #tpu.memory_space<vmem>>) semaphore(%arg13 : memref<!tpu.dma_semaphore, #tpu.memory_space<semaphore_mem>>)
    %scan3A = arith.constant 0 : i32
    %scan3A_40 = arith.constant 0 : i32
    %scan3A_41 = arith.constant 64 : i32
    %scan3A_42 = arith.addi %scan3A_40, %scan3A_41 : i32
    %scan3A_43 = arith.constant 1 : i32
    scf.for %scan3A_345 = %scan3A_40 to %scan3A_42 step %scan3A_43  : i32 {
      %broadcast_in_dim3A = arith.constant 0.000000e+00 : f32
      %broadcast_in_dim3A_346 = vector.broadcast %broadcast_in_dim3A : f32 to vector<16xf32>
      %swap3A = arith.constant 0 : i32
      %swap3A_347 = arith.index_cast %swap3A : i32 to index
      %swap3A_348 = arith.index_cast %scan3A_345 : i32 to index
      %swap3A_349 = arith.constant 0 : index
      %swap3A_350 = tpu.vector_load %arg9[%swap3A_347, %swap3A_348, %swap3A_349] {strides = array<i32>} : memref<4x64x128xf32, #tpu.memory_space<vmem>>, vector<1x1x16xf32>,
      %swap3A_351 = vector.shape_cast %swap3A_350 : vector<1x1x16xf32> to vector<16xf32>
      %swap3A_352 = vector.shape_cast %broadcast_in_dim3A_346 : vector<16xf32> to vector<1x1x16xf32>
      tpu.vector_store %arg9[%swap3A_347, %swap3A_348, %swap3A_349], %swap3A_352 {strides = array<i32>} : memref<4x64x128xf32, #tpu.memory_space<vmem>>, vector<1x1x16xf32>,
      %broadcast_in_dim3A_353 = arith.constant 0.000000e+00 : f32
      %broadcast_in_dim3A_354 = vector.broadcast %broadcast_in_dim3A_353 : f32 to vector<16xf32>
      %swap3A_355 = arith.constant 0 : i32
      %swap3A_356 = arith.index_cast %swap3A_355 : i32 to index
      %swap3A_357 = arith.index_cast %scan3A_345 : i32 to index
      %swap3A_358 = arith.constant 16 : index
      %swap3A_359 = tpu.vector_load %arg9[%swap3A_356, %swap3A_357, %swap3A_358] {strides = array<i32>} : memref<4x64x128xf32, #tpu.memory_space<vmem>>, vector<1x1x16xf32>,
      %swap3A_360 = vector.shape_cast %swap3A_359 : vector<1x1x16xf32> to vector<16xf32>
      %swap3A_361 = vector.shape_cast %broadcast_in_dim3A_354 : vector<16xf32> to vector<1x1x16xf32>
      tpu.vector_store %arg9[%swap3A_356, %swap3A_357, %swap3A_358], %swap3A_361 {strides = array<i32>} : memref<4x64x128xf32, #tpu.memory_space<vmem>>, vector<1x1x16xf32>,
      %broadcast_in_dim3A_362 = arith.constant 0.000000e+00 : f32
      %broadcast_in_dim3A_363 = vector.broadcast %broadcast_in_dim3A_362 : f32 to vector<16xf32>
      %swap3A_364 = arith.constant 0 : i32
      %swap3A_365 = arith.index_cast %swap3A_364 : i32 to index
      %swap3A_366 = arith.index_cast %scan3A_345 : i32 to index
      %swap3A_367 = arith.constant 32 : index
      %swap3A_368 = tpu.vector_load %arg9[%swap3A_365, %swap3A_366, %swap3A_367] {strides = array<i32>} : memref<4x64x128xf32, #tpu.memory_space<vmem>>, vector<1x1x16xf32>,
      %swap3A_369 = vector.shape_cast %swap3A_368 : vector<1x1x16xf32> to vector<16xf32>
      %swap3A_370 = vector.shape_cast %broadcast_in_dim3A_363 : vector<16xf32> to vector<1x1x16xf32>
      tpu.vector_store %arg9[%swap3A_365, %swap3A_366, %swap3A_367], %swap3A_370 {strides = array<i32>} : memref<4x64x128xf32, #tpu.memory_space<vmem>>, vector<1x1x16xf32>,
      %broadcast_in_dim3A_371 = arith.constant 0.000000e+00 : f32
      %broadcast_in_dim3A_372 = vector.broadcast %broadcast_in_dim3A_371 : f32 to vector<16xf32>
      %swap3A_373 = arith.constant 0 : i32
      %swap3A_374 = arith.index_cast %swap3A_373 : i32 to index
      %swap3A_375 = arith.index_cast %scan3A_345 : i32 to index
      %swap3A_376 = arith.constant 48 : index
      %swap3A_377 = tpu.vector_load %arg9[%swap3A_374, %swap3A_375, %swap3A_376] {strides = array<i32>} : memref<4x64x128xf32, #tpu.memory_space<vmem>>, vector<1x1x16xf32>,
      %swap3A_378 = vector.shape_cast %swap3A_377 : vector<1x1x16xf32> to vector<16xf32>
      %swap3A_379 = vector.shape_cast %broadcast_in_dim3A_372 : vector<16xf32> to vector<1x1x16xf32>
      tpu.vector_store %arg9[%swap3A_374, %swap3A_375, %swap3A_376], %swap3A_379 {strides = array<i32>} : memref<4x64x128xf32, #tpu.memory_space<vmem>>, vector<1x1x16xf32>,
      %broadcast_in_dim3A_380 = arith.constant 0.000000e+00 : f32
      %broadcast_in_dim3A_381 = vector.broadcast %broadcast_in_dim3A_380 : f32 to vector<16xf32>
      %swap3A_382 = arith.constant 0 : i32
      %swap3A_383 = arith.index_cast %swap3A_382 : i32 to index
      %swap3A_384 = arith.index_cast %scan3A_345 : i32 to index
      %swap3A_385 = arith.constant 64 : index
      %swap3A_386 = tpu.vector_load %arg9[%swap3A_383, %swap3A_384, %swap3A_385] {strides = array<i32>} : memref<4x64x128xf32, #tpu.memory_space<vmem>>, vector<1x1x16xf32>,
      %swap3A_387 = vector.shape_cast %swap3A_386 : vector<1x1x16xf32> to vector<16xf32>
      %swap3A_388 = vector.shape_cast %broadcast_in_dim3A_381 : vector<16xf32> to vector<1x1x16xf32>
      tpu.vector_store %arg9[%swap3A_383, %swap3A_384, %swap3A_385], %swap3A_388 {strides = array<i32>} : memref<4x64x128xf32, #tpu.memory_space<vmem>>, vector<1x1x16xf32>,
      %broadcast_in_dim3A_389 = arith.constant 0.000000e+00 : f32
      %broadcast_in_dim3A_390 = vector.broadcast %broadcast_in_dim3A_389 : f32 to vector<16xf32>
      %swap3A_391 = arith.constant 0 : i32
      %swap3A_392 = arith.index_cast %swap3A_391 : i32 to index
      %swap3A_393 = arith.index_cast %scan3A_345 : i32 to index
      %swap3A_394 = arith.constant 80 : index
      %swap3A_395 = tpu.vector_load %arg9[%swap3A_392, %swap3A_393, %swap3A_394] {strides = array<i32>} : memref<4x64x128xf32, #tpu.memory_space<vmem>>, vector<1x1x16xf32>,
      %swap3A_396 = vector.shape_cast %swap3A_395 : vector<1x1x16xf32> to vector<16xf32>
      %swap3A_397 = vector.shape_cast %broadcast_in_dim3A_390 : vector<16xf32> to vector<1x1x16xf32>
      tpu.vector_store %arg9[%swap3A_392, %swap3A_393, %swap3A_394], %swap3A_397 {strides = array<i32>} : memref<4x64x128xf32, #tpu.memory_space<vmem>>, vector<1x1x16xf32>,
      %broadcast_in_dim3A_398 = arith.constant 0.000000e+00 : f32
      %broadcast_in_dim3A_399 = vector.broadcast %broadcast_in_dim3A_398 : f32 to vector<16xf32>
      %swap3A_400 = arith.constant 0 : i32
      %swap3A_401 = arith.index_cast %swap3A_400 : i32 to index
      %swap3A_402 = arith.index_cast %scan3A_345 : i32 to index
      %swap3A_403 = arith.constant 96 : index
      %swap3A_404 = tpu.vector_load %arg9[%swap3A_401, %swap3A_402, %swap3A_403] {strides = array<i32>} : memref<4x64x128xf32, #tpu.memory_space<vmem>>, vector<1x1x16xf32>,
      %swap3A_405 = vector.shape_cast %swap3A_404 : vector<1x1x16xf32> to vector<16xf32>
      %swap3A_406 = vector.shape_cast %broadcast_in_dim3A_399 : vector<16xf32> to vector<1x1x16xf32>
      tpu.vector_store %arg9[%swap3A_401, %swap3A_402, %swap3A_403], %swap3A_406 {strides = array<i32>} : memref<4x64x128xf32, #tpu.memory_space<vmem>>, vector<1x1x16xf32>,
      %broadcast_in_dim3A_407 = arith.constant 0.000000e+00 : f32
      %broadcast_in_dim3A_408 = vector.broadcast %broadcast_in_dim3A_407 : f32 to vector<16xf32>
      %swap3A_409 = arith.constant 0 : i32
      %swap3A_410 = arith.index_cast %swap3A_409 : i32 to index
      %swap3A_411 = arith.index_cast %scan3A_345 : i32 to index
      %swap3A_412 = arith.constant 112 : index
      %swap3A_413 = tpu.vector_load %arg9[%swap3A_410, %swap3A_411, %swap3A_412] {strides = array<i32>} : memref<4x64x128xf32, #tpu.memory_space<vmem>>, vector<1x1x16xf32>,
      %swap3A_414 = vector.shape_cast %swap3A_413 : vector<1x1x16xf32> to vector<16xf32>
      %swap3A_415 = vector.shape_cast %broadcast_in_dim3A_408 : vector<16xf32> to vector<1x1x16xf32>
      tpu.vector_store %arg9[%swap3A_410, %swap3A_411, %swap3A_412], %swap3A_415 {strides = array<i32>} : memref<4x64x128xf32, #tpu.memory_space<vmem>>, vector<1x1x16xf32>,
    }
    %scan3A_44 = arith.constant 64 : i32
    %add3A = arith.constant 0 : i32
    %add3A_45 = arith.addi %mul3A_0, %add3A : i32
    %run_scoped3A = arith.constant 0 : i32
    "tpu.region"() ({
      %run_scoped3A_345 = tpu.sem_alloc : memref<!tpu.dma_semaphore, #tpu.memory_space<semaphore_mem>>
      %dma_start3A_346 = arith.constant 0 : i32
      %dma_start3A_347 = arith.constant 0 : i32
      %dma_start3A_348 = tpu.memref_slice %arg9[%run_scoped3A, %dma_start3A_346, %dma_start3A_347] : memref<4x64x128xf32, #tpu.memory_space<vmem>> -> memref<1x64x128xf32, #tpu.memory_space<vmem>>
      %dma_start3A_349 = tpu.memref_squeeze %dma_start3A_348 : memref<1x64x128xf32, #tpu.memory_space<vmem>> -> memref<64x128xf32, #tpu.memory_space<vmem>>
      %dma_start3A_350 = arith.constant 0 : i32
      %dma_start3A_351 = tpu.memref_slice %arg18[%add3A_45, %dma_start3A_350] : memref<10240x128xf32, #tpu.memory_space<vmem_shared>> -> memref<64x128xf32, #tpu.memory_space<vmem_shared>>
      %dma_start3A_352 = arith.constant 0 : i32
      %dma_start3A_353 = tpu.memref_slice %arg18[%add3A_45, %dma_start3A_352] : memref<10240x128xf32, #tpu.memory_space<vmem_shared>> -> memref<64x128xf32, #tpu.memory_space<vmem_shared>>
      %dma_start3A_354 = arith.constant 0 : i32
      %dma_start3A_355 = arith.constant 0 : i32
      %dma_start3A_356 = tpu.memref_slice %arg9[%run_scoped3A, %dma_start3A_354, %dma_start3A_355] : memref<4x64x128xf32, #tpu.memory_space<vmem>> -> memref<1x64x128xf32, #tpu.memory_space<vmem>>
      %dma_start3A_357 = tpu.memref_squeeze %dma_start3A_356 : memref<1x64x128xf32, #tpu.memory_space<vmem>> -> memref<64x128xf32, #tpu.memory_space<vmem>>
      tpu.enqueue_dma source(%dma_start3A_357 : memref<64x128xf32, #tpu.memory_space<vmem>>) target(%dma_start3A_353 : memref<64x128xf32, #tpu.memory_space<vmem_shared>>) target_semaphore(%run_scoped3A_345 : memref<!tpu.dma_semaphore, #tpu.memory_space<semaphore_mem>>)
      %dma_wait3A = arith.constant 0 : i32
      %dma_wait3A_358 = arith.constant 0 : i32
      %dma_wait3A_359 = tpu.memref_slice %arg9[%run_scoped3A, %dma_wait3A, %dma_wait3A_358] : memref<4x64x128xf32, #tpu.memory_space<vmem>> -> memref<1x64x128xf32, #tpu.memory_space<vmem>>
      %dma_wait3A_360 = tpu.memref_squeeze %dma_wait3A_359 : memref<1x64x128xf32, #tpu.memory_space<vmem>> -> memref<64x128xf32, #tpu.memory_space<vmem>>
      %dma_wait3A_361 = arith.constant 0 : i32
      %dma_wait3A_362 = tpu.memref_slice %arg18[%add3A_45, %dma_wait3A_361] : memref<10240x128xf32, #tpu.memory_space<vmem_shared>> -> memref<64x128xf32, #tpu.memory_space<vmem_shared>>
      %dma_wait3A_363 = arith.constant 0 : i32
      %dma_wait3A_364 = tpu.memref_slice %arg18[%add3A_45, %dma_wait3A_363] : memref<10240x128xf32, #tpu.memory_space<vmem_shared>> -> memref<64x128xf32, #tpu.memory_space<vmem_shared>>
      %dma_wait3A_365 = arith.constant 0 : i32
      %dma_wait3A_366 = arith.constant 0 : i32
      %dma_wait3A_367 = tpu.memref_slice %arg9[%run_scoped3A, %dma_wait3A_365, %dma_wait3A_366] : memref<4x64x128xf32, #tpu.memory_space<vmem>> -> memref<1x64x128xf32, #tpu.memory_space<vmem>>
      %dma_wait3A_368 = tpu.memref_squeeze %dma_wait3A_367 : memref<1x64x128xf32, #tpu.memory_space<vmem>> -> memref<64x128xf32, #tpu.memory_space<vmem>>
      tpu.wait_dma2 semaphore(%run_scoped3A_345 : memref<!tpu.dma_semaphore, #tpu.memory_space<semaphore_mem>>) src(%dma_wait3A_368 : memref<64x128xf32, #tpu.memory_space<vmem>>) dst(%dma_wait3A_364 : memref<64x128xf32, #tpu.memory_space<vmem_shared>>)
      tpu.yield
    }) : () -> ()
    %add3A_46 = arith.constant 64 : i32
    %add3A_47 = arith.addi %mul3A_0, %add3A_46 : i32
    %run_scoped3A_48 = arith.constant 0 : i32
    "tpu.region"() ({
      %run_scoped3A_345 = tpu.sem_alloc : memref<!tpu.dma_semaphore, #tpu.memory_space<semaphore_mem>>
      %dma_start3A_346 = arith.constant 0 : i32
      %dma_start3A_347 = arith.constant 0 : i32
      %dma_start3A_348 = tpu.memref_slice %arg9[%run_scoped3A_48, %dma_start3A_346, %dma_start3A_347] : memref<4x64x128xf32, #tpu.memory_space<vmem>> -> memref<1x64x128xf32, #tpu.memory_space<vmem>>
      %dma_start3A_349 = tpu.memref_squeeze %dma_start3A_348 : memref<1x64x128xf32, #tpu.memory_space<vmem>> -> memref<64x128xf32, #tpu.memory_space<vmem>>
      %dma_start3A_350 = arith.constant 0 : i32
      %dma_start3A_351 = tpu.memref_slice %arg18[%add3A_47, %dma_start3A_350] : memref<10240x128xf32, #tpu.memory_space<vmem_shared>> -> memref<64x128xf32, #tpu.memory_space<vmem_shared>>
      %dma_start3A_352 = arith.constant 0 : i32
      %dma_start3A_353 = tpu.memref_slice %arg18[%add3A_47, %dma_start3A_352] : memref<10240x128xf32, #tpu.memory_space<vmem_shared>> -> memref<64x128xf32, #tpu.memory_space<vmem_shared>>
      %dma_start3A_354 = arith.constant 0 : i32
      %dma_start3A_355 = arith.constant 0 : i32
      %dma_start3A_356 = tpu.memref_slice %arg9[%run_scoped3A_48, %dma_start3A_354, %dma_start3A_355] : memref<4x64x128xf32, #tpu.memory_space<vmem>> -> memref<1x64x128xf32, #tpu.memory_space<vmem>>
      %dma_start3A_357 = tpu.memref_squeeze %dma_start3A_356 : memref<1x64x128xf32, #tpu.memory_space<vmem>> -> memref<64x128xf32, #tpu.memory_space<vmem>>
      tpu.enqueue_dma source(%dma_start3A_357 : memref<64x128xf32, #tpu.memory_space<vmem>>) target(%dma_start3A_353 : memref<64x128xf32, #tpu.memory_space<vmem_shared>>) target_semaphore(%run_scoped3A_345 : memref<!tpu.dma_semaphore, #tpu.memory_space<semaphore_mem>>)
      %dma_wait3A = arith.constant 0 : i32
      %dma_wait3A_358 = arith.constant 0 : i32
      %dma_wait3A_359 = tpu.memref_slice %arg9[%run_scoped3A_48, %dma_wait3A, %dma_wait3A_358] : memref<4x64x128xf32, #tpu.memory_space<vmem>> -> memref<1x64x128xf32, #tpu.memory_space<vmem>>
      %dma_wait3A_360 = tpu.memref_squeeze %dma_wait3A_359 : memref<1x64x128xf32, #tpu.memory_space<vmem>> -> memref<64x128xf32, #tpu.memory_space<vmem>>
      %dma_wait3A_361 = arith.constant 0 : i32
      %dma_wait3A_362 = tpu.memref_slice %arg18[%add3A_47, %dma_wait3A_361] : memref<10240x128xf32, #tpu.memory_space<vmem_shared>> -> memref<64x128xf32, #tpu.memory_space<vmem_shared>>
      %dma_wait3A_363 = arith.constant 0 : i32
      %dma_wait3A_364 = tpu.memref_slice %arg18[%add3A_47, %dma_wait3A_363] : memref<10240x128xf32, #tpu.memory_space<vmem_shared>> -> memref<64x128xf32, #tpu.memory_space<vmem_shared>>
      %dma_wait3A_365 = arith.constant 0 : i32
      %dma_wait3A_366 = arith.constant 0 : i32
      %dma_wait3A_367 = tpu.memref_slice %arg9[%run_scoped3A_48, %dma_wait3A_365, %dma_wait3A_366] : memref<4x64x128xf32, #tpu.memory_space<vmem>> -> memref<1x64x128xf32, #tpu.memory_space<vmem>>
      %dma_wait3A_368 = tpu.memref_squeeze %dma_wait3A_367 : memref<1x64x128xf32, #tpu.memory_space<vmem>> -> memref<64x128xf32, #tpu.memory_space<vmem>>
      tpu.wait_dma2 semaphore(%run_scoped3A_345 : memref<!tpu.dma_semaphore, #tpu.memory_space<semaphore_mem>>) src(%dma_wait3A_368 : memref<64x128xf32, #tpu.memory_space<vmem>>) dst(%dma_wait3A_364 : memref<64x128xf32, #tpu.memory_space<vmem_shared>>)
      tpu.yield
    }) : () -> ()
    %add3A_49 = arith.constant 128 : i32
    %add3A_50 = arith.addi %mul3A_0, %add3A_49 : i32
    %run_scoped3A_51 = arith.constant 0 : i32
    "tpu.region"() ({
      %run_scoped3A_345 = tpu.sem_alloc : memref<!tpu.dma_semaphore, #tpu.memory_space<semaphore_mem>>
      %dma_start3A_346 = arith.constant 0 : i32
      %dma_start3A_347 = arith.constant 0 : i32
      %dma_start3A_348 = tpu.memref_slice %arg9[%run_scoped3A_51, %dma_start3A_346, %dma_start3A_347] : memref<4x64x128xf32, #tpu.memory_space<vmem>> -> memref<1x64x128xf32, #tpu.memory_space<vmem>>
      %dma_start3A_349 = tpu.memref_squeeze %dma_start3A_348 : memref<1x64x128xf32, #tpu.memory_space<vmem>> -> memref<64x128xf32, #tpu.memory_space<vmem>>
      %dma_start3A_350 = arith.constant 0 : i32
      %dma_start3A_351 = tpu.memref_slice %arg18[%add3A_50, %dma_start3A_350] : memref<10240x128xf32, #tpu.memory_space<vmem_shared>> -> memref<64x128xf32, #tpu.memory_space<vmem_shared>>
      %dma_start3A_352 = arith.constant 0 : i32
      %dma_start3A_353 = tpu.memref_slice %arg18[%add3A_50, %dma_start3A_352] : memref<10240x128xf32, #tpu.memory_space<vmem_shared>> -> memref<64x128xf32, #tpu.memory_space<vmem_shared>>
      %dma_start3A_354 = arith.constant 0 : i32
      %dma_start3A_355 = arith.constant 0 : i32
      %dma_start3A_356 = tpu.memref_slice %arg9[%run_scoped3A_51, %dma_start3A_354, %dma_start3A_355] : memref<4x64x128xf32, #tpu.memory_space<vmem>> -> memref<1x64x128xf32, #tpu.memory_space<vmem>>
      %dma_start3A_357 = tpu.memref_squeeze %dma_start3A_356 : memref<1x64x128xf32, #tpu.memory_space<vmem>> -> memref<64x128xf32, #tpu.memory_space<vmem>>
      tpu.enqueue_dma source(%dma_start3A_357 : memref<64x128xf32, #tpu.memory_space<vmem>>) target(%dma_start3A_353 : memref<64x128xf32, #tpu.memory_space<vmem_shared>>) target_semaphore(%run_scoped3A_345 : memref<!tpu.dma_semaphore, #tpu.memory_space<semaphore_mem>>)
      %dma_wait3A = arith.constant 0 : i32
      %dma_wait3A_358 = arith.constant 0 : i32
      %dma_wait3A_359 = tpu.memref_slice %arg9[%run_scoped3A_51, %dma_wait3A, %dma_wait3A_358] : memref<4x64x128xf32, #tpu.memory_space<vmem>> -> memref<1x64x128xf32, #tpu.memory_space<vmem>>
      %dma_wait3A_360 = tpu.memref_squeeze %dma_wait3A_359 : memref<1x64x128xf32, #tpu.memory_space<vmem>> -> memref<64x128xf32, #tpu.memory_space<vmem>>
      %dma_wait3A_361 = arith.constant 0 : i32
      %dma_wait3A_362 = tpu.memref_slice %arg18[%add3A_50, %dma_wait3A_361] : memref<10240x128xf32, #tpu.memory_space<vmem_shared>> -> memref<64x128xf32, #tpu.memory_space<vmem_shared>>
      %dma_wait3A_363 = arith.constant 0 : i32
      %dma_wait3A_364 = tpu.memref_slice %arg18[%add3A_50, %dma_wait3A_363] : memref<10240x128xf32, #tpu.memory_space<vmem_shared>> -> memref<64x128xf32, #tpu.memory_space<vmem_shared>>
      %dma_wait3A_365 = arith.constant 0 : i32
      %dma_wait3A_366 = arith.constant 0 : i32
      %dma_wait3A_367 = tpu.memref_slice %arg9[%run_scoped3A_51, %dma_wait3A_365, %dma_wait3A_366] : memref<4x64x128xf32, #tpu.memory_space<vmem>> -> memref<1x64x128xf32, #tpu.memory_space<vmem>>
      %dma_wait3A_368 = tpu.memref_squeeze %dma_wait3A_367 : memref<1x64x128xf32, #tpu.memory_space<vmem>> -> memref<64x128xf32, #tpu.memory_space<vmem>>
      tpu.wait_dma2 semaphore(%run_scoped3A_345 : memref<!tpu.dma_semaphore, #tpu.memory_space<semaphore_mem>>) src(%dma_wait3A_368 : memref<64x128xf32, #tpu.memory_space<vmem>>) dst(%dma_wait3A_364 : memref<64x128xf32, #tpu.memory_space<vmem_shared>>)
      tpu.yield
    }) : () -> ()
    %add3A_52 = arith.constant 192 : i32
    %add3A_53 = arith.addi %mul3A_0, %add3A_52 : i32
    %run_scoped3A_54 = arith.constant 0 : i32
    "tpu.region"() ({
      %run_scoped3A_345 = tpu.sem_alloc : memref<!tpu.dma_semaphore, #tpu.memory_space<semaphore_mem>>
      %dma_start3A_346 = arith.constant 0 : i32
      %dma_start3A_347 = arith.constant 0 : i32
      %dma_start3A_348 = tpu.memref_slice %arg9[%run_scoped3A_54, %dma_start3A_346, %dma_start3A_347] : memref<4x64x128xf32, #tpu.memory_space<vmem>> -> memref<1x64x128xf32, #tpu.memory_space<vmem>>
      %dma_start3A_349 = tpu.memref_squeeze %dma_start3A_348 : memref<1x64x128xf32, #tpu.memory_space<vmem>> -> memref<64x128xf32, #tpu.memory_space<vmem>>
      %dma_start3A_350 = arith.constant 0 : i32
      %dma_start3A_351 = tpu.memref_slice %arg18[%add3A_53, %dma_start3A_350] : memref<10240x128xf32, #tpu.memory_space<vmem_shared>> -> memref<64x128xf32, #tpu.memory_space<vmem_shared>>
      %dma_start3A_352 = arith.constant 0 : i32
      %dma_start3A_353 = tpu.memref_slice %arg18[%add3A_53, %dma_start3A_352] : memref<10240x128xf32, #tpu.memory_space<vmem_shared>> -> memref<64x128xf32, #tpu.memory_space<vmem_shared>>
      %dma_start3A_354 = arith.constant 0 : i32
      %dma_start3A_355 = arith.constant 0 : i32
      %dma_start3A_356 = tpu.memref_slice %arg9[%run_scoped3A_54, %dma_start3A_354, %dma_start3A_355] : memref<4x64x128xf32, #tpu.memory_space<vmem>> -> memref<1x64x128xf32, #tpu.memory_space<vmem>>
      %dma_start3A_357 = tpu.memref_squeeze %dma_start3A_356 : memref<1x64x128xf32, #tpu.memory_space<vmem>> -> memref<64x128xf32, #tpu.memory_space<vmem>>
      tpu.enqueue_dma source(%dma_start3A_357 : memref<64x128xf32, #tpu.memory_space<vmem>>) target(%dma_start3A_353 : memref<64x128xf32, #tpu.memory_space<vmem_shared>>) target_semaphore(%run_scoped3A_345 : memref<!tpu.dma_semaphore, #tpu.memory_space<semaphore_mem>>)
      %dma_wait3A = arith.constant 0 : i32
      %dma_wait3A_358 = arith.constant 0 : i32
      %dma_wait3A_359 = tpu.memref_slice %arg9[%run_scoped3A_54, %dma_wait3A, %dma_wait3A_358] : memref<4x64x128xf32, #tpu.memory_space<vmem>> -> memref<1x64x128xf32, #tpu.memory_space<vmem>>
      %dma_wait3A_360 = tpu.memref_squeeze %dma_wait3A_359 : memref<1x64x128xf32, #tpu.memory_space<vmem>> -> memref<64x128xf32, #tpu.memory_space<vmem>>
      %dma_wait3A_361 = arith.constant 0 : i32
      %dma_wait3A_362 = tpu.memref_slice %arg18[%add3A_53, %dma_wait3A_361] : memref<10240x128xf32, #tpu.memory_space<vmem_shared>> -> memref<64x128xf32, #tpu.memory_space<vmem_shared>>
      %dma_wait3A_363 = arith.constant 0 : i32
      %dma_wait3A_364 = tpu.memref_slice %arg18[%add3A_53, %dma_wait3A_363] : memref<10240x128xf32, #tpu.memory_space<vmem_shared>> -> memref<64x128xf32, #tpu.memory_space<vmem_shared>>
      %dma_wait3A_365 = arith.constant 0 : i32
      %dma_wait3A_366 = arith.constant 0 : i32
      %dma_wait3A_367 = tpu.memref_slice %arg9[%run_scoped3A_54, %dma_wait3A_365, %dma_wait3A_366] : memref<4x64x128xf32, #tpu.memory_space<vmem>> -> memref<1x64x128xf32, #tpu.memory_space<vmem>>
      %dma_wait3A_368 = tpu.memref_squeeze %dma_wait3A_367 : memref<1x64x128xf32, #tpu.memory_space<vmem>> -> memref<64x128xf32, #tpu.memory_space<vmem>>
      tpu.wait_dma2 semaphore(%run_scoped3A_345 : memref<!tpu.dma_semaphore, #tpu.memory_space<semaphore_mem>>) src(%dma_wait3A_368 : memref<64x128xf32, #tpu.memory_space<vmem>>) dst(%dma_wait3A_364 : memref<64x128xf32, #tpu.memory_space<vmem_shared>>)
      tpu.yield
    }) : () -> ()
    %add3A_55 = arith.constant 256 : i32
    %add3A_56 = arith.addi %mul3A_0, %add3A_55 : i32
    %run_scoped3A_57 = arith.constant 0 : i32
    "tpu.region"() ({
      %run_scoped3A_345 = tpu.sem_alloc : memref<!tpu.dma_semaphore, #tpu.memory_space<semaphore_mem>>
      %dma_start3A_346 = arith.constant 0 : i32
      %dma_start3A_347 = arith.constant 0 : i32
      %dma_start3A_348 = tpu.memref_slice %arg9[%run_scoped3A_57, %dma_start3A_346, %dma_start3A_347] : memref<4x64x128xf32, #tpu.memory_space<vmem>> -> memref<1x64x128xf32, #tpu.memory_space<vmem>>
      %dma_start3A_349 = tpu.memref_squeeze %dma_start3A_348 : memref<1x64x128xf32, #tpu.memory_space<vmem>> -> memref<64x128xf32, #tpu.memory_space<vmem>>
      %dma_start3A_350 = arith.constant 0 : i32
      %dma_start3A_351 = tpu.memref_slice %arg18[%add3A_56, %dma_start3A_350] : memref<10240x128xf32, #tpu.memory_space<vmem_shared>> -> memref<64x128xf32, #tpu.memory_space<vmem_shared>>
      %dma_start3A_352 = arith.constant 0 : i32
      %dma_start3A_353 = tpu.memref_slice %arg18[%add3A_56, %dma_start3A_352] : memref<10240x128xf32, #tpu.memory_space<vmem_shared>> -> memref<64x128xf32, #tpu.memory_space<vmem_shared>>
      %dma_start3A_354 = arith.constant 0 : i32
      %dma_start3A_355 = arith.constant 0 : i32
      %dma_start3A_356 = tpu.memref_slice %arg9[%run_scoped3A_57, %dma_start3A_354, %dma_start3A_355] : memref<4x64x128xf32, #tpu.memory_space<vmem>> -> memref<1x64x128xf32, #tpu.memory_space<vmem>>
      %dma_start3A_357 = tpu.memref_squeeze %dma_start3A_356 : memref<1x64x128xf32, #tpu.memory_space<vmem>> -> memref<64x128xf32, #tpu.memory_space<vmem>>
      tpu.enqueue_dma source(%dma_start3A_357 : memref<64x128xf32, #tpu.memory_space<vmem>>) target(%dma_start3A_353 : memref<64x128xf32, #tpu.memory_space<vmem_shared>>) target_semaphore(%run_scoped3A_345 : memref<!tpu.dma_semaphore, #tpu.memory_space<semaphore_mem>>)
      %dma_wait3A = arith.constant 0 : i32
      %dma_wait3A_358 = arith.constant 0 : i32
      %dma_wait3A_359 = tpu.memref_slice %arg9[%run_scoped3A_57, %dma_wait3A, %dma_wait3A_358] : memref<4x64x128xf32, #tpu.memory_space<vmem>> -> memref<1x64x128xf32, #tpu.memory_space<vmem>>
      %dma_wait3A_360 = tpu.memref_squeeze %dma_wait3A_359 : memref<1x64x128xf32, #tpu.memory_space<vmem>> -> memref<64x128xf32, #tpu.memory_space<vmem>>
      %dma_wait3A_361 = arith.constant 0 : i32
      %dma_wait3A_362 = tpu.memref_slice %arg18[%add3A_56, %dma_wait3A_361] : memref<10240x128xf32, #tpu.memory_space<vmem_shared>> -> memref<64x128xf32, #tpu.memory_space<vmem_shared>>
      %dma_wait3A_363 = arith.constant 0 : i32
      %dma_wait3A_364 = tpu.memref_slice %arg18[%add3A_56, %dma_wait3A_363] : memref<10240x128xf32, #tpu.memory_space<vmem_shared>> -> memref<64x128xf32, #tpu.memory_space<vmem_shared>>
      %dma_wait3A_365 = arith.constant 0 : i32
      %dma_wait3A_366 = arith.constant 0 : i32
      %dma_wait3A_367 = tpu.memref_slice %arg9[%run_scoped3A_57, %dma_wait3A_365, %dma_wait3A_366] : memref<4x64x128xf32, #tpu.memory_space<vmem>> -> memref<1x64x128xf32, #tpu.memory_space<vmem>>
      %dma_wait3A_368 = tpu.memref_squeeze %dma_wait3A_367 : memref<1x64x128xf32, #tpu.memory_space<vmem>> -> memref<64x128xf32, #tpu.memory_space<vmem>>
      tpu.wait_dma2 semaphore(%run_scoped3A_345 : memref<!tpu.dma_semaphore, #tpu.memory_space<semaphore_mem>>) src(%dma_wait3A_368 : memref<64x128xf32, #tpu.memory_space<vmem>>) dst(%dma_wait3A_364 : memref<64x128xf32, #tpu.memory_space<vmem_shared>>)
      tpu.yield
    }) : () -> ()
    %add3A_58 = arith.constant 320 : i32
    %add3A_59 = arith.addi %mul3A_0, %add3A_58 : i32
    %run_scoped3A_60 = arith.constant 0 : i32
    "tpu.region"() ({
      %run_scoped3A_345 = tpu.sem_alloc : memref<!tpu.dma_semaphore, #tpu.memory_space<semaphore_mem>>
      %dma_start3A_346 = arith.constant 0 : i32
      %dma_start3A_347 = arith.constant 0 : i32
      %dma_start3A_348 = tpu.memref_slice %arg9[%run_scoped3A_60, %dma_start3A_346, %dma_start3A_347] : memref<4x64x128xf32, #tpu.memory_space<vmem>> -> memref<1x64x128xf32, #tpu.memory_space<vmem>>
      %dma_start3A_349 = tpu.memref_squeeze %dma_start3A_348 : memref<1x64x128xf32, #tpu.memory_space<vmem>> -> memref<64x128xf32, #tpu.memory_space<vmem>>
      %dma_start3A_350 = arith.constant 0 : i32
      %dma_start3A_351 = tpu.memref_slice %arg18[%add3A_59, %dma_start3A_350] : memref<10240x128xf32, #tpu.memory_space<vmem_shared>> -> memref<64x128xf32, #tpu.memory_space<vmem_shared>>
      %dma_start3A_352 = arith.constant 0 : i32
      %dma_start3A_353 = tpu.memref_slice %arg18[%add3A_59, %dma_start3A_352] : memref<10240x128xf32, #tpu.memory_space<vmem_shared>> -> memref<64x128xf32, #tpu.memory_space<vmem_shared>>
      %dma_start3A_354 = arith.constant 0 : i32
      %dma_start3A_355 = arith.constant 0 : i32
      %dma_start3A_356 = tpu.memref_slice %arg9[%run_scoped3A_60, %dma_start3A_354, %dma_start3A_355] : memref<4x64x128xf32, #tpu.memory_space<vmem>> -> memref<1x64x128xf32, #tpu.memory_space<vmem>>
      %dma_start3A_357 = tpu.memref_squeeze %dma_start3A_356 : memref<1x64x128xf32, #tpu.memory_space<vmem>> -> memref<64x128xf32, #tpu.memory_space<vmem>>
      tpu.enqueue_dma source(%dma_start3A_357 : memref<64x128xf32, #tpu.memory_space<vmem>>) target(%dma_start3A_353 : memref<64x128xf32, #tpu.memory_space<vmem_shared>>) target_semaphore(%run_scoped3A_345 : memref<!tpu.dma_semaphore, #tpu.memory_space<semaphore_mem>>)
      %dma_wait3A = arith.constant 0 : i32
      %dma_wait3A_358 = arith.constant 0 : i32
      %dma_wait3A_359 = tpu.memref_slice %arg9[%run_scoped3A_60, %dma_wait3A, %dma_wait3A_358] : memref<4x64x128xf32, #tpu.memory_space<vmem>> -> memref<1x64x128xf32, #tpu.memory_space<vmem>>
      %dma_wait3A_360 = tpu.memref_squeeze %dma_wait3A_359 : memref<1x64x128xf32, #tpu.memory_space<vmem>> -> memref<64x128xf32, #tpu.memory_space<vmem>>
      %dma_wait3A_361 = arith.constant 0 : i32
      %dma_wait3A_362 = tpu.memref_slice %arg18[%add3A_59, %dma_wait3A_361] : memref<10240x128xf32, #tpu.memory_space<vmem_shared>> -> memref<64x128xf32, #tpu.memory_space<vmem_shared>>
      %dma_wait3A_363 = arith.constant 0 : i32
      %dma_wait3A_364 = tpu.memref_slice %arg18[%add3A_59, %dma_wait3A_363] : memref<10240x128xf32, #tpu.memory_space<vmem_shared>> -> memref<64x128xf32, #tpu.memory_space<vmem_shared>>
      %dma_wait3A_365 = arith.constant 0 : i32
      %dma_wait3A_366 = arith.constant 0 : i32
      %dma_wait3A_367 = tpu.memref_slice %arg9[%run_scoped3A_60, %dma_wait3A_365, %dma_wait3A_366] : memref<4x64x128xf32, #tpu.memory_space<vmem>> -> memref<1x64x128xf32, #tpu.memory_space<vmem>>
      %dma_wait3A_368 = tpu.memref_squeeze %dma_wait3A_367 : memref<1x64x128xf32, #tpu.memory_space<vmem>> -> memref<64x128xf32, #tpu.memory_space<vmem>>
      tpu.wait_dma2 semaphore(%run_scoped3A_345 : memref<!tpu.dma_semaphore, #tpu.memory_space<semaphore_mem>>) src(%dma_wait3A_368 : memref<64x128xf32, #tpu.memory_space<vmem>>) dst(%dma_wait3A_364 : memref<64x128xf32, #tpu.memory_space<vmem_shared>>)
      tpu.yield
    }) : () -> ()
    %add3A_61 = arith.constant 384 : i32
    %add3A_62 = arith.addi %mul3A_0, %add3A_61 : i32
    %run_scoped3A_63 = arith.constant 0 : i32
    "tpu.region"() ({
      %run_scoped3A_345 = tpu.sem_alloc : memref<!tpu.dma_semaphore, #tpu.memory_space<semaphore_mem>>
      %dma_start3A_346 = arith.constant 0 : i32
      %dma_start3A_347 = arith.constant 0 : i32
      %dma_start3A_348 = tpu.memref_slice %arg9[%run_scoped3A_63, %dma_start3A_346, %dma_start3A_347] : memref<4x64x128xf32, #tpu.memory_space<vmem>> -> memref<1x64x128xf32, #tpu.memory_space<vmem>>
      %dma_start3A_349 = tpu.memref_squeeze %dma_start3A_348 : memref<1x64x128xf32, #tpu.memory_space<vmem>> -> memref<64x128xf32, #tpu.memory_space<vmem>>
      %dma_start3A_350 = arith.constant 0 : i32
      %dma_start3A_351 = tpu.memref_slice %arg18[%add3A_62, %dma_start3A_350] : memref<10240x128xf32, #tpu.memory_space<vmem_shared>> -> memref<64x128xf32, #tpu.memory_space<vmem_shared>>
      %dma_start3A_352 = arith.constant 0 : i32
      %dma_start3A_353 = tpu.memref_slice %arg18[%add3A_62, %dma_start3A_352] : memref<10240x128xf32, #tpu.memory_space<vmem_shared>> -> memref<64x128xf32, #tpu.memory_space<vmem_shared>>
      %dma_start3A_354 = arith.constant 0 : i32
      %dma_start3A_355 = arith.constant 0 : i32
      %dma_start3A_356 = tpu.memref_slice %arg9[%run_scoped3A_63, %dma_start3A_354, %dma_start3A_355] : memref<4x64x128xf32, #tpu.memory_space<vmem>> -> memref<1x64x128xf32, #tpu.memory_space<vmem>>
      %dma_start3A_357 = tpu.memref_squeeze %dma_start3A_356 : memref<1x64x128xf32, #tpu.memory_space<vmem>> -> memref<64x128xf32, #tpu.memory_space<vmem>>
      tpu.enqueue_dma source(%dma_start3A_357 : memref<64x128xf32, #tpu.memory_space<vmem>>) target(%dma_start3A_353 : memref<64x128xf32, #tpu.memory_space<vmem_shared>>) target_semaphore(%run_scoped3A_345 : memref<!tpu.dma_semaphore, #tpu.memory_space<semaphore_mem>>)
      %dma_wait3A = arith.constant 0 : i32
      %dma_wait3A_358 = arith.constant 0 : i32
      %dma_wait3A_359 = tpu.memref_slice %arg9[%run_scoped3A_63, %dma_wait3A, %dma_wait3A_358] : memref<4x64x128xf32, #tpu.memory_space<vmem>> -> memref<1x64x128xf32, #tpu.memory_space<vmem>>
      %dma_wait3A_360 = tpu.memref_squeeze %dma_wait3A_359 : memref<1x64x128xf32, #tpu.memory_space<vmem>> -> memref<64x128xf32, #tpu.memory_space<vmem>>
      %dma_wait3A_361 = arith.constant 0 : i32
      %dma_wait3A_362 = tpu.memref_slice %arg18[%add3A_62, %dma_wait3A_361] : memref<10240x128xf32, #tpu.memory_space<vmem_shared>> -> memref<64x128xf32, #tpu.memory_space<vmem_shared>>
      %dma_wait3A_363 = arith.constant 0 : i32
      %dma_wait3A_364 = tpu.memref_slice %arg18[%add3A_62, %dma_wait3A_363] : memref<10240x128xf32, #tpu.memory_space<vmem_shared>> -> memref<64x128xf32, #tpu.memory_space<vmem_shared>>
      %dma_wait3A_365 = arith.constant 0 : i32
      %dma_wait3A_366 = arith.constant 0 : i32
      %dma_wait3A_367 = tpu.memref_slice %arg9[%run_scoped3A_63, %dma_wait3A_365, %dma_wait3A_366] : memref<4x64x128xf32, #tpu.memory_space<vmem>> -> memref<1x64x128xf32, #tpu.memory_space<vmem>>
      %dma_wait3A_368 = tpu.memref_squeeze %dma_wait3A_367 : memref<1x64x128xf32, #tpu.memory_space<vmem>> -> memref<64x128xf32, #tpu.memory_space<vmem>>
      tpu.wait_dma2 semaphore(%run_scoped3A_345 : memref<!tpu.dma_semaphore, #tpu.memory_space<semaphore_mem>>) src(%dma_wait3A_368 : memref<64x128xf32, #tpu.memory_space<vmem>>) dst(%dma_wait3A_364 : memref<64x128xf32, #tpu.memory_space<vmem_shared>>)
      tpu.yield
    }) : () -> ()
    %add3A_64 = arith.constant 448 : i32
    %add3A_65 = arith.addi %mul3A_0, %add3A_64 : i32
    %run_scoped3A_66 = arith.constant 0 : i32
    "tpu.region"() ({
      %run_scoped3A_345 = tpu.sem_alloc : memref<!tpu.dma_semaphore, #tpu.memory_space<semaphore_mem>>
      %dma_start3A_346 = arith.constant 0 : i32
      %dma_start3A_347 = arith.constant 0 : i32
      %dma_start3A_348 = tpu.memref_slice %arg9[%run_scoped3A_66, %dma_start3A_346, %dma_start3A_347] : memref<4x64x128xf32, #tpu.memory_space<vmem>> -> memref<1x64x128xf32, #tpu.memory_space<vmem>>
      %dma_start3A_349 = tpu.memref_squeeze %dma_start3A_348 : memref<1x64x128xf32, #tpu.memory_space<vmem>> -> memref<64x128xf32, #tpu.memory_space<vmem>>
      %dma_start3A_350 = arith.constant 0 : i32
      %dma_start3A_351 = tpu.memref_slice %arg18[%add3A_65, %dma_start3A_350] : memref<10240x128xf32, #tpu.memory_space<vmem_shared>> -> memref<64x128xf32, #tpu.memory_space<vmem_shared>>
      %dma_start3A_352 = arith.constant 0 : i32
      %dma_start3A_353 = tpu.memref_slice %arg18[%add3A_65, %dma_start3A_352] : memref<10240x128xf32, #tpu.memory_space<vmem_shared>> -> memref<64x128xf32, #tpu.memory_space<vmem_shared>>
      %dma_start3A_354 = arith.constant 0 : i32
      %dma_start3A_355 = arith.constant 0 : i32
      %dma_start3A_356 = tpu.memref_slice %arg9[%run_scoped3A_66, %dma_start3A_354, %dma_start3A_355] : memref<4x64x128xf32, #tpu.memory_space<vmem>> -> memref<1x64x128xf32, #tpu.memory_space<vmem>>
      %dma_start3A_357 = tpu.memref_squeeze %dma_start3A_356 : memref<1x64x128xf32, #tpu.memory_space<vmem>> -> memref<64x128xf32, #tpu.memory_space<vmem>>
      tpu.enqueue_dma source(%dma_start3A_357 : memref<64x128xf32, #tpu.memory_space<vmem>>) target(%dma_start3A_353 : memref<64x128xf32, #tpu.memory_space<vmem_shared>>) target_semaphore(%run_scoped3A_345 : memref<!tpu.dma_semaphore, #tpu.memory_space<semaphore_mem>>)
      %dma_wait3A = arith.constant 0 : i32
      %dma_wait3A_358 = arith.constant 0 : i32
      %dma_wait3A_359 = tpu.memref_slice %arg9[%run_scoped3A_66, %dma_wait3A, %dma_wait3A_358] : memref<4x64x128xf32, #tpu.memory_space<vmem>> -> memref<1x64x128xf32, #tpu.memory_space<vmem>>
      %dma_wait3A_360 = tpu.memref_squeeze %dma_wait3A_359 : memref<1x64x128xf32, #tpu.memory_space<vmem>> -> memref<64x128xf32, #tpu.memory_space<vmem>>
      %dma_wait3A_361 = arith.constant 0 : i32
      %dma_wait3A_362 = tpu.memref_slice %arg18[%add3A_65, %dma_wait3A_361] : memref<10240x128xf32, #tpu.memory_space<vmem_shared>> -> memref<64x128xf32, #tpu.memory_space<vmem_shared>>
      %dma_wait3A_363 = arith.constant 0 : i32
      %dma_wait3A_364 = tpu.memref_slice %arg18[%add3A_65, %dma_wait3A_363] : memref<10240x128xf32, #tpu.memory_space<vmem_shared>> -> memref<64x128xf32, #tpu.memory_space<vmem_shared>>
      %dma_wait3A_365 = arith.constant 0 : i32
      %dma_wait3A_366 = arith.constant 0 : i32
      %dma_wait3A_367 = tpu.memref_slice %arg9[%run_scoped3A_66, %dma_wait3A_365, %dma_wait3A_366] : memref<4x64x128xf32, #tpu.memory_space<vmem>> -> memref<1x64x128xf32, #tpu.memory_space<vmem>>
      %dma_wait3A_368 = tpu.memref_squeeze %dma_wait3A_367 : memref<1x64x128xf32, #tpu.memory_space<vmem>> -> memref<64x128xf32, #tpu.memory_space<vmem>>
      tpu.wait_dma2 semaphore(%run_scoped3A_345 : memref<!tpu.dma_semaphore, #tpu.memory_space<semaphore_mem>>) src(%dma_wait3A_368 : memref<64x128xf32, #tpu.memory_space<vmem>>) dst(%dma_wait3A_364 : memref<64x128xf32, #tpu.memory_space<vmem_shared>>)
      tpu.yield
    }) : () -> ()
    %add3A_67 = arith.constant 512 : i32
    %add3A_68 = arith.addi %mul3A_0, %add3A_67 : i32
    %run_scoped3A_69 = arith.constant 0 : i32
    "tpu.region"() ({
      %run_scoped3A_345 = tpu.sem_alloc : memref<!tpu.dma_semaphore, #tpu.memory_space<semaphore_mem>>
      %dma_start3A_346 = arith.constant 0 : i32
      %dma_start3A_347 = arith.constant 0 : i32
      %dma_start3A_348 = tpu.memref_slice %arg9[%run_scoped3A_69, %dma_start3A_346, %dma_start3A_347] : memref<4x64x128xf32, #tpu.memory_space<vmem>> -> memref<1x64x128xf32, #tpu.memory_space<vmem>>
      %dma_start3A_349 = tpu.memref_squeeze %dma_start3A_348 : memref<1x64x128xf32, #tpu.memory_space<vmem>> -> memref<64x128xf32, #tpu.memory_space<vmem>>
      %dma_start3A_350 = arith.constant 0 : i32
      %dma_start3A_351 = tpu.memref_slice %arg18[%add3A_68, %dma_start3A_350] : memref<10240x128xf32, #tpu.memory_space<vmem_shared>> -> memref<64x128xf32, #tpu.memory_space<vmem_shared>>
      %dma_start3A_352 = arith.constant 0 : i32
      %dma_start3A_353 = tpu.memref_slice %arg18[%add3A_68, %dma_start3A_352] : memref<10240x128xf32, #tpu.memory_space<vmem_shared>> -> memref<64x128xf32, #tpu.memory_space<vmem_shared>>
      %dma_start3A_354 = arith.constant 0 : i32
      %dma_start3A_355 = arith.constant 0 : i32
      %dma_start3A_356 = tpu.memref_slice %arg9[%run_scoped3A_69, %dma_start3A_354, %dma_start3A_355] : memref<4x64x128xf32, #tpu.memory_space<vmem>> -> memref<1x64x128xf32, #tpu.memory_space<vmem>>
      %dma_start3A_357 = tpu.memref_squeeze %dma_start3A_356 : memref<1x64x128xf32, #tpu.memory_space<vmem>> -> memref<64x128xf32, #tpu.memory_space<vmem>>
      tpu.enqueue_dma source(%dma_start3A_357 : memref<64x128xf32, #tpu.memory_space<vmem>>) target(%dma_start3A_353 : memref<64x128xf32, #tpu.memory_space<vmem_shared>>) target_semaphore(%run_scoped3A_345 : memref<!tpu.dma_semaphore, #tpu.memory_space<semaphore_mem>>)
      %dma_wait3A = arith.constant 0 : i32
      %dma_wait3A_358 = arith.constant 0 : i32
      %dma_wait3A_359 = tpu.memref_slice %arg9[%run_scoped3A_69, %dma_wait3A, %dma_wait3A_358] : memref<4x64x128xf32, #tpu.memory_space<vmem>> -> memref<1x64x128xf32, #tpu.memory_space<vmem>>
      %dma_wait3A_360 = tpu.memref_squeeze %dma_wait3A_359 : memref<1x64x128xf32, #tpu.memory_space<vmem>> -> memref<64x128xf32, #tpu.memory_space<vmem>>
      %dma_wait3A_361 = arith.constant 0 : i32
      %dma_wait3A_362 = tpu.memref_slice %arg18[%add3A_68, %dma_wait3A_361] : memref<10240x128xf32, #tpu.memory_space<vmem_shared>> -> memref<64x128xf32, #tpu.memory_space<vmem_shared>>
      %dma_wait3A_363 = arith.constant 0 : i32
      %dma_wait3A_364 = tpu.memref_slice %arg18[%add3A_68, %dma_wait3A_363] : memref<10240x128xf32, #tpu.memory_space<vmem_shared>> -> memref<64x128xf32, #tpu.memory_space<vmem_shared>>
      %dma_wait3A_365 = arith.constant 0 : i32
      %dma_wait3A_366 = arith.constant 0 : i32
      %dma_wait3A_367 = tpu.memref_slice %arg9[%run_scoped3A_69, %dma_wait3A_365, %dma_wait3A_366] : memref<4x64x128xf32, #tpu.memory_space<vmem>> -> memref<1x64x128xf32, #tpu.memory_space<vmem>>
      %dma_wait3A_368 = tpu.memref_squeeze %dma_wait3A_367 : memref<1x64x128xf32, #tpu.memory_space<vmem>> -> memref<64x128xf32, #tpu.memory_space<vmem>>
      tpu.wait_dma2 semaphore(%run_scoped3A_345 : memref<!tpu.dma_semaphore, #tpu.memory_space<semaphore_mem>>) src(%dma_wait3A_368 : memref<64x128xf32, #tpu.memory_space<vmem>>) dst(%dma_wait3A_364 : memref<64x128xf32, #tpu.memory_space<vmem_shared>>)
      tpu.yield
    }) : () -> ()
    %add3A_70 = arith.constant 576 : i32
    %add3A_71 = arith.addi %mul3A_0, %add3A_70 : i32
    %run_scoped3A_72 = arith.constant 0 : i32
    "tpu.region"() ({
      %run_scoped3A_345 = tpu.sem_alloc : memref<!tpu.dma_semaphore, #tpu.memory_space<semaphore_mem>>
      %dma_start3A_346 = arith.constant 0 : i32
      %dma_start3A_347 = arith.constant 0 : i32
      %dma_start3A_348 = tpu.memref_slice %arg9[%run_scoped3A_72, %dma_start3A_346, %dma_start3A_347] : memref<4x64x128xf32, #tpu.memory_space<vmem>> -> memref<1x64x128xf32, #tpu.memory_space<vmem>>
      %dma_start3A_349 = tpu.memref_squeeze %dma_start3A_348 : memref<1x64x128xf32, #tpu.memory_space<vmem>> -> memref<64x128xf32, #tpu.memory_space<vmem>>
      %dma_start3A_350 = arith.constant 0 : i32
      %dma_start3A_351 = tpu.memref_slice %arg18[%add3A_71, %dma_start3A_350] : memref<10240x128xf32, #tpu.memory_space<vmem_shared>> -> memref<64x128xf32, #tpu.memory_space<vmem_shared>>
      %dma_start3A_352 = arith.constant 0 : i32
      %dma_start3A_353 = tpu.memref_slice %arg18[%add3A_71, %dma_start3A_352] : memref<10240x128xf32, #tpu.memory_space<vmem_shared>> -> memref<64x128xf32, #tpu.memory_space<vmem_shared>>
      %dma_start3A_354 = arith.constant 0 : i32
      %dma_start3A_355 = arith.constant 0 : i32
      %dma_start3A_356 = tpu.memref_slice %arg9[%run_scoped3A_72, %dma_start3A_354, %dma_start3A_355] : memref<4x64x128xf32, #tpu.memory_space<vmem>> -> memref<1x64x128xf32, #tpu.memory_space<vmem>>
      %dma_start3A_357 = tpu.memref_squeeze %dma_start3A_356 : memref<1x64x128xf32, #tpu.memory_space<vmem>> -> memref<64x128xf32, #tpu.memory_space<vmem>>
      tpu.enqueue_dma source(%dma_start3A_357 : memref<64x128xf32, #tpu.memory_space<vmem>>) target(%dma_start3A_353 : memref<64x128xf32, #tpu.memory_space<vmem_shared>>) target_semaphore(%run_scoped3A_345 : memref<!tpu.dma_semaphore, #tpu.memory_space<semaphore_mem>>)
      %dma_wait3A = arith.constant 0 : i32
      %dma_wait3A_358 = arith.constant 0 : i32
      %dma_wait3A_359 = tpu.memref_slice %arg9[%run_scoped3A_72, %dma_wait3A, %dma_wait3A_358] : memref<4x64x128xf32, #tpu.memory_space<vmem>> -> memref<1x64x128xf32, #tpu.memory_space<vmem>>
      %dma_wait3A_360 = tpu.memref_squeeze %dma_wait3A_359 : memref<1x64x128xf32, #tpu.memory_space<vmem>> -> memref<64x128xf32, #tpu.memory_space<vmem>>
      %dma_wait3A_361 = arith.constant 0 : i32
      %dma_wait3A_362 = tpu.memref_slice %arg18[%add3A_71, %dma_wait3A_361] : memref<10240x128xf32, #tpu.memory_space<vmem_shared>> -> memref<64x128xf32, #tpu.memory_space<vmem_shared>>
      %dma_wait3A_363 = arith.constant 0 : i32
      %dma_wait3A_364 = tpu.memref_slice %arg18[%add3A_71, %dma_wait3A_363] : memref<10240x128xf32, #tpu.memory_space<vmem_shared>> -> memref<64x128xf32, #tpu.memory_space<vmem_shared>>
      %dma_wait3A_365 = arith.constant 0 : i32
      %dma_wait3A_366 = arith.constant 0 : i32
      %dma_wait3A_367 = tpu.memref_slice %arg9[%run_scoped3A_72, %dma_wait3A_365, %dma_wait3A_366] : memref<4x64x128xf32, #tpu.memory_space<vmem>> -> memref<1x64x128xf32, #tpu.memory_space<vmem>>
      %dma_wait3A_368 = tpu.memref_squeeze %dma_wait3A_367 : memref<1x64x128xf32, #tpu.memory_space<vmem>> -> memref<64x128xf32, #tpu.memory_space<vmem>>
      tpu.wait_dma2 semaphore(%run_scoped3A_345 : memref<!tpu.dma_semaphore, #tpu.memory_space<semaphore_mem>>) src(%dma_wait3A_368 : memref<64x128xf32, #tpu.memory_space<vmem>>) dst(%dma_wait3A_364 : memref<64x128xf32, #tpu.memory_space<vmem_shared>>)
      tpu.yield
    }) : () -> ()
    %dma_start3A_73 = arith.constant 0 : i32
    %dma_start3A_74 = arith.constant 0 : i32
    %dma_start3A_75 = arith.constant 0 : i32
    %dma_start3A_76 = arith.constant 0 : i32
    %dma_start3A_77 = tpu.memref_slice %arg9[%dma_start3A_74, %dma_start3A_75, %dma_start3A_76] : memref<4x64x128xf32, #tpu.memory_space<vmem>> -> memref<1x64x128xf32, #tpu.memory_space<vmem>>
    %dma_start3A_78 = tpu.memref_squeeze %dma_start3A_77 : memref<1x64x128xf32, #tpu.memory_space<vmem>> -> memref<64x128xf32, #tpu.memory_space<vmem>>
    %dma_start3A_79 = arith.constant 0 : i32
    %dma_start3A_80 = tpu.memref_slice %arg7[%dma_start3A_73, %dma_start3A_79] : memref<40x64xi32, #tpu.memory_space<vmem>> -> memref<1x64xi32, #tpu.memory_space<vmem>>
    %dma_start3A_81 = tpu.memref_squeeze %dma_start3A_80 : memref<1x64xi32, #tpu.memory_space<vmem>> -> memref<64xi32, #tpu.memory_space<vmem>>
    %dma_start3A_82 = arith.constant 0 : i32
    %dma_start3A_83 = arith.constant 0 : i32
    %dma_start3A_84 = tpu.memref_slice %arg2[%dma_start3A_82, %dma_start3A_83] : memref<10000x128xf32, #tpu.memory_space<hbm>> -> memref<10000x128xf32, #tpu.memory_space<hbm>>
    tpu.enqueue_indirect_dma source(%dma_start3A_84 : memref<10000x128xf32, #tpu.memory_space<hbm>>) target(%dma_start3A_78 : memref<64x128xf32, #tpu.memory_space<vmem>>) offsets(%dma_start3A_81 : memref<64xi32, #tpu.memory_space<vmem>>) semaphore(%arg10 : memref<!tpu.dma_semaphore, #tpu.memory_space<semaphore_mem>>)
    %barrier3A = arith.constant 0 : index
    tpu.barrier barrier_id(%barrier3A)
    %mul3A_85 = arith.constant 4 : i32
    %mul3A_86 = arith.muli %arg0, %mul3A_85 : i32
    %add3A_87 = arith.constant 0 : i32
    %add3A_88 = arith.addi %mul3A_86, %add3A_87 : i32
    %scan3A_89 = arith.constant 0 : i32
    %scan3A_90 = arith.constant 0 : i32
    %scan3A_91 = arith.constant 10 : i32
    %scan3A_92 = arith.addi %scan3A_90, %scan3A_91 : i32
    %scan3A_93 = arith.constant 1 : i32
    scf.for %scan3A_345 = %scan3A_90 to %scan3A_92 step %scan3A_93  : i32 {
      %mul3A_346 = arith.constant 4 : i32
      %mul3A_347 = arith.muli %mul3A_346, %scan3A_345 : i32
      %add3A_348 = arith.constant 0 : i32
      %add3A_349 = arith.addi %mul3A_347, %add3A_348 : i32
      %dma_wait3A = arith.constant 0 : i32
      %dma_wait3A_350 = arith.constant 0 : i32
      %dma_wait3A_351 = arith.constant 0 : i32
      %dma_wait3A_352 = tpu.memref_slice %arg9[%dma_wait3A, %dma_wait3A_350, %dma_wait3A_351] : memref<4x64x128xf32, #tpu.memory_space<vmem>> -> memref<1x64x128xf32, #tpu.memory_space<vmem>>
      %dma_wait3A_353 = tpu.memref_squeeze %dma_wait3A_352 : memref<1x64x128xf32, #tpu.memory_space<vmem>> -> memref<64x128xf32, #tpu.memory_space<vmem>>
      %dma_wait3A_354 = arith.constant 0 : i32
      %dma_wait3A_355 = tpu.memref_slice %arg7[%add3A_349, %dma_wait3A_354] : memref<40x64xi32, #tpu.memory_space<vmem>> -> memref<1x64xi32, #tpu.memory_space<vmem>>
      %dma_wait3A_356 = tpu.memref_squeeze %dma_wait3A_355 : memref<1x64xi32, #tpu.memory_space<vmem>> -> memref<64xi32, #tpu.memory_space<vmem>>
      %dma_wait3A_357 = arith.constant 0 : i32
      %dma_wait3A_358 = arith.constant 0 : i32
      %dma_wait3A_359 = tpu.memref_slice %arg2[%dma_wait3A_357, %dma_wait3A_358] : memref<10000x128xf32, #tpu.memory_space<hbm>> -> memref<10000x128xf32, #tpu.memory_space<hbm>>
      tpu.wait_indirect_dma semaphore(%arg10 : memref<!tpu.dma_semaphore, #tpu.memory_space<semaphore_mem>>) src(%dma_wait3A_359 : memref<10000x128xf32, #tpu.memory_space<hbm>>) dst(%dma_wait3A_353 : memref<64x128xf32, #tpu.memory_space<vmem>>)
      %dma_start3A_360 = arith.constant 0 : i32
      %dma_start3A_361 = arith.constant 0 : i32
      %dma_start3A_362 = arith.constant 0 : i32
      %dma_start3A_363 = tpu.memref_slice %arg9[%dma_start3A_360, %dma_start3A_361, %dma_start3A_362] : memref<4x64x128xf32, #tpu.memory_space<vmem>> -> memref<1x64x128xf32, #tpu.memory_space<vmem>>
      %dma_start3A_364 = tpu.memref_squeeze %dma_start3A_363 : memref<1x64x128xf32, #tpu.memory_space<vmem>> -> memref<64x128xf32, #tpu.memory_space<vmem>>
      %dma_start3A_365 = arith.constant 0 : i32
      %dma_start3A_366 = tpu.memref_slice %arg8[%add3A_349, %dma_start3A_365] : memref<40x64xi32, #tpu.memory_space<vmem>> -> memref<1x64xi32, #tpu.memory_space<vmem>>
      %dma_start3A_367 = tpu.memref_squeeze %dma_start3A_366 : memref<1x64xi32, #tpu.memory_space<vmem>> -> memref<64xi32, #tpu.memory_space<vmem>>
      %dma_start3A_368 = arith.constant 0 : i32
      %dma_start3A_369 = arith.constant 0 : i32
      %dma_start3A_370 = tpu.memref_slice %arg18[%dma_start3A_368, %dma_start3A_369] : memref<10240x128xf32, #tpu.memory_space<vmem_shared>> -> memref<10240x128xf32, #tpu.memory_space<vmem_shared>>
      tpu.enqueue_indirect_dma source(%dma_start3A_364 : memref<64x128xf32, #tpu.memory_space<vmem>>) target(%dma_start3A_370 : memref<10240x128xf32, #tpu.memory_space<vmem_shared>>) offsets(%dma_start3A_367 : memref<64xi32, #tpu.memory_space<vmem>>) semaphore(%arg14 : memref<!tpu.dma_semaphore, #tpu.memory_space<semaphore_mem>>) {add = true}
      %mul3A_371 = arith.constant 4 : i32
      %mul3A_372 = arith.muli %mul3A_371, %scan3A_345 : i32
      %add3A_373 = arith.constant 1 : i32
      %add3A_374 = arith.addi %mul3A_372, %add3A_373 : i32
      %dma_wait3A_375 = arith.constant 1 : i32
      %dma_wait3A_376 = arith.constant 0 : i32
      %dma_wait3A_377 = arith.constant 0 : i32
      %dma_wait3A_378 = tpu.memref_slice %arg9[%dma_wait3A_375, %dma_wait3A_376, %dma_wait3A_377] : memref<4x64x128xf32, #tpu.memory_space<vmem>> -> memref<1x64x128xf32, #tpu.memory_space<vmem>>
      %dma_wait3A_379 = tpu.memref_squeeze %dma_wait3A_378 : memref<1x64x128xf32, #tpu.memory_space<vmem>> -> memref<64x128xf32, #tpu.memory_space<vmem>>
      %dma_wait3A_380 = arith.constant 0 : i32
      %dma_wait3A_381 = tpu.memref_slice %arg7[%add3A_374, %dma_wait3A_380] : memref<40x64xi32, #tpu.memory_space<vmem>> -> memref<1x64xi32, #tpu.memory_space<vmem>>
      %dma_wait3A_382 = tpu.memref_squeeze %dma_wait3A_381 : memref<1x64xi32, #tpu.memory_space<vmem>> -> memref<64xi32, #tpu.memory_space<vmem>>
      %dma_wait3A_383 = arith.constant 0 : i32
      %dma_wait3A_384 = arith.constant 0 : i32
      %dma_wait3A_385 = tpu.memref_slice %arg2[%dma_wait3A_383, %dma_wait3A_384] : memref<10000x128xf32, #tpu.memory_space<hbm>> -> memref<10000x128xf32, #tpu.memory_space<hbm>>
      tpu.wait_indirect_dma semaphore(%arg11 : memref<!tpu.dma_semaphore, #tpu.memory_space<semaphore_mem>>) src(%dma_wait3A_385 : memref<10000x128xf32, #tpu.memory_space<hbm>>) dst(%dma_wait3A_379 : memref<64x128xf32, #tpu.memory_space<vmem>>)
      %dma_start3A_386 = arith.constant 1 : i32
      %dma_start3A_387 = arith.constant 0 : i32
      %dma_start3A_388 = arith.constant 0 : i32
      %dma_start3A_389 = tpu.memref_slice %arg9[%dma_start3A_386, %dma_start3A_387, %dma_start3A_388] : memref<4x64x128xf32, #tpu.memory_space<vmem>> -> memref<1x64x128xf32, #tpu.memory_space<vmem>>
      %dma_start3A_390 = tpu.memref_squeeze %dma_start3A_389 : memref<1x64x128xf32, #tpu.memory_space<vmem>> -> memref<64x128xf32, #tpu.memory_space<vmem>>
      %dma_start3A_391 = arith.constant 0 : i32
      %dma_start3A_392 = tpu.memref_slice %arg8[%add3A_374, %dma_start3A_391] : memref<40x64xi32, #tpu.memory_space<vmem>> -> memref<1x64xi32, #tpu.memory_space<vmem>>
      %dma_start3A_393 = tpu.memref_squeeze %dma_start3A_392 : memref<1x64xi32, #tpu.memory_space<vmem>> -> memref<64xi32, #tpu.memory_space<vmem>>
      %dma_start3A_394 = arith.constant 0 : i32
      %dma_start3A_395 = arith.constant 0 : i32
      %dma_start3A_396 = tpu.memref_slice %arg18[%dma_start3A_394, %dma_start3A_395] : memref<10240x128xf32, #tpu.memory_space<vmem_shared>> -> memref<10240x128xf32, #tpu.memory_space<vmem_shared>>
      tpu.enqueue_indirect_dma source(%dma_start3A_390 : memref<64x128xf32, #tpu.memory_space<vmem>>) target(%dma_start3A_396 : memref<10240x128xf32, #tpu.memory_space<vmem_shared>>) offsets(%dma_start3A_393 : memref<64xi32, #tpu.memory_space<vmem>>) semaphore(%arg15 : memref<!tpu.dma_semaphore, #tpu.memory_space<semaphore_mem>>) {add = true}
      %mul3A_397 = arith.constant 4 : i32
      %mul3A_398 = arith.muli %mul3A_397, %scan3A_345 : i32
      %add3A_399 = arith.constant 2 : i32
      %add3A_400 = arith.addi %mul3A_398, %add3A_399 : i32
      %dma_wait3A_401 = arith.constant 2 : i32
      %dma_wait3A_402 = arith.constant 0 : i32
      %dma_wait3A_403 = arith.constant 0 : i32
      %dma_wait3A_404 = tpu.memref_slice %arg9[%dma_wait3A_401, %dma_wait3A_402, %dma_wait3A_403] : memref<4x64x128xf32, #tpu.memory_space<vmem>> -> memref<1x64x128xf32, #tpu.memory_space<vmem>>
      %dma_wait3A_405 = tpu.memref_squeeze %dma_wait3A_404 : memref<1x64x128xf32, #tpu.memory_space<vmem>> -> memref<64x128xf32, #tpu.memory_space<vmem>>
      %dma_wait3A_406 = arith.constant 0 : i32
      %dma_wait3A_407 = tpu.memref_slice %arg7[%add3A_400, %dma_wait3A_406] : memref<40x64xi32, #tpu.memory_space<vmem>> -> memref<1x64xi32, #tpu.memory_space<vmem>>
      %dma_wait3A_408 = tpu.memref_squeeze %dma_wait3A_407 : memref<1x64xi32, #tpu.memory_space<vmem>> -> memref<64xi32, #tpu.memory_space<vmem>>
      %dma_wait3A_409 = arith.constant 0 : i32
      %dma_wait3A_410 = arith.constant 0 : i32
      %dma_wait3A_411 = tpu.memref_slice %arg2[%dma_wait3A_409, %dma_wait3A_410] : memref<10000x128xf32, #tpu.memory_space<hbm>> -> memref<10000x128xf32, #tpu.memory_space<hbm>>
      tpu.wait_indirect_dma semaphore(%arg12 : memref<!tpu.dma_semaphore, #tpu.memory_space<semaphore_mem>>) src(%dma_wait3A_411 : memref<10000x128xf32, #tpu.memory_space<hbm>>) dst(%dma_wait3A_405 : memref<64x128xf32, #tpu.memory_space<vmem>>)
      %dma_start3A_412 = arith.constant 2 : i32
      %dma_start3A_413 = arith.constant 0 : i32
      %dma_start3A_414 = arith.constant 0 : i32
      %dma_start3A_415 = tpu.memref_slice %arg9[%dma_start3A_412, %dma_start3A_413, %dma_start3A_414] : memref<4x64x128xf32, #tpu.memory_space<vmem>> -> memref<1x64x128xf32, #tpu.memory_space<vmem>>
      %dma_start3A_416 = tpu.memref_squeeze %dma_start3A_415 : memref<1x64x128xf32, #tpu.memory_space<vmem>> -> memref<64x128xf32, #tpu.memory_space<vmem>>
      %dma_start3A_417 = arith.constant 0 : i32
      %dma_start3A_418 = tpu.memref_slice %arg8[%add3A_400, %dma_start3A_417] : memref<40x64xi32, #tpu.memory_space<vmem>> -> memref<1x64xi32, #tpu.memory_space<vmem>>
      %dma_start3A_419 = tpu.memref_squeeze %dma_start3A_418 : memref<1x64xi32, #tpu.memory_space<vmem>> -> memref<64xi32, #tpu.memory_space<vmem>>
      %dma_start3A_420 = arith.constant 0 : i32
      %dma_start3A_421 = arith.constant 0 : i32
      %dma_start3A_422 = tpu.memref_slice %arg18[%dma_start3A_420, %dma_start3A_421] : memref<10240x128xf32, #tpu.memory_space<vmem_shared>> -> memref<10240x128xf32, #tpu.memory_space<vmem_shared>>
      tpu.enqueue_indirect_dma source(%dma_start3A_416 : memref<64x128xf32, #tpu.memory_space<vmem>>) target(%dma_start3A_422 : memref<10240x128xf32, #tpu.memory_space<vmem_shared>>) offsets(%dma_start3A_419 : memref<64xi32, #tpu.memory_space<vmem>>) semaphore(%arg16 : memref<!tpu.dma_semaphore, #tpu.memory_space<semaphore_mem>>) {add = true}
      %mul3A_423 = arith.constant 4 : i32
      %mul3A_424 = arith.muli %mul3A_423, %scan3A_345 : i32
      %add3A_425 = arith.constant 3 : i32
      %add3A_426 = arith.addi %mul3A_424, %add3A_425 : i32
      %dma_wait3A_427 = arith.constant 3 : i32
      %dma_wait3A_428 = arith.constant 0 : i32
      %dma_wait3A_429 = arith.constant 0 : i32
      %dma_wait3A_430 = tpu.memref_slice %arg9[%dma_wait3A_427, %dma_wait3A_428, %dma_wait3A_429] : memref<4x64x128xf32, #tpu.memory_space<vmem>> -> memref<1x64x128xf32, #tpu.memory_space<vmem>>
      %dma_wait3A_431 = tpu.memref_squeeze %dma_wait3A_430 : memref<1x64x128xf32, #tpu.memory_space<vmem>> -> memref<64x128xf32, #tpu.memory_space<vmem>>
      %dma_wait3A_432 = arith.constant 0 : i32
      %dma_wait3A_433 = tpu.memref_slice %arg7[%add3A_426, %dma_wait3A_432] : memref<40x64xi32, #tpu.memory_space<vmem>> -> memref<1x64xi32, #tpu.memory_space<vmem>>
      %dma_wait3A_434 = tpu.memref_squeeze %dma_wait3A_433 : memref<1x64xi32, #tpu.memory_space<vmem>> -> memref<64xi32, #tpu.memory_space<vmem>>
      %dma_wait3A_435 = arith.constant 0 : i32
      %dma_wait3A_436 = arith.constant 0 : i32
      %dma_wait3A_437 = tpu.memref_slice %arg2[%dma_wait3A_435, %dma_wait3A_436] : memref<10000x128xf32, #tpu.memory_space<hbm>> -> memref<10000x128xf32, #tpu.memory_space<hbm>>
      tpu.wait_indirect_dma semaphore(%arg13 : memref<!tpu.dma_semaphore, #tpu.memory_space<semaphore_mem>>) src(%dma_wait3A_437 : memref<10000x128xf32, #tpu.memory_space<hbm>>) dst(%dma_wait3A_431 : memref<64x128xf32, #tpu.memory_space<vmem>>)
      %dma_start3A_438 = arith.constant 3 : i32
      %dma_start3A_439 = arith.constant 0 : i32
      %dma_start3A_440 = arith.constant 0 : i32
      %dma_start3A_441 = tpu.memref_slice %arg9[%dma_start3A_438, %dma_start3A_439, %dma_start3A_440] : memref<4x64x128xf32, #tpu.memory_space<vmem>> -> memref<1x64x128xf32, #tpu.memory_space<vmem>>
      %dma_start3A_442 = tpu.memref_squeeze %dma_start3A_441 : memref<1x64x128xf32, #tpu.memory_space<vmem>> -> memref<64x128xf32, #tpu.memory_space<vmem>>
      %dma_start3A_443 = arith.constant 0 : i32
      %dma_start3A_444 = tpu.memref_slice %arg8[%add3A_426, %dma_start3A_443] : memref<40x64xi32, #tpu.memory_space<vmem>> -> memref<1x64xi32, #tpu.memory_space<vmem>>
      %dma_start3A_445 = tpu.memref_squeeze %dma_start3A_444 : memref<1x64xi32, #tpu.memory_space<vmem>> -> memref<64xi32, #tpu.memory_space<vmem>>
      %dma_start3A_446 = arith.constant 0 : i32
      %dma_start3A_447 = arith.constant 0 : i32
      %dma_start3A_448 = tpu.memref_slice %arg18[%dma_start3A_446, %dma_start3A_447] : memref<10240x128xf32, #tpu.memory_space<vmem_shared>> -> memref<10240x128xf32, #tpu.memory_space<vmem_shared>>
      tpu.enqueue_indirect_dma source(%dma_start3A_442 : memref<64x128xf32, #tpu.memory_space<vmem>>) target(%dma_start3A_448 : memref<10240x128xf32, #tpu.memory_space<vmem_shared>>) offsets(%dma_start3A_445 : memref<64xi32, #tpu.memory_space<vmem>>) semaphore(%arg17 : memref<!tpu.dma_semaphore, #tpu.memory_space<semaphore_mem>>) {add = true}
      %mul3A_449 = arith.constant 4 : i32
      %mul3A_450 = arith.muli %mul3A_449, %scan3A_345 : i32
      %add3A_451 = arith.constant 0 : i32
      %add3A_452 = arith.addi %mul3A_450, %add3A_451 : i32
      %dma_wait3A_453 = arith.constant 0 : i32
      %dma_wait3A_454 = arith.constant 0 : i32
      %dma_wait3A_455 = arith.constant 0 : i32
      %dma_wait3A_456 = tpu.memref_slice %arg9[%dma_wait3A_453, %dma_wait3A_454, %dma_wait3A_455] : memref<4x64x128xf32, #tpu.memory_space<vmem>> -> memref<1x64x128xf32, #tpu.memory_space<vmem>>
      %dma_wait3A_457 = tpu.memref_squeeze %dma_wait3A_456 : memref<1x64x128xf32, #tpu.memory_space<vmem>> -> memref<64x128xf32, #tpu.memory_space<vmem>>
      %dma_wait3A_458 = arith.constant 0 : i32
      %dma_wait3A_459 = tpu.memref_slice %arg8[%add3A_452, %dma_wait3A_458] : memref<40x64xi32, #tpu.memory_space<vmem>> -> memref<1x64xi32, #tpu.memory_space<vmem>>
      %dma_wait3A_460 = tpu.memref_squeeze %dma_wait3A_459 : memref<1x64xi32, #tpu.memory_space<vmem>> -> memref<64xi32, #tpu.memory_space<vmem>>
      %dma_wait3A_461 = arith.constant 0 : i32
      %dma_wait3A_462 = arith.constant 0 : i32
      %dma_wait3A_463 = tpu.memref_slice %arg18[%dma_wait3A_461, %dma_wait3A_462] : memref<10240x128xf32, #tpu.memory_space<vmem_shared>> -> memref<10240x128xf32, #tpu.memory_space<vmem_shared>>
      tpu.wait_indirect_dma semaphore(%arg14 : memref<!tpu.dma_semaphore, #tpu.memory_space<semaphore_mem>>) src(%dma_wait3A_457 : memref<64x128xf32, #tpu.memory_space<vmem>>) dst(%dma_wait3A_463 : memref<10240x128xf32, #tpu.memory_space<vmem_shared>>)
      %lt3A = arith.constant 9 : i32
      %lt3A_464 = arith.cmpi slt, %scan3A_345, %lt3A : i32
      %convert_element_type3A = arith.extui %lt3A_464 : i1 to i32
      %cond3A = arith.constant 0 : i32
      %cond3A_465 = arith.cmpi ne, %convert_element_type3A, %cond3A : i32
      scf.if %cond3A_465 {
        %add3A_526 = arith.constant 4 : i32
        %add3A_527 = arith.addi %add3A_452, %add3A_526 : i32
        %dma_start3A_528 = arith.constant 0 : i32
        %dma_start3A_529 = arith.constant 0 : i32
        %dma_start3A_530 = arith.constant 0 : i32
        %dma_start3A_531 = tpu.memref_slice %arg9[%dma_start3A_528, %dma_start3A_529, %dma_start3A_530] : memref<4x64x128xf32, #tpu.memory_space<vmem>> -> memref<1x64x128xf32, #tpu.memory_space<vmem>>
        %dma_start3A_532 = tpu.memref_squeeze %dma_start3A_531 : memref<1x64x128xf32, #tpu.memory_space<vmem>> -> memref<64x128xf32, #tpu.memory_space<vmem>>
        %dma_start3A_533 = arith.constant 0 : i32
        %dma_start3A_534 = tpu.memref_slice %arg7[%add3A_527, %dma_start3A_533] : memref<40x64xi32, #tpu.memory_space<vmem>> -> memref<1x64xi32, #tpu.memory_space<vmem>>
        %dma_start3A_535 = tpu.memref_squeeze %dma_start3A_534 : memref<1x64xi32, #tpu.memory_space<vmem>> -> memref<64xi32, #tpu.memory_space<vmem>>
        %dma_start3A_536 = arith.constant 0 : i32
        %dma_start3A_537 = arith.constant 0 : i32
        %dma_start3A_538 = tpu.memref_slice %arg2[%dma_start3A_536, %dma_start3A_537] : memref<10000x128xf32, #tpu.memory_space<hbm>> -> memref<10000x128xf32, #tpu.memory_space<hbm>>
        tpu.enqueue_indirect_dma source(%dma_start3A_538 : memref<10000x128xf32, #tpu.memory_space<hbm>>) target(%dma_start3A_532 : memref<64x128xf32, #tpu.memory_space<vmem>>) offsets(%dma_start3A_535 : memref<64xi32, #tpu.memory_space<vmem>>) semaphore(%arg10 : memref<!tpu.dma_semaphore, #tpu.memory_space<semaphore_mem>>)
      } else {
      }
      %mul3A_466 = arith.constant 4 : i32
      %mul3A_467 = arith.muli %mul3A_466, %scan3A_345 : i32
      %add3A_468 = arith.constant 1 : i32
      %add3A_469 = arith.addi %mul3A_467, %add3A_468 : i32
      %dma_wait3A_470 = arith.constant 1 : i32
      %dma_wait3A_471 = arith.constant 0 : i32
      %dma_wait3A_472 = arith.constant 0 : i32
      %dma_wait3A_473 = tpu.memref_slice %arg9[%dma_wait3A_470, %dma_wait3A_471, %dma_wait3A_472] : memref<4x64x128xf32, #tpu.memory_space<vmem>> -> memref<1x64x128xf32, #tpu.memory_space<vmem>>
      %dma_wait3A_474 = tpu.memref_squeeze %dma_wait3A_473 : memref<1x64x128xf32, #tpu.memory_space<vmem>> -> memref<64x128xf32, #tpu.memory_space<vmem>>
      %dma_wait3A_475 = arith.constant 0 : i32
      %dma_wait3A_476 = tpu.memref_slice %arg8[%add3A_469, %dma_wait3A_475] : memref<40x64xi32, #tpu.memory_space<vmem>> -> memref<1x64xi32, #tpu.memory_space<vmem>>
      %dma_wait3A_477 = tpu.memref_squeeze %dma_wait3A_476 : memref<1x64xi32, #tpu.memory_space<vmem>> -> memref<64xi32, #tpu.memory_space<vmem>>
      %dma_wait3A_478 = arith.constant 0 : i32
      %dma_wait3A_479 = arith.constant 0 : i32
      %dma_wait3A_480 = tpu.memref_slice %arg18[%dma_wait3A_478, %dma_wait3A_479] : memref<10240x128xf32, #tpu.memory_space<vmem_shared>> -> memref<10240x128xf32, #tpu.memory_space<vmem_shared>>
      tpu.wait_indirect_dma semaphore(%arg15 : memref<!tpu.dma_semaphore, #tpu.memory_space<semaphore_mem>>) src(%dma_wait3A_474 : memref<64x128xf32, #tpu.memory_space<vmem>>) dst(%dma_wait3A_480 : memref<10240x128xf32, #tpu.memory_space<vmem_shared>>)
      %lt3A_481 = arith.constant 9 : i32
      %lt3A_482 = arith.cmpi slt, %scan3A_345, %lt3A_481 : i32
      %convert_element_type3A_483 = arith.extui %lt3A_482 : i1 to i32
      %cond3A_484 = arith.constant 0 : i32
      %cond3A_485 = arith.cmpi ne, %convert_element_type3A_483, %cond3A_484 : i32
      scf.if %cond3A_485 {
        %add3A_526 = arith.constant 4 : i32
        %add3A_527 = arith.addi %add3A_469, %add3A_526 : i32
        %dma_start3A_528 = arith.constant 1 : i32
        %dma_start3A_529 = arith.constant 0 : i32
        %dma_start3A_530 = arith.constant 0 : i32
        %dma_start3A_531 = tpu.memref_slice %arg9[%dma_start3A_528, %dma_start3A_529, %dma_start3A_530] : memref<4x64x128xf32, #tpu.memory_space<vmem>> -> memref<1x64x128xf32, #tpu.memory_space<vmem>>
        %dma_start3A_532 = tpu.memref_squeeze %dma_start3A_531 : memref<1x64x128xf32, #tpu.memory_space<vmem>> -> memref<64x128xf32, #tpu.memory_space<vmem>>
        %dma_start3A_533 = arith.constant 0 : i32
        %dma_start3A_534 = tpu.memref_slice %arg7[%add3A_527, %dma_start3A_533] : memref<40x64xi32, #tpu.memory_space<vmem>> -> memref<1x64xi32, #tpu.memory_space<vmem>>
        %dma_start3A_535 = tpu.memref_squeeze %dma_start3A_534 : memref<1x64xi32, #tpu.memory_space<vmem>> -> memref<64xi32, #tpu.memory_space<vmem>>
        %dma_start3A_536 = arith.constant 0 : i32
        %dma_start3A_537 = arith.constant 0 : i32
        %dma_start3A_538 = tpu.memref_slice %arg2[%dma_start3A_536, %dma_start3A_537] : memref<10000x128xf32, #tpu.memory_space<hbm>> -> memref<10000x128xf32, #tpu.memory_space<hbm>>
        tpu.enqueue_indirect_dma source(%dma_start3A_538 : memref<10000x128xf32, #tpu.memory_space<hbm>>) target(%dma_start3A_532 : memref<64x128xf32, #tpu.memory_space<vmem>>) offsets(%dma_start3A_535 : memref<64xi32, #tpu.memory_space<vmem>>) semaphore(%arg11 : memref<!tpu.dma_semaphore, #tpu.memory_space<semaphore_mem>>)
      } else {
      }
      %mul3A_486 = arith.constant 4 : i32
      %mul3A_487 = arith.muli %mul3A_486, %scan3A_345 : i32
      %add3A_488 = arith.constant 2 : i32
      %add3A_489 = arith.addi %mul3A_487, %add3A_488 : i32
      %dma_wait3A_490 = arith.constant 2 : i32
      %dma_wait3A_491 = arith.constant 0 : i32
      %dma_wait3A_492 = arith.constant 0 : i32
      %dma_wait3A_493 = tpu.memref_slice %arg9[%dma_wait3A_490, %dma_wait3A_491, %dma_wait3A_492] : memref<4x64x128xf32, #tpu.memory_space<vmem>> -> memref<1x64x128xf32, #tpu.memory_space<vmem>>
      %dma_wait3A_494 = tpu.memref_squeeze %dma_wait3A_493 : memref<1x64x128xf32, #tpu.memory_space<vmem>> -> memref<64x128xf32, #tpu.memory_space<vmem>>
      %dma_wait3A_495 = arith.constant 0 : i32
      %dma_wait3A_496 = tpu.memref_slice %arg8[%add3A_489, %dma_wait3A_495] : memref<40x64xi32, #tpu.memory_space<vmem>> -> memref<1x64xi32, #tpu.memory_space<vmem>>
      %dma_wait3A_497 = tpu.memref_squeeze %dma_wait3A_496 : memref<1x64xi32, #tpu.memory_space<vmem>> -> memref<64xi32, #tpu.memory_space<vmem>>
      %dma_wait3A_498 = arith.constant 0 : i32
      %dma_wait3A_499 = arith.constant 0 : i32
      %dma_wait3A_500 = tpu.memref_slice %arg18[%dma_wait3A_498, %dma_wait3A_499] : memref<10240x128xf32, #tpu.memory_space<vmem_shared>> -> memref<10240x128xf32, #tpu.memory_space<vmem_shared>>
      tpu.wait_indirect_dma semaphore(%arg16 : memref<!tpu.dma_semaphore, #tpu.memory_space<semaphore_mem>>) src(%dma_wait3A_494 : memref<64x128xf32, #tpu.memory_space<vmem>>) dst(%dma_wait3A_500 : memref<10240x128xf32, #tpu.memory_space<vmem_shared>>)
      %lt3A_501 = arith.constant 9 : i32
      %lt3A_502 = arith.cmpi slt, %scan3A_345, %lt3A_501 : i32
      %convert_element_type3A_503 = arith.extui %lt3A_502 : i1 to i32
      %cond3A_504 = arith.constant 0 : i32
      %cond3A_505 = arith.cmpi ne, %convert_element_type3A_503, %cond3A_504 : i32
      scf.if %cond3A_505 {
        %add3A_526 = arith.constant 4 : i32
        %add3A_527 = arith.addi %add3A_489, %add3A_526 : i32
        %dma_start3A_528 = arith.constant 2 : i32
        %dma_start3A_529 = arith.constant 0 : i32
        %dma_start3A_530 = arith.constant 0 : i32
        %dma_start3A_531 = tpu.memref_slice %arg9[%dma_start3A_528, %dma_start3A_529, %dma_start3A_530] : memref<4x64x128xf32, #tpu.memory_space<vmem>> -> memref<1x64x128xf32, #tpu.memory_space<vmem>>
        %dma_start3A_532 = tpu.memref_squeeze %dma_start3A_531 : memref<1x64x128xf32, #tpu.memory_space<vmem>> -> memref<64x128xf32, #tpu.memory_space<vmem>>
        %dma_start3A_533 = arith.constant 0 : i32
        %dma_start3A_534 = tpu.memref_slice %arg7[%add3A_527, %dma_start3A_533] : memref<40x64xi32, #tpu.memory_space<vmem>> -> memref<1x64xi32, #tpu.memory_space<vmem>>
        %dma_start3A_535 = tpu.memref_squeeze %dma_start3A_534 : memref<1x64xi32, #tpu.memory_space<vmem>> -> memref<64xi32, #tpu.memory_space<vmem>>
        %dma_start3A_536 = arith.constant 0 : i32
        %dma_start3A_537 = arith.constant 0 : i32
        %dma_start3A_538 = tpu.memref_slice %arg2[%dma_start3A_536, %dma_start3A_537] : memref<10000x128xf32, #tpu.memory_space<hbm>> -> memref<10000x128xf32, #tpu.memory_space<hbm>>
        tpu.enqueue_indirect_dma source(%dma_start3A_538 : memref<10000x128xf32, #tpu.memory_space<hbm>>) target(%dma_start3A_532 : memref<64x128xf32, #tpu.memory_space<vmem>>) offsets(%dma_start3A_535 : memref<64xi32, #tpu.memory_space<vmem>>) semaphore(%arg12 : memref<!tpu.dma_semaphore, #tpu.memory_space<semaphore_mem>>)
      } else {
      }
      %mul3A_506 = arith.constant 4 : i32
      %mul3A_507 = arith.muli %mul3A_506, %scan3A_345 : i32
      %add3A_508 = arith.constant 3 : i32
      %add3A_509 = arith.addi %mul3A_507, %add3A_508 : i32
      %dma_wait3A_510 = arith.constant 3 : i32
      %dma_wait3A_511 = arith.constant 0 : i32
      %dma_wait3A_512 = arith.constant 0 : i32
      %dma_wait3A_513 = tpu.memref_slice %arg9[%dma_wait3A_510, %dma_wait3A_511, %dma_wait3A_512] : memref<4x64x128xf32, #tpu.memory_space<vmem>> -> memref<1x64x128xf32, #tpu.memory_space<vmem>>
      %dma_wait3A_514 = tpu.memref_squeeze %dma_wait3A_513 : memref<1x64x128xf32, #tpu.memory_space<vmem>> -> memref<64x128xf32, #tpu.memory_space<vmem>>
      %dma_wait3A_515 = arith.constant 0 : i32
      %dma_wait3A_516 = tpu.memref_slice %arg8[%add3A_509, %dma_wait3A_515] : memref<40x64xi32, #tpu.memory_space<vmem>> -> memref<1x64xi32, #tpu.memory_space<vmem>>
      %dma_wait3A_517 = tpu.memref_squeeze %dma_wait3A_516 : memref<1x64xi32, #tpu.memory_space<vmem>> -> memref<64xi32, #tpu.memory_space<vmem>>
      %dma_wait3A_518 = arith.constant 0 : i32
      %dma_wait3A_519 = arith.constant 0 : i32
      %dma_wait3A_520 = tpu.memref_slice %arg18[%dma_wait3A_518, %dma_wait3A_519] : memref<10240x128xf32, #tpu.memory_space<vmem_shared>> -> memref<10240x128xf32, #tpu.memory_space<vmem_shared>>
      tpu.wait_indirect_dma semaphore(%arg17 : memref<!tpu.dma_semaphore, #tpu.memory_space<semaphore_mem>>) src(%dma_wait3A_514 : memref<64x128xf32, #tpu.memory_space<vmem>>) dst(%dma_wait3A_520 : memref<10240x128xf32, #tpu.memory_space<vmem_shared>>)
      %lt3A_521 = arith.constant 9 : i32
      %lt3A_522 = arith.cmpi slt, %scan3A_345, %lt3A_521 : i32
      %convert_element_type3A_523 = arith.extui %lt3A_522 : i1 to i32
      %cond3A_524 = arith.constant 0 : i32
      %cond3A_525 = arith.cmpi ne, %convert_element_type3A_523, %cond3A_524 : i32
      scf.if %cond3A_525 {
        %add3A_526 = arith.constant 4 : i32
        %add3A_527 = arith.addi %add3A_509, %add3A_526 : i32
        %dma_start3A_528 = arith.constant 3 : i32
        %dma_start3A_529 = arith.constant 0 : i32
        %dma_start3A_530 = arith.constant 0 : i32
        %dma_start3A_531 = tpu.memref_slice %arg9[%dma_start3A_528, %dma_start3A_529, %dma_start3A_530] : memref<4x64x128xf32, #tpu.memory_space<vmem>> -> memref<1x64x128xf32, #tpu.memory_space<vmem>>
        %dma_start3A_532 = tpu.memref_squeeze %dma_start3A_531 : memref<1x64x128xf32, #tpu.memory_space<vmem>> -> memref<64x128xf32, #tpu.memory_space<vmem>>
        %dma_start3A_533 = arith.constant 0 : i32
        %dma_start3A_534 = tpu.memref_slice %arg7[%add3A_527, %dma_start3A_533] : memref<40x64xi32, #tpu.memory_space<vmem>> -> memref<1x64xi32, #tpu.memory_space<vmem>>
        %dma_start3A_535 = tpu.memref_squeeze %dma_start3A_534 : memref<1x64xi32, #tpu.memory_space<vmem>> -> memref<64xi32, #tpu.memory_space<vmem>>
        %dma_start3A_536 = arith.constant 0 : i32
        %dma_start3A_537 = arith.constant 0 : i32
        %dma_start3A_538 = tpu.memref_slice %arg2[%dma_start3A_536, %dma_start3A_537] : memref<10000x128xf32, #tpu.memory_space<hbm>> -> memref<10000x128xf32, #tpu.memory_space<hbm>>
        tpu.enqueue_indirect_dma source(%dma_start3A_538 : memref<10000x128xf32, #tpu.memory_space<hbm>>) target(%dma_start3A_532 : memref<64x128xf32, #tpu.memory_space<vmem>>) offsets(%dma_start3A_535 : memref<64xi32, #tpu.memory_space<vmem>>) semaphore(%arg13 : memref<!tpu.dma_semaphore, #tpu.memory_space<semaphore_mem>>)
      } else {
      }
    }
    %scan3A_94 = arith.constant 10 : i32
    %add3A_95 = arith.constant 1 : i32
    %add3A_96 = arith.addi %add3A_88, %add3A_95 : i32
    "tpu.region"() ({
      %run_scoped3A_345 = tpu.sem_alloc : memref<!tpu.dma_semaphore, #tpu.memory_space<semaphore_mem>>
      %dma_start3A_346 = arith.constant 0 : i32
      %dma_start3A_347 = arith.constant 0 : i32
      %dma_start3A_348 = tpu.memref_slice %arg3[%add3A_96, %arg1, %dma_start3A_346, %dma_start3A_347] : memref<8x16x40x64xi32, #tpu.memory_space<hbm>> -> memref<1x1x40x64xi32, #tpu.memory_space<hbm>>
      %dma_start3A_349 = tpu.memref_squeeze %dma_start3A_348 : memref<1x1x40x64xi32, #tpu.memory_space<hbm>> -> memref<40x64xi32, #tpu.memory_space<hbm>>
      %dma_start3A_350 = arith.constant 0 : i32
      %dma_start3A_351 = arith.constant 0 : i32
      %dma_start3A_352 = tpu.memref_slice %arg3[%add3A_96, %arg1, %dma_start3A_350, %dma_start3A_351] : memref<8x16x40x64xi32, #tpu.memory_space<hbm>> -> memref<1x1x40x64xi32, #tpu.memory_space<hbm>>
      %dma_start3A_353 = tpu.memref_squeeze %dma_start3A_352 : memref<1x1x40x64xi32, #tpu.memory_space<hbm>> -> memref<40x64xi32, #tpu.memory_space<hbm>>
      tpu.enqueue_dma source(%dma_start3A_353 : memref<40x64xi32, #tpu.memory_space<hbm>>) target(%arg7 : memref<40x64xi32, #tpu.memory_space<vmem>>) target_semaphore(%run_scoped3A_345 : memref<!tpu.dma_semaphore, #tpu.memory_space<semaphore_mem>>)
      %dma_wait3A = arith.constant 0 : i32
      %dma_wait3A_354 = arith.constant 0 : i32
      %dma_wait3A_355 = tpu.memref_slice %arg3[%add3A_96, %arg1, %dma_wait3A, %dma_wait3A_354] : memref<8x16x40x64xi32, #tpu.memory_space<hbm>> -> memref<1x1x40x64xi32, #tpu.memory_space<hbm>>
      %dma_wait3A_356 = tpu.memref_squeeze %dma_wait3A_355 : memref<1x1x40x64xi32, #tpu.memory_space<hbm>> -> memref<40x64xi32, #tpu.memory_space<hbm>>
      %dma_wait3A_357 = arith.constant 0 : i32
      %dma_wait3A_358 = arith.constant 0 : i32
      %dma_wait3A_359 = tpu.memref_slice %arg3[%add3A_96, %arg1, %dma_wait3A_357, %dma_wait3A_358] : memref<8x16x40x64xi32, #tpu.memory_space<hbm>> -> memref<1x1x40x64xi32, #tpu.memory_space<hbm>>
      %dma_wait3A_360 = tpu.memref_squeeze %dma_wait3A_359 : memref<1x1x40x64xi32, #tpu.memory_space<hbm>> -> memref<40x64xi32, #tpu.memory_space<hbm>>
      tpu.wait_dma2 semaphore(%run_scoped3A_345 : memref<!tpu.dma_semaphore, #tpu.memory_space<semaphore_mem>>) src(%dma_wait3A_360 : memref<40x64xi32, #tpu.memory_space<hbm>>) dst(%arg7 : memref<40x64xi32, #tpu.memory_space<vmem>>)
      tpu.yield
    }) : () -> ()
    %dma_start3A_97 = arith.constant 1 : i32
    %dma_start3A_98 = arith.constant 1 : i32
    %dma_start3A_99 = arith.constant 0 : i32
    %dma_start3A_100 = arith.constant 0 : i32
    %dma_start3A_101 = tpu.memref_slice %arg9[%dma_start3A_98, %dma_start3A_99, %dma_start3A_100] : memref<4x64x128xf32, #tpu.memory_space<vmem>> -> memref<1x64x128xf32, #tpu.memory_space<vmem>>
    %dma_start3A_102 = tpu.memref_squeeze %dma_start3A_101 : memref<1x64x128xf32, #tpu.memory_space<vmem>> -> memref<64x128xf32, #tpu.memory_space<vmem>>
    %dma_start3A_103 = arith.constant 0 : i32
    %dma_start3A_104 = tpu.memref_slice %arg7[%dma_start3A_97, %dma_start3A_103] : memref<40x64xi32, #tpu.memory_space<vmem>> -> memref<1x64xi32, #tpu.memory_space<vmem>>
    %dma_start3A_105 = tpu.memref_squeeze %dma_start3A_104 : memref<1x64xi32, #tpu.memory_space<vmem>> -> memref<64xi32, #tpu.memory_space<vmem>>
    %dma_start3A_106 = arith.constant 0 : i32
    %dma_start3A_107 = arith.constant 0 : i32
    %dma_start3A_108 = tpu.memref_slice %arg2[%dma_start3A_106, %dma_start3A_107] : memref<10000x128xf32, #tpu.memory_space<hbm>> -> memref<10000x128xf32, #tpu.memory_space<hbm>>
    tpu.enqueue_indirect_dma source(%dma_start3A_108 : memref<10000x128xf32, #tpu.memory_space<hbm>>) target(%dma_start3A_102 : memref<64x128xf32, #tpu.memory_space<vmem>>) offsets(%dma_start3A_105 : memref<64xi32, #tpu.memory_space<vmem>>) semaphore(%arg11 : memref<!tpu.dma_semaphore, #tpu.memory_space<semaphore_mem>>)
    %dma_start3A_109 = arith.constant 2 : i32
    %dma_start3A_110 = arith.constant 2 : i32
    %dma_start3A_111 = arith.constant 0 : i32
    %dma_start3A_112 = arith.constant 0 : i32
    %dma_start3A_113 = tpu.memref_slice %arg9[%dma_start3A_110, %dma_start3A_111, %dma_start3A_112] : memref<4x64x128xf32, #tpu.memory_space<vmem>> -> memref<1x64x128xf32, #tpu.memory_space<vmem>>
    %dma_start3A_114 = tpu.memref_squeeze %dma_start3A_113 : memref<1x64x128xf32, #tpu.memory_space<vmem>> -> memref<64x128xf32, #tpu.memory_space<vmem>>
    %dma_start3A_115 = arith.constant 0 : i32
    %dma_start3A_116 = tpu.memref_slice %arg7[%dma_start3A_109, %dma_start3A_115] : memref<40x64xi32, #tpu.memory_space<vmem>> -> memref<1x64xi32, #tpu.memory_space<vmem>>
    %dma_start3A_117 = tpu.memref_squeeze %dma_start3A_116 : memref<1x64xi32, #tpu.memory_space<vmem>> -> memref<64xi32, #tpu.memory_space<vmem>>
    %dma_start3A_118 = arith.constant 0 : i32
    %dma_start3A_119 = arith.constant 0 : i32
    %dma_start3A_120 = tpu.memref_slice %arg2[%dma_start3A_118, %dma_start3A_119] : memref<10000x128xf32, #tpu.memory_space<hbm>> -> memref<10000x128xf32, #tpu.memory_space<hbm>>
    tpu.enqueue_indirect_dma source(%dma_start3A_120 : memref<10000x128xf32, #tpu.memory_space<hbm>>) target(%dma_start3A_114 : memref<64x128xf32, #tpu.memory_space<vmem>>) offsets(%dma_start3A_117 : memref<64xi32, #tpu.memory_space<vmem>>) semaphore(%arg12 : memref<!tpu.dma_semaphore, #tpu.memory_space<semaphore_mem>>)
    %dma_start3A_121 = arith.constant 3 : i32
    %dma_start3A_122 = arith.constant 3 : i32
    %dma_start3A_123 = arith.constant 0 : i32
    %dma_start3A_124 = arith.constant 0 : i32
    %dma_start3A_125 = tpu.memref_slice %arg9[%dma_start3A_122, %dma_start3A_123, %dma_start3A_124] : memref<4x64x128xf32, #tpu.memory_space<vmem>> -> memref<1x64x128xf32, #tpu.memory_space<vmem>>
    %dma_start3A_126 = tpu.memref_squeeze %dma_start3A_125 : memref<1x64x128xf32, #tpu.memory_space<vmem>> -> memref<64x128xf32, #tpu.memory_space<vmem>>
    %dma_start3A_127 = arith.constant 0 : i32
    %dma_start3A_128 = tpu.memref_slice %arg7[%dma_start3A_121, %dma_start3A_127] : memref<40x64xi32, #tpu.memory_space<vmem>> -> memref<1x64xi32, #tpu.memory_space<vmem>>
    %dma_start3A_129 = tpu.memref_squeeze %dma_start3A_128 : memref<1x64xi32, #tpu.memory_space<vmem>> -> memref<64xi32, #tpu.memory_space<vmem>>
    %dma_start3A_130 = arith.constant 0 : i32
    %dma_start3A_131 = arith.constant 0 : i32
    %dma_start3A_132 = tpu.memref_slice %arg2[%dma_start3A_130, %dma_start3A_131] : memref<10000x128xf32, #tpu.memory_space<hbm>> -> memref<10000x128xf32, #tpu.memory_space<hbm>>
    tpu.enqueue_indirect_dma source(%dma_start3A_132 : memref<10000x128xf32, #tpu.memory_space<hbm>>) target(%dma_start3A_126 : memref<64x128xf32, #tpu.memory_space<vmem>>) offsets(%dma_start3A_129 : memref<64xi32, #tpu.memory_space<vmem>>) semaphore(%arg13 : memref<!tpu.dma_semaphore, #tpu.memory_space<semaphore_mem>>)
    %barrier3A_133 = arith.constant 0 : index
    tpu.barrier barrier_id(%barrier3A_133)
    "tpu.region"() ({
      %run_scoped3A_345 = tpu.sem_alloc : memref<!tpu.dma_semaphore, #tpu.memory_space<semaphore_mem>>
      %dma_start3A_346 = arith.constant 0 : i32
      %dma_start3A_347 = tpu.memref_slice %arg5[%add3A_88, %mul3A_0, %dma_start3A_346] : memref<8x10240x128xf32, #tpu.memory_space<hbm>> -> memref<1x640x128xf32, #tpu.memory_space<hbm>>
      %dma_start3A_348 = tpu.memref_squeeze %dma_start3A_347 : memref<1x640x128xf32, #tpu.memory_space<hbm>> -> memref<640x128xf32, #tpu.memory_space<hbm>>
      %dma_start3A_349 = arith.constant 0 : i32
      %dma_start3A_350 = tpu.memref_slice %arg18[%mul3A_0, %dma_start3A_349] : memref<10240x128xf32, #tpu.memory_space<vmem_shared>> -> memref<640x128xf32, #tpu.memory_space<vmem_shared>>
      tpu.enqueue_dma source(%dma_start3A_350 : memref<640x128xf32, #tpu.memory_space<vmem_shared>>) target(%dma_start3A_348 : memref<640x128xf32, #tpu.memory_space<hbm>>) target_semaphore(%run_scoped3A_345 : memref<!tpu.dma_semaphore, #tpu.memory_space<semaphore_mem>>)
      %dma_wait3A = arith.constant 0 : i32
      %dma_wait3A_351 = tpu.memref_slice %arg5[%add3A_88, %mul3A_0, %dma_wait3A] : memref<8x10240x128xf32, #tpu.memory_space<hbm>> -> memref<1x640x128xf32, #tpu.memory_space<hbm>>
      %dma_wait3A_352 = tpu.memref_squeeze %dma_wait3A_351 : memref<1x640x128xf32, #tpu.memory_space<hbm>> -> memref<640x128xf32, #tpu.memory_space<hbm>>
      %dma_wait3A_353 = arith.constant 0 : i32
      %dma_wait3A_354 = tpu.memref_slice %arg18[%mul3A_0, %dma_wait3A_353] : memref<10240x128xf32, #tpu.memory_space<vmem_shared>> -> memref<640x128xf32, #tpu.memory_space<vmem_shared>>
      tpu.wait_dma2 semaphore(%run_scoped3A_345 : memref<!tpu.dma_semaphore, #tpu.memory_space<semaphore_mem>>) src(%dma_wait3A_354 : memref<640x128xf32, #tpu.memory_space<vmem_shared>>) dst(%dma_wait3A_352 : memref<640x128xf32, #tpu.memory_space<hbm>>)
      tpu.yield
    }) : () -> ()
    %barrier3A_134 = arith.constant 0 : index
    tpu.barrier barrier_id(%barrier3A_134)
    %scan3A_135 = arith.constant 0 : i32
    %scan3A_136 = arith.constant 0 : i32
    %scan3A_137 = arith.constant 64 : i32
    %scan3A_138 = arith.addi %scan3A_136, %scan3A_137 : i32
    %scan3A_139 = arith.constant 1 : i32
    scf.for %scan3A_345 = %scan3A_136 to %scan3A_138 step %scan3A_139  : i32 {
      %broadcast_in_dim3A = arith.constant 1.000000e+00 : f32
      %broadcast_in_dim3A_346 = vector.broadcast %broadcast_in_dim3A : f32 to vector<16xf32>
      %swap3A = arith.constant 0 : i32
      %swap3A_347 = arith.index_cast %swap3A : i32 to index
      %swap3A_348 = arith.index_cast %scan3A_345 : i32 to index
      %swap3A_349 = arith.constant 0 : index
      %swap3A_350 = tpu.vector_load %arg9[%swap3A_347, %swap3A_348, %swap3A_349] {strides = array<i32>} : memref<4x64x128xf32, #tpu.memory_space<vmem>>, vector<1x1x16xf32>,
      %swap3A_351 = vector.shape_cast %swap3A_350 : vector<1x1x16xf32> to vector<16xf32>
      %swap3A_352 = vector.shape_cast %broadcast_in_dim3A_346 : vector<16xf32> to vector<1x1x16xf32>
      tpu.vector_store %arg9[%swap3A_347, %swap3A_348, %swap3A_349], %swap3A_352 {strides = array<i32>} : memref<4x64x128xf32, #tpu.memory_space<vmem>>, vector<1x1x16xf32>,
      %broadcast_in_dim3A_353 = arith.constant 1.000000e+00 : f32
      %broadcast_in_dim3A_354 = vector.broadcast %broadcast_in_dim3A_353 : f32 to vector<16xf32>
      %swap3A_355 = arith.constant 0 : i32
      %swap3A_356 = arith.index_cast %swap3A_355 : i32 to index
      %swap3A_357 = arith.index_cast %scan3A_345 : i32 to index
      %swap3A_358 = arith.constant 16 : index
      %swap3A_359 = tpu.vector_load %arg9[%swap3A_356, %swap3A_357, %swap3A_358] {strides = array<i32>} : memref<4x64x128xf32, #tpu.memory_space<vmem>>, vector<1x1x16xf32>,
      %swap3A_360 = vector.shape_cast %swap3A_359 : vector<1x1x16xf32> to vector<16xf32>
      %swap3A_361 = vector.shape_cast %broadcast_in_dim3A_354 : vector<16xf32> to vector<1x1x16xf32>
      tpu.vector_store %arg9[%swap3A_356, %swap3A_357, %swap3A_358], %swap3A_361 {strides = array<i32>} : memref<4x64x128xf32, #tpu.memory_space<vmem>>, vector<1x1x16xf32>,
      %broadcast_in_dim3A_362 = arith.constant 1.000000e+00 : f32
      %broadcast_in_dim3A_363 = vector.broadcast %broadcast_in_dim3A_362 : f32 to vector<16xf32>
      %swap3A_364 = arith.constant 0 : i32
      %swap3A_365 = arith.index_cast %swap3A_364 : i32 to index
      %swap3A_366 = arith.index_cast %scan3A_345 : i32 to index
      %swap3A_367 = arith.constant 32 : index
      %swap3A_368 = tpu.vector_load %arg9[%swap3A_365, %swap3A_366, %swap3A_367] {strides = array<i32>} : memref<4x64x128xf32, #tpu.memory_space<vmem>>, vector<1x1x16xf32>,
      %swap3A_369 = vector.shape_cast %swap3A_368 : vector<1x1x16xf32> to vector<16xf32>
      %swap3A_370 = vector.shape_cast %broadcast_in_dim3A_363 : vector<16xf32> to vector<1x1x16xf32>
      tpu.vector_store %arg9[%swap3A_365, %swap3A_366, %swap3A_367], %swap3A_370 {strides = array<i32>} : memref<4x64x128xf32, #tpu.memory_space<vmem>>, vector<1x1x16xf32>,
      %broadcast_in_dim3A_371 = arith.constant 1.000000e+00 : f32
      %broadcast_in_dim3A_372 = vector.broadcast %broadcast_in_dim3A_371 : f32 to vector<16xf32>
      %swap3A_373 = arith.constant 0 : i32
      %swap3A_374 = arith.index_cast %swap3A_373 : i32 to index
      %swap3A_375 = arith.index_cast %scan3A_345 : i32 to index
      %swap3A_376 = arith.constant 48 : index
      %swap3A_377 = tpu.vector_load %arg9[%swap3A_374, %swap3A_375, %swap3A_376] {strides = array<i32>} : memref<4x64x128xf32, #tpu.memory_space<vmem>>, vector<1x1x16xf32>,
      %swap3A_378 = vector.shape_cast %swap3A_377 : vector<1x1x16xf32> to vector<16xf32>
      %swap3A_379 = vector.shape_cast %broadcast_in_dim3A_372 : vector<16xf32> to vector<1x1x16xf32>
      tpu.vector_store %arg9[%swap3A_374, %swap3A_375, %swap3A_376], %swap3A_379 {strides = array<i32>} : memref<4x64x128xf32, #tpu.memory_space<vmem>>, vector<1x1x16xf32>,
      %broadcast_in_dim3A_380 = arith.constant 1.000000e+00 : f32
      %broadcast_in_dim3A_381 = vector.broadcast %broadcast_in_dim3A_380 : f32 to vector<16xf32>
      %swap3A_382 = arith.constant 0 : i32
      %swap3A_383 = arith.index_cast %swap3A_382 : i32 to index
      %swap3A_384 = arith.index_cast %scan3A_345 : i32 to index
      %swap3A_385 = arith.constant 64 : index
      %swap3A_386 = tpu.vector_load %arg9[%swap3A_383, %swap3A_384, %swap3A_385] {strides = array<i32>} : memref<4x64x128xf32, #tpu.memory_space<vmem>>, vector<1x1x16xf32>,
      %swap3A_387 = vector.shape_cast %swap3A_386 : vector<1x1x16xf32> to vector<16xf32>
      %swap3A_388 = vector.shape_cast %broadcast_in_dim3A_381 : vector<16xf32> to vector<1x1x16xf32>
      tpu.vector_store %arg9[%swap3A_383, %swap3A_384, %swap3A_385], %swap3A_388 {strides = array<i32>} : memref<4x64x128xf32, #tpu.memory_space<vmem>>, vector<1x1x16xf32>,
      %broadcast_in_dim3A_389 = arith.constant 1.000000e+00 : f32
      %broadcast_in_dim3A_390 = vector.broadcast %broadcast_in_dim3A_389 : f32 to vector<16xf32>
      %swap3A_391 = arith.constant 0 : i32
      %swap3A_392 = arith.index_cast %swap3A_391 : i32 to index
      %swap3A_393 = arith.index_cast %scan3A_345 : i32 to index
      %swap3A_394 = arith.constant 80 : index
      %swap3A_395 = tpu.vector_load %arg9[%swap3A_392, %swap3A_393, %swap3A_394] {strides = array<i32>} : memref<4x64x128xf32, #tpu.memory_space<vmem>>, vector<1x1x16xf32>,
      %swap3A_396 = vector.shape_cast %swap3A_395 : vector<1x1x16xf32> to vector<16xf32>
      %swap3A_397 = vector.shape_cast %broadcast_in_dim3A_390 : vector<16xf32> to vector<1x1x16xf32>
      tpu.vector_store %arg9[%swap3A_392, %swap3A_393, %swap3A_394], %swap3A_397 {strides = array<i32>} : memref<4x64x128xf32, #tpu.memory_space<vmem>>, vector<1x1x16xf32>,
      %broadcast_in_dim3A_398 = arith.constant 1.000000e+00 : f32
      %broadcast_in_dim3A_399 = vector.broadcast %broadcast_in_dim3A_398 : f32 to vector<16xf32>
      %swap3A_400 = arith.constant 0 : i32
      %swap3A_401 = arith.index_cast %swap3A_400 : i32 to index
      %swap3A_402 = arith.index_cast %scan3A_345 : i32 to index
      %swap3A_403 = arith.constant 96 : index
      %swap3A_404 = tpu.vector_load %arg9[%swap3A_401, %swap3A_402, %swap3A_403] {strides = array<i32>} : memref<4x64x128xf32, #tpu.memory_space<vmem>>, vector<1x1x16xf32>,
      %swap3A_405 = vector.shape_cast %swap3A_404 : vector<1x1x16xf32> to vector<16xf32>
      %swap3A_406 = vector.shape_cast %broadcast_in_dim3A_399 : vector<16xf32> to vector<1x1x16xf32>
      tpu.vector_store %arg9[%swap3A_401, %swap3A_402, %swap3A_403], %swap3A_406 {strides = array<i32>} : memref<4x64x128xf32, #tpu.memory_space<vmem>>, vector<1x1x16xf32>,
      %broadcast_in_dim3A_407 = arith.constant 1.000000e+00 : f32
      %broadcast_in_dim3A_408 = vector.broadcast %broadcast_in_dim3A_407 : f32 to vector<16xf32>
      %swap3A_409 = arith.constant 0 : i32
      %swap3A_410 = arith.index_cast %swap3A_409 : i32 to index
      %swap3A_411 = arith.index_cast %scan3A_345 : i32 to index
      %swap3A_412 = arith.constant 112 : index
      %swap3A_413 = tpu.vector_load %arg9[%swap3A_410, %swap3A_411, %swap3A_412] {strides = array<i32>} : memref<4x64x128xf32, #tpu.memory_space<vmem>>, vector<1x1x16xf32>,
      %swap3A_414 = vector.shape_cast %swap3A_413 : vector<1x1x16xf32> to vector<16xf32>
      %swap3A_415 = vector.shape_cast %broadcast_in_dim3A_408 : vector<16xf32> to vector<1x1x16xf32>
      tpu.vector_store %arg9[%swap3A_410, %swap3A_411, %swap3A_412], %swap3A_415 {strides = array<i32>} : memref<4x64x128xf32, #tpu.memory_space<vmem>>, vector<1x1x16xf32>,
    }
    %scan3A_140 = arith.constant 64 : i32
    %scan3A_141 = arith.constant 0 : i32
    %scan3A_142 = arith.constant 0 : i32
    %scan3A_143 = arith.constant 10 : i32
    %scan3A_144 = arith.addi %scan3A_142, %scan3A_143 : i32
    %scan3A_145 = arith.constant 1 : i32
    scf.for %scan3A_345 = %scan3A_142 to %scan3A_144 step %scan3A_145  : i32 {
      %mul3A_346 = arith.constant 4 : i32
      %mul3A_347 = arith.muli %mul3A_346, %scan3A_345 : i32
      %add3A_348 = arith.constant 0 : i32
      %add3A_349 = arith.addi %mul3A_347, %add3A_348 : i32
      %dma_start3A_350 = arith.constant 0 : i32
      %dma_start3A_351 = arith.constant 0 : i32
      %dma_start3A_352 = arith.constant 0 : i32
      %dma_start3A_353 = tpu.memref_slice %arg9[%dma_start3A_350, %dma_start3A_351, %dma_start3A_352] : memref<4x64x128xf32, #tpu.memory_space<vmem>> -> memref<1x64x128xf32, #tpu.memory_space<vmem>>
      %dma_start3A_354 = tpu.memref_squeeze %dma_start3A_353 : memref<1x64x128xf32, #tpu.memory_space<vmem>> -> memref<64x128xf32, #tpu.memory_space<vmem>>
      %dma_start3A_355 = arith.constant 0 : i32
      %dma_start3A_356 = tpu.memref_slice %arg8[%add3A_349, %dma_start3A_355] : memref<40x64xi32, #tpu.memory_space<vmem>> -> memref<1x64xi32, #tpu.memory_space<vmem>>
      %dma_start3A_357 = tpu.memref_squeeze %dma_start3A_356 : memref<1x64xi32, #tpu.memory_space<vmem>> -> memref<64xi32, #tpu.memory_space<vmem>>
      %dma_start3A_358 = arith.constant 0 : i32
      %dma_start3A_359 = arith.constant 0 : i32
      %dma_start3A_360 = tpu.memref_slice %arg18[%dma_start3A_358, %dma_start3A_359] : memref<10240x128xf32, #tpu.memory_space<vmem_shared>> -> memref<10240x128xf32, #tpu.memory_space<vmem_shared>>
      tpu.enqueue_indirect_dma source(%dma_start3A_354 : memref<64x128xf32, #tpu.memory_space<vmem>>) target(%dma_start3A_360 : memref<10240x128xf32, #tpu.memory_space<vmem_shared>>) offsets(%dma_start3A_357 : memref<64xi32, #tpu.memory_space<vmem>>) semaphore(%arg14 : memref<!tpu.dma_semaphore, #tpu.memory_space<semaphore_mem>>) {add = true}
      %mul3A_361 = arith.constant 4 : i32
      %mul3A_362 = arith.muli %mul3A_361, %scan3A_345 : i32
      %add3A_363 = arith.constant 1 : i32
      %add3A_364 = arith.addi %mul3A_362, %add3A_363 : i32
      %dma_start3A_365 = arith.constant 0 : i32
      %dma_start3A_366 = arith.constant 0 : i32
      %dma_start3A_367 = arith.constant 0 : i32
      %dma_start3A_368 = tpu.memref_slice %arg9[%dma_start3A_365, %dma_start3A_366, %dma_start3A_367] : memref<4x64x128xf32, #tpu.memory_space<vmem>> -> memref<1x64x128xf32, #tpu.memory_space<vmem>>
      %dma_start3A_369 = tpu.memref_squeeze %dma_start3A_368 : memref<1x64x128xf32, #tpu.memory_space<vmem>> -> memref<64x128xf32, #tpu.memory_space<vmem>>
      %dma_start3A_370 = arith.constant 0 : i32
      %dma_start3A_371 = tpu.memref_slice %arg8[%add3A_364, %dma_start3A_370] : memref<40x64xi32, #tpu.memory_space<vmem>> -> memref<1x64xi32, #tpu.memory_space<vmem>>
      %dma_start3A_372 = tpu.memref_squeeze %dma_start3A_371 : memref<1x64xi32, #tpu.memory_space<vmem>> -> memref<64xi32, #tpu.memory_space<vmem>>
      %dma_start3A_373 = arith.constant 0 : i32
      %dma_start3A_374 = arith.constant 0 : i32
      %dma_start3A_375 = tpu.memref_slice %arg18[%dma_start3A_373, %dma_start3A_374] : memref<10240x128xf32, #tpu.memory_space<vmem_shared>> -> memref<10240x128xf32, #tpu.memory_space<vmem_shared>>
      tpu.enqueue_indirect_dma source(%dma_start3A_369 : memref<64x128xf32, #tpu.memory_space<vmem>>) target(%dma_start3A_375 : memref<10240x128xf32, #tpu.memory_space<vmem_shared>>) offsets(%dma_start3A_372 : memref<64xi32, #tpu.memory_space<vmem>>) semaphore(%arg15 : memref<!tpu.dma_semaphore, #tpu.memory_space<semaphore_mem>>) {add = true}
      %mul3A_376 = arith.constant 4 : i32
      %mul3A_377 = arith.muli %mul3A_376, %scan3A_345 : i32
      %add3A_378 = arith.constant 2 : i32
      %add3A_379 = arith.addi %mul3A_377, %add3A_378 : i32
      %dma_start3A_380 = arith.constant 0 : i32
      %dma_start3A_381 = arith.constant 0 : i32
      %dma_start3A_382 = arith.constant 0 : i32
      %dma_start3A_383 = tpu.memref_slice %arg9[%dma_start3A_380, %dma_start3A_381, %dma_start3A_382] : memref<4x64x128xf32, #tpu.memory_space<vmem>> -> memref<1x64x128xf32, #tpu.memory_space<vmem>>
      %dma_start3A_384 = tpu.memref_squeeze %dma_start3A_383 : memref<1x64x128xf32, #tpu.memory_space<vmem>> -> memref<64x128xf32, #tpu.memory_space<vmem>>
      %dma_start3A_385 = arith.constant 0 : i32
      %dma_start3A_386 = tpu.memref_slice %arg8[%add3A_379, %dma_start3A_385] : memref<40x64xi32, #tpu.memory_space<vmem>> -> memref<1x64xi32, #tpu.memory_space<vmem>>
      %dma_start3A_387 = tpu.memref_squeeze %dma_start3A_386 : memref<1x64xi32, #tpu.memory_space<vmem>> -> memref<64xi32, #tpu.memory_space<vmem>>
      %dma_start3A_388 = arith.constant 0 : i32
      %dma_start3A_389 = arith.constant 0 : i32
      %dma_start3A_390 = tpu.memref_slice %arg18[%dma_start3A_388, %dma_start3A_389] : memref<10240x128xf32, #tpu.memory_space<vmem_shared>> -> memref<10240x128xf32, #tpu.memory_space<vmem_shared>>
      tpu.enqueue_indirect_dma source(%dma_start3A_384 : memref<64x128xf32, #tpu.memory_space<vmem>>) target(%dma_start3A_390 : memref<10240x128xf32, #tpu.memory_space<vmem_shared>>) offsets(%dma_start3A_387 : memref<64xi32, #tpu.memory_space<vmem>>) semaphore(%arg16 : memref<!tpu.dma_semaphore, #tpu.memory_space<semaphore_mem>>) {add = true}
      %mul3A_391 = arith.constant 4 : i32
      %mul3A_392 = arith.muli %mul3A_391, %scan3A_345 : i32
      %add3A_393 = arith.constant 3 : i32
      %add3A_394 = arith.addi %mul3A_392, %add3A_393 : i32
      %dma_start3A_395 = arith.constant 0 : i32
      %dma_start3A_396 = arith.constant 0 : i32
      %dma_start3A_397 = arith.constant 0 : i32
      %dma_start3A_398 = tpu.memref_slice %arg9[%dma_start3A_395, %dma_start3A_396, %dma_start3A_397] : memref<4x64x128xf32, #tpu.memory_space<vmem>> -> memref<1x64x128xf32, #tpu.memory_space<vmem>>
      %dma_start3A_399 = tpu.memref_squeeze %dma_start3A_398 : memref<1x64x128xf32, #tpu.memory_space<vmem>> -> memref<64x128xf32, #tpu.memory_space<vmem>>
      %dma_start3A_400 = arith.constant 0 : i32
      %dma_start3A_401 = tpu.memref_slice %arg8[%add3A_394, %dma_start3A_400] : memref<40x64xi32, #tpu.memory_space<vmem>> -> memref<1x64xi32, #tpu.memory_space<vmem>>
      %dma_start3A_402 = tpu.memref_squeeze %dma_start3A_401 : memref<1x64xi32, #tpu.memory_space<vmem>> -> memref<64xi32, #tpu.memory_space<vmem>>
      %dma_start3A_403 = arith.constant 0 : i32
      %dma_start3A_404 = arith.constant 0 : i32
      %dma_start3A_405 = tpu.memref_slice %arg18[%dma_start3A_403, %dma_start3A_404] : memref<10240x128xf32, #tpu.memory_space<vmem_shared>> -> memref<10240x128xf32, #tpu.memory_space<vmem_shared>>
      tpu.enqueue_indirect_dma source(%dma_start3A_399 : memref<64x128xf32, #tpu.memory_space<vmem>>) target(%dma_start3A_405 : memref<10240x128xf32, #tpu.memory_space<vmem_shared>>) offsets(%dma_start3A_402 : memref<64xi32, #tpu.memory_space<vmem>>) semaphore(%arg17 : memref<!tpu.dma_semaphore, #tpu.memory_space<semaphore_mem>>) {add = true}
      %mul3A_406 = arith.constant 4 : i32
      %mul3A_407 = arith.muli %mul3A_406, %scan3A_345 : i32
      %add3A_408 = arith.constant 0 : i32
      %add3A_409 = arith.addi %mul3A_407, %add3A_408 : i32
      %dma_wait3A = arith.constant 0 : i32
      %dma_wait3A_410 = arith.constant 0 : i32
      %dma_wait3A_411 = arith.constant 0 : i32
      %dma_wait3A_412 = tpu.memref_slice %arg9[%dma_wait3A, %dma_wait3A_410, %dma_wait3A_411] : memref<4x64x128xf32, #tpu.memory_space<vmem>> -> memref<1x64x128xf32, #tpu.memory_space<vmem>>
      %dma_wait3A_413 = tpu.memref_squeeze %dma_wait3A_412 : memref<1x64x128xf32, #tpu.memory_space<vmem>> -> memref<64x128xf32, #tpu.memory_space<vmem>>
      %dma_wait3A_414 = arith.constant 0 : i32
      %dma_wait3A_415 = tpu.memref_slice %arg8[%add3A_409, %dma_wait3A_414] : memref<40x64xi32, #tpu.memory_space<vmem>> -> memref<1x64xi32, #tpu.memory_space<vmem>>
      %dma_wait3A_416 = tpu.memref_squeeze %dma_wait3A_415 : memref<1x64xi32, #tpu.memory_space<vmem>> -> memref<64xi32, #tpu.memory_space<vmem>>
      %dma_wait3A_417 = arith.constant 0 : i32
      %dma_wait3A_418 = arith.constant 0 : i32
      %dma_wait3A_419 = tpu.memref_slice %arg18[%dma_wait3A_417, %dma_wait3A_418] : memref<10240x128xf32, #tpu.memory_space<vmem_shared>> -> memref<10240x128xf32, #tpu.memory_space<vmem_shared>>
      tpu.wait_indirect_dma semaphore(%arg14 : memref<!tpu.dma_semaphore, #tpu.memory_space<semaphore_mem>>) src(%dma_wait3A_413 : memref<64x128xf32, #tpu.memory_space<vmem>>) dst(%dma_wait3A_419 : memref<10240x128xf32, #tpu.memory_space<vmem_shared>>)
      %mul3A_420 = arith.constant 4 : i32
      %mul3A_421 = arith.muli %mul3A_420, %scan3A_345 : i32
      %add3A_422 = arith.constant 1 : i32
      %add3A_423 = arith.addi %mul3A_421, %add3A_422 : i32
      %dma_wait3A_424 = arith.constant 0 : i32
      %dma_wait3A_425 = arith.constant 0 : i32
      %dma_wait3A_426 = arith.constant 0 : i32
      %dma_wait3A_427 = tpu.memref_slice %arg9[%dma_wait3A_424, %dma_wait3A_425, %dma_wait3A_426] : memref<4x64x128xf32, #tpu.memory_space<vmem>> -> memref<1x64x128xf32, #tpu.memory_space<vmem>>
      %dma_wait3A_428 = tpu.memref_squeeze %dma_wait3A_427 : memref<1x64x128xf32, #tpu.memory_space<vmem>> -> memref<64x128xf32, #tpu.memory_space<vmem>>
      %dma_wait3A_429 = arith.constant 0 : i32
      %dma_wait3A_430 = tpu.memref_slice %arg8[%add3A_423, %dma_wait3A_429] : memref<40x64xi32, #tpu.memory_space<vmem>> -> memref<1x64xi32, #tpu.memory_space<vmem>>
      %dma_wait3A_431 = tpu.memref_squeeze %dma_wait3A_430 : memref<1x64xi32, #tpu.memory_space<vmem>> -> memref<64xi32, #tpu.memory_space<vmem>>
      %dma_wait3A_432 = arith.constant 0 : i32
      %dma_wait3A_433 = arith.constant 0 : i32
      %dma_wait3A_434 = tpu.memref_slice %arg18[%dma_wait3A_432, %dma_wait3A_433] : memref<10240x128xf32, #tpu.memory_space<vmem_shared>> -> memref<10240x128xf32, #tpu.memory_space<vmem_shared>>
      tpu.wait_indirect_dma semaphore(%arg15 : memref<!tpu.dma_semaphore, #tpu.memory_space<semaphore_mem>>) src(%dma_wait3A_428 : memref<64x128xf32, #tpu.memory_space<vmem>>) dst(%dma_wait3A_434 : memref<10240x128xf32, #tpu.memory_space<vmem_shared>>)
      %mul3A_435 = arith.constant 4 : i32
      %mul3A_436 = arith.muli %mul3A_435, %scan3A_345 : i32
      %add3A_437 = arith.constant 2 : i32
      %add3A_438 = arith.addi %mul3A_436, %add3A_437 : i32
      %dma_wait3A_439 = arith.constant 0 : i32
      %dma_wait3A_440 = arith.constant 0 : i32
      %dma_wait3A_441 = arith.constant 0 : i32
      %dma_wait3A_442 = tpu.memref_slice %arg9[%dma_wait3A_439, %dma_wait3A_440, %dma_wait3A_441] : memref<4x64x128xf32, #tpu.memory_space<vmem>> -> memref<1x64x128xf32, #tpu.memory_space<vmem>>
      %dma_wait3A_443 = tpu.memref_squeeze %dma_wait3A_442 : memref<1x64x128xf32, #tpu.memory_space<vmem>> -> memref<64x128xf32, #tpu.memory_space<vmem>>
      %dma_wait3A_444 = arith.constant 0 : i32
      %dma_wait3A_445 = tpu.memref_slice %arg8[%add3A_438, %dma_wait3A_444] : memref<40x64xi32, #tpu.memory_space<vmem>> -> memref<1x64xi32, #tpu.memory_space<vmem>>
      %dma_wait3A_446 = tpu.memref_squeeze %dma_wait3A_445 : memref<1x64xi32, #tpu.memory_space<vmem>> -> memref<64xi32, #tpu.memory_space<vmem>>
      %dma_wait3A_447 = arith.constant 0 : i32
      %dma_wait3A_448 = arith.constant 0 : i32
      %dma_wait3A_449 = tpu.memref_slice %arg18[%dma_wait3A_447, %dma_wait3A_448] : memref<10240x128xf32, #tpu.memory_space<vmem_shared>> -> memref<10240x128xf32, #tpu.memory_space<vmem_shared>>
      tpu.wait_indirect_dma semaphore(%arg16 : memref<!tpu.dma_semaphore, #tpu.memory_space<semaphore_mem>>) src(%dma_wait3A_443 : memref<64x128xf32, #tpu.memory_space<vmem>>) dst(%dma_wait3A_449 : memref<10240x128xf32, #tpu.memory_space<vmem_shared>>)
      %mul3A_450 = arith.constant 4 : i32
      %mul3A_451 = arith.muli %mul3A_450, %scan3A_345 : i32
      %add3A_452 = arith.constant 3 : i32
      %add3A_453 = arith.addi %mul3A_451, %add3A_452 : i32
      %dma_wait3A_454 = arith.constant 0 : i32
      %dma_wait3A_455 = arith.constant 0 : i32
      %dma_wait3A_456 = arith.constant 0 : i32
      %dma_wait3A_457 = tpu.memref_slice %arg9[%dma_wait3A_454, %dma_wait3A_455, %dma_wait3A_456] : memref<4x64x128xf32, #tpu.memory_space<vmem>> -> memref<1x64x128xf32, #tpu.memory_space<vmem>>
      %dma_wait3A_458 = tpu.memref_squeeze %dma_wait3A_457 : memref<1x64x128xf32, #tpu.memory_space<vmem>> -> memref<64x128xf32, #tpu.memory_space<vmem>>
      %dma_wait3A_459 = arith.constant 0 : i32
      %dma_wait3A_460 = tpu.memref_slice %arg8[%add3A_453, %dma_wait3A_459] : memref<40x64xi32, #tpu.memory_space<vmem>> -> memref<1x64xi32, #tpu.memory_space<vmem>>
      %dma_wait3A_461 = tpu.memref_squeeze %dma_wait3A_460 : memref<1x64xi32, #tpu.memory_space<vmem>> -> memref<64xi32, #tpu.memory_space<vmem>>
      %dma_wait3A_462 = arith.constant 0 : i32
      %dma_wait3A_463 = arith.constant 0 : i32
      %dma_wait3A_464 = tpu.memref_slice %arg18[%dma_wait3A_462, %dma_wait3A_463] : memref<10240x128xf32, #tpu.memory_space<vmem_shared>> -> memref<10240x128xf32, #tpu.memory_space<vmem_shared>>
      tpu.wait_indirect_dma semaphore(%arg17 : memref<!tpu.dma_semaphore, #tpu.memory_space<semaphore_mem>>) src(%dma_wait3A_458 : memref<64x128xf32, #tpu.memory_space<vmem>>) dst(%dma_wait3A_464 : memref<10240x128xf32, #tpu.memory_space<vmem_shared>>)
    }
    %scan3A_146 = arith.constant 10 : i32
    %barrier3A_147 = arith.constant 0 : index
    tpu.barrier barrier_id(%barrier3A_147)
    "tpu.region"() ({
      %run_scoped3A_345 = tpu.sem_alloc : memref<!tpu.dma_semaphore, #tpu.memory_space<semaphore_mem>>
      %dma_start3A_346 = arith.constant 0 : i32
      %dma_start3A_347 = tpu.memref_slice %arg6[%add3A_88, %mul3A_0, %dma_start3A_346] : memref<8x10240x128xf32, #tpu.memory_space<hbm>> -> memref<1x640x128xf32, #tpu.memory_space<hbm>>
      %dma_start3A_348 = tpu.memref_squeeze %dma_start3A_347 : memref<1x640x128xf32, #tpu.memory_space<hbm>> -> memref<640x128xf32, #tpu.memory_space<hbm>>
      %dma_start3A_349 = arith.constant 0 : i32
      %dma_start3A_350 = tpu.memref_slice %arg18[%mul3A_0, %dma_start3A_349] : memref<10240x128xf32, #tpu.memory_space<vmem_shared>> -> memref<640x128xf32, #tpu.memory_space<vmem_shared>>
      tpu.enqueue_dma source(%dma_start3A_350 : memref<640x128xf32, #tpu.memory_space<vmem_shared>>) target(%dma_start3A_348 : memref<640x128xf32, #tpu.memory_space<hbm>>) target_semaphore(%run_scoped3A_345 : memref<!tpu.dma_semaphore, #tpu.memory_space<semaphore_mem>>)
      %dma_wait3A = arith.constant 0 : i32
      %dma_wait3A_351 = tpu.memref_slice %arg6[%add3A_88, %mul3A_0, %dma_wait3A] : memref<8x10240x128xf32, #tpu.memory_space<hbm>> -> memref<1x640x128xf32, #tpu.memory_space<hbm>>
      %dma_wait3A_352 = tpu.memref_squeeze %dma_wait3A_351 : memref<1x640x128xf32, #tpu.memory_space<hbm>> -> memref<640x128xf32, #tpu.memory_space<hbm>>
      %dma_wait3A_353 = arith.constant 0 : i32
      %dma_wait3A_354 = tpu.memref_slice %arg18[%mul3A_0, %dma_wait3A_353] : memref<10240x128xf32, #tpu.memory_space<vmem_shared>> -> memref<640x128xf32, #tpu.memory_space<vmem_shared>>
      tpu.wait_dma2 semaphore(%run_scoped3A_345 : memref<!tpu.dma_semaphore, #tpu.memory_space<semaphore_mem>>) src(%dma_wait3A_354 : memref<640x128xf32, #tpu.memory_space<vmem_shared>>) dst(%dma_wait3A_352 : memref<640x128xf32, #tpu.memory_space<hbm>>)
      tpu.yield
    }) : () -> ()
    %add3A_148 = arith.constant 1 : i32
    %add3A_149 = arith.addi %add3A_88, %add3A_148 : i32
    "tpu.region"() ({
      %run_scoped3A_345 = tpu.sem_alloc : memref<!tpu.dma_semaphore, #tpu.memory_space<semaphore_mem>>
      %dma_start3A_346 = arith.constant 0 : i32
      %dma_start3A_347 = arith.constant 0 : i32
      %dma_start3A_348 = tpu.memref_slice %arg4[%add3A_149, %arg1, %dma_start3A_346, %dma_start3A_347] : memref<8x16x40x64xi32, #tpu.memory_space<hbm>> -> memref<1x1x40x64xi32, #tpu.memory_space<hbm>>
      %dma_start3A_349 = tpu.memref_squeeze %dma_start3A_348 : memref<1x1x40x64xi32, #tpu.memory_space<hbm>> -> memref<40x64xi32, #tpu.memory_space<hbm>>
      %dma_start3A_350 = arith.constant 0 : i32
      %dma_start3A_351 = arith.constant 0 : i32
      %dma_start3A_352 = tpu.memref_slice %arg4[%add3A_149, %arg1, %dma_start3A_350, %dma_start3A_351] : memref<8x16x40x64xi32, #tpu.memory_space<hbm>> -> memref<1x1x40x64xi32, #tpu.memory_space<hbm>>
      %dma_start3A_353 = tpu.memref_squeeze %dma_start3A_352 : memref<1x1x40x64xi32, #tpu.memory_space<hbm>> -> memref<40x64xi32, #tpu.memory_space<hbm>>
      tpu.enqueue_dma source(%dma_start3A_353 : memref<40x64xi32, #tpu.memory_space<hbm>>) target(%arg8 : memref<40x64xi32, #tpu.memory_space<vmem>>) target_semaphore(%run_scoped3A_345 : memref<!tpu.dma_semaphore, #tpu.memory_space<semaphore_mem>>)
      %dma_wait3A = arith.constant 0 : i32
      %dma_wait3A_354 = arith.constant 0 : i32
      %dma_wait3A_355 = tpu.memref_slice %arg4[%add3A_149, %arg1, %dma_wait3A, %dma_wait3A_354] : memref<8x16x40x64xi32, #tpu.memory_space<hbm>> -> memref<1x1x40x64xi32, #tpu.memory_space<hbm>>
      %dma_wait3A_356 = tpu.memref_squeeze %dma_wait3A_355 : memref<1x1x40x64xi32, #tpu.memory_space<hbm>> -> memref<40x64xi32, #tpu.memory_space<hbm>>
      %dma_wait3A_357 = arith.constant 0 : i32
      %dma_wait3A_358 = arith.constant 0 : i32
      %dma_wait3A_359 = tpu.memref_slice %arg4[%add3A_149, %arg1, %dma_wait3A_357, %dma_wait3A_358] : memref<8x16x40x64xi32, #tpu.memory_space<hbm>> -> memref<1x1x40x64xi32, #tpu.memory_space<hbm>>
      %dma_wait3A_360 = tpu.memref_squeeze %dma_wait3A_359 : memref<1x1x40x64xi32, #tpu.memory_space<hbm>> -> memref<40x64xi32, #tpu.memory_space<hbm>>
      tpu.wait_dma2 semaphore(%run_scoped3A_345 : memref<!tpu.dma_semaphore, #tpu.memory_space<semaphore_mem>>) src(%dma_wait3A_360 : memref<40x64xi32, #tpu.memory_space<hbm>>) dst(%arg8 : memref<40x64xi32, #tpu.memory_space<vmem>>)
      tpu.yield
    }) : () -> ()
    %dma_start3A_150 = arith.constant 0 : i32
    %dma_start3A_151 = arith.constant 0 : i32
    %dma_start3A_152 = arith.constant 0 : i32
    %dma_start3A_153 = arith.constant 0 : i32
    %dma_start3A_154 = tpu.memref_slice %arg9[%dma_start3A_151, %dma_start3A_152, %dma_start3A_153] : memref<4x64x128xf32, #tpu.memory_space<vmem>> -> memref<1x64x128xf32, #tpu.memory_space<vmem>>
    %dma_start3A_155 = tpu.memref_squeeze %dma_start3A_154 : memref<1x64x128xf32, #tpu.memory_space<vmem>> -> memref<64x128xf32, #tpu.memory_space<vmem>>
    %dma_start3A_156 = arith.constant 0 : i32
    %dma_start3A_157 = tpu.memref_slice %arg7[%dma_start3A_150, %dma_start3A_156] : memref<40x64xi32, #tpu.memory_space<vmem>> -> memref<1x64xi32, #tpu.memory_space<vmem>>
    %dma_start3A_158 = tpu.memref_squeeze %dma_start3A_157 : memref<1x64xi32, #tpu.memory_space<vmem>> -> memref<64xi32, #tpu.memory_space<vmem>>
    %dma_start3A_159 = arith.constant 0 : i32
    %dma_start3A_160 = arith.constant 0 : i32
    %dma_start3A_161 = tpu.memref_slice %arg2[%dma_start3A_159, %dma_start3A_160] : memref<10000x128xf32, #tpu.memory_space<hbm>> -> memref<10000x128xf32, #tpu.memory_space<hbm>>
    tpu.enqueue_indirect_dma source(%dma_start3A_161 : memref<10000x128xf32, #tpu.memory_space<hbm>>) target(%dma_start3A_155 : memref<64x128xf32, #tpu.memory_space<vmem>>) offsets(%dma_start3A_158 : memref<64xi32, #tpu.memory_space<vmem>>) semaphore(%arg10 : memref<!tpu.dma_semaphore, #tpu.memory_space<semaphore_mem>>)
    %barrier3A_162 = arith.constant 0 : index
    tpu.barrier barrier_id(%barrier3A_162)
    %mul3A_163 = arith.constant 4 : i32
    %mul3A_164 = arith.muli %arg0, %mul3A_163 : i32
    %add3A_165 = arith.constant 1 : i32
    %add3A_166 = arith.addi %mul3A_164, %add3A_165 : i32
    %scan3A_167 = arith.constant 0 : i32
    %scan3A_168 = arith.constant 0 : i32
    %scan3A_169 = arith.constant 10 : i32
    %scan3A_170 = arith.addi %scan3A_168, %scan3A_169 : i32
    %scan3A_171 = arith.constant 1 : i32
    scf.for %scan3A_345 = %scan3A_168 to %scan3A_170 step %scan3A_171  : i32 {
      %mul3A_346 = arith.constant 4 : i32
      %mul3A_347 = arith.muli %mul3A_346, %scan3A_345 : i32
      %add3A_348 = arith.constant 0 : i32
      %add3A_349 = arith.addi %mul3A_347, %add3A_348 : i32
      %dma_wait3A = arith.constant 0 : i32
      %dma_wait3A_350 = arith.constant 0 : i32
      %dma_wait3A_351 = arith.constant 0 : i32
      %dma_wait3A_352 = tpu.memref_slice %arg9[%dma_wait3A, %dma_wait3A_350, %dma_wait3A_351] : memref<4x64x128xf32, #tpu.memory_space<vmem>> -> memref<1x64x128xf32, #tpu.memory_space<vmem>>
      %dma_wait3A_353 = tpu.memref_squeeze %dma_wait3A_352 : memref<1x64x128xf32, #tpu.memory_space<vmem>> -> memref<64x128xf32, #tpu.memory_space<vmem>>
      %dma_wait3A_354 = arith.constant 0 : i32
      %dma_wait3A_355 = tpu.memref_slice %arg7[%add3A_349, %dma_wait3A_354] : memref<40x64xi32, #tpu.memory_space<vmem>> -> memref<1x64xi32, #tpu.memory_space<vmem>>
      %dma_wait3A_356 = tpu.memref_squeeze %dma_wait3A_355 : memref<1x64xi32, #tpu.memory_space<vmem>> -> memref<64xi32, #tpu.memory_space<vmem>>
      %dma_wait3A_357 = arith.constant 0 : i32
      %dma_wait3A_358 = arith.constant 0 : i32
      %dma_wait3A_359 = tpu.memref_slice %arg2[%dma_wait3A_357, %dma_wait3A_358] : memref<10000x128xf32, #tpu.memory_space<hbm>> -> memref<10000x128xf32, #tpu.memory_space<hbm>>
      tpu.wait_indirect_dma semaphore(%arg10 : memref<!tpu.dma_semaphore, #tpu.memory_space<semaphore_mem>>) src(%dma_wait3A_359 : memref<10000x128xf32, #tpu.memory_space<hbm>>) dst(%dma_wait3A_353 : memref<64x128xf32, #tpu.memory_space<vmem>>)
      %dma_start3A_360 = arith.constant 0 : i32
      %dma_start3A_361 = arith.constant 0 : i32
      %dma_start3A_362 = arith.constant 0 : i32
      %dma_start3A_363 = tpu.memref_slice %arg9[%dma_start3A_360, %dma_start3A_361, %dma_start3A_362] : memref<4x64x128xf32, #tpu.memory_space<vmem>> -> memref<1x64x128xf32, #tpu.memory_space<vmem>>
      %dma_start3A_364 = tpu.memref_squeeze %dma_start3A_363 : memref<1x64x128xf32, #tpu.memory_space<vmem>> -> memref<64x128xf32, #tpu.memory_space<vmem>>
      %dma_start3A_365 = arith.constant 0 : i32
      %dma_start3A_366 = tpu.memref_slice %arg8[%add3A_349, %dma_start3A_365] : memref<40x64xi32, #tpu.memory_space<vmem>> -> memref<1x64xi32, #tpu.memory_space<vmem>>
      %dma_start3A_367 = tpu.memref_squeeze %dma_start3A_366 : memref<1x64xi32, #tpu.memory_space<vmem>> -> memref<64xi32, #tpu.memory_space<vmem>>
      %dma_start3A_368 = arith.constant 0 : i32
      %dma_start3A_369 = arith.constant 0 : i32
      %dma_start3A_370 = tpu.memref_slice %arg18[%dma_start3A_368, %dma_start3A_369] : memref<10240x128xf32, #tpu.memory_space<vmem_shared>> -> memref<10240x128xf32, #tpu.memory_space<vmem_shared>>
      tpu.enqueue_indirect_dma source(%dma_start3A_364 : memref<64x128xf32, #tpu.memory_space<vmem>>) target(%dma_start3A_370 : memref<10240x128xf32, #tpu.memory_space<vmem_shared>>) offsets(%dma_start3A_367 : memref<64xi32, #tpu.memory_space<vmem>>) semaphore(%arg14 : memref<!tpu.dma_semaphore, #tpu.memory_space<semaphore_mem>>) {add = true}
      %mul3A_371 = arith.constant 4 : i32
      %mul3A_372 = arith.muli %mul3A_371, %scan3A_345 : i32
      %add3A_373 = arith.constant 1 : i32
      %add3A_374 = arith.addi %mul3A_372, %add3A_373 : i32
      %dma_wait3A_375 = arith.constant 1 : i32
      %dma_wait3A_376 = arith.constant 0 : i32
      %dma_wait3A_377 = arith.constant 0 : i32
      %dma_wait3A_378 = tpu.memref_slice %arg9[%dma_wait3A_375, %dma_wait3A_376, %dma_wait3A_377] : memref<4x64x128xf32, #tpu.memory_space<vmem>> -> memref<1x64x128xf32, #tpu.memory_space<vmem>>
      %dma_wait3A_379 = tpu.memref_squeeze %dma_wait3A_378 : memref<1x64x128xf32, #tpu.memory_space<vmem>> -> memref<64x128xf32, #tpu.memory_space<vmem>>
      %dma_wait3A_380 = arith.constant 0 : i32
      %dma_wait3A_381 = tpu.memref_slice %arg7[%add3A_374, %dma_wait3A_380] : memref<40x64xi32, #tpu.memory_space<vmem>> -> memref<1x64xi32, #tpu.memory_space<vmem>>
      %dma_wait3A_382 = tpu.memref_squeeze %dma_wait3A_381 : memref<1x64xi32, #tpu.memory_space<vmem>> -> memref<64xi32, #tpu.memory_space<vmem>>
      %dma_wait3A_383 = arith.constant 0 : i32
      %dma_wait3A_384 = arith.constant 0 : i32
      %dma_wait3A_385 = tpu.memref_slice %arg2[%dma_wait3A_383, %dma_wait3A_384] : memref<10000x128xf32, #tpu.memory_space<hbm>> -> memref<10000x128xf32, #tpu.memory_space<hbm>>
      tpu.wait_indirect_dma semaphore(%arg11 : memref<!tpu.dma_semaphore, #tpu.memory_space<semaphore_mem>>) src(%dma_wait3A_385 : memref<10000x128xf32, #tpu.memory_space<hbm>>) dst(%dma_wait3A_379 : memref<64x128xf32, #tpu.memory_space<vmem>>)
      %dma_start3A_386 = arith.constant 1 : i32
      %dma_start3A_387 = arith.constant 0 : i32
      %dma_start3A_388 = arith.constant 0 : i32
      %dma_start3A_389 = tpu.memref_slice %arg9[%dma_start3A_386, %dma_start3A_387, %dma_start3A_388] : memref<4x64x128xf32, #tpu.memory_space<vmem>> -> memref<1x64x128xf32, #tpu.memory_space<vmem>>
      %dma_start3A_390 = tpu.memref_squeeze %dma_start3A_389 : memref<1x64x128xf32, #tpu.memory_space<vmem>> -> memref<64x128xf32, #tpu.memory_space<vmem>>
      %dma_start3A_391 = arith.constant 0 : i32
      %dma_start3A_392 = tpu.memref_slice %arg8[%add3A_374, %dma_start3A_391] : memref<40x64xi32, #tpu.memory_space<vmem>> -> memref<1x64xi32, #tpu.memory_space<vmem>>
      %dma_start3A_393 = tpu.memref_squeeze %dma_start3A_392 : memref<1x64xi32, #tpu.memory_space<vmem>> -> memref<64xi32, #tpu.memory_space<vmem>>
      %dma_start3A_394 = arith.constant 0 : i32
      %dma_start3A_395 = arith.constant 0 : i32
      %dma_start3A_396 = tpu.memref_slice %arg18[%dma_start3A_394, %dma_start3A_395] : memref<10240x128xf32, #tpu.memory_space<vmem_shared>> -> memref<10240x128xf32, #tpu.memory_space<vmem_shared>>
      tpu.enqueue_indirect_dma source(%dma_start3A_390 : memref<64x128xf32, #tpu.memory_space<vmem>>) target(%dma_start3A_396 : memref<10240x128xf32, #tpu.memory_space<vmem_shared>>) offsets(%dma_start3A_393 : memref<64xi32, #tpu.memory_space<vmem>>) semaphore(%arg15 : memref<!tpu.dma_semaphore, #tpu.memory_space<semaphore_mem>>) {add = true}
      %mul3A_397 = arith.constant 4 : i32
      %mul3A_398 = arith.muli %mul3A_397, %scan3A_345 : i32
      %add3A_399 = arith.constant 2 : i32
      %add3A_400 = arith.addi %mul3A_398, %add3A_399 : i32
      %dma_wait3A_401 = arith.constant 2 : i32
      %dma_wait3A_402 = arith.constant 0 : i32
      %dma_wait3A_403 = arith.constant 0 : i32
      %dma_wait3A_404 = tpu.memref_slice %arg9[%dma_wait3A_401, %dma_wait3A_402, %dma_wait3A_403] : memref<4x64x128xf32, #tpu.memory_space<vmem>> -> memref<1x64x128xf32, #tpu.memory_space<vmem>>
      %dma_wait3A_405 = tpu.memref_squeeze %dma_wait3A_404 : memref<1x64x128xf32, #tpu.memory_space<vmem>> -> memref<64x128xf32, #tpu.memory_space<vmem>>
      %dma_wait3A_406 = arith.constant 0 : i32
      %dma_wait3A_407 = tpu.memref_slice %arg7[%add3A_400, %dma_wait3A_406] : memref<40x64xi32, #tpu.memory_space<vmem>> -> memref<1x64xi32, #tpu.memory_space<vmem>>
      %dma_wait3A_408 = tpu.memref_squeeze %dma_wait3A_407 : memref<1x64xi32, #tpu.memory_space<vmem>> -> memref<64xi32, #tpu.memory_space<vmem>>
      %dma_wait3A_409 = arith.constant 0 : i32
      %dma_wait3A_410 = arith.constant 0 : i32
      %dma_wait3A_411 = tpu.memref_slice %arg2[%dma_wait3A_409, %dma_wait3A_410] : memref<10000x128xf32, #tpu.memory_space<hbm>> -> memref<10000x128xf32, #tpu.memory_space<hbm>>
      tpu.wait_indirect_dma semaphore(%arg12 : memref<!tpu.dma_semaphore, #tpu.memory_space<semaphore_mem>>) src(%dma_wait3A_411 : memref<10000x128xf32, #tpu.memory_space<hbm>>) dst(%dma_wait3A_405 : memref<64x128xf32, #tpu.memory_space<vmem>>)
      %dma_start3A_412 = arith.constant 2 : i32
      %dma_start3A_413 = arith.constant 0 : i32
      %dma_start3A_414 = arith.constant 0 : i32
      %dma_start3A_415 = tpu.memref_slice %arg9[%dma_start3A_412, %dma_start3A_413, %dma_start3A_414] : memref<4x64x128xf32, #tpu.memory_space<vmem>> -> memref<1x64x128xf32, #tpu.memory_space<vmem>>
      %dma_start3A_416 = tpu.memref_squeeze %dma_start3A_415 : memref<1x64x128xf32, #tpu.memory_space<vmem>> -> memref<64x128xf32, #tpu.memory_space<vmem>>
      %dma_start3A_417 = arith.constant 0 : i32
      %dma_start3A_418 = tpu.memref_slice %arg8[%add3A_400, %dma_start3A_417] : memref<40x64xi32, #tpu.memory_space<vmem>> -> memref<1x64xi32, #tpu.memory_space<vmem>>
      %dma_start3A_419 = tpu.memref_squeeze %dma_start3A_418 : memref<1x64xi32, #tpu.memory_space<vmem>> -> memref<64xi32, #tpu.memory_space<vmem>>
      %dma_start3A_420 = arith.constant 0 : i32
      %dma_start3A_421 = arith.constant 0 : i32
      %dma_start3A_422 = tpu.memref_slice %arg18[%dma_start3A_420, %dma_start3A_421] : memref<10240x128xf32, #tpu.memory_space<vmem_shared>> -> memref<10240x128xf32, #tpu.memory_space<vmem_shared>>
      tpu.enqueue_indirect_dma source(%dma_start3A_416 : memref<64x128xf32, #tpu.memory_space<vmem>>) target(%dma_start3A_422 : memref<10240x128xf32, #tpu.memory_space<vmem_shared>>) offsets(%dma_start3A_419 : memref<64xi32, #tpu.memory_space<vmem>>) semaphore(%arg16 : memref<!tpu.dma_semaphore, #tpu.memory_space<semaphore_mem>>) {add = true}
      %mul3A_423 = arith.constant 4 : i32
      %mul3A_424 = arith.muli %mul3A_423, %scan3A_345 : i32
      %add3A_425 = arith.constant 3 : i32
      %add3A_426 = arith.addi %mul3A_424, %add3A_425 : i32
      %dma_wait3A_427 = arith.constant 3 : i32
      %dma_wait3A_428 = arith.constant 0 : i32
      %dma_wait3A_429 = arith.constant 0 : i32
      %dma_wait3A_430 = tpu.memref_slice %arg9[%dma_wait3A_427, %dma_wait3A_428, %dma_wait3A_429] : memref<4x64x128xf32, #tpu.memory_space<vmem>> -> memref<1x64x128xf32, #tpu.memory_space<vmem>>
      %dma_wait3A_431 = tpu.memref_squeeze %dma_wait3A_430 : memref<1x64x128xf32, #tpu.memory_space<vmem>> -> memref<64x128xf32, #tpu.memory_space<vmem>>
      %dma_wait3A_432 = arith.constant 0 : i32
      %dma_wait3A_433 = tpu.memref_slice %arg7[%add3A_426, %dma_wait3A_432] : memref<40x64xi32, #tpu.memory_space<vmem>> -> memref<1x64xi32, #tpu.memory_space<vmem>>
      %dma_wait3A_434 = tpu.memref_squeeze %dma_wait3A_433 : memref<1x64xi32, #tpu.memory_space<vmem>> -> memref<64xi32, #tpu.memory_space<vmem>>
      %dma_wait3A_435 = arith.constant 0 : i32
      %dma_wait3A_436 = arith.constant 0 : i32
      %dma_wait3A_437 = tpu.memref_slice %arg2[%dma_wait3A_435, %dma_wait3A_436] : memref<10000x128xf32, #tpu.memory_space<hbm>> -> memref<10000x128xf32, #tpu.memory_space<hbm>>
      tpu.wait_indirect_dma semaphore(%arg13 : memref<!tpu.dma_semaphore, #tpu.memory_space<semaphore_mem>>) src(%dma_wait3A_437 : memref<10000x128xf32, #tpu.memory_space<hbm>>) dst(%dma_wait3A_431 : memref<64x128xf32, #tpu.memory_space<vmem>>)
      %dma_start3A_438 = arith.constant 3 : i32
      %dma_start3A_439 = arith.constant 0 : i32
      %dma_start3A_440 = arith.constant 0 : i32
      %dma_start3A_441 = tpu.memref_slice %arg9[%dma_start3A_438, %dma_start3A_439, %dma_start3A_440] : memref<4x64x128xf32, #tpu.memory_space<vmem>> -> memref<1x64x128xf32, #tpu.memory_space<vmem>>
      %dma_start3A_442 = tpu.memref_squeeze %dma_start3A_441 : memref<1x64x128xf32, #tpu.memory_space<vmem>> -> memref<64x128xf32, #tpu.memory_space<vmem>>
      %dma_start3A_443 = arith.constant 0 : i32
      %dma_start3A_444 = tpu.memref_slice %arg8[%add3A_426, %dma_start3A_443] : memref<40x64xi32, #tpu.memory_space<vmem>> -> memref<1x64xi32, #tpu.memory_space<vmem>>
      %dma_start3A_445 = tpu.memref_squeeze %dma_start3A_444 : memref<1x64xi32, #tpu.memory_space<vmem>> -> memref<64xi32, #tpu.memory_space<vmem>>
      %dma_start3A_446 = arith.constant 0 : i32
      %dma_start3A_447 = arith.constant 0 : i32
      %dma_start3A_448 = tpu.memref_slice %arg18[%dma_start3A_446, %dma_start3A_447] : memref<10240x128xf32, #tpu.memory_space<vmem_shared>> -> memref<10240x128xf32, #tpu.memory_space<vmem_shared>>
      tpu.enqueue_indirect_dma source(%dma_start3A_442 : memref<64x128xf32, #tpu.memory_space<vmem>>) target(%dma_start3A_448 : memref<10240x128xf32, #tpu.memory_space<vmem_shared>>) offsets(%dma_start3A_445 : memref<64xi32, #tpu.memory_space<vmem>>) semaphore(%arg17 : memref<!tpu.dma_semaphore, #tpu.memory_space<semaphore_mem>>) {add = true}
      %mul3A_449 = arith.constant 4 : i32
      %mul3A_450 = arith.muli %mul3A_449, %scan3A_345 : i32
      %add3A_451 = arith.constant 0 : i32
      %add3A_452 = arith.addi %mul3A_450, %add3A_451 : i32
      %dma_wait3A_453 = arith.constant 0 : i32
      %dma_wait3A_454 = arith.constant 0 : i32
      %dma_wait3A_455 = arith.constant 0 : i32
      %dma_wait3A_456 = tpu.memref_slice %arg9[%dma_wait3A_453, %dma_wait3A_454, %dma_wait3A_455] : memref<4x64x128xf32, #tpu.memory_space<vmem>> -> memref<1x64x128xf32, #tpu.memory_space<vmem>>
      %dma_wait3A_457 = tpu.memref_squeeze %dma_wait3A_456 : memref<1x64x128xf32, #tpu.memory_space<vmem>> -> memref<64x128xf32, #tpu.memory_space<vmem>>
      %dma_wait3A_458 = arith.constant 0 : i32
      %dma_wait3A_459 = tpu.memref_slice %arg8[%add3A_452, %dma_wait3A_458] : memref<40x64xi32, #tpu.memory_space<vmem>> -> memref<1x64xi32, #tpu.memory_space<vmem>>
      %dma_wait3A_460 = tpu.memref_squeeze %dma_wait3A_459 : memref<1x64xi32, #tpu.memory_space<vmem>> -> memref<64xi32, #tpu.memory_space<vmem>>
      %dma_wait3A_461 = arith.constant 0 : i32
      %dma_wait3A_462 = arith.constant 0 : i32
      %dma_wait3A_463 = tpu.memref_slice %arg18[%dma_wait3A_461, %dma_wait3A_462] : memref<10240x128xf32, #tpu.memory_space<vmem_shared>> -> memref<10240x128xf32, #tpu.memory_space<vmem_shared>>
      tpu.wait_indirect_dma semaphore(%arg14 : memref<!tpu.dma_semaphore, #tpu.memory_space<semaphore_mem>>) src(%dma_wait3A_457 : memref<64x128xf32, #tpu.memory_space<vmem>>) dst(%dma_wait3A_463 : memref<10240x128xf32, #tpu.memory_space<vmem_shared>>)
      %lt3A = arith.constant 9 : i32
      %lt3A_464 = arith.cmpi slt, %scan3A_345, %lt3A : i32
      %convert_element_type3A = arith.extui %lt3A_464 : i1 to i32
      %cond3A = arith.constant 0 : i32
      %cond3A_465 = arith.cmpi ne, %convert_element_type3A, %cond3A : i32
      scf.if %cond3A_465 {
        %add3A_526 = arith.constant 4 : i32
        %add3A_527 = arith.addi %add3A_452, %add3A_526 : i32
        %dma_start3A_528 = arith.constant 0 : i32
        %dma_start3A_529 = arith.constant 0 : i32
        %dma_start3A_530 = arith.constant 0 : i32
        %dma_start3A_531 = tpu.memref_slice %arg9[%dma_start3A_528, %dma_start3A_529, %dma_start3A_530] : memref<4x64x128xf32, #tpu.memory_space<vmem>> -> memref<1x64x128xf32, #tpu.memory_space<vmem>>
        %dma_start3A_532 = tpu.memref_squeeze %dma_start3A_531 : memref<1x64x128xf32, #tpu.memory_space<vmem>> -> memref<64x128xf32, #tpu.memory_space<vmem>>
        %dma_start3A_533 = arith.constant 0 : i32
        %dma_start3A_534 = tpu.memref_slice %arg7[%add3A_527, %dma_start3A_533] : memref<40x64xi32, #tpu.memory_space<vmem>> -> memref<1x64xi32, #tpu.memory_space<vmem>>
        %dma_start3A_535 = tpu.memref_squeeze %dma_start3A_534 : memref<1x64xi32, #tpu.memory_space<vmem>> -> memref<64xi32, #tpu.memory_space<vmem>>
        %dma_start3A_536 = arith.constant 0 : i32
        %dma_start3A_537 = arith.constant 0 : i32
        %dma_start3A_538 = tpu.memref_slice %arg2[%dma_start3A_536, %dma_start3A_537] : memref<10000x128xf32, #tpu.memory_space<hbm>> -> memref<10000x128xf32, #tpu.memory_space<hbm>>
        tpu.enqueue_indirect_dma source(%dma_start3A_538 : memref<10000x128xf32, #tpu.memory_space<hbm>>) target(%dma_start3A_532 : memref<64x128xf32, #tpu.memory_space<vmem>>) offsets(%dma_start3A_535 : memref<64xi32, #tpu.memory_space<vmem>>) semaphore(%arg10 : memref<!tpu.dma_semaphore, #tpu.memory_space<semaphore_mem>>)
      } else {
      }
      %mul3A_466 = arith.constant 4 : i32
      %mul3A_467 = arith.muli %mul3A_466, %scan3A_345 : i32
      %add3A_468 = arith.constant 1 : i32
      %add3A_469 = arith.addi %mul3A_467, %add3A_468 : i32
      %dma_wait3A_470 = arith.constant 1 : i32
      %dma_wait3A_471 = arith.constant 0 : i32
      %dma_wait3A_472 = arith.constant 0 : i32
      %dma_wait3A_473 = tpu.memref_slice %arg9[%dma_wait3A_470, %dma_wait3A_471, %dma_wait3A_472] : memref<4x64x128xf32, #tpu.memory_space<vmem>> -> memref<1x64x128xf32, #tpu.memory_space<vmem>>
      %dma_wait3A_474 = tpu.memref_squeeze %dma_wait3A_473 : memref<1x64x128xf32, #tpu.memory_space<vmem>> -> memref<64x128xf32, #tpu.memory_space<vmem>>
      %dma_wait3A_475 = arith.constant 0 : i32
      %dma_wait3A_476 = tpu.memref_slice %arg8[%add3A_469, %dma_wait3A_475] : memref<40x64xi32, #tpu.memory_space<vmem>> -> memref<1x64xi32, #tpu.memory_space<vmem>>
      %dma_wait3A_477 = tpu.memref_squeeze %dma_wait3A_476 : memref<1x64xi32, #tpu.memory_space<vmem>> -> memref<64xi32, #tpu.memory_space<vmem>>
      %dma_wait3A_478 = arith.constant 0 : i32
      %dma_wait3A_479 = arith.constant 0 : i32
      %dma_wait3A_480 = tpu.memref_slice %arg18[%dma_wait3A_478, %dma_wait3A_479] : memref<10240x128xf32, #tpu.memory_space<vmem_shared>> -> memref<10240x128xf32, #tpu.memory_space<vmem_shared>>
      tpu.wait_indirect_dma semaphore(%arg15 : memref<!tpu.dma_semaphore, #tpu.memory_space<semaphore_mem>>) src(%dma_wait3A_474 : memref<64x128xf32, #tpu.memory_space<vmem>>) dst(%dma_wait3A_480 : memref<10240x128xf32, #tpu.memory_space<vmem_shared>>)
      %lt3A_481 = arith.constant 9 : i32
      %lt3A_482 = arith.cmpi slt, %scan3A_345, %lt3A_481 : i32
      %convert_element_type3A_483 = arith.extui %lt3A_482 : i1 to i32
      %cond3A_484 = arith.constant 0 : i32
      %cond3A_485 = arith.cmpi ne, %convert_element_type3A_483, %cond3A_484 : i32
      scf.if %cond3A_485 {
        %add3A_526 = arith.constant 4 : i32
        %add3A_527 = arith.addi %add3A_469, %add3A_526 : i32
        %dma_start3A_528 = arith.constant 1 : i32
        %dma_start3A_529 = arith.constant 0 : i32
        %dma_start3A_530 = arith.constant 0 : i32
        %dma_start3A_531 = tpu.memref_slice %arg9[%dma_start3A_528, %dma_start3A_529, %dma_start3A_530] : memref<4x64x128xf32, #tpu.memory_space<vmem>> -> memref<1x64x128xf32, #tpu.memory_space<vmem>>
        %dma_start3A_532 = tpu.memref_squeeze %dma_start3A_531 : memref<1x64x128xf32, #tpu.memory_space<vmem>> -> memref<64x128xf32, #tpu.memory_space<vmem>>
        %dma_start3A_533 = arith.constant 0 : i32
        %dma_start3A_534 = tpu.memref_slice %arg7[%add3A_527, %dma_start3A_533] : memref<40x64xi32, #tpu.memory_space<vmem>> -> memref<1x64xi32, #tpu.memory_space<vmem>>
        %dma_start3A_535 = tpu.memref_squeeze %dma_start3A_534 : memref<1x64xi32, #tpu.memory_space<vmem>> -> memref<64xi32, #tpu.memory_space<vmem>>
        %dma_start3A_536 = arith.constant 0 : i32
        %dma_start3A_537 = arith.constant 0 : i32
        %dma_start3A_538 = tpu.memref_slice %arg2[%dma_start3A_536, %dma_start3A_537] : memref<10000x128xf32, #tpu.memory_space<hbm>> -> memref<10000x128xf32, #tpu.memory_space<hbm>>
        tpu.enqueue_indirect_dma source(%dma_start3A_538 : memref<10000x128xf32, #tpu.memory_space<hbm>>) target(%dma_start3A_532 : memref<64x128xf32, #tpu.memory_space<vmem>>) offsets(%dma_start3A_535 : memref<64xi32, #tpu.memory_space<vmem>>) semaphore(%arg11 : memref<!tpu.dma_semaphore, #tpu.memory_space<semaphore_mem>>)
      } else {
      }
      %mul3A_486 = arith.constant 4 : i32
      %mul3A_487 = arith.muli %mul3A_486, %scan3A_345 : i32
      %add3A_488 = arith.constant 2 : i32
      %add3A_489 = arith.addi %mul3A_487, %add3A_488 : i32
      %dma_wait3A_490 = arith.constant 2 : i32
      %dma_wait3A_491 = arith.constant 0 : i32
      %dma_wait3A_492 = arith.constant 0 : i32
      %dma_wait3A_493 = tpu.memref_slice %arg9[%dma_wait3A_490, %dma_wait3A_491, %dma_wait3A_492] : memref<4x64x128xf32, #tpu.memory_space<vmem>> -> memref<1x64x128xf32, #tpu.memory_space<vmem>>
      %dma_wait3A_494 = tpu.memref_squeeze %dma_wait3A_493 : memref<1x64x128xf32, #tpu.memory_space<vmem>> -> memref<64x128xf32, #tpu.memory_space<vmem>>
      %dma_wait3A_495 = arith.constant 0 : i32
      %dma_wait3A_496 = tpu.memref_slice %arg8[%add3A_489, %dma_wait3A_495] : memref<40x64xi32, #tpu.memory_space<vmem>> -> memref<1x64xi32, #tpu.memory_space<vmem>>
      %dma_wait3A_497 = tpu.memref_squeeze %dma_wait3A_496 : memref<1x64xi32, #tpu.memory_space<vmem>> -> memref<64xi32, #tpu.memory_space<vmem>>
      %dma_wait3A_498 = arith.constant 0 : i32
      %dma_wait3A_499 = arith.constant 0 : i32
      %dma_wait3A_500 = tpu.memref_slice %arg18[%dma_wait3A_498, %dma_wait3A_499] : memref<10240x128xf32, #tpu.memory_space<vmem_shared>> -> memref<10240x128xf32, #tpu.memory_space<vmem_shared>>
      tpu.wait_indirect_dma semaphore(%arg16 : memref<!tpu.dma_semaphore, #tpu.memory_space<semaphore_mem>>) src(%dma_wait3A_494 : memref<64x128xf32, #tpu.memory_space<vmem>>) dst(%dma_wait3A_500 : memref<10240x128xf32, #tpu.memory_space<vmem_shared>>)
      %lt3A_501 = arith.constant 9 : i32
      %lt3A_502 = arith.cmpi slt, %scan3A_345, %lt3A_501 : i32
      %convert_element_type3A_503 = arith.extui %lt3A_502 : i1 to i32
      %cond3A_504 = arith.constant 0 : i32
      %cond3A_505 = arith.cmpi ne, %convert_element_type3A_503, %cond3A_504 : i32
      scf.if %cond3A_505 {
        %add3A_526 = arith.constant 4 : i32
        %add3A_527 = arith.addi %add3A_489, %add3A_526 : i32
        %dma_start3A_528 = arith.constant 2 : i32
        %dma_start3A_529 = arith.constant 0 : i32
        %dma_start3A_530 = arith.constant 0 : i32
        %dma_start3A_531 = tpu.memref_slice %arg9[%dma_start3A_528, %dma_start3A_529, %dma_start3A_530] : memref<4x64x128xf32, #tpu.memory_space<vmem>> -> memref<1x64x128xf32, #tpu.memory_space<vmem>>
        %dma_start3A_532 = tpu.memref_squeeze %dma_start3A_531 : memref<1x64x128xf32, #tpu.memory_space<vmem>> -> memref<64x128xf32, #tpu.memory_space<vmem>>
        %dma_start3A_533 = arith.constant 0 : i32
        %dma_start3A_534 = tpu.memref_slice %arg7[%add3A_527, %dma_start3A_533] : memref<40x64xi32, #tpu.memory_space<vmem>> -> memref<1x64xi32, #tpu.memory_space<vmem>>
        %dma_start3A_535 = tpu.memref_squeeze %dma_start3A_534 : memref<1x64xi32, #tpu.memory_space<vmem>> -> memref<64xi32, #tpu.memory_space<vmem>>
        %dma_start3A_536 = arith.constant 0 : i32
        %dma_start3A_537 = arith.constant 0 : i32
        %dma_start3A_538 = tpu.memref_slice %arg2[%dma_start3A_536, %dma_start3A_537] : memref<10000x128xf32, #tpu.memory_space<hbm>> -> memref<10000x128xf32, #tpu.memory_space<hbm>>
        tpu.enqueue_indirect_dma source(%dma_start3A_538 : memref<10000x128xf32, #tpu.memory_space<hbm>>) target(%dma_start3A_532 : memref<64x128xf32, #tpu.memory_space<vmem>>) offsets(%dma_start3A_535 : memref<64xi32, #tpu.memory_space<vmem>>) semaphore(%arg12 : memref<!tpu.dma_semaphore, #tpu.memory_space<semaphore_mem>>)
      } else {
      }
      %mul3A_506 = arith.constant 4 : i32
      %mul3A_507 = arith.muli %mul3A_506, %scan3A_345 : i32
      %add3A_508 = arith.constant 3 : i32
      %add3A_509 = arith.addi %mul3A_507, %add3A_508 : i32
      %dma_wait3A_510 = arith.constant 3 : i32
      %dma_wait3A_511 = arith.constant 0 : i32
      %dma_wait3A_512 = arith.constant 0 : i32
      %dma_wait3A_513 = tpu.memref_slice %arg9[%dma_wait3A_510, %dma_wait3A_511, %dma_wait3A_512] : memref<4x64x128xf32, #tpu.memory_space<vmem>> -> memref<1x64x128xf32, #tpu.memory_space<vmem>>
      %dma_wait3A_514 = tpu.memref_squeeze %dma_wait3A_513 : memref<1x64x128xf32, #tpu.memory_space<vmem>> -> memref<64x128xf32, #tpu.memory_space<vmem>>
      %dma_wait3A_515 = arith.constant 0 : i32
      %dma_wait3A_516 = tpu.memref_slice %arg8[%add3A_509, %dma_wait3A_515] : memref<40x64xi32, #tpu.memory_space<vmem>> -> memref<1x64xi32, #tpu.memory_space<vmem>>
      %dma_wait3A_517 = tpu.memref_squeeze %dma_wait3A_516 : memref<1x64xi32, #tpu.memory_space<vmem>> -> memref<64xi32, #tpu.memory_space<vmem>>
      %dma_wait3A_518 = arith.constant 0 : i32
      %dma_wait3A_519 = arith.constant 0 : i32
      %dma_wait3A_520 = tpu.memref_slice %arg18[%dma_wait3A_518, %dma_wait3A_519] : memref<10240x128xf32, #tpu.memory_space<vmem_shared>> -> memref<10240x128xf32, #tpu.memory_space<vmem_shared>>
      tpu.wait_indirect_dma semaphore(%arg17 : memref<!tpu.dma_semaphore, #tpu.memory_space<semaphore_mem>>) src(%dma_wait3A_514 : memref<64x128xf32, #tpu.memory_space<vmem>>) dst(%dma_wait3A_520 : memref<10240x128xf32, #tpu.memory_space<vmem_shared>>)
      %lt3A_521 = arith.constant 9 : i32
      %lt3A_522 = arith.cmpi slt, %scan3A_345, %lt3A_521 : i32
      %convert_element_type3A_523 = arith.extui %lt3A_522 : i1 to i32
      %cond3A_524 = arith.constant 0 : i32
      %cond3A_525 = arith.cmpi ne, %convert_element_type3A_523, %cond3A_524 : i32
      scf.if %cond3A_525 {
        %add3A_526 = arith.constant 4 : i32
        %add3A_527 = arith.addi %add3A_509, %add3A_526 : i32
        %dma_start3A_528 = arith.constant 3 : i32
        %dma_start3A_529 = arith.constant 0 : i32
        %dma_start3A_530 = arith.constant 0 : i32
        %dma_start3A_531 = tpu.memref_slice %arg9[%dma_start3A_528, %dma_start3A_529, %dma_start3A_530] : memref<4x64x128xf32, #tpu.memory_space<vmem>> -> memref<1x64x128xf32, #tpu.memory_space<vmem>>
        %dma_start3A_532 = tpu.memref_squeeze %dma_start3A_531 : memref<1x64x128xf32, #tpu.memory_space<vmem>> -> memref<64x128xf32, #tpu.memory_space<vmem>>
        %dma_start3A_533 = arith.constant 0 : i32
        %dma_start3A_534 = tpu.memref_slice %arg7[%add3A_527, %dma_start3A_533] : memref<40x64xi32, #tpu.memory_space<vmem>> -> memref<1x64xi32, #tpu.memory_space<vmem>>
        %dma_start3A_535 = tpu.memref_squeeze %dma_start3A_534 : memref<1x64xi32, #tpu.memory_space<vmem>> -> memref<64xi32, #tpu.memory_space<vmem>>
        %dma_start3A_536 = arith.constant 0 : i32
        %dma_start3A_537 = arith.constant 0 : i32
        %dma_start3A_538 = tpu.memref_slice %arg2[%dma_start3A_536, %dma_start3A_537] : memref<10000x128xf32, #tpu.memory_space<hbm>> -> memref<10000x128xf32, #tpu.memory_space<hbm>>
        tpu.enqueue_indirect_dma source(%dma_start3A_538 : memref<10000x128xf32, #tpu.memory_space<hbm>>) target(%dma_start3A_532 : memref<64x128xf32, #tpu.memory_space<vmem>>) offsets(%dma_start3A_535 : memref<64xi32, #tpu.memory_space<vmem>>) semaphore(%arg13 : memref<!tpu.dma_semaphore, #tpu.memory_space<semaphore_mem>>)
      } else {
      }
    }
    %scan3A_172 = arith.constant 10 : i32
    %add3A_173 = arith.constant 1 : i32
    %add3A_174 = arith.addi %add3A_166, %add3A_173 : i32
    "tpu.region"() ({
      %run_scoped3A_345 = tpu.sem_alloc : memref<!tpu.dma_semaphore, #tpu.memory_space<semaphore_mem>>
      %dma_start3A_346 = arith.constant 0 : i32
      %dma_start3A_347 = arith.constant 0 : i32
      %dma_start3A_348 = tpu.memref_slice %arg3[%add3A_174, %arg1, %dma_start3A_346, %dma_start3A_347] : memref<8x16x40x64xi32, #tpu.memory_space<hbm>> -> memref<1x1x40x64xi32, #tpu.memory_space<hbm>>
      %dma_start3A_349 = tpu.memref_squeeze %dma_start3A_348 : memref<1x1x40x64xi32, #tpu.memory_space<hbm>> -> memref<40x64xi32, #tpu.memory_space<hbm>>
      %dma_start3A_350 = arith.constant 0 : i32
      %dma_start3A_351 = arith.constant 0 : i32
      %dma_start3A_352 = tpu.memref_slice %arg3[%add3A_174, %arg1, %dma_start3A_350, %dma_start3A_351] : memref<8x16x40x64xi32, #tpu.memory_space<hbm>> -> memref<1x1x40x64xi32, #tpu.memory_space<hbm>>
      %dma_start3A_353 = tpu.memref_squeeze %dma_start3A_352 : memref<1x1x40x64xi32, #tpu.memory_space<hbm>> -> memref<40x64xi32, #tpu.memory_space<hbm>>
      tpu.enqueue_dma source(%dma_start3A_353 : memref<40x64xi32, #tpu.memory_space<hbm>>) target(%arg7 : memref<40x64xi32, #tpu.memory_space<vmem>>) target_semaphore(%run_scoped3A_345 : memref<!tpu.dma_semaphore, #tpu.memory_space<semaphore_mem>>)
      %dma_wait3A = arith.constant 0 : i32
      %dma_wait3A_354 = arith.constant 0 : i32
      %dma_wait3A_355 = tpu.memref_slice %arg3[%add3A_174, %arg1, %dma_wait3A, %dma_wait3A_354] : memref<8x16x40x64xi32, #tpu.memory_space<hbm>> -> memref<1x1x40x64xi32, #tpu.memory_space<hbm>>
      %dma_wait3A_356 = tpu.memref_squeeze %dma_wait3A_355 : memref<1x1x40x64xi32, #tpu.memory_space<hbm>> -> memref<40x64xi32, #tpu.memory_space<hbm>>
      %dma_wait3A_357 = arith.constant 0 : i32
      %dma_wait3A_358 = arith.constant 0 : i32
      %dma_wait3A_359 = tpu.memref_slice %arg3[%add3A_174, %arg1, %dma_wait3A_357, %dma_wait3A_358] : memref<8x16x40x64xi32, #tpu.memory_space<hbm>> -> memref<1x1x40x64xi32, #tpu.memory_space<hbm>>
      %dma_wait3A_360 = tpu.memref_squeeze %dma_wait3A_359 : memref<1x1x40x64xi32, #tpu.memory_space<hbm>> -> memref<40x64xi32, #tpu.memory_space<hbm>>
      tpu.wait_dma2 semaphore(%run_scoped3A_345 : memref<!tpu.dma_semaphore, #tpu.memory_space<semaphore_mem>>) src(%dma_wait3A_360 : memref<40x64xi32, #tpu.memory_space<hbm>>) dst(%arg7 : memref<40x64xi32, #tpu.memory_space<vmem>>)
      tpu.yield
    }) : () -> ()
    %dma_start3A_175 = arith.constant 1 : i32
    %dma_start3A_176 = arith.constant 1 : i32
    %dma_start3A_177 = arith.constant 0 : i32
    %dma_start3A_178 = arith.constant 0 : i32
    %dma_start3A_179 = tpu.memref_slice %arg9[%dma_start3A_176, %dma_start3A_177, %dma_start3A_178] : memref<4x64x128xf32, #tpu.memory_space<vmem>> -> memref<1x64x128xf32, #tpu.memory_space<vmem>>
    %dma_start3A_180 = tpu.memref_squeeze %dma_start3A_179 : memref<1x64x128xf32, #tpu.memory_space<vmem>> -> memref<64x128xf32, #tpu.memory_space<vmem>>
    %dma_start3A_181 = arith.constant 0 : i32
    %dma_start3A_182 = tpu.memref_slice %arg7[%dma_start3A_175, %dma_start3A_181] : memref<40x64xi32, #tpu.memory_space<vmem>> -> memref<1x64xi32, #tpu.memory_space<vmem>>
    %dma_start3A_183 = tpu.memref_squeeze %dma_start3A_182 : memref<1x64xi32, #tpu.memory_space<vmem>> -> memref<64xi32, #tpu.memory_space<vmem>>
    %dma_start3A_184 = arith.constant 0 : i32
    %dma_start3A_185 = arith.constant 0 : i32
    %dma_start3A_186 = tpu.memref_slice %arg2[%dma_start3A_184, %dma_start3A_185] : memref<10000x128xf32, #tpu.memory_space<hbm>> -> memref<10000x128xf32, #tpu.memory_space<hbm>>
    tpu.enqueue_indirect_dma source(%dma_start3A_186 : memref<10000x128xf32, #tpu.memory_space<hbm>>) target(%dma_start3A_180 : memref<64x128xf32, #tpu.memory_space<vmem>>) offsets(%dma_start3A_183 : memref<64xi32, #tpu.memory_space<vmem>>) semaphore(%arg11 : memref<!tpu.dma_semaphore, #tpu.memory_space<semaphore_mem>>)
    %dma_start3A_187 = arith.constant 2 : i32
    %dma_start3A_188 = arith.constant 2 : i32
    %dma_start3A_189 = arith.constant 0 : i32
    %dma_start3A_190 = arith.constant 0 : i32
    %dma_start3A_191 = tpu.memref_slice %arg9[%dma_start3A_188, %dma_start3A_189, %dma_start3A_190] : memref<4x64x128xf32, #tpu.memory_space<vmem>> -> memref<1x64x128xf32, #tpu.memory_space<vmem>>
    %dma_start3A_192 = tpu.memref_squeeze %dma_start3A_191 : memref<1x64x128xf32, #tpu.memory_space<vmem>> -> memref<64x128xf32, #tpu.memory_space<vmem>>
    %dma_start3A_193 = arith.constant 0 : i32
    %dma_start3A_194 = tpu.memref_slice %arg7[%dma_start3A_187, %dma_start3A_193] : memref<40x64xi32, #tpu.memory_space<vmem>> -> memref<1x64xi32, #tpu.memory_space<vmem>>
    %dma_start3A_195 = tpu.memref_squeeze %dma_start3A_194 : memref<1x64xi32, #tpu.memory_space<vmem>> -> memref<64xi32, #tpu.memory_space<vmem>>
    %dma_start3A_196 = arith.constant 0 : i32
    %dma_start3A_197 = arith.constant 0 : i32
    %dma_start3A_198 = tpu.memref_slice %arg2[%dma_start3A_196, %dma_start3A_197] : memref<10000x128xf32, #tpu.memory_space<hbm>> -> memref<10000x128xf32, #tpu.memory_space<hbm>>
    tpu.enqueue_indirect_dma source(%dma_start3A_198 : memref<10000x128xf32, #tpu.memory_space<hbm>>) target(%dma_start3A_192 : memref<64x128xf32, #tpu.memory_space<vmem>>) offsets(%dma_start3A_195 : memref<64xi32, #tpu.memory_space<vmem>>) semaphore(%arg12 : memref<!tpu.dma_semaphore, #tpu.memory_space<semaphore_mem>>)
    %dma_start3A_199 = arith.constant 3 : i32
    %dma_start3A_200 = arith.constant 3 : i32
    %dma_start3A_201 = arith.constant 0 : i32
    %dma_start3A_202 = arith.constant 0 : i32
    %dma_start3A_203 = tpu.memref_slice %arg9[%dma_start3A_200, %dma_start3A_201, %dma_start3A_202] : memref<4x64x128xf32, #tpu.memory_space<vmem>> -> memref<1x64x128xf32, #tpu.memory_space<vmem>>
    %dma_start3A_204 = tpu.memref_squeeze %dma_start3A_203 : memref<1x64x128xf32, #tpu.memory_space<vmem>> -> memref<64x128xf32, #tpu.memory_space<vmem>>
    %dma_start3A_205 = arith.constant 0 : i32
    %dma_start3A_206 = tpu.memref_slice %arg7[%dma_start3A_199, %dma_start3A_205] : memref<40x64xi32, #tpu.memory_space<vmem>> -> memref<1x64xi32, #tpu.memory_space<vmem>>
    %dma_start3A_207 = tpu.memref_squeeze %dma_start3A_206 : memref<1x64xi32, #tpu.memory_space<vmem>> -> memref<64xi32, #tpu.memory_space<vmem>>
    %dma_start3A_208 = arith.constant 0 : i32
    %dma_start3A_209 = arith.constant 0 : i32
    %dma_start3A_210 = tpu.memref_slice %arg2[%dma_start3A_208, %dma_start3A_209] : memref<10000x128xf32, #tpu.memory_space<hbm>> -> memref<10000x128xf32, #tpu.memory_space<hbm>>
    tpu.enqueue_indirect_dma source(%dma_start3A_210 : memref<10000x128xf32, #tpu.memory_space<hbm>>) target(%dma_start3A_204 : memref<64x128xf32, #tpu.memory_space<vmem>>) offsets(%dma_start3A_207 : memref<64xi32, #tpu.memory_space<vmem>>) semaphore(%arg13 : memref<!tpu.dma_semaphore, #tpu.memory_space<semaphore_mem>>)
    %barrier3A_211 = arith.constant 0 : index
    tpu.barrier barrier_id(%barrier3A_211)
    "tpu.region"() ({
      %run_scoped3A_345 = tpu.sem_alloc : memref<!tpu.dma_semaphore, #tpu.memory_space<semaphore_mem>>
      %dma_start3A_346 = arith.constant 0 : i32
      %dma_start3A_347 = tpu.memref_slice %arg5[%add3A_166, %mul3A_0, %dma_start3A_346] : memref<8x10240x128xf32, #tpu.memory_space<hbm>> -> memref<1x640x128xf32, #tpu.memory_space<hbm>>
      %dma_start3A_348 = tpu.memref_squeeze %dma_start3A_347 : memref<1x640x128xf32, #tpu.memory_space<hbm>> -> memref<640x128xf32, #tpu.memory_space<hbm>>
      %dma_start3A_349 = arith.constant 0 : i32
      %dma_start3A_350 = tpu.memref_slice %arg18[%mul3A_0, %dma_start3A_349] : memref<10240x128xf32, #tpu.memory_space<vmem_shared>> -> memref<640x128xf32, #tpu.memory_space<vmem_shared>>
      tpu.enqueue_dma source(%dma_start3A_350 : memref<640x128xf32, #tpu.memory_space<vmem_shared>>) target(%dma_start3A_348 : memref<640x128xf32, #tpu.memory_space<hbm>>) target_semaphore(%run_scoped3A_345 : memref<!tpu.dma_semaphore, #tpu.memory_space<semaphore_mem>>)
      %dma_wait3A = arith.constant 0 : i32
      %dma_wait3A_351 = tpu.memref_slice %arg5[%add3A_166, %mul3A_0, %dma_wait3A] : memref<8x10240x128xf32, #tpu.memory_space<hbm>> -> memref<1x640x128xf32, #tpu.memory_space<hbm>>
      %dma_wait3A_352 = tpu.memref_squeeze %dma_wait3A_351 : memref<1x640x128xf32, #tpu.memory_space<hbm>> -> memref<640x128xf32, #tpu.memory_space<hbm>>
      %dma_wait3A_353 = arith.constant 0 : i32
      %dma_wait3A_354 = tpu.memref_slice %arg18[%mul3A_0, %dma_wait3A_353] : memref<10240x128xf32, #tpu.memory_space<vmem_shared>> -> memref<640x128xf32, #tpu.memory_space<vmem_shared>>
      tpu.wait_dma2 semaphore(%run_scoped3A_345 : memref<!tpu.dma_semaphore, #tpu.memory_space<semaphore_mem>>) src(%dma_wait3A_354 : memref<640x128xf32, #tpu.memory_space<vmem_shared>>) dst(%dma_wait3A_352 : memref<640x128xf32, #tpu.memory_space<hbm>>)
      tpu.yield
    }) : () -> ()
    %barrier3A_212 = arith.constant 0 : index
    tpu.barrier barrier_id(%barrier3A_212)
    %scan3A_213 = arith.constant 0 : i32
    %scan3A_214 = arith.constant 0 : i32
    %scan3A_215 = arith.constant 64 : i32
    %scan3A_216 = arith.addi %scan3A_214, %scan3A_215 : i32
    %scan3A_217 = arith.constant 1 : i32
    scf.for %scan3A_345 = %scan3A_214 to %scan3A_216 step %scan3A_217  : i32 {
      %broadcast_in_dim3A = arith.constant 1.000000e+00 : f32
      %broadcast_in_dim3A_346 = vector.broadcast %broadcast_in_dim3A : f32 to vector<16xf32>
      %swap3A = arith.constant 0 : i32
      %swap3A_347 = arith.index_cast %swap3A : i32 to index
      %swap3A_348 = arith.index_cast %scan3A_345 : i32 to index
      %swap3A_349 = arith.constant 0 : index
      %swap3A_350 = tpu.vector_load %arg9[%swap3A_347, %swap3A_348, %swap3A_349] {strides = array<i32>} : memref<4x64x128xf32, #tpu.memory_space<vmem>>, vector<1x1x16xf32>,
      %swap3A_351 = vector.shape_cast %swap3A_350 : vector<1x1x16xf32> to vector<16xf32>
      %swap3A_352 = vector.shape_cast %broadcast_in_dim3A_346 : vector<16xf32> to vector<1x1x16xf32>
      tpu.vector_store %arg9[%swap3A_347, %swap3A_348, %swap3A_349], %swap3A_352 {strides = array<i32>} : memref<4x64x128xf32, #tpu.memory_space<vmem>>, vector<1x1x16xf32>,
      %broadcast_in_dim3A_353 = arith.constant 1.000000e+00 : f32
      %broadcast_in_dim3A_354 = vector.broadcast %broadcast_in_dim3A_353 : f32 to vector<16xf32>
      %swap3A_355 = arith.constant 0 : i32
      %swap3A_356 = arith.index_cast %swap3A_355 : i32 to index
      %swap3A_357 = arith.index_cast %scan3A_345 : i32 to index
      %swap3A_358 = arith.constant 16 : index
      %swap3A_359 = tpu.vector_load %arg9[%swap3A_356, %swap3A_357, %swap3A_358] {strides = array<i32>} : memref<4x64x128xf32, #tpu.memory_space<vmem>>, vector<1x1x16xf32>,
      %swap3A_360 = vector.shape_cast %swap3A_359 : vector<1x1x16xf32> to vector<16xf32>
      %swap3A_361 = vector.shape_cast %broadcast_in_dim3A_354 : vector<16xf32> to vector<1x1x16xf32>
      tpu.vector_store %arg9[%swap3A_356, %swap3A_357, %swap3A_358], %swap3A_361 {strides = array<i32>} : memref<4x64x128xf32, #tpu.memory_space<vmem>>, vector<1x1x16xf32>,
      %broadcast_in_dim3A_362 = arith.constant 1.000000e+00 : f32
      %broadcast_in_dim3A_363 = vector.broadcast %broadcast_in_dim3A_362 : f32 to vector<16xf32>
      %swap3A_364 = arith.constant 0 : i32
      %swap3A_365 = arith.index_cast %swap3A_364 : i32 to index
      %swap3A_366 = arith.index_cast %scan3A_345 : i32 to index
      %swap3A_367 = arith.constant 32 : index
      %swap3A_368 = tpu.vector_load %arg9[%swap3A_365, %swap3A_366, %swap3A_367] {strides = array<i32>} : memref<4x64x128xf32, #tpu.memory_space<vmem>>, vector<1x1x16xf32>,
      %swap3A_369 = vector.shape_cast %swap3A_368 : vector<1x1x16xf32> to vector<16xf32>
      %swap3A_370 = vector.shape_cast %broadcast_in_dim3A_363 : vector<16xf32> to vector<1x1x16xf32>
      tpu.vector_store %arg9[%swap3A_365, %swap3A_366, %swap3A_367], %swap3A_370 {strides = array<i32>} : memref<4x64x128xf32, #tpu.memory_space<vmem>>, vector<1x1x16xf32>,
      %broadcast_in_dim3A_371 = arith.constant 1.000000e+00 : f32
      %broadcast_in_dim3A_372 = vector.broadcast %broadcast_in_dim3A_371 : f32 to vector<16xf32>
      %swap3A_373 = arith.constant 0 : i32
      %swap3A_374 = arith.index_cast %swap3A_373 : i32 to index
      %swap3A_375 = arith.index_cast %scan3A_345 : i32 to index
      %swap3A_376 = arith.constant 48 : index
      %swap3A_377 = tpu.vector_load %arg9[%swap3A_374, %swap3A_375, %swap3A_376] {strides = array<i32>} : memref<4x64x128xf32, #tpu.memory_space<vmem>>, vector<1x1x16xf32>,
      %swap3A_378 = vector.shape_cast %swap3A_377 : vector<1x1x16xf32> to vector<16xf32>
      %swap3A_379 = vector.shape_cast %broadcast_in_dim3A_372 : vector<16xf32> to vector<1x1x16xf32>
      tpu.vector_store %arg9[%swap3A_374, %swap3A_375, %swap3A_376], %swap3A_379 {strides = array<i32>} : memref<4x64x128xf32, #tpu.memory_space<vmem>>, vector<1x1x16xf32>,
      %broadcast_in_dim3A_380 = arith.constant 1.000000e+00 : f32
      %broadcast_in_dim3A_381 = vector.broadcast %broadcast_in_dim3A_380 : f32 to vector<16xf32>
      %swap3A_382 = arith.constant 0 : i32
      %swap3A_383 = arith.index_cast %swap3A_382 : i32 to index
      %swap3A_384 = arith.index_cast %scan3A_345 : i32 to index
      %swap3A_385 = arith.constant 64 : index
      %swap3A_386 = tpu.vector_load %arg9[%swap3A_383, %swap3A_384, %swap3A_385] {strides = array<i32>} : memref<4x64x128xf32, #tpu.memory_space<vmem>>, vector<1x1x16xf32>,
      %swap3A_387 = vector.shape_cast %swap3A_386 : vector<1x1x16xf32> to vector<16xf32>
      %swap3A_388 = vector.shape_cast %broadcast_in_dim3A_381 : vector<16xf32> to vector<1x1x16xf32>
      tpu.vector_store %arg9[%swap3A_383, %swap3A_384, %swap3A_385], %swap3A_388 {strides = array<i32>} : memref<4x64x128xf32, #tpu.memory_space<vmem>>, vector<1x1x16xf32>,
      %broadcast_in_dim3A_389 = arith.constant 1.000000e+00 : f32
      %broadcast_in_dim3A_390 = vector.broadcast %broadcast_in_dim3A_389 : f32 to vector<16xf32>
      %swap3A_391 = arith.constant 0 : i32
      %swap3A_392 = arith.index_cast %swap3A_391 : i32 to index
      %swap3A_393 = arith.index_cast %scan3A_345 : i32 to index
      %swap3A_394 = arith.constant 80 : index
      %swap3A_395 = tpu.vector_load %arg9[%swap3A_392, %swap3A_393, %swap3A_394] {strides = array<i32>} : memref<4x64x128xf32, #tpu.memory_space<vmem>>, vector<1x1x16xf32>,
      %swap3A_396 = vector.shape_cast %swap3A_395 : vector<1x1x16xf32> to vector<16xf32>
      %swap3A_397 = vector.shape_cast %broadcast_in_dim3A_390 : vector<16xf32> to vector<1x1x16xf32>
      tpu.vector_store %arg9[%swap3A_392, %swap3A_393, %swap3A_394], %swap3A_397 {strides = array<i32>} : memref<4x64x128xf32, #tpu.memory_space<vmem>>, vector<1x1x16xf32>,
      %broadcast_in_dim3A_398 = arith.constant 1.000000e+00 : f32
      %broadcast_in_dim3A_399 = vector.broadcast %broadcast_in_dim3A_398 : f32 to vector<16xf32>
      %swap3A_400 = arith.constant 0 : i32
      %swap3A_401 = arith.index_cast %swap3A_400 : i32 to index
      %swap3A_402 = arith.index_cast %scan3A_345 : i32 to index
      %swap3A_403 = arith.constant 96 : index
      %swap3A_404 = tpu.vector_load %arg9[%swap3A_401, %swap3A_402, %swap3A_403] {strides = array<i32>} : memref<4x64x128xf32, #tpu.memory_space<vmem>>, vector<1x1x16xf32>,
      %swap3A_405 = vector.shape_cast %swap3A_404 : vector<1x1x16xf32> to vector<16xf32>
      %swap3A_406 = vector.shape_cast %broadcast_in_dim3A_399 : vector<16xf32> to vector<1x1x16xf32>
      tpu.vector_store %arg9[%swap3A_401, %swap3A_402, %swap3A_403], %swap3A_406 {strides = array<i32>} : memref<4x64x128xf32, #tpu.memory_space<vmem>>, vector<1x1x16xf32>,
      %broadcast_in_dim3A_407 = arith.constant 1.000000e+00 : f32
      %broadcast_in_dim3A_408 = vector.broadcast %broadcast_in_dim3A_407 : f32 to vector<16xf32>
      %swap3A_409 = arith.constant 0 : i32
      %swap3A_410 = arith.index_cast %swap3A_409 : i32 to index
      %swap3A_411 = arith.index_cast %scan3A_345 : i32 to index
      %swap3A_412 = arith.constant 112 : index
      %swap3A_413 = tpu.vector_load %arg9[%swap3A_410, %swap3A_411, %swap3A_412] {strides = array<i32>} : memref<4x64x128xf32, #tpu.memory_space<vmem>>, vector<1x1x16xf32>,
      %swap3A_414 = vector.shape_cast %swap3A_413 : vector<1x1x16xf32> to vector<16xf32>
      %swap3A_415 = vector.shape_cast %broadcast_in_dim3A_408 : vector<16xf32> to vector<1x1x16xf32>
      tpu.vector_store %arg9[%swap3A_410, %swap3A_411, %swap3A_412], %swap3A_415 {strides = array<i32>} : memref<4x64x128xf32, #tpu.memory_space<vmem>>, vector<1x1x16xf32>,
    }
    %scan3A_218 = arith.constant 64 : i32
    %scan3A_219 = arith.constant 0 : i32
    %scan3A_220 = arith.constant 0 : i32
    %scan3A_221 = arith.constant 10 : i32
    %scan3A_222 = arith.addi %scan3A_220, %scan3A_221 : i32
    %scan3A_223 = arith.constant 1 : i32
    scf.for %scan3A_345 = %scan3A_220 to %scan3A_222 step %scan3A_223  : i32 {
      %mul3A_346 = arith.constant 4 : i32
      %mul3A_347 = arith.muli %mul3A_346, %scan3A_345 : i32
      %add3A_348 = arith.constant 0 : i32
      %add3A_349 = arith.addi %mul3A_347, %add3A_348 : i32
      %dma_start3A_350 = arith.constant 0 : i32
      %dma_start3A_351 = arith.constant 0 : i32
      %dma_start3A_352 = arith.constant 0 : i32
      %dma_start3A_353 = tpu.memref_slice %arg9[%dma_start3A_350, %dma_start3A_351, %dma_start3A_352] : memref<4x64x128xf32, #tpu.memory_space<vmem>> -> memref<1x64x128xf32, #tpu.memory_space<vmem>>
      %dma_start3A_354 = tpu.memref_squeeze %dma_start3A_353 : memref<1x64x128xf32, #tpu.memory_space<vmem>> -> memref<64x128xf32, #tpu.memory_space<vmem>>
      %dma_start3A_355 = arith.constant 0 : i32
      %dma_start3A_356 = tpu.memref_slice %arg8[%add3A_349, %dma_start3A_355] : memref<40x64xi32, #tpu.memory_space<vmem>> -> memref<1x64xi32, #tpu.memory_space<vmem>>
      %dma_start3A_357 = tpu.memref_squeeze %dma_start3A_356 : memref<1x64xi32, #tpu.memory_space<vmem>> -> memref<64xi32, #tpu.memory_space<vmem>>
      %dma_start3A_358 = arith.constant 0 : i32
      %dma_start3A_359 = arith.constant 0 : i32
      %dma_start3A_360 = tpu.memref_slice %arg18[%dma_start3A_358, %dma_start3A_359] : memref<10240x128xf32, #tpu.memory_space<vmem_shared>> -> memref<10240x128xf32, #tpu.memory_space<vmem_shared>>
      tpu.enqueue_indirect_dma source(%dma_start3A_354 : memref<64x128xf32, #tpu.memory_space<vmem>>) target(%dma_start3A_360 : memref<10240x128xf32, #tpu.memory_space<vmem_shared>>) offsets(%dma_start3A_357 : memref<64xi32, #tpu.memory_space<vmem>>) semaphore(%arg14 : memref<!tpu.dma_semaphore, #tpu.memory_space<semaphore_mem>>) {add = true}
      %mul3A_361 = arith.constant 4 : i32
      %mul3A_362 = arith.muli %mul3A_361, %scan3A_345 : i32
      %add3A_363 = arith.constant 1 : i32
      %add3A_364 = arith.addi %mul3A_362, %add3A_363 : i32
      %dma_start3A_365 = arith.constant 0 : i32
      %dma_start3A_366 = arith.constant 0 : i32
      %dma_start3A_367 = arith.constant 0 : i32
      %dma_start3A_368 = tpu.memref_slice %arg9[%dma_start3A_365, %dma_start3A_366, %dma_start3A_367] : memref<4x64x128xf32, #tpu.memory_space<vmem>> -> memref<1x64x128xf32, #tpu.memory_space<vmem>>
      %dma_start3A_369 = tpu.memref_squeeze %dma_start3A_368 : memref<1x64x128xf32, #tpu.memory_space<vmem>> -> memref<64x128xf32, #tpu.memory_space<vmem>>
      %dma_start3A_370 = arith.constant 0 : i32
      %dma_start3A_371 = tpu.memref_slice %arg8[%add3A_364, %dma_start3A_370] : memref<40x64xi32, #tpu.memory_space<vmem>> -> memref<1x64xi32, #tpu.memory_space<vmem>>
      %dma_start3A_372 = tpu.memref_squeeze %dma_start3A_371 : memref<1x64xi32, #tpu.memory_space<vmem>> -> memref<64xi32, #tpu.memory_space<vmem>>
      %dma_start3A_373 = arith.constant 0 : i32
      %dma_start3A_374 = arith.constant 0 : i32
      %dma_start3A_375 = tpu.memref_slice %arg18[%dma_start3A_373, %dma_start3A_374] : memref<10240x128xf32, #tpu.memory_space<vmem_shared>> -> memref<10240x128xf32, #tpu.memory_space<vmem_shared>>
      tpu.enqueue_indirect_dma source(%dma_start3A_369 : memref<64x128xf32, #tpu.memory_space<vmem>>) target(%dma_start3A_375 : memref<10240x128xf32, #tpu.memory_space<vmem_shared>>) offsets(%dma_start3A_372 : memref<64xi32, #tpu.memory_space<vmem>>) semaphore(%arg15 : memref<!tpu.dma_semaphore, #tpu.memory_space<semaphore_mem>>) {add = true}
      %mul3A_376 = arith.constant 4 : i32
      %mul3A_377 = arith.muli %mul3A_376, %scan3A_345 : i32
      %add3A_378 = arith.constant 2 : i32
      %add3A_379 = arith.addi %mul3A_377, %add3A_378 : i32
      %dma_start3A_380 = arith.constant 0 : i32
      %dma_start3A_381 = arith.constant 0 : i32
      %dma_start3A_382 = arith.constant 0 : i32
      %dma_start3A_383 = tpu.memref_slice %arg9[%dma_start3A_380, %dma_start3A_381, %dma_start3A_382] : memref<4x64x128xf32, #tpu.memory_space<vmem>> -> memref<1x64x128xf32, #tpu.memory_space<vmem>>
      %dma_start3A_384 = tpu.memref_squeeze %dma_start3A_383 : memref<1x64x128xf32, #tpu.memory_space<vmem>> -> memref<64x128xf32, #tpu.memory_space<vmem>>
      %dma_start3A_385 = arith.constant 0 : i32
      %dma_start3A_386 = tpu.memref_slice %arg8[%add3A_379, %dma_start3A_385] : memref<40x64xi32, #tpu.memory_space<vmem>> -> memref<1x64xi32, #tpu.memory_space<vmem>>
      %dma_start3A_387 = tpu.memref_squeeze %dma_start3A_386 : memref<1x64xi32, #tpu.memory_space<vmem>> -> memref<64xi32, #tpu.memory_space<vmem>>
      %dma_start3A_388 = arith.constant 0 : i32
      %dma_start3A_389 = arith.constant 0 : i32
      %dma_start3A_390 = tpu.memref_slice %arg18[%dma_start3A_388, %dma_start3A_389] : memref<10240x128xf32, #tpu.memory_space<vmem_shared>> -> memref<10240x128xf32, #tpu.memory_space<vmem_shared>>
      tpu.enqueue_indirect_dma source(%dma_start3A_384 : memref<64x128xf32, #tpu.memory_space<vmem>>) target(%dma_start3A_390 : memref<10240x128xf32, #tpu.memory_space<vmem_shared>>) offsets(%dma_start3A_387 : memref<64xi32, #tpu.memory_space<vmem>>) semaphore(%arg16 : memref<!tpu.dma_semaphore, #tpu.memory_space<semaphore_mem>>) {add = true}
      %mul3A_391 = arith.constant 4 : i32
      %mul3A_392 = arith.muli %mul3A_391, %scan3A_345 : i32
      %add3A_393 = arith.constant 3 : i32
      %add3A_394 = arith.addi %mul3A_392, %add3A_393 : i32
      %dma_start3A_395 = arith.constant 0 : i32
      %dma_start3A_396 = arith.constant 0 : i32
      %dma_start3A_397 = arith.constant 0 : i32
      %dma_start3A_398 = tpu.memref_slice %arg9[%dma_start3A_395, %dma_start3A_396, %dma_start3A_397] : memref<4x64x128xf32, #tpu.memory_space<vmem>> -> memref<1x64x128xf32, #tpu.memory_space<vmem>>
      %dma_start3A_399 = tpu.memref_squeeze %dma_start3A_398 : memref<1x64x128xf32, #tpu.memory_space<vmem>> -> memref<64x128xf32, #tpu.memory_space<vmem>>
      %dma_start3A_400 = arith.constant 0 : i32
      %dma_start3A_401 = tpu.memref_slice %arg8[%add3A_394, %dma_start3A_400] : memref<40x64xi32, #tpu.memory_space<vmem>> -> memref<1x64xi32, #tpu.memory_space<vmem>>
      %dma_start3A_402 = tpu.memref_squeeze %dma_start3A_401 : memref<1x64xi32, #tpu.memory_space<vmem>> -> memref<64xi32, #tpu.memory_space<vmem>>
      %dma_start3A_403 = arith.constant 0 : i32
      %dma_start3A_404 = arith.constant 0 : i32
      %dma_start3A_405 = tpu.memref_slice %arg18[%dma_start3A_403, %dma_start3A_404] : memref<10240x128xf32, #tpu.memory_space<vmem_shared>> -> memref<10240x128xf32, #tpu.memory_space<vmem_shared>>
      tpu.enqueue_indirect_dma source(%dma_start3A_399 : memref<64x128xf32, #tpu.memory_space<vmem>>) target(%dma_start3A_405 : memref<10240x128xf32, #tpu.memory_space<vmem_shared>>) offsets(%dma_start3A_402 : memref<64xi32, #tpu.memory_space<vmem>>) semaphore(%arg17 : memref<!tpu.dma_semaphore, #tpu.memory_space<semaphore_mem>>) {add = true}
      %mul3A_406 = arith.constant 4 : i32
      %mul3A_407 = arith.muli %mul3A_406, %scan3A_345 : i32
      %add3A_408 = arith.constant 0 : i32
      %add3A_409 = arith.addi %mul3A_407, %add3A_408 : i32
      %dma_wait3A = arith.constant 0 : i32
      %dma_wait3A_410 = arith.constant 0 : i32
      %dma_wait3A_411 = arith.constant 0 : i32
      %dma_wait3A_412 = tpu.memref_slice %arg9[%dma_wait3A, %dma_wait3A_410, %dma_wait3A_411] : memref<4x64x128xf32, #tpu.memory_space<vmem>> -> memref<1x64x128xf32, #tpu.memory_space<vmem>>
      %dma_wait3A_413 = tpu.memref_squeeze %dma_wait3A_412 : memref<1x64x128xf32, #tpu.memory_space<vmem>> -> memref<64x128xf32, #tpu.memory_space<vmem>>
      %dma_wait3A_414 = arith.constant 0 : i32
      %dma_wait3A_415 = tpu.memref_slice %arg8[%add3A_409, %dma_wait3A_414] : memref<40x64xi32, #tpu.memory_space<vmem>> -> memref<1x64xi32, #tpu.memory_space<vmem>>
      %dma_wait3A_416 = tpu.memref_squeeze %dma_wait3A_415 : memref<1x64xi32, #tpu.memory_space<vmem>> -> memref<64xi32, #tpu.memory_space<vmem>>
      %dma_wait3A_417 = arith.constant 0 : i32
      %dma_wait3A_418 = arith.constant 0 : i32
      %dma_wait3A_419 = tpu.memref_slice %arg18[%dma_wait3A_417, %dma_wait3A_418] : memref<10240x128xf32, #tpu.memory_space<vmem_shared>> -> memref<10240x128xf32, #tpu.memory_space<vmem_shared>>
      tpu.wait_indirect_dma semaphore(%arg14 : memref<!tpu.dma_semaphore, #tpu.memory_space<semaphore_mem>>) src(%dma_wait3A_413 : memref<64x128xf32, #tpu.memory_space<vmem>>) dst(%dma_wait3A_419 : memref<10240x128xf32, #tpu.memory_space<vmem_shared>>)
      %mul3A_420 = arith.constant 4 : i32
      %mul3A_421 = arith.muli %mul3A_420, %scan3A_345 : i32
      %add3A_422 = arith.constant 1 : i32
      %add3A_423 = arith.addi %mul3A_421, %add3A_422 : i32
      %dma_wait3A_424 = arith.constant 0 : i32
      %dma_wait3A_425 = arith.constant 0 : i32
      %dma_wait3A_426 = arith.constant 0 : i32
      %dma_wait3A_427 = tpu.memref_slice %arg9[%dma_wait3A_424, %dma_wait3A_425, %dma_wait3A_426] : memref<4x64x128xf32, #tpu.memory_space<vmem>> -> memref<1x64x128xf32, #tpu.memory_space<vmem>>
      %dma_wait3A_428 = tpu.memref_squeeze %dma_wait3A_427 : memref<1x64x128xf32, #tpu.memory_space<vmem>> -> memref<64x128xf32, #tpu.memory_space<vmem>>
      %dma_wait3A_429 = arith.constant 0 : i32
      %dma_wait3A_430 = tpu.memref_slice %arg8[%add3A_423, %dma_wait3A_429] : memref<40x64xi32, #tpu.memory_space<vmem>> -> memref<1x64xi32, #tpu.memory_space<vmem>>
      %dma_wait3A_431 = tpu.memref_squeeze %dma_wait3A_430 : memref<1x64xi32, #tpu.memory_space<vmem>> -> memref<64xi32, #tpu.memory_space<vmem>>
      %dma_wait3A_432 = arith.constant 0 : i32
      %dma_wait3A_433 = arith.constant 0 : i32
      %dma_wait3A_434 = tpu.memref_slice %arg18[%dma_wait3A_432, %dma_wait3A_433] : memref<10240x128xf32, #tpu.memory_space<vmem_shared>> -> memref<10240x128xf32, #tpu.memory_space<vmem_shared>>
      tpu.wait_indirect_dma semaphore(%arg15 : memref<!tpu.dma_semaphore, #tpu.memory_space<semaphore_mem>>) src(%dma_wait3A_428 : memref<64x128xf32, #tpu.memory_space<vmem>>) dst(%dma_wait3A_434 : memref<10240x128xf32, #tpu.memory_space<vmem_shared>>)
      %mul3A_435 = arith.constant 4 : i32
      %mul3A_436 = arith.muli %mul3A_435, %scan3A_345 : i32
      %add3A_437 = arith.constant 2 : i32
      %add3A_438 = arith.addi %mul3A_436, %add3A_437 : i32
      %dma_wait3A_439 = arith.constant 0 : i32
      %dma_wait3A_440 = arith.constant 0 : i32
      %dma_wait3A_441 = arith.constant 0 : i32
      %dma_wait3A_442 = tpu.memref_slice %arg9[%dma_wait3A_439, %dma_wait3A_440, %dma_wait3A_441] : memref<4x64x128xf32, #tpu.memory_space<vmem>> -> memref<1x64x128xf32, #tpu.memory_space<vmem>>
      %dma_wait3A_443 = tpu.memref_squeeze %dma_wait3A_442 : memref<1x64x128xf32, #tpu.memory_space<vmem>> -> memref<64x128xf32, #tpu.memory_space<vmem>>
      %dma_wait3A_444 = arith.constant 0 : i32
      %dma_wait3A_445 = tpu.memref_slice %arg8[%add3A_438, %dma_wait3A_444] : memref<40x64xi32, #tpu.memory_space<vmem>> -> memref<1x64xi32, #tpu.memory_space<vmem>>
      %dma_wait3A_446 = tpu.memref_squeeze %dma_wait3A_445 : memref<1x64xi32, #tpu.memory_space<vmem>> -> memref<64xi32, #tpu.memory_space<vmem>>
      %dma_wait3A_447 = arith.constant 0 : i32
      %dma_wait3A_448 = arith.constant 0 : i32
      %dma_wait3A_449 = tpu.memref_slice %arg18[%dma_wait3A_447, %dma_wait3A_448] : memref<10240x128xf32, #tpu.memory_space<vmem_shared>> -> memref<10240x128xf32, #tpu.memory_space<vmem_shared>>
      tpu.wait_indirect_dma semaphore(%arg16 : memref<!tpu.dma_semaphore, #tpu.memory_space<semaphore_mem>>) src(%dma_wait3A_443 : memref<64x128xf32, #tpu.memory_space<vmem>>) dst(%dma_wait3A_449 : memref<10240x128xf32, #tpu.memory_space<vmem_shared>>)
      %mul3A_450 = arith.constant 4 : i32
      %mul3A_451 = arith.muli %mul3A_450, %scan3A_345 : i32
      %add3A_452 = arith.constant 3 : i32
      %add3A_453 = arith.addi %mul3A_451, %add3A_452 : i32
      %dma_wait3A_454 = arith.constant 0 : i32
      %dma_wait3A_455 = arith.constant 0 : i32
      %dma_wait3A_456 = arith.constant 0 : i32
      %dma_wait3A_457 = tpu.memref_slice %arg9[%dma_wait3A_454, %dma_wait3A_455, %dma_wait3A_456] : memref<4x64x128xf32, #tpu.memory_space<vmem>> -> memref<1x64x128xf32, #tpu.memory_space<vmem>>
      %dma_wait3A_458 = tpu.memref_squeeze %dma_wait3A_457 : memref<1x64x128xf32, #tpu.memory_space<vmem>> -> memref<64x128xf32, #tpu.memory_space<vmem>>
      %dma_wait3A_459 = arith.constant 0 : i32
      %dma_wait3A_460 = tpu.memref_slice %arg8[%add3A_453, %dma_wait3A_459] : memref<40x64xi32, #tpu.memory_space<vmem>> -> memref<1x64xi32, #tpu.memory_space<vmem>>
      %dma_wait3A_461 = tpu.memref_squeeze %dma_wait3A_460 : memref<1x64xi32, #tpu.memory_space<vmem>> -> memref<64xi32, #tpu.memory_space<vmem>>
      %dma_wait3A_462 = arith.constant 0 : i32
      %dma_wait3A_463 = arith.constant 0 : i32
      %dma_wait3A_464 = tpu.memref_slice %arg18[%dma_wait3A_462, %dma_wait3A_463] : memref<10240x128xf32, #tpu.memory_space<vmem_shared>> -> memref<10240x128xf32, #tpu.memory_space<vmem_shared>>
      tpu.wait_indirect_dma semaphore(%arg17 : memref<!tpu.dma_semaphore, #tpu.memory_space<semaphore_mem>>) src(%dma_wait3A_458 : memref<64x128xf32, #tpu.memory_space<vmem>>) dst(%dma_wait3A_464 : memref<10240x128xf32, #tpu.memory_space<vmem_shared>>)
    }
    %scan3A_224 = arith.constant 10 : i32
    %barrier3A_225 = arith.constant 0 : index
    tpu.barrier barrier_id(%barrier3A_225)
    "tpu.region"() ({
      %run_scoped3A_345 = tpu.sem_alloc : memref<!tpu.dma_semaphore, #tpu.memory_space<semaphore_mem>>
      %dma_start3A_346 = arith.constant 0 : i32
      %dma_start3A_347 = tpu.memref_slice %arg6[%add3A_166, %mul3A_0, %dma_start3A_346] : memref<8x10240x128xf32, #tpu.memory_space<hbm>> -> memref<1x640x128xf32, #tpu.memory_space<hbm>>
      %dma_start3A_348 = tpu.memref_squeeze %dma_start3A_347 : memref<1x640x128xf32, #tpu.memory_space<hbm>> -> memref<640x128xf32, #tpu.memory_space<hbm>>
      %dma_start3A_349 = arith.constant 0 : i32
      %dma_start3A_350 = tpu.memref_slice %arg18[%mul3A_0, %dma_start3A_349] : memref<10240x128xf32, #tpu.memory_space<vmem_shared>> -> memref<640x128xf32, #tpu.memory_space<vmem_shared>>
      tpu.enqueue_dma source(%dma_start3A_350 : memref<640x128xf32, #tpu.memory_space<vmem_shared>>) target(%dma_start3A_348 : memref<640x128xf32, #tpu.memory_space<hbm>>) target_semaphore(%run_scoped3A_345 : memref<!tpu.dma_semaphore, #tpu.memory_space<semaphore_mem>>)
      %dma_wait3A = arith.constant 0 : i32
      %dma_wait3A_351 = tpu.memref_slice %arg6[%add3A_166, %mul3A_0, %dma_wait3A] : memref<8x10240x128xf32, #tpu.memory_space<hbm>> -> memref<1x640x128xf32, #tpu.memory_space<hbm>>
      %dma_wait3A_352 = tpu.memref_squeeze %dma_wait3A_351 : memref<1x640x128xf32, #tpu.memory_space<hbm>> -> memref<640x128xf32, #tpu.memory_space<hbm>>
      %dma_wait3A_353 = arith.constant 0 : i32
      %dma_wait3A_354 = tpu.memref_slice %arg18[%mul3A_0, %dma_wait3A_353] : memref<10240x128xf32, #tpu.memory_space<vmem_shared>> -> memref<640x128xf32, #tpu.memory_space<vmem_shared>>
      tpu.wait_dma2 semaphore(%run_scoped3A_345 : memref<!tpu.dma_semaphore, #tpu.memory_space<semaphore_mem>>) src(%dma_wait3A_354 : memref<640x128xf32, #tpu.memory_space<vmem_shared>>) dst(%dma_wait3A_352 : memref<640x128xf32, #tpu.memory_space<hbm>>)
      tpu.yield
    }) : () -> ()
    %add3A_226 = arith.constant 1 : i32
    %add3A_227 = arith.addi %add3A_166, %add3A_226 : i32
    "tpu.region"() ({
      %run_scoped3A_345 = tpu.sem_alloc : memref<!tpu.dma_semaphore, #tpu.memory_space<semaphore_mem>>
      %dma_start3A_346 = arith.constant 0 : i32
      %dma_start3A_347 = arith.constant 0 : i32
      %dma_start3A_348 = tpu.memref_slice %arg4[%add3A_227, %arg1, %dma_start3A_346, %dma_start3A_347] : memref<8x16x40x64xi32, #tpu.memory_space<hbm>> -> memref<1x1x40x64xi32, #tpu.memory_space<hbm>>
      %dma_start3A_349 = tpu.memref_squeeze %dma_start3A_348 : memref<1x1x40x64xi32, #tpu.memory_space<hbm>> -> memref<40x64xi32, #tpu.memory_space<hbm>>
      %dma_start3A_350 = arith.constant 0 : i32
      %dma_start3A_351 = arith.constant 0 : i32
      %dma_start3A_352 = tpu.memref_slice %arg4[%add3A_227, %arg1, %dma_start3A_350, %dma_start3A_351] : memref<8x16x40x64xi32, #tpu.memory_space<hbm>> -> memref<1x1x40x64xi32, #tpu.memory_space<hbm>>
      %dma_start3A_353 = tpu.memref_squeeze %dma_start3A_352 : memref<1x1x40x64xi32, #tpu.memory_space<hbm>> -> memref<40x64xi32, #tpu.memory_space<hbm>>
      tpu.enqueue_dma source(%dma_start3A_353 : memref<40x64xi32, #tpu.memory_space<hbm>>) target(%arg8 : memref<40x64xi32, #tpu.memory_space<vmem>>) target_semaphore(%run_scoped3A_345 : memref<!tpu.dma_semaphore, #tpu.memory_space<semaphore_mem>>)
      %dma_wait3A = arith.constant 0 : i32
      %dma_wait3A_354 = arith.constant 0 : i32
      %dma_wait3A_355 = tpu.memref_slice %arg4[%add3A_227, %arg1, %dma_wait3A, %dma_wait3A_354] : memref<8x16x40x64xi32, #tpu.memory_space<hbm>> -> memref<1x1x40x64xi32, #tpu.memory_space<hbm>>
      %dma_wait3A_356 = tpu.memref_squeeze %dma_wait3A_355 : memref<1x1x40x64xi32, #tpu.memory_space<hbm>> -> memref<40x64xi32, #tpu.memory_space<hbm>>
      %dma_wait3A_357 = arith.constant 0 : i32
      %dma_wait3A_358 = arith.constant 0 : i32
      %dma_wait3A_359 = tpu.memref_slice %arg4[%add3A_227, %arg1, %dma_wait3A_357, %dma_wait3A_358] : memref<8x16x40x64xi32, #tpu.memory_space<hbm>> -> memref<1x1x40x64xi32, #tpu.memory_space<hbm>>
      %dma_wait3A_360 = tpu.memref_squeeze %dma_wait3A_359 : memref<1x1x40x64xi32, #tpu.memory_space<hbm>> -> memref<40x64xi32, #tpu.memory_space<hbm>>
      tpu.wait_dma2 semaphore(%run_scoped3A_345 : memref<!tpu.dma_semaphore, #tpu.memory_space<semaphore_mem>>) src(%dma_wait3A_360 : memref<40x64xi32, #tpu.memory_space<hbm>>) dst(%arg8 : memref<40x64xi32, #tpu.memory_space<vmem>>)
      tpu.yield
    }) : () -> ()
    %dma_start3A_228 = arith.constant 0 : i32
    %dma_start3A_229 = arith.constant 0 : i32
    %dma_start3A_230 = arith.constant 0 : i32
    %dma_start3A_231 = arith.constant 0 : i32
    %dma_start3A_232 = tpu.memref_slice %arg9[%dma_start3A_229, %dma_start3A_230, %dma_start3A_231] : memref<4x64x128xf32, #tpu.memory_space<vmem>> -> memref<1x64x128xf32, #tpu.memory_space<vmem>>
    %dma_start3A_233 = tpu.memref_squeeze %dma_start3A_232 : memref<1x64x128xf32, #tpu.memory_space<vmem>> -> memref<64x128xf32, #tpu.memory_space<vmem>>
    %dma_start3A_234 = arith.constant 0 : i32
    %dma_start3A_235 = tpu.memref_slice %arg7[%dma_start3A_228, %dma_start3A_234] : memref<40x64xi32, #tpu.memory_space<vmem>> -> memref<1x64xi32, #tpu.memory_space<vmem>>
    %dma_start3A_236 = tpu.memref_squeeze %dma_start3A_235 : memref<1x64xi32, #tpu.memory_space<vmem>> -> memref<64xi32, #tpu.memory_space<vmem>>
    %dma_start3A_237 = arith.constant 0 : i32
    %dma_start3A_238 = arith.constant 0 : i32
    %dma_start3A_239 = tpu.memref_slice %arg2[%dma_start3A_237, %dma_start3A_238] : memref<10000x128xf32, #tpu.memory_space<hbm>> -> memref<10000x128xf32, #tpu.memory_space<hbm>>
    tpu.enqueue_indirect_dma source(%dma_start3A_239 : memref<10000x128xf32, #tpu.memory_space<hbm>>) target(%dma_start3A_233 : memref<64x128xf32, #tpu.memory_space<vmem>>) offsets(%dma_start3A_236 : memref<64xi32, #tpu.memory_space<vmem>>) semaphore(%arg10 : memref<!tpu.dma_semaphore, #tpu.memory_space<semaphore_mem>>)
    %barrier3A_240 = arith.constant 0 : index
    tpu.barrier barrier_id(%barrier3A_240)
    %mul3A_241 = arith.constant 4 : i32
    %mul3A_242 = arith.muli %arg0, %mul3A_241 : i32
    %add3A_243 = arith.constant 2 : i32
    %add3A_244 = arith.addi %mul3A_242, %add3A_243 : i32
    %scan3A_245 = arith.constant 0 : i32
    %scan3A_246 = arith.constant 0 : i32
    %scan3A_247 = arith.constant 10 : i32
    %scan3A_248 = arith.addi %scan3A_246, %scan3A_247 : i32
    %scan3A_249 = arith.constant 1 : i32
    scf.for %scan3A_345 = %scan3A_246 to %scan3A_248 step %scan3A_249  : i32 {
      %mul3A_346 = arith.constant 4 : i32
      %mul3A_347 = arith.muli %mul3A_346, %scan3A_345 : i32
      %add3A_348 = arith.constant 0 : i32
      %add3A_349 = arith.addi %mul3A_347, %add3A_348 : i32
      %dma_wait3A = arith.constant 0 : i32
      %dma_wait3A_350 = arith.constant 0 : i32
      %dma_wait3A_351 = arith.constant 0 : i32
      %dma_wait3A_352 = tpu.memref_slice %arg9[%dma_wait3A, %dma_wait3A_350, %dma_wait3A_351] : memref<4x64x128xf32, #tpu.memory_space<vmem>> -> memref<1x64x128xf32, #tpu.memory_space<vmem>>
      %dma_wait3A_353 = tpu.memref_squeeze %dma_wait3A_352 : memref<1x64x128xf32, #tpu.memory_space<vmem>> -> memref<64x128xf32, #tpu.memory_space<vmem>>
      %dma_wait3A_354 = arith.constant 0 : i32
      %dma_wait3A_355 = tpu.memref_slice %arg7[%add3A_349, %dma_wait3A_354] : memref<40x64xi32, #tpu.memory_space<vmem>> -> memref<1x64xi32, #tpu.memory_space<vmem>>
      %dma_wait3A_356 = tpu.memref_squeeze %dma_wait3A_355 : memref<1x64xi32, #tpu.memory_space<vmem>> -> memref<64xi32, #tpu.memory_space<vmem>>
      %dma_wait3A_357 = arith.constant 0 : i32
      %dma_wait3A_358 = arith.constant 0 : i32
      %dma_wait3A_359 = tpu.memref_slice %arg2[%dma_wait3A_357, %dma_wait3A_358] : memref<10000x128xf32, #tpu.memory_space<hbm>> -> memref<10000x128xf32, #tpu.memory_space<hbm>>
      tpu.wait_indirect_dma semaphore(%arg10 : memref<!tpu.dma_semaphore, #tpu.memory_space<semaphore_mem>>) src(%dma_wait3A_359 : memref<10000x128xf32, #tpu.memory_space<hbm>>) dst(%dma_wait3A_353 : memref<64x128xf32, #tpu.memory_space<vmem>>)
      %dma_start3A_360 = arith.constant 0 : i32
      %dma_start3A_361 = arith.constant 0 : i32
      %dma_start3A_362 = arith.constant 0 : i32
      %dma_start3A_363 = tpu.memref_slice %arg9[%dma_start3A_360, %dma_start3A_361, %dma_start3A_362] : memref<4x64x128xf32, #tpu.memory_space<vmem>> -> memref<1x64x128xf32, #tpu.memory_space<vmem>>
      %dma_start3A_364 = tpu.memref_squeeze %dma_start3A_363 : memref<1x64x128xf32, #tpu.memory_space<vmem>> -> memref<64x128xf32, #tpu.memory_space<vmem>>
      %dma_start3A_365 = arith.constant 0 : i32
      %dma_start3A_366 = tpu.memref_slice %arg8[%add3A_349, %dma_start3A_365] : memref<40x64xi32, #tpu.memory_space<vmem>> -> memref<1x64xi32, #tpu.memory_space<vmem>>
      %dma_start3A_367 = tpu.memref_squeeze %dma_start3A_366 : memref<1x64xi32, #tpu.memory_space<vmem>> -> memref<64xi32, #tpu.memory_space<vmem>>
      %dma_start3A_368 = arith.constant 0 : i32
      %dma_start3A_369 = arith.constant 0 : i32
      %dma_start3A_370 = tpu.memref_slice %arg18[%dma_start3A_368, %dma_start3A_369] : memref<10240x128xf32, #tpu.memory_space<vmem_shared>> -> memref<10240x128xf32, #tpu.memory_space<vmem_shared>>
      tpu.enqueue_indirect_dma source(%dma_start3A_364 : memref<64x128xf32, #tpu.memory_space<vmem>>) target(%dma_start3A_370 : memref<10240x128xf32, #tpu.memory_space<vmem_shared>>) offsets(%dma_start3A_367 : memref<64xi32, #tpu.memory_space<vmem>>) semaphore(%arg14 : memref<!tpu.dma_semaphore, #tpu.memory_space<semaphore_mem>>) {add = true}
      %mul3A_371 = arith.constant 4 : i32
      %mul3A_372 = arith.muli %mul3A_371, %scan3A_345 : i32
      %add3A_373 = arith.constant 1 : i32
      %add3A_374 = arith.addi %mul3A_372, %add3A_373 : i32
      %dma_wait3A_375 = arith.constant 1 : i32
      %dma_wait3A_376 = arith.constant 0 : i32
      %dma_wait3A_377 = arith.constant 0 : i32
      %dma_wait3A_378 = tpu.memref_slice %arg9[%dma_wait3A_375, %dma_wait3A_376, %dma_wait3A_377] : memref<4x64x128xf32, #tpu.memory_space<vmem>> -> memref<1x64x128xf32, #tpu.memory_space<vmem>>
      %dma_wait3A_379 = tpu.memref_squeeze %dma_wait3A_378 : memref<1x64x128xf32, #tpu.memory_space<vmem>> -> memref<64x128xf32, #tpu.memory_space<vmem>>
      %dma_wait3A_380 = arith.constant 0 : i32
      %dma_wait3A_381 = tpu.memref_slice %arg7[%add3A_374, %dma_wait3A_380] : memref<40x64xi32, #tpu.memory_space<vmem>> -> memref<1x64xi32, #tpu.memory_space<vmem>>
      %dma_wait3A_382 = tpu.memref_squeeze %dma_wait3A_381 : memref<1x64xi32, #tpu.memory_space<vmem>> -> memref<64xi32, #tpu.memory_space<vmem>>
      %dma_wait3A_383 = arith.constant 0 : i32
      %dma_wait3A_384 = arith.constant 0 : i32
      %dma_wait3A_385 = tpu.memref_slice %arg2[%dma_wait3A_383, %dma_wait3A_384] : memref<10000x128xf32, #tpu.memory_space<hbm>> -> memref<10000x128xf32, #tpu.memory_space<hbm>>
      tpu.wait_indirect_dma semaphore(%arg11 : memref<!tpu.dma_semaphore, #tpu.memory_space<semaphore_mem>>) src(%dma_wait3A_385 : memref<10000x128xf32, #tpu.memory_space<hbm>>) dst(%dma_wait3A_379 : memref<64x128xf32, #tpu.memory_space<vmem>>)
      %dma_start3A_386 = arith.constant 1 : i32
      %dma_start3A_387 = arith.constant 0 : i32
      %dma_start3A_388 = arith.constant 0 : i32
      %dma_start3A_389 = tpu.memref_slice %arg9[%dma_start3A_386, %dma_start3A_387, %dma_start3A_388] : memref<4x64x128xf32, #tpu.memory_space<vmem>> -> memref<1x64x128xf32, #tpu.memory_space<vmem>>
      %dma_start3A_390 = tpu.memref_squeeze %dma_start3A_389 : memref<1x64x128xf32, #tpu.memory_space<vmem>> -> memref<64x128xf32, #tpu.memory_space<vmem>>
      %dma_start3A_391 = arith.constant 0 : i32
      %dma_start3A_392 = tpu.memref_slice %arg8[%add3A_374, %dma_start3A_391] : memref<40x64xi32, #tpu.memory_space<vmem>> -> memref<1x64xi32, #tpu.memory_space<vmem>>
      %dma_start3A_393 = tpu.memref_squeeze %dma_start3A_392 : memref<1x64xi32, #tpu.memory_space<vmem>> -> memref<64xi32, #tpu.memory_space<vmem>>
      %dma_start3A_394 = arith.constant 0 : i32
      %dma_start3A_395 = arith.constant 0 : i32
      %dma_start3A_396 = tpu.memref_slice %arg18[%dma_start3A_394, %dma_start3A_395] : memref<10240x128xf32, #tpu.memory_space<vmem_shared>> -> memref<10240x128xf32, #tpu.memory_space<vmem_shared>>
      tpu.enqueue_indirect_dma source(%dma_start3A_390 : memref<64x128xf32, #tpu.memory_space<vmem>>) target(%dma_start3A_396 : memref<10240x128xf32, #tpu.memory_space<vmem_shared>>) offsets(%dma_start3A_393 : memref<64xi32, #tpu.memory_space<vmem>>) semaphore(%arg15 : memref<!tpu.dma_semaphore, #tpu.memory_space<semaphore_mem>>) {add = true}
      %mul3A_397 = arith.constant 4 : i32
      %mul3A_398 = arith.muli %mul3A_397, %scan3A_345 : i32
      %add3A_399 = arith.constant 2 : i32
      %add3A_400 = arith.addi %mul3A_398, %add3A_399 : i32
      %dma_wait3A_401 = arith.constant 2 : i32
      %dma_wait3A_402 = arith.constant 0 : i32
      %dma_wait3A_403 = arith.constant 0 : i32
      %dma_wait3A_404 = tpu.memref_slice %arg9[%dma_wait3A_401, %dma_wait3A_402, %dma_wait3A_403] : memref<4x64x128xf32, #tpu.memory_space<vmem>> -> memref<1x64x128xf32, #tpu.memory_space<vmem>>
      %dma_wait3A_405 = tpu.memref_squeeze %dma_wait3A_404 : memref<1x64x128xf32, #tpu.memory_space<vmem>> -> memref<64x128xf32, #tpu.memory_space<vmem>>
      %dma_wait3A_406 = arith.constant 0 : i32
      %dma_wait3A_407 = tpu.memref_slice %arg7[%add3A_400, %dma_wait3A_406] : memref<40x64xi32, #tpu.memory_space<vmem>> -> memref<1x64xi32, #tpu.memory_space<vmem>>
      %dma_wait3A_408 = tpu.memref_squeeze %dma_wait3A_407 : memref<1x64xi32, #tpu.memory_space<vmem>> -> memref<64xi32, #tpu.memory_space<vmem>>
      %dma_wait3A_409 = arith.constant 0 : i32
      %dma_wait3A_410 = arith.constant 0 : i32
      %dma_wait3A_411 = tpu.memref_slice %arg2[%dma_wait3A_409, %dma_wait3A_410] : memref<10000x128xf32, #tpu.memory_space<hbm>> -> memref<10000x128xf32, #tpu.memory_space<hbm>>
      tpu.wait_indirect_dma semaphore(%arg12 : memref<!tpu.dma_semaphore, #tpu.memory_space<semaphore_mem>>) src(%dma_wait3A_411 : memref<10000x128xf32, #tpu.memory_space<hbm>>) dst(%dma_wait3A_405 : memref<64x128xf32, #tpu.memory_space<vmem>>)
      %dma_start3A_412 = arith.constant 2 : i32
      %dma_start3A_413 = arith.constant 0 : i32
      %dma_start3A_414 = arith.constant 0 : i32
      %dma_start3A_415 = tpu.memref_slice %arg9[%dma_start3A_412, %dma_start3A_413, %dma_start3A_414] : memref<4x64x128xf32, #tpu.memory_space<vmem>> -> memref<1x64x128xf32, #tpu.memory_space<vmem>>
      %dma_start3A_416 = tpu.memref_squeeze %dma_start3A_415 : memref<1x64x128xf32, #tpu.memory_space<vmem>> -> memref<64x128xf32, #tpu.memory_space<vmem>>
      %dma_start3A_417 = arith.constant 0 : i32
      %dma_start3A_418 = tpu.memref_slice %arg8[%add3A_400, %dma_start3A_417] : memref<40x64xi32, #tpu.memory_space<vmem>> -> memref<1x64xi32, #tpu.memory_space<vmem>>
      %dma_start3A_419 = tpu.memref_squeeze %dma_start3A_418 : memref<1x64xi32, #tpu.memory_space<vmem>> -> memref<64xi32, #tpu.memory_space<vmem>>
      %dma_start3A_420 = arith.constant 0 : i32
      %dma_start3A_421 = arith.constant 0 : i32
      %dma_start3A_422 = tpu.memref_slice %arg18[%dma_start3A_420, %dma_start3A_421] : memref<10240x128xf32, #tpu.memory_space<vmem_shared>> -> memref<10240x128xf32, #tpu.memory_space<vmem_shared>>
      tpu.enqueue_indirect_dma source(%dma_start3A_416 : memref<64x128xf32, #tpu.memory_space<vmem>>) target(%dma_start3A_422 : memref<10240x128xf32, #tpu.memory_space<vmem_shared>>) offsets(%dma_start3A_419 : memref<64xi32, #tpu.memory_space<vmem>>) semaphore(%arg16 : memref<!tpu.dma_semaphore, #tpu.memory_space<semaphore_mem>>) {add = true}
      %mul3A_423 = arith.constant 4 : i32
      %mul3A_424 = arith.muli %mul3A_423, %scan3A_345 : i32
      %add3A_425 = arith.constant 3 : i32
      %add3A_426 = arith.addi %mul3A_424, %add3A_425 : i32
      %dma_wait3A_427 = arith.constant 3 : i32
      %dma_wait3A_428 = arith.constant 0 : i32
      %dma_wait3A_429 = arith.constant 0 : i32
      %dma_wait3A_430 = tpu.memref_slice %arg9[%dma_wait3A_427, %dma_wait3A_428, %dma_wait3A_429] : memref<4x64x128xf32, #tpu.memory_space<vmem>> -> memref<1x64x128xf32, #tpu.memory_space<vmem>>
      %dma_wait3A_431 = tpu.memref_squeeze %dma_wait3A_430 : memref<1x64x128xf32, #tpu.memory_space<vmem>> -> memref<64x128xf32, #tpu.memory_space<vmem>>
      %dma_wait3A_432 = arith.constant 0 : i32
      %dma_wait3A_433 = tpu.memref_slice %arg7[%add3A_426, %dma_wait3A_432] : memref<40x64xi32, #tpu.memory_space<vmem>> -> memref<1x64xi32, #tpu.memory_space<vmem>>
      %dma_wait3A_434 = tpu.memref_squeeze %dma_wait3A_433 : memref<1x64xi32, #tpu.memory_space<vmem>> -> memref<64xi32, #tpu.memory_space<vmem>>
      %dma_wait3A_435 = arith.constant 0 : i32
      %dma_wait3A_436 = arith.constant 0 : i32
      %dma_wait3A_437 = tpu.memref_slice %arg2[%dma_wait3A_435, %dma_wait3A_436] : memref<10000x128xf32, #tpu.memory_space<hbm>> -> memref<10000x128xf32, #tpu.memory_space<hbm>>
      tpu.wait_indirect_dma semaphore(%arg13 : memref<!tpu.dma_semaphore, #tpu.memory_space<semaphore_mem>>) src(%dma_wait3A_437 : memref<10000x128xf32, #tpu.memory_space<hbm>>) dst(%dma_wait3A_431 : memref<64x128xf32, #tpu.memory_space<vmem>>)
      %dma_start3A_438 = arith.constant 3 : i32
      %dma_start3A_439 = arith.constant 0 : i32
      %dma_start3A_440 = arith.constant 0 : i32
      %dma_start3A_441 = tpu.memref_slice %arg9[%dma_start3A_438, %dma_start3A_439, %dma_start3A_440] : memref<4x64x128xf32, #tpu.memory_space<vmem>> -> memref<1x64x128xf32, #tpu.memory_space<vmem>>
      %dma_start3A_442 = tpu.memref_squeeze %dma_start3A_441 : memref<1x64x128xf32, #tpu.memory_space<vmem>> -> memref<64x128xf32, #tpu.memory_space<vmem>>
      %dma_start3A_443 = arith.constant 0 : i32
      %dma_start3A_444 = tpu.memref_slice %arg8[%add3A_426, %dma_start3A_443] : memref<40x64xi32, #tpu.memory_space<vmem>> -> memref<1x64xi32, #tpu.memory_space<vmem>>
      %dma_start3A_445 = tpu.memref_squeeze %dma_start3A_444 : memref<1x64xi32, #tpu.memory_space<vmem>> -> memref<64xi32, #tpu.memory_space<vmem>>
      %dma_start3A_446 = arith.constant 0 : i32
      %dma_start3A_447 = arith.constant 0 : i32
      %dma_start3A_448 = tpu.memref_slice %arg18[%dma_start3A_446, %dma_start3A_447] : memref<10240x128xf32, #tpu.memory_space<vmem_shared>> -> memref<10240x128xf32, #tpu.memory_space<vmem_shared>>
      tpu.enqueue_indirect_dma source(%dma_start3A_442 : memref<64x128xf32, #tpu.memory_space<vmem>>) target(%dma_start3A_448 : memref<10240x128xf32, #tpu.memory_space<vmem_shared>>) offsets(%dma_start3A_445 : memref<64xi32, #tpu.memory_space<vmem>>) semaphore(%arg17 : memref<!tpu.dma_semaphore, #tpu.memory_space<semaphore_mem>>) {add = true}
      %mul3A_449 = arith.constant 4 : i32
      %mul3A_450 = arith.muli %mul3A_449, %scan3A_345 : i32
      %add3A_451 = arith.constant 0 : i32
      %add3A_452 = arith.addi %mul3A_450, %add3A_451 : i32
      %dma_wait3A_453 = arith.constant 0 : i32
      %dma_wait3A_454 = arith.constant 0 : i32
      %dma_wait3A_455 = arith.constant 0 : i32
      %dma_wait3A_456 = tpu.memref_slice %arg9[%dma_wait3A_453, %dma_wait3A_454, %dma_wait3A_455] : memref<4x64x128xf32, #tpu.memory_space<vmem>> -> memref<1x64x128xf32, #tpu.memory_space<vmem>>
      %dma_wait3A_457 = tpu.memref_squeeze %dma_wait3A_456 : memref<1x64x128xf32, #tpu.memory_space<vmem>> -> memref<64x128xf32, #tpu.memory_space<vmem>>
      %dma_wait3A_458 = arith.constant 0 : i32
      %dma_wait3A_459 = tpu.memref_slice %arg8[%add3A_452, %dma_wait3A_458] : memref<40x64xi32, #tpu.memory_space<vmem>> -> memref<1x64xi32, #tpu.memory_space<vmem>>
      %dma_wait3A_460 = tpu.memref_squeeze %dma_wait3A_459 : memref<1x64xi32, #tpu.memory_space<vmem>> -> memref<64xi32, #tpu.memory_space<vmem>>
      %dma_wait3A_461 = arith.constant 0 : i32
      %dma_wait3A_462 = arith.constant 0 : i32
      %dma_wait3A_463 = tpu.memref_slice %arg18[%dma_wait3A_461, %dma_wait3A_462] : memref<10240x128xf32, #tpu.memory_space<vmem_shared>> -> memref<10240x128xf32, #tpu.memory_space<vmem_shared>>
      tpu.wait_indirect_dma semaphore(%arg14 : memref<!tpu.dma_semaphore, #tpu.memory_space<semaphore_mem>>) src(%dma_wait3A_457 : memref<64x128xf32, #tpu.memory_space<vmem>>) dst(%dma_wait3A_463 : memref<10240x128xf32, #tpu.memory_space<vmem_shared>>)
      %lt3A = arith.constant 9 : i32
      %lt3A_464 = arith.cmpi slt, %scan3A_345, %lt3A : i32
      %convert_element_type3A = arith.extui %lt3A_464 : i1 to i32
      %cond3A = arith.constant 0 : i32
      %cond3A_465 = arith.cmpi ne, %convert_element_type3A, %cond3A : i32
      scf.if %cond3A_465 {
        %add3A_526 = arith.constant 4 : i32
        %add3A_527 = arith.addi %add3A_452, %add3A_526 : i32
        %dma_start3A_528 = arith.constant 0 : i32
        %dma_start3A_529 = arith.constant 0 : i32
        %dma_start3A_530 = arith.constant 0 : i32
        %dma_start3A_531 = tpu.memref_slice %arg9[%dma_start3A_528, %dma_start3A_529, %dma_start3A_530] : memref<4x64x128xf32, #tpu.memory_space<vmem>> -> memref<1x64x128xf32, #tpu.memory_space<vmem>>
        %dma_start3A_532 = tpu.memref_squeeze %dma_start3A_531 : memref<1x64x128xf32, #tpu.memory_space<vmem>> -> memref<64x128xf32, #tpu.memory_space<vmem>>
        %dma_start3A_533 = arith.constant 0 : i32
        %dma_start3A_534 = tpu.memref_slice %arg7[%add3A_527, %dma_start3A_533] : memref<40x64xi32, #tpu.memory_space<vmem>> -> memref<1x64xi32, #tpu.memory_space<vmem>>
        %dma_start3A_535 = tpu.memref_squeeze %dma_start3A_534 : memref<1x64xi32, #tpu.memory_space<vmem>> -> memref<64xi32, #tpu.memory_space<vmem>>
        %dma_start3A_536 = arith.constant 0 : i32
        %dma_start3A_537 = arith.constant 0 : i32
        %dma_start3A_538 = tpu.memref_slice %arg2[%dma_start3A_536, %dma_start3A_537] : memref<10000x128xf32, #tpu.memory_space<hbm>> -> memref<10000x128xf32, #tpu.memory_space<hbm>>
        tpu.enqueue_indirect_dma source(%dma_start3A_538 : memref<10000x128xf32, #tpu.memory_space<hbm>>) target(%dma_start3A_532 : memref<64x128xf32, #tpu.memory_space<vmem>>) offsets(%dma_start3A_535 : memref<64xi32, #tpu.memory_space<vmem>>) semaphore(%arg10 : memref<!tpu.dma_semaphore, #tpu.memory_space<semaphore_mem>>)
      } else {
      }
      %mul3A_466 = arith.constant 4 : i32
      %mul3A_467 = arith.muli %mul3A_466, %scan3A_345 : i32
      %add3A_468 = arith.constant 1 : i32
      %add3A_469 = arith.addi %mul3A_467, %add3A_468 : i32
      %dma_wait3A_470 = arith.constant 1 : i32
      %dma_wait3A_471 = arith.constant 0 : i32
      %dma_wait3A_472 = arith.constant 0 : i32
      %dma_wait3A_473 = tpu.memref_slice %arg9[%dma_wait3A_470, %dma_wait3A_471, %dma_wait3A_472] : memref<4x64x128xf32, #tpu.memory_space<vmem>> -> memref<1x64x128xf32, #tpu.memory_space<vmem>>
      %dma_wait3A_474 = tpu.memref_squeeze %dma_wait3A_473 : memref<1x64x128xf32, #tpu.memory_space<vmem>> -> memref<64x128xf32, #tpu.memory_space<vmem>>
      %dma_wait3A_475 = arith.constant 0 : i32
      %dma_wait3A_476 = tpu.memref_slice %arg8[%add3A_469, %dma_wait3A_475] : memref<40x64xi32, #tpu.memory_space<vmem>> -> memref<1x64xi32, #tpu.memory_space<vmem>>
      %dma_wait3A_477 = tpu.memref_squeeze %dma_wait3A_476 : memref<1x64xi32, #tpu.memory_space<vmem>> -> memref<64xi32, #tpu.memory_space<vmem>>
      %dma_wait3A_478 = arith.constant 0 : i32
      %dma_wait3A_479 = arith.constant 0 : i32
      %dma_wait3A_480 = tpu.memref_slice %arg18[%dma_wait3A_478, %dma_wait3A_479] : memref<10240x128xf32, #tpu.memory_space<vmem_shared>> -> memref<10240x128xf32, #tpu.memory_space<vmem_shared>>
      tpu.wait_indirect_dma semaphore(%arg15 : memref<!tpu.dma_semaphore, #tpu.memory_space<semaphore_mem>>) src(%dma_wait3A_474 : memref<64x128xf32, #tpu.memory_space<vmem>>) dst(%dma_wait3A_480 : memref<10240x128xf32, #tpu.memory_space<vmem_shared>>)
      %lt3A_481 = arith.constant 9 : i32
      %lt3A_482 = arith.cmpi slt, %scan3A_345, %lt3A_481 : i32
      %convert_element_type3A_483 = arith.extui %lt3A_482 : i1 to i32
      %cond3A_484 = arith.constant 0 : i32
      %cond3A_485 = arith.cmpi ne, %convert_element_type3A_483, %cond3A_484 : i32
      scf.if %cond3A_485 {
        %add3A_526 = arith.constant 4 : i32
        %add3A_527 = arith.addi %add3A_469, %add3A_526 : i32
        %dma_start3A_528 = arith.constant 1 : i32
        %dma_start3A_529 = arith.constant 0 : i32
        %dma_start3A_530 = arith.constant 0 : i32
        %dma_start3A_531 = tpu.memref_slice %arg9[%dma_start3A_528, %dma_start3A_529, %dma_start3A_530] : memref<4x64x128xf32, #tpu.memory_space<vmem>> -> memref<1x64x128xf32, #tpu.memory_space<vmem>>
        %dma_start3A_532 = tpu.memref_squeeze %dma_start3A_531 : memref<1x64x128xf32, #tpu.memory_space<vmem>> -> memref<64x128xf32, #tpu.memory_space<vmem>>
        %dma_start3A_533 = arith.constant 0 : i32
        %dma_start3A_534 = tpu.memref_slice %arg7[%add3A_527, %dma_start3A_533] : memref<40x64xi32, #tpu.memory_space<vmem>> -> memref<1x64xi32, #tpu.memory_space<vmem>>
        %dma_start3A_535 = tpu.memref_squeeze %dma_start3A_534 : memref<1x64xi32, #tpu.memory_space<vmem>> -> memref<64xi32, #tpu.memory_space<vmem>>
        %dma_start3A_536 = arith.constant 0 : i32
        %dma_start3A_537 = arith.constant 0 : i32
        %dma_start3A_538 = tpu.memref_slice %arg2[%dma_start3A_536, %dma_start3A_537] : memref<10000x128xf32, #tpu.memory_space<hbm>> -> memref<10000x128xf32, #tpu.memory_space<hbm>>
        tpu.enqueue_indirect_dma source(%dma_start3A_538 : memref<10000x128xf32, #tpu.memory_space<hbm>>) target(%dma_start3A_532 : memref<64x128xf32, #tpu.memory_space<vmem>>) offsets(%dma_start3A_535 : memref<64xi32, #tpu.memory_space<vmem>>) semaphore(%arg11 : memref<!tpu.dma_semaphore, #tpu.memory_space<semaphore_mem>>)
      } else {
      }
      %mul3A_486 = arith.constant 4 : i32
      %mul3A_487 = arith.muli %mul3A_486, %scan3A_345 : i32
      %add3A_488 = arith.constant 2 : i32
      %add3A_489 = arith.addi %mul3A_487, %add3A_488 : i32
      %dma_wait3A_490 = arith.constant 2 : i32
      %dma_wait3A_491 = arith.constant 0 : i32
      %dma_wait3A_492 = arith.constant 0 : i32
      %dma_wait3A_493 = tpu.memref_slice %arg9[%dma_wait3A_490, %dma_wait3A_491, %dma_wait3A_492] : memref<4x64x128xf32, #tpu.memory_space<vmem>> -> memref<1x64x128xf32, #tpu.memory_space<vmem>>
      %dma_wait3A_494 = tpu.memref_squeeze %dma_wait3A_493 : memref<1x64x128xf32, #tpu.memory_space<vmem>> -> memref<64x128xf32, #tpu.memory_space<vmem>>
      %dma_wait3A_495 = arith.constant 0 : i32
      %dma_wait3A_496 = tpu.memref_slice %arg8[%add3A_489, %dma_wait3A_495] : memref<40x64xi32, #tpu.memory_space<vmem>> -> memref<1x64xi32, #tpu.memory_space<vmem>>
      %dma_wait3A_497 = tpu.memref_squeeze %dma_wait3A_496 : memref<1x64xi32, #tpu.memory_space<vmem>> -> memref<64xi32, #tpu.memory_space<vmem>>
      %dma_wait3A_498 = arith.constant 0 : i32
      %dma_wait3A_499 = arith.constant 0 : i32
      %dma_wait3A_500 = tpu.memref_slice %arg18[%dma_wait3A_498, %dma_wait3A_499] : memref<10240x128xf32, #tpu.memory_space<vmem_shared>> -> memref<10240x128xf32, #tpu.memory_space<vmem_shared>>
      tpu.wait_indirect_dma semaphore(%arg16 : memref<!tpu.dma_semaphore, #tpu.memory_space<semaphore_mem>>) src(%dma_wait3A_494 : memref<64x128xf32, #tpu.memory_space<vmem>>) dst(%dma_wait3A_500 : memref<10240x128xf32, #tpu.memory_space<vmem_shared>>)
      %lt3A_501 = arith.constant 9 : i32
      %lt3A_502 = arith.cmpi slt, %scan3A_345, %lt3A_501 : i32
      %convert_element_type3A_503 = arith.extui %lt3A_502 : i1 to i32
      %cond3A_504 = arith.constant 0 : i32
      %cond3A_505 = arith.cmpi ne, %convert_element_type3A_503, %cond3A_504 : i32
      scf.if %cond3A_505 {
        %add3A_526 = arith.constant 4 : i32
        %add3A_527 = arith.addi %add3A_489, %add3A_526 : i32
        %dma_start3A_528 = arith.constant 2 : i32
        %dma_start3A_529 = arith.constant 0 : i32
        %dma_start3A_530 = arith.constant 0 : i32
        %dma_start3A_531 = tpu.memref_slice %arg9[%dma_start3A_528, %dma_start3A_529, %dma_start3A_530] : memref<4x64x128xf32, #tpu.memory_space<vmem>> -> memref<1x64x128xf32, #tpu.memory_space<vmem>>
        %dma_start3A_532 = tpu.memref_squeeze %dma_start3A_531 : memref<1x64x128xf32, #tpu.memory_space<vmem>> -> memref<64x128xf32, #tpu.memory_space<vmem>>
        %dma_start3A_533 = arith.constant 0 : i32
        %dma_start3A_534 = tpu.memref_slice %arg7[%add3A_527, %dma_start3A_533] : memref<40x64xi32, #tpu.memory_space<vmem>> -> memref<1x64xi32, #tpu.memory_space<vmem>>
        %dma_start3A_535 = tpu.memref_squeeze %dma_start3A_534 : memref<1x64xi32, #tpu.memory_space<vmem>> -> memref<64xi32, #tpu.memory_space<vmem>>
        %dma_start3A_536 = arith.constant 0 : i32
        %dma_start3A_537 = arith.constant 0 : i32
        %dma_start3A_538 = tpu.memref_slice %arg2[%dma_start3A_536, %dma_start3A_537] : memref<10000x128xf32, #tpu.memory_space<hbm>> -> memref<10000x128xf32, #tpu.memory_space<hbm>>
        tpu.enqueue_indirect_dma source(%dma_start3A_538 : memref<10000x128xf32, #tpu.memory_space<hbm>>) target(%dma_start3A_532 : memref<64x128xf32, #tpu.memory_space<vmem>>) offsets(%dma_start3A_535 : memref<64xi32, #tpu.memory_space<vmem>>) semaphore(%arg12 : memref<!tpu.dma_semaphore, #tpu.memory_space<semaphore_mem>>)
      } else {
      }
      %mul3A_506 = arith.constant 4 : i32
      %mul3A_507 = arith.muli %mul3A_506, %scan3A_345 : i32
      %add3A_508 = arith.constant 3 : i32
      %add3A_509 = arith.addi %mul3A_507, %add3A_508 : i32
      %dma_wait3A_510 = arith.constant 3 : i32
      %dma_wait3A_511 = arith.constant 0 : i32
      %dma_wait3A_512 = arith.constant 0 : i32
      %dma_wait3A_513 = tpu.memref_slice %arg9[%dma_wait3A_510, %dma_wait3A_511, %dma_wait3A_512] : memref<4x64x128xf32, #tpu.memory_space<vmem>> -> memref<1x64x128xf32, #tpu.memory_space<vmem>>
      %dma_wait3A_514 = tpu.memref_squeeze %dma_wait3A_513 : memref<1x64x128xf32, #tpu.memory_space<vmem>> -> memref<64x128xf32, #tpu.memory_space<vmem>>
      %dma_wait3A_515 = arith.constant 0 : i32
      %dma_wait3A_516 = tpu.memref_slice %arg8[%add3A_509, %dma_wait3A_515] : memref<40x64xi32, #tpu.memory_space<vmem>> -> memref<1x64xi32, #tpu.memory_space<vmem>>
      %dma_wait3A_517 = tpu.memref_squeeze %dma_wait3A_516 : memref<1x64xi32, #tpu.memory_space<vmem>> -> memref<64xi32, #tpu.memory_space<vmem>>
      %dma_wait3A_518 = arith.constant 0 : i32
      %dma_wait3A_519 = arith.constant 0 : i32
      %dma_wait3A_520 = tpu.memref_slice %arg18[%dma_wait3A_518, %dma_wait3A_519] : memref<10240x128xf32, #tpu.memory_space<vmem_shared>> -> memref<10240x128xf32, #tpu.memory_space<vmem_shared>>
      tpu.wait_indirect_dma semaphore(%arg17 : memref<!tpu.dma_semaphore, #tpu.memory_space<semaphore_mem>>) src(%dma_wait3A_514 : memref<64x128xf32, #tpu.memory_space<vmem>>) dst(%dma_wait3A_520 : memref<10240x128xf32, #tpu.memory_space<vmem_shared>>)
      %lt3A_521 = arith.constant 9 : i32
      %lt3A_522 = arith.cmpi slt, %scan3A_345, %lt3A_521 : i32
      %convert_element_type3A_523 = arith.extui %lt3A_522 : i1 to i32
      %cond3A_524 = arith.constant 0 : i32
      %cond3A_525 = arith.cmpi ne, %convert_element_type3A_523, %cond3A_524 : i32
      scf.if %cond3A_525 {
        %add3A_526 = arith.constant 4 : i32
        %add3A_527 = arith.addi %add3A_509, %add3A_526 : i32
        %dma_start3A_528 = arith.constant 3 : i32
        %dma_start3A_529 = arith.constant 0 : i32
        %dma_start3A_530 = arith.constant 0 : i32
        %dma_start3A_531 = tpu.memref_slice %arg9[%dma_start3A_528, %dma_start3A_529, %dma_start3A_530] : memref<4x64x128xf32, #tpu.memory_space<vmem>> -> memref<1x64x128xf32, #tpu.memory_space<vmem>>
        %dma_start3A_532 = tpu.memref_squeeze %dma_start3A_531 : memref<1x64x128xf32, #tpu.memory_space<vmem>> -> memref<64x128xf32, #tpu.memory_space<vmem>>
        %dma_start3A_533 = arith.constant 0 : i32
        %dma_start3A_534 = tpu.memref_slice %arg7[%add3A_527, %dma_start3A_533] : memref<40x64xi32, #tpu.memory_space<vmem>> -> memref<1x64xi32, #tpu.memory_space<vmem>>
        %dma_start3A_535 = tpu.memref_squeeze %dma_start3A_534 : memref<1x64xi32, #tpu.memory_space<vmem>> -> memref<64xi32, #tpu.memory_space<vmem>>
        %dma_start3A_536 = arith.constant 0 : i32
        %dma_start3A_537 = arith.constant 0 : i32
        %dma_start3A_538 = tpu.memref_slice %arg2[%dma_start3A_536, %dma_start3A_537] : memref<10000x128xf32, #tpu.memory_space<hbm>> -> memref<10000x128xf32, #tpu.memory_space<hbm>>
        tpu.enqueue_indirect_dma source(%dma_start3A_538 : memref<10000x128xf32, #tpu.memory_space<hbm>>) target(%dma_start3A_532 : memref<64x128xf32, #tpu.memory_space<vmem>>) offsets(%dma_start3A_535 : memref<64xi32, #tpu.memory_space<vmem>>) semaphore(%arg13 : memref<!tpu.dma_semaphore, #tpu.memory_space<semaphore_mem>>)
      } else {
      }
    }
    %scan3A_250 = arith.constant 10 : i32
    %add3A_251 = arith.constant 1 : i32
    %add3A_252 = arith.addi %add3A_244, %add3A_251 : i32
    "tpu.region"() ({
      %run_scoped3A_345 = tpu.sem_alloc : memref<!tpu.dma_semaphore, #tpu.memory_space<semaphore_mem>>
      %dma_start3A_346 = arith.constant 0 : i32
      %dma_start3A_347 = arith.constant 0 : i32
      %dma_start3A_348 = tpu.memref_slice %arg3[%add3A_252, %arg1, %dma_start3A_346, %dma_start3A_347] : memref<8x16x40x64xi32, #tpu.memory_space<hbm>> -> memref<1x1x40x64xi32, #tpu.memory_space<hbm>>
      %dma_start3A_349 = tpu.memref_squeeze %dma_start3A_348 : memref<1x1x40x64xi32, #tpu.memory_space<hbm>> -> memref<40x64xi32, #tpu.memory_space<hbm>>
      %dma_start3A_350 = arith.constant 0 : i32
      %dma_start3A_351 = arith.constant 0 : i32
      %dma_start3A_352 = tpu.memref_slice %arg3[%add3A_252, %arg1, %dma_start3A_350, %dma_start3A_351] : memref<8x16x40x64xi32, #tpu.memory_space<hbm>> -> memref<1x1x40x64xi32, #tpu.memory_space<hbm>>
      %dma_start3A_353 = tpu.memref_squeeze %dma_start3A_352 : memref<1x1x40x64xi32, #tpu.memory_space<hbm>> -> memref<40x64xi32, #tpu.memory_space<hbm>>
      tpu.enqueue_dma source(%dma_start3A_353 : memref<40x64xi32, #tpu.memory_space<hbm>>) target(%arg7 : memref<40x64xi32, #tpu.memory_space<vmem>>) target_semaphore(%run_scoped3A_345 : memref<!tpu.dma_semaphore, #tpu.memory_space<semaphore_mem>>)
      %dma_wait3A = arith.constant 0 : i32
      %dma_wait3A_354 = arith.constant 0 : i32
      %dma_wait3A_355 = tpu.memref_slice %arg3[%add3A_252, %arg1, %dma_wait3A, %dma_wait3A_354] : memref<8x16x40x64xi32, #tpu.memory_space<hbm>> -> memref<1x1x40x64xi32, #tpu.memory_space<hbm>>
      %dma_wait3A_356 = tpu.memref_squeeze %dma_wait3A_355 : memref<1x1x40x64xi32, #tpu.memory_space<hbm>> -> memref<40x64xi32, #tpu.memory_space<hbm>>
      %dma_wait3A_357 = arith.constant 0 : i32
      %dma_wait3A_358 = arith.constant 0 : i32
      %dma_wait3A_359 = tpu.memref_slice %arg3[%add3A_252, %arg1, %dma_wait3A_357, %dma_wait3A_358] : memref<8x16x40x64xi32, #tpu.memory_space<hbm>> -> memref<1x1x40x64xi32, #tpu.memory_space<hbm>>
      %dma_wait3A_360 = tpu.memref_squeeze %dma_wait3A_359 : memref<1x1x40x64xi32, #tpu.memory_space<hbm>> -> memref<40x64xi32, #tpu.memory_space<hbm>>
      tpu.wait_dma2 semaphore(%run_scoped3A_345 : memref<!tpu.dma_semaphore, #tpu.memory_space<semaphore_mem>>) src(%dma_wait3A_360 : memref<40x64xi32, #tpu.memory_space<hbm>>) dst(%arg7 : memref<40x64xi32, #tpu.memory_space<vmem>>)
      tpu.yield
    }) : () -> ()
    %dma_start3A_253 = arith.constant 1 : i32
    %dma_start3A_254 = arith.constant 1 : i32
    %dma_start3A_255 = arith.constant 0 : i32
    %dma_start3A_256 = arith.constant 0 : i32
    %dma_start3A_257 = tpu.memref_slice %arg9[%dma_start3A_254, %dma_start3A_255, %dma_start3A_256] : memref<4x64x128xf32, #tpu.memory_space<vmem>> -> memref<1x64x128xf32, #tpu.memory_space<vmem>>
    %dma_start3A_258 = tpu.memref_squeeze %dma_start3A_257 : memref<1x64x128xf32, #tpu.memory_space<vmem>> -> memref<64x128xf32, #tpu.memory_space<vmem>>
    %dma_start3A_259 = arith.constant 0 : i32
    %dma_start3A_260 = tpu.memref_slice %arg7[%dma_start3A_253, %dma_start3A_259] : memref<40x64xi32, #tpu.memory_space<vmem>> -> memref<1x64xi32, #tpu.memory_space<vmem>>
    %dma_start3A_261 = tpu.memref_squeeze %dma_start3A_260 : memref<1x64xi32, #tpu.memory_space<vmem>> -> memref<64xi32, #tpu.memory_space<vmem>>
    %dma_start3A_262 = arith.constant 0 : i32
    %dma_start3A_263 = arith.constant 0 : i32
    %dma_start3A_264 = tpu.memref_slice %arg2[%dma_start3A_262, %dma_start3A_263] : memref<10000x128xf32, #tpu.memory_space<hbm>> -> memref<10000x128xf32, #tpu.memory_space<hbm>>
    tpu.enqueue_indirect_dma source(%dma_start3A_264 : memref<10000x128xf32, #tpu.memory_space<hbm>>) target(%dma_start3A_258 : memref<64x128xf32, #tpu.memory_space<vmem>>) offsets(%dma_start3A_261 : memref<64xi32, #tpu.memory_space<vmem>>) semaphore(%arg11 : memref<!tpu.dma_semaphore, #tpu.memory_space<semaphore_mem>>)
    %dma_start3A_265 = arith.constant 2 : i32
    %dma_start3A_266 = arith.constant 2 : i32
    %dma_start3A_267 = arith.constant 0 : i32
    %dma_start3A_268 = arith.constant 0 : i32
    %dma_start3A_269 = tpu.memref_slice %arg9[%dma_start3A_266, %dma_start3A_267, %dma_start3A_268] : memref<4x64x128xf32, #tpu.memory_space<vmem>> -> memref<1x64x128xf32, #tpu.memory_space<vmem>>
    %dma_start3A_270 = tpu.memref_squeeze %dma_start3A_269 : memref<1x64x128xf32, #tpu.memory_space<vmem>> -> memref<64x128xf32, #tpu.memory_space<vmem>>
    %dma_start3A_271 = arith.constant 0 : i32
    %dma_start3A_272 = tpu.memref_slice %arg7[%dma_start3A_265, %dma_start3A_271] : memref<40x64xi32, #tpu.memory_space<vmem>> -> memref<1x64xi32, #tpu.memory_space<vmem>>
    %dma_start3A_273 = tpu.memref_squeeze %dma_start3A_272 : memref<1x64xi32, #tpu.memory_space<vmem>> -> memref<64xi32, #tpu.memory_space<vmem>>
    %dma_start3A_274 = arith.constant 0 : i32
    %dma_start3A_275 = arith.constant 0 : i32
    %dma_start3A_276 = tpu.memref_slice %arg2[%dma_start3A_274, %dma_start3A_275] : memref<10000x128xf32, #tpu.memory_space<hbm>> -> memref<10000x128xf32, #tpu.memory_space<hbm>>
    tpu.enqueue_indirect_dma source(%dma_start3A_276 : memref<10000x128xf32, #tpu.memory_space<hbm>>) target(%dma_start3A_270 : memref<64x128xf32, #tpu.memory_space<vmem>>) offsets(%dma_start3A_273 : memref<64xi32, #tpu.memory_space<vmem>>) semaphore(%arg12 : memref<!tpu.dma_semaphore, #tpu.memory_space<semaphore_mem>>)
    %dma_start3A_277 = arith.constant 3 : i32
    %dma_start3A_278 = arith.constant 3 : i32
    %dma_start3A_279 = arith.constant 0 : i32
    %dma_start3A_280 = arith.constant 0 : i32
    %dma_start3A_281 = tpu.memref_slice %arg9[%dma_start3A_278, %dma_start3A_279, %dma_start3A_280] : memref<4x64x128xf32, #tpu.memory_space<vmem>> -> memref<1x64x128xf32, #tpu.memory_space<vmem>>
    %dma_start3A_282 = tpu.memref_squeeze %dma_start3A_281 : memref<1x64x128xf32, #tpu.memory_space<vmem>> -> memref<64x128xf32, #tpu.memory_space<vmem>>
    %dma_start3A_283 = arith.constant 0 : i32
    %dma_start3A_284 = tpu.memref_slice %arg7[%dma_start3A_277, %dma_start3A_283] : memref<40x64xi32, #tpu.memory_space<vmem>> -> memref<1x64xi32, #tpu.memory_space<vmem>>
    %dma_start3A_285 = tpu.memref_squeeze %dma_start3A_284 : memref<1x64xi32, #tpu.memory_space<vmem>> -> memref<64xi32, #tpu.memory_space<vmem>>
    %dma_start3A_286 = arith.constant 0 : i32
    %dma_start3A_287 = arith.constant 0 : i32
    %dma_start3A_288 = tpu.memref_slice %arg2[%dma_start3A_286, %dma_start3A_287] : memref<10000x128xf32, #tpu.memory_space<hbm>> -> memref<10000x128xf32, #tpu.memory_space<hbm>>
    tpu.enqueue_indirect_dma source(%dma_start3A_288 : memref<10000x128xf32, #tpu.memory_space<hbm>>) target(%dma_start3A_282 : memref<64x128xf32, #tpu.memory_space<vmem>>) offsets(%dma_start3A_285 : memref<64xi32, #tpu.memory_space<vmem>>) semaphore(%arg13 : memref<!tpu.dma_semaphore, #tpu.memory_space<semaphore_mem>>)
    %barrier3A_289 = arith.constant 0 : index
    tpu.barrier barrier_id(%barrier3A_289)
    "tpu.region"() ({
      %run_scoped3A_345 = tpu.sem_alloc : memref<!tpu.dma_semaphore, #tpu.memory_space<semaphore_mem>>
      %dma_start3A_346 = arith.constant 0 : i32
      %dma_start3A_347 = tpu.memref_slice %arg5[%add3A_244, %mul3A_0, %dma_start3A_346] : memref<8x10240x128xf32, #tpu.memory_space<hbm>> -> memref<1x640x128xf32, #tpu.memory_space<hbm>>
      %dma_start3A_348 = tpu.memref_squeeze %dma_start3A_347 : memref<1x640x128xf32, #tpu.memory_space<hbm>> -> memref<640x128xf32, #tpu.memory_space<hbm>>
      %dma_start3A_349 = arith.constant 0 : i32
      %dma_start3A_350 = tpu.memref_slice %arg18[%mul3A_0, %dma_start3A_349] : memref<10240x128xf32, #tpu.memory_space<vmem_shared>> -> memref<640x128xf32, #tpu.memory_space<vmem_shared>>
      tpu.enqueue_dma source(%dma_start3A_350 : memref<640x128xf32, #tpu.memory_space<vmem_shared>>) target(%dma_start3A_348 : memref<640x128xf32, #tpu.memory_space<hbm>>) target_semaphore(%run_scoped3A_345 : memref<!tpu.dma_semaphore, #tpu.memory_space<semaphore_mem>>)
      %dma_wait3A = arith.constant 0 : i32
      %dma_wait3A_351 = tpu.memref_slice %arg5[%add3A_244, %mul3A_0, %dma_wait3A] : memref<8x10240x128xf32, #tpu.memory_space<hbm>> -> memref<1x640x128xf32, #tpu.memory_space<hbm>>
      %dma_wait3A_352 = tpu.memref_squeeze %dma_wait3A_351 : memref<1x640x128xf32, #tpu.memory_space<hbm>> -> memref<640x128xf32, #tpu.memory_space<hbm>>
      %dma_wait3A_353 = arith.constant 0 : i32
      %dma_wait3A_354 = tpu.memref_slice %arg18[%mul3A_0, %dma_wait3A_353] : memref<10240x128xf32, #tpu.memory_space<vmem_shared>> -> memref<640x128xf32, #tpu.memory_space<vmem_shared>>
      tpu.wait_dma2 semaphore(%run_scoped3A_345 : memref<!tpu.dma_semaphore, #tpu.memory_space<semaphore_mem>>) src(%dma_wait3A_354 : memref<640x128xf32, #tpu.memory_space<vmem_shared>>) dst(%dma_wait3A_352 : memref<640x128xf32, #tpu.memory_space<hbm>>)
      tpu.yield
    }) : () -> ()
    %barrier3A_290 = arith.constant 0 : index
    tpu.barrier barrier_id(%barrier3A_290)
    %scan3A_291 = arith.constant 0 : i32
    %scan3A_292 = arith.constant 0 : i32
    %scan3A_293 = arith.constant 64 : i32
    %scan3A_294 = arith.addi %scan3A_292, %scan3A_293 : i32
    %scan3A_295 = arith.constant 1 : i32
    scf.for %scan3A_345 = %scan3A_292 to %scan3A_294 step %scan3A_295  : i32 {
      %broadcast_in_dim3A = arith.constant 1.000000e+00 : f32
      %broadcast_in_dim3A_346 = vector.broadcast %broadcast_in_dim3A : f32 to vector<16xf32>
      %swap3A = arith.constant 0 : i32
      %swap3A_347 = arith.index_cast %swap3A : i32 to index
      %swap3A_348 = arith.index_cast %scan3A_345 : i32 to index
      %swap3A_349 = arith.constant 0 : index
      %swap3A_350 = tpu.vector_load %arg9[%swap3A_347, %swap3A_348, %swap3A_349] {strides = array<i32>} : memref<4x64x128xf32, #tpu.memory_space<vmem>>, vector<1x1x16xf32>,
      %swap3A_351 = vector.shape_cast %swap3A_350 : vector<1x1x16xf32> to vector<16xf32>
      %swap3A_352 = vector.shape_cast %broadcast_in_dim3A_346 : vector<16xf32> to vector<1x1x16xf32>
      tpu.vector_store %arg9[%swap3A_347, %swap3A_348, %swap3A_349], %swap3A_352 {strides = array<i32>} : memref<4x64x128xf32, #tpu.memory_space<vmem>>, vector<1x1x16xf32>,
      %broadcast_in_dim3A_353 = arith.constant 1.000000e+00 : f32
      %broadcast_in_dim3A_354 = vector.broadcast %broadcast_in_dim3A_353 : f32 to vector<16xf32>
      %swap3A_355 = arith.constant 0 : i32
      %swap3A_356 = arith.index_cast %swap3A_355 : i32 to index
      %swap3A_357 = arith.index_cast %scan3A_345 : i32 to index
      %swap3A_358 = arith.constant 16 : index
      %swap3A_359 = tpu.vector_load %arg9[%swap3A_356, %swap3A_357, %swap3A_358] {strides = array<i32>} : memref<4x64x128xf32, #tpu.memory_space<vmem>>, vector<1x1x16xf32>,
      %swap3A_360 = vector.shape_cast %swap3A_359 : vector<1x1x16xf32> to vector<16xf32>
      %swap3A_361 = vector.shape_cast %broadcast_in_dim3A_354 : vector<16xf32> to vector<1x1x16xf32>
      tpu.vector_store %arg9[%swap3A_356, %swap3A_357, %swap3A_358], %swap3A_361 {strides = array<i32>} : memref<4x64x128xf32, #tpu.memory_space<vmem>>, vector<1x1x16xf32>,
      %broadcast_in_dim3A_362 = arith.constant 1.000000e+00 : f32
      %broadcast_in_dim3A_363 = vector.broadcast %broadcast_in_dim3A_362 : f32 to vector<16xf32>
      %swap3A_364 = arith.constant 0 : i32
      %swap3A_365 = arith.index_cast %swap3A_364 : i32 to index
      %swap3A_366 = arith.index_cast %scan3A_345 : i32 to index
      %swap3A_367 = arith.constant 32 : index
      %swap3A_368 = tpu.vector_load %arg9[%swap3A_365, %swap3A_366, %swap3A_367] {strides = array<i32>} : memref<4x64x128xf32, #tpu.memory_space<vmem>>, vector<1x1x16xf32>,
      %swap3A_369 = vector.shape_cast %swap3A_368 : vector<1x1x16xf32> to vector<16xf32>
      %swap3A_370 = vector.shape_cast %broadcast_in_dim3A_363 : vector<16xf32> to vector<1x1x16xf32>
      tpu.vector_store %arg9[%swap3A_365, %swap3A_366, %swap3A_367], %swap3A_370 {strides = array<i32>} : memref<4x64x128xf32, #tpu.memory_space<vmem>>, vector<1x1x16xf32>,
      %broadcast_in_dim3A_371 = arith.constant 1.000000e+00 : f32
      %broadcast_in_dim3A_372 = vector.broadcast %broadcast_in_dim3A_371 : f32 to vector<16xf32>
      %swap3A_373 = arith.constant 0 : i32
      %swap3A_374 = arith.index_cast %swap3A_373 : i32 to index
      %swap3A_375 = arith.index_cast %scan3A_345 : i32 to index
      %swap3A_376 = arith.constant 48 : index
      %swap3A_377 = tpu.vector_load %arg9[%swap3A_374, %swap3A_375, %swap3A_376] {strides = array<i32>} : memref<4x64x128xf32, #tpu.memory_space<vmem>>, vector<1x1x16xf32>,
      %swap3A_378 = vector.shape_cast %swap3A_377 : vector<1x1x16xf32> to vector<16xf32>
      %swap3A_379 = vector.shape_cast %broadcast_in_dim3A_372 : vector<16xf32> to vector<1x1x16xf32>
      tpu.vector_store %arg9[%swap3A_374, %swap3A_375, %swap3A_376], %swap3A_379 {strides = array<i32>} : memref<4x64x128xf32, #tpu.memory_space<vmem>>, vector<1x1x16xf32>,
      %broadcast_in_dim3A_380 = arith.constant 1.000000e+00 : f32
      %broadcast_in_dim3A_381 = vector.broadcast %broadcast_in_dim3A_380 : f32 to vector<16xf32>
      %swap3A_382 = arith.constant 0 : i32
      %swap3A_383 = arith.index_cast %swap3A_382 : i32 to index
      %swap3A_384 = arith.index_cast %scan3A_345 : i32 to index
      %swap3A_385 = arith.constant 64 : index
      %swap3A_386 = tpu.vector_load %arg9[%swap3A_383, %swap3A_384, %swap3A_385] {strides = array<i32>} : memref<4x64x128xf32, #tpu.memory_space<vmem>>, vector<1x1x16xf32>,
      %swap3A_387 = vector.shape_cast %swap3A_386 : vector<1x1x16xf32> to vector<16xf32>
      %swap3A_388 = vector.shape_cast %broadcast_in_dim3A_381 : vector<16xf32> to vector<1x1x16xf32>
      tpu.vector_store %arg9[%swap3A_383, %swap3A_384, %swap3A_385], %swap3A_388 {strides = array<i32>} : memref<4x64x128xf32, #tpu.memory_space<vmem>>, vector<1x1x16xf32>,
      %broadcast_in_dim3A_389 = arith.constant 1.000000e+00 : f32
      %broadcast_in_dim3A_390 = vector.broadcast %broadcast_in_dim3A_389 : f32 to vector<16xf32>
      %swap3A_391 = arith.constant 0 : i32
      %swap3A_392 = arith.index_cast %swap3A_391 : i32 to index
      %swap3A_393 = arith.index_cast %scan3A_345 : i32 to index
      %swap3A_394 = arith.constant 80 : index
      %swap3A_395 = tpu.vector_load %arg9[%swap3A_392, %swap3A_393, %swap3A_394] {strides = array<i32>} : memref<4x64x128xf32, #tpu.memory_space<vmem>>, vector<1x1x16xf32>,
      %swap3A_396 = vector.shape_cast %swap3A_395 : vector<1x1x16xf32> to vector<16xf32>
      %swap3A_397 = vector.shape_cast %broadcast_in_dim3A_390 : vector<16xf32> to vector<1x1x16xf32>
      tpu.vector_store %arg9[%swap3A_392, %swap3A_393, %swap3A_394], %swap3A_397 {strides = array<i32>} : memref<4x64x128xf32, #tpu.memory_space<vmem>>, vector<1x1x16xf32>,
      %broadcast_in_dim3A_398 = arith.constant 1.000000e+00 : f32
      %broadcast_in_dim3A_399 = vector.broadcast %broadcast_in_dim3A_398 : f32 to vector<16xf32>
      %swap3A_400 = arith.constant 0 : i32
      %swap3A_401 = arith.index_cast %swap3A_400 : i32 to index
      %swap3A_402 = arith.index_cast %scan3A_345 : i32 to index
      %swap3A_403 = arith.constant 96 : index
      %swap3A_404 = tpu.vector_load %arg9[%swap3A_401, %swap3A_402, %swap3A_403] {strides = array<i32>} : memref<4x64x128xf32, #tpu.memory_space<vmem>>, vector<1x1x16xf32>,
      %swap3A_405 = vector.shape_cast %swap3A_404 : vector<1x1x16xf32> to vector<16xf32>
      %swap3A_406 = vector.shape_cast %broadcast_in_dim3A_399 : vector<16xf32> to vector<1x1x16xf32>
      tpu.vector_store %arg9[%swap3A_401, %swap3A_402, %swap3A_403], %swap3A_406 {strides = array<i32>} : memref<4x64x128xf32, #tpu.memory_space<vmem>>, vector<1x1x16xf32>,
      %broadcast_in_dim3A_407 = arith.constant 1.000000e+00 : f32
      %broadcast_in_dim3A_408 = vector.broadcast %broadcast_in_dim3A_407 : f32 to vector<16xf32>
      %swap3A_409 = arith.constant 0 : i32
      %swap3A_410 = arith.index_cast %swap3A_409 : i32 to index
      %swap3A_411 = arith.index_cast %scan3A_345 : i32 to index
      %swap3A_412 = arith.constant 112 : index
      %swap3A_413 = tpu.vector_load %arg9[%swap3A_410, %swap3A_411, %swap3A_412] {strides = array<i32>} : memref<4x64x128xf32, #tpu.memory_space<vmem>>, vector<1x1x16xf32>,
      %swap3A_414 = vector.shape_cast %swap3A_413 : vector<1x1x16xf32> to vector<16xf32>
      %swap3A_415 = vector.shape_cast %broadcast_in_dim3A_408 : vector<16xf32> to vector<1x1x16xf32>
      tpu.vector_store %arg9[%swap3A_410, %swap3A_411, %swap3A_412], %swap3A_415 {strides = array<i32>} : memref<4x64x128xf32, #tpu.memory_space<vmem>>, vector<1x1x16xf32>,
    }
    %scan3A_296 = arith.constant 64 : i32
    %scan3A_297 = arith.constant 0 : i32
    %scan3A_298 = arith.constant 0 : i32
    %scan3A_299 = arith.constant 10 : i32
    %scan3A_300 = arith.addi %scan3A_298, %scan3A_299 : i32
    %scan3A_301 = arith.constant 1 : i32
    scf.for %scan3A_345 = %scan3A_298 to %scan3A_300 step %scan3A_301  : i32 {
      %mul3A_346 = arith.constant 4 : i32
      %mul3A_347 = arith.muli %mul3A_346, %scan3A_345 : i32
      %add3A_348 = arith.constant 0 : i32
      %add3A_349 = arith.addi %mul3A_347, %add3A_348 : i32
      %dma_start3A_350 = arith.constant 0 : i32
      %dma_start3A_351 = arith.constant 0 : i32
      %dma_start3A_352 = arith.constant 0 : i32
      %dma_start3A_353 = tpu.memref_slice %arg9[%dma_start3A_350, %dma_start3A_351, %dma_start3A_352] : memref<4x64x128xf32, #tpu.memory_space<vmem>> -> memref<1x64x128xf32, #tpu.memory_space<vmem>>
      %dma_start3A_354 = tpu.memref_squeeze %dma_start3A_353 : memref<1x64x128xf32, #tpu.memory_space<vmem>> -> memref<64x128xf32, #tpu.memory_space<vmem>>
      %dma_start3A_355 = arith.constant 0 : i32
      %dma_start3A_356 = tpu.memref_slice %arg8[%add3A_349, %dma_start3A_355] : memref<40x64xi32, #tpu.memory_space<vmem>> -> memref<1x64xi32, #tpu.memory_space<vmem>>
      %dma_start3A_357 = tpu.memref_squeeze %dma_start3A_356 : memref<1x64xi32, #tpu.memory_space<vmem>> -> memref<64xi32, #tpu.memory_space<vmem>>
      %dma_start3A_358 = arith.constant 0 : i32
      %dma_start3A_359 = arith.constant 0 : i32
      %dma_start3A_360 = tpu.memref_slice %arg18[%dma_start3A_358, %dma_start3A_359] : memref<10240x128xf32, #tpu.memory_space<vmem_shared>> -> memref<10240x128xf32, #tpu.memory_space<vmem_shared>>
      tpu.enqueue_indirect_dma source(%dma_start3A_354 : memref<64x128xf32, #tpu.memory_space<vmem>>) target(%dma_start3A_360 : memref<10240x128xf32, #tpu.memory_space<vmem_shared>>) offsets(%dma_start3A_357 : memref<64xi32, #tpu.memory_space<vmem>>) semaphore(%arg14 : memref<!tpu.dma_semaphore, #tpu.memory_space<semaphore_mem>>) {add = true}
      %mul3A_361 = arith.constant 4 : i32
      %mul3A_362 = arith.muli %mul3A_361, %scan3A_345 : i32
      %add3A_363 = arith.constant 1 : i32
      %add3A_364 = arith.addi %mul3A_362, %add3A_363 : i32
      %dma_start3A_365 = arith.constant 0 : i32
      %dma_start3A_366 = arith.constant 0 : i32
      %dma_start3A_367 = arith.constant 0 : i32
      %dma_start3A_368 = tpu.memref_slice %arg9[%dma_start3A_365, %dma_start3A_366, %dma_start3A_367] : memref<4x64x128xf32, #tpu.memory_space<vmem>> -> memref<1x64x128xf32, #tpu.memory_space<vmem>>
      %dma_start3A_369 = tpu.memref_squeeze %dma_start3A_368 : memref<1x64x128xf32, #tpu.memory_space<vmem>> -> memref<64x128xf32, #tpu.memory_space<vmem>>
      %dma_start3A_370 = arith.constant 0 : i32
      %dma_start3A_371 = tpu.memref_slice %arg8[%add3A_364, %dma_start3A_370] : memref<40x64xi32, #tpu.memory_space<vmem>> -> memref<1x64xi32, #tpu.memory_space<vmem>>
      %dma_start3A_372 = tpu.memref_squeeze %dma_start3A_371 : memref<1x64xi32, #tpu.memory_space<vmem>> -> memref<64xi32, #tpu.memory_space<vmem>>
      %dma_start3A_373 = arith.constant 0 : i32
      %dma_start3A_374 = arith.constant 0 : i32
      %dma_start3A_375 = tpu.memref_slice %arg18[%dma_start3A_373, %dma_start3A_374] : memref<10240x128xf32, #tpu.memory_space<vmem_shared>> -> memref<10240x128xf32, #tpu.memory_space<vmem_shared>>
      tpu.enqueue_indirect_dma source(%dma_start3A_369 : memref<64x128xf32, #tpu.memory_space<vmem>>) target(%dma_start3A_375 : memref<10240x128xf32, #tpu.memory_space<vmem_shared>>) offsets(%dma_start3A_372 : memref<64xi32, #tpu.memory_space<vmem>>) semaphore(%arg15 : memref<!tpu.dma_semaphore, #tpu.memory_space<semaphore_mem>>) {add = true}
      %mul3A_376 = arith.constant 4 : i32
      %mul3A_377 = arith.muli %mul3A_376, %scan3A_345 : i32
      %add3A_378 = arith.constant 2 : i32
      %add3A_379 = arith.addi %mul3A_377, %add3A_378 : i32
      %dma_start3A_380 = arith.constant 0 : i32
      %dma_start3A_381 = arith.constant 0 : i32
      %dma_start3A_382 = arith.constant 0 : i32
      %dma_start3A_383 = tpu.memref_slice %arg9[%dma_start3A_380, %dma_start3A_381, %dma_start3A_382] : memref<4x64x128xf32, #tpu.memory_space<vmem>> -> memref<1x64x128xf32, #tpu.memory_space<vmem>>
      %dma_start3A_384 = tpu.memref_squeeze %dma_start3A_383 : memref<1x64x128xf32, #tpu.memory_space<vmem>> -> memref<64x128xf32, #tpu.memory_space<vmem>>
      %dma_start3A_385 = arith.constant 0 : i32
      %dma_start3A_386 = tpu.memref_slice %arg8[%add3A_379, %dma_start3A_385] : memref<40x64xi32, #tpu.memory_space<vmem>> -> memref<1x64xi32, #tpu.memory_space<vmem>>
      %dma_start3A_387 = tpu.memref_squeeze %dma_start3A_386 : memref<1x64xi32, #tpu.memory_space<vmem>> -> memref<64xi32, #tpu.memory_space<vmem>>
      %dma_start3A_388 = arith.constant 0 : i32
      %dma_start3A_389 = arith.constant 0 : i32
      %dma_start3A_390 = tpu.memref_slice %arg18[%dma_start3A_388, %dma_start3A_389] : memref<10240x128xf32, #tpu.memory_space<vmem_shared>> -> memref<10240x128xf32, #tpu.memory_space<vmem_shared>>
      tpu.enqueue_indirect_dma source(%dma_start3A_384 : memref<64x128xf32, #tpu.memory_space<vmem>>) target(%dma_start3A_390 : memref<10240x128xf32, #tpu.memory_space<vmem_shared>>) offsets(%dma_start3A_387 : memref<64xi32, #tpu.memory_space<vmem>>) semaphore(%arg16 : memref<!tpu.dma_semaphore, #tpu.memory_space<semaphore_mem>>) {add = true}
      %mul3A_391 = arith.constant 4 : i32
      %mul3A_392 = arith.muli %mul3A_391, %scan3A_345 : i32
      %add3A_393 = arith.constant 3 : i32
      %add3A_394 = arith.addi %mul3A_392, %add3A_393 : i32
      %dma_start3A_395 = arith.constant 0 : i32
      %dma_start3A_396 = arith.constant 0 : i32
      %dma_start3A_397 = arith.constant 0 : i32
      %dma_start3A_398 = tpu.memref_slice %arg9[%dma_start3A_395, %dma_start3A_396, %dma_start3A_397] : memref<4x64x128xf32, #tpu.memory_space<vmem>> -> memref<1x64x128xf32, #tpu.memory_space<vmem>>
      %dma_start3A_399 = tpu.memref_squeeze %dma_start3A_398 : memref<1x64x128xf32, #tpu.memory_space<vmem>> -> memref<64x128xf32, #tpu.memory_space<vmem>>
      %dma_start3A_400 = arith.constant 0 : i32
      %dma_start3A_401 = tpu.memref_slice %arg8[%add3A_394, %dma_start3A_400] : memref<40x64xi32, #tpu.memory_space<vmem>> -> memref<1x64xi32, #tpu.memory_space<vmem>>
      %dma_start3A_402 = tpu.memref_squeeze %dma_start3A_401 : memref<1x64xi32, #tpu.memory_space<vmem>> -> memref<64xi32, #tpu.memory_space<vmem>>
      %dma_start3A_403 = arith.constant 0 : i32
      %dma_start3A_404 = arith.constant 0 : i32
      %dma_start3A_405 = tpu.memref_slice %arg18[%dma_start3A_403, %dma_start3A_404] : memref<10240x128xf32, #tpu.memory_space<vmem_shared>> -> memref<10240x128xf32, #tpu.memory_space<vmem_shared>>
      tpu.enqueue_indirect_dma source(%dma_start3A_399 : memref<64x128xf32, #tpu.memory_space<vmem>>) target(%dma_start3A_405 : memref<10240x128xf32, #tpu.memory_space<vmem_shared>>) offsets(%dma_start3A_402 : memref<64xi32, #tpu.memory_space<vmem>>) semaphore(%arg17 : memref<!tpu.dma_semaphore, #tpu.memory_space<semaphore_mem>>) {add = true}
      %mul3A_406 = arith.constant 4 : i32
      %mul3A_407 = arith.muli %mul3A_406, %scan3A_345 : i32
      %add3A_408 = arith.constant 0 : i32
      %add3A_409 = arith.addi %mul3A_407, %add3A_408 : i32
      %dma_wait3A = arith.constant 0 : i32
      %dma_wait3A_410 = arith.constant 0 : i32
      %dma_wait3A_411 = arith.constant 0 : i32
      %dma_wait3A_412 = tpu.memref_slice %arg9[%dma_wait3A, %dma_wait3A_410, %dma_wait3A_411] : memref<4x64x128xf32, #tpu.memory_space<vmem>> -> memref<1x64x128xf32, #tpu.memory_space<vmem>>
      %dma_wait3A_413 = tpu.memref_squeeze %dma_wait3A_412 : memref<1x64x128xf32, #tpu.memory_space<vmem>> -> memref<64x128xf32, #tpu.memory_space<vmem>>
      %dma_wait3A_414 = arith.constant 0 : i32
      %dma_wait3A_415 = tpu.memref_slice %arg8[%add3A_409, %dma_wait3A_414] : memref<40x64xi32, #tpu.memory_space<vmem>> -> memref<1x64xi32, #tpu.memory_space<vmem>>
      %dma_wait3A_416 = tpu.memref_squeeze %dma_wait3A_415 : memref<1x64xi32, #tpu.memory_space<vmem>> -> memref<64xi32, #tpu.memory_space<vmem>>
      %dma_wait3A_417 = arith.constant 0 : i32
      %dma_wait3A_418 = arith.constant 0 : i32
      %dma_wait3A_419 = tpu.memref_slice %arg18[%dma_wait3A_417, %dma_wait3A_418] : memref<10240x128xf32, #tpu.memory_space<vmem_shared>> -> memref<10240x128xf32, #tpu.memory_space<vmem_shared>>
      tpu.wait_indirect_dma semaphore(%arg14 : memref<!tpu.dma_semaphore, #tpu.memory_space<semaphore_mem>>) src(%dma_wait3A_413 : memref<64x128xf32, #tpu.memory_space<vmem>>) dst(%dma_wait3A_419 : memref<10240x128xf32, #tpu.memory_space<vmem_shared>>)
      %mul3A_420 = arith.constant 4 : i32
      %mul3A_421 = arith.muli %mul3A_420, %scan3A_345 : i32
      %add3A_422 = arith.constant 1 : i32
      %add3A_423 = arith.addi %mul3A_421, %add3A_422 : i32
      %dma_wait3A_424 = arith.constant 0 : i32
      %dma_wait3A_425 = arith.constant 0 : i32
      %dma_wait3A_426 = arith.constant 0 : i32
      %dma_wait3A_427 = tpu.memref_slice %arg9[%dma_wait3A_424, %dma_wait3A_425, %dma_wait3A_426] : memref<4x64x128xf32, #tpu.memory_space<vmem>> -> memref<1x64x128xf32, #tpu.memory_space<vmem>>
      %dma_wait3A_428 = tpu.memref_squeeze %dma_wait3A_427 : memref<1x64x128xf32, #tpu.memory_space<vmem>> -> memref<64x128xf32, #tpu.memory_space<vmem>>
      %dma_wait3A_429 = arith.constant 0 : i32
      %dma_wait3A_430 = tpu.memref_slice %arg8[%add3A_423, %dma_wait3A_429] : memref<40x64xi32, #tpu.memory_space<vmem>> -> memref<1x64xi32, #tpu.memory_space<vmem>>
      %dma_wait3A_431 = tpu.memref_squeeze %dma_wait3A_430 : memref<1x64xi32, #tpu.memory_space<vmem>> -> memref<64xi32, #tpu.memory_space<vmem>>
      %dma_wait3A_432 = arith.constant 0 : i32
      %dma_wait3A_433 = arith.constant 0 : i32
      %dma_wait3A_434 = tpu.memref_slice %arg18[%dma_wait3A_432, %dma_wait3A_433] : memref<10240x128xf32, #tpu.memory_space<vmem_shared>> -> memref<10240x128xf32, #tpu.memory_space<vmem_shared>>
      tpu.wait_indirect_dma semaphore(%arg15 : memref<!tpu.dma_semaphore, #tpu.memory_space<semaphore_mem>>) src(%dma_wait3A_428 : memref<64x128xf32, #tpu.memory_space<vmem>>) dst(%dma_wait3A_434 : memref<10240x128xf32, #tpu.memory_space<vmem_shared>>)
      %mul3A_435 = arith.constant 4 : i32
      %mul3A_436 = arith.muli %mul3A_435, %scan3A_345 : i32
      %add3A_437 = arith.constant 2 : i32
      %add3A_438 = arith.addi %mul3A_436, %add3A_437 : i32
      %dma_wait3A_439 = arith.constant 0 : i32
      %dma_wait3A_440 = arith.constant 0 : i32
      %dma_wait3A_441 = arith.constant 0 : i32
      %dma_wait3A_442 = tpu.memref_slice %arg9[%dma_wait3A_439, %dma_wait3A_440, %dma_wait3A_441] : memref<4x64x128xf32, #tpu.memory_space<vmem>> -> memref<1x64x128xf32, #tpu.memory_space<vmem>>
      %dma_wait3A_443 = tpu.memref_squeeze %dma_wait3A_442 : memref<1x64x128xf32, #tpu.memory_space<vmem>> -> memref<64x128xf32, #tpu.memory_space<vmem>>
      %dma_wait3A_444 = arith.constant 0 : i32
      %dma_wait3A_445 = tpu.memref_slice %arg8[%add3A_438, %dma_wait3A_444] : memref<40x64xi32, #tpu.memory_space<vmem>> -> memref<1x64xi32, #tpu.memory_space<vmem>>
      %dma_wait3A_446 = tpu.memref_squeeze %dma_wait3A_445 : memref<1x64xi32, #tpu.memory_space<vmem>> -> memref<64xi32, #tpu.memory_space<vmem>>
      %dma_wait3A_447 = arith.constant 0 : i32
      %dma_wait3A_448 = arith.constant 0 : i32
      %dma_wait3A_449 = tpu.memref_slice %arg18[%dma_wait3A_447, %dma_wait3A_448] : memref<10240x128xf32, #tpu.memory_space<vmem_shared>> -> memref<10240x128xf32, #tpu.memory_space<vmem_shared>>
      tpu.wait_indirect_dma semaphore(%arg16 : memref<!tpu.dma_semaphore, #tpu.memory_space<semaphore_mem>>) src(%dma_wait3A_443 : memref<64x128xf32, #tpu.memory_space<vmem>>) dst(%dma_wait3A_449 : memref<10240x128xf32, #tpu.memory_space<vmem_shared>>)
      %mul3A_450 = arith.constant 4 : i32
      %mul3A_451 = arith.muli %mul3A_450, %scan3A_345 : i32
      %add3A_452 = arith.constant 3 : i32
      %add3A_453 = arith.addi %mul3A_451, %add3A_452 : i32
      %dma_wait3A_454 = arith.constant 0 : i32
      %dma_wait3A_455 = arith.constant 0 : i32
      %dma_wait3A_456 = arith.constant 0 : i32
      %dma_wait3A_457 = tpu.memref_slice %arg9[%dma_wait3A_454, %dma_wait3A_455, %dma_wait3A_456] : memref<4x64x128xf32, #tpu.memory_space<vmem>> -> memref<1x64x128xf32, #tpu.memory_space<vmem>>
      %dma_wait3A_458 = tpu.memref_squeeze %dma_wait3A_457 : memref<1x64x128xf32, #tpu.memory_space<vmem>> -> memref<64x128xf32, #tpu.memory_space<vmem>>
      %dma_wait3A_459 = arith.constant 0 : i32
      %dma_wait3A_460 = tpu.memref_slice %arg8[%add3A_453, %dma_wait3A_459] : memref<40x64xi32, #tpu.memory_space<vmem>> -> memref<1x64xi32, #tpu.memory_space<vmem>>
      %dma_wait3A_461 = tpu.memref_squeeze %dma_wait3A_460 : memref<1x64xi32, #tpu.memory_space<vmem>> -> memref<64xi32, #tpu.memory_space<vmem>>
      %dma_wait3A_462 = arith.constant 0 : i32
      %dma_wait3A_463 = arith.constant 0 : i32
      %dma_wait3A_464 = tpu.memref_slice %arg18[%dma_wait3A_462, %dma_wait3A_463] : memref<10240x128xf32, #tpu.memory_space<vmem_shared>> -> memref<10240x128xf32, #tpu.memory_space<vmem_shared>>
      tpu.wait_indirect_dma semaphore(%arg17 : memref<!tpu.dma_semaphore, #tpu.memory_space<semaphore_mem>>) src(%dma_wait3A_458 : memref<64x128xf32, #tpu.memory_space<vmem>>) dst(%dma_wait3A_464 : memref<10240x128xf32, #tpu.memory_space<vmem_shared>>)
    }
    %scan3A_302 = arith.constant 10 : i32
    %barrier3A_303 = arith.constant 0 : index
    tpu.barrier barrier_id(%barrier3A_303)
    "tpu.region"() ({
      %run_scoped3A_345 = tpu.sem_alloc : memref<!tpu.dma_semaphore, #tpu.memory_space<semaphore_mem>>
      %dma_start3A_346 = arith.constant 0 : i32
      %dma_start3A_347 = tpu.memref_slice %arg6[%add3A_244, %mul3A_0, %dma_start3A_346] : memref<8x10240x128xf32, #tpu.memory_space<hbm>> -> memref<1x640x128xf32, #tpu.memory_space<hbm>>
      %dma_start3A_348 = tpu.memref_squeeze %dma_start3A_347 : memref<1x640x128xf32, #tpu.memory_space<hbm>> -> memref<640x128xf32, #tpu.memory_space<hbm>>
      %dma_start3A_349 = arith.constant 0 : i32
      %dma_start3A_350 = tpu.memref_slice %arg18[%mul3A_0, %dma_start3A_349] : memref<10240x128xf32, #tpu.memory_space<vmem_shared>> -> memref<640x128xf32, #tpu.memory_space<vmem_shared>>
      tpu.enqueue_dma source(%dma_start3A_350 : memref<640x128xf32, #tpu.memory_space<vmem_shared>>) target(%dma_start3A_348 : memref<640x128xf32, #tpu.memory_space<hbm>>) target_semaphore(%run_scoped3A_345 : memref<!tpu.dma_semaphore, #tpu.memory_space<semaphore_mem>>)
      %dma_wait3A = arith.constant 0 : i32
      %dma_wait3A_351 = tpu.memref_slice %arg6[%add3A_244, %mul3A_0, %dma_wait3A] : memref<8x10240x128xf32, #tpu.memory_space<hbm>> -> memref<1x640x128xf32, #tpu.memory_space<hbm>>
      %dma_wait3A_352 = tpu.memref_squeeze %dma_wait3A_351 : memref<1x640x128xf32, #tpu.memory_space<hbm>> -> memref<640x128xf32, #tpu.memory_space<hbm>>
      %dma_wait3A_353 = arith.constant 0 : i32
      %dma_wait3A_354 = tpu.memref_slice %arg18[%mul3A_0, %dma_wait3A_353] : memref<10240x128xf32, #tpu.memory_space<vmem_shared>> -> memref<640x128xf32, #tpu.memory_space<vmem_shared>>
      tpu.wait_dma2 semaphore(%run_scoped3A_345 : memref<!tpu.dma_semaphore, #tpu.memory_space<semaphore_mem>>) src(%dma_wait3A_354 : memref<640x128xf32, #tpu.memory_space<vmem_shared>>) dst(%dma_wait3A_352 : memref<640x128xf32, #tpu.memory_space<hbm>>)
      tpu.yield
    }) : () -> ()
    %add3A_304 = arith.constant 1 : i32
    %add3A_305 = arith.addi %add3A_244, %add3A_304 : i32
    "tpu.region"() ({
      %run_scoped3A_345 = tpu.sem_alloc : memref<!tpu.dma_semaphore, #tpu.memory_space<semaphore_mem>>
      %dma_start3A_346 = arith.constant 0 : i32
      %dma_start3A_347 = arith.constant 0 : i32
      %dma_start3A_348 = tpu.memref_slice %arg4[%add3A_305, %arg1, %dma_start3A_346, %dma_start3A_347] : memref<8x16x40x64xi32, #tpu.memory_space<hbm>> -> memref<1x1x40x64xi32, #tpu.memory_space<hbm>>
      %dma_start3A_349 = tpu.memref_squeeze %dma_start3A_348 : memref<1x1x40x64xi32, #tpu.memory_space<hbm>> -> memref<40x64xi32, #tpu.memory_space<hbm>>
      %dma_start3A_350 = arith.constant 0 : i32
      %dma_start3A_351 = arith.constant 0 : i32
      %dma_start3A_352 = tpu.memref_slice %arg4[%add3A_305, %arg1, %dma_start3A_350, %dma_start3A_351] : memref<8x16x40x64xi32, #tpu.memory_space<hbm>> -> memref<1x1x40x64xi32, #tpu.memory_space<hbm>>
      %dma_start3A_353 = tpu.memref_squeeze %dma_start3A_352 : memref<1x1x40x64xi32, #tpu.memory_space<hbm>> -> memref<40x64xi32, #tpu.memory_space<hbm>>
      tpu.enqueue_dma source(%dma_start3A_353 : memref<40x64xi32, #tpu.memory_space<hbm>>) target(%arg8 : memref<40x64xi32, #tpu.memory_space<vmem>>) target_semaphore(%run_scoped3A_345 : memref<!tpu.dma_semaphore, #tpu.memory_space<semaphore_mem>>)
      %dma_wait3A = arith.constant 0 : i32
      %dma_wait3A_354 = arith.constant 0 : i32
      %dma_wait3A_355 = tpu.memref_slice %arg4[%add3A_305, %arg1, %dma_wait3A, %dma_wait3A_354] : memref<8x16x40x64xi32, #tpu.memory_space<hbm>> -> memref<1x1x40x64xi32, #tpu.memory_space<hbm>>
      %dma_wait3A_356 = tpu.memref_squeeze %dma_wait3A_355 : memref<1x1x40x64xi32, #tpu.memory_space<hbm>> -> memref<40x64xi32, #tpu.memory_space<hbm>>
      %dma_wait3A_357 = arith.constant 0 : i32
      %dma_wait3A_358 = arith.constant 0 : i32
      %dma_wait3A_359 = tpu.memref_slice %arg4[%add3A_305, %arg1, %dma_wait3A_357, %dma_wait3A_358] : memref<8x16x40x64xi32, #tpu.memory_space<hbm>> -> memref<1x1x40x64xi32, #tpu.memory_space<hbm>>
      %dma_wait3A_360 = tpu.memref_squeeze %dma_wait3A_359 : memref<1x1x40x64xi32, #tpu.memory_space<hbm>> -> memref<40x64xi32, #tpu.memory_space<hbm>>
      tpu.wait_dma2 semaphore(%run_scoped3A_345 : memref<!tpu.dma_semaphore, #tpu.memory_space<semaphore_mem>>) src(%dma_wait3A_360 : memref<40x64xi32, #tpu.memory_space<hbm>>) dst(%arg8 : memref<40x64xi32, #tpu.memory_space<vmem>>)
      tpu.yield
    }) : () -> ()
    %dma_start3A_306 = arith.constant 0 : i32
    %dma_start3A_307 = arith.constant 0 : i32
    %dma_start3A_308 = arith.constant 0 : i32
    %dma_start3A_309 = arith.constant 0 : i32
    %dma_start3A_310 = tpu.memref_slice %arg9[%dma_start3A_307, %dma_start3A_308, %dma_start3A_309] : memref<4x64x128xf32, #tpu.memory_space<vmem>> -> memref<1x64x128xf32, #tpu.memory_space<vmem>>
    %dma_start3A_311 = tpu.memref_squeeze %dma_start3A_310 : memref<1x64x128xf32, #tpu.memory_space<vmem>> -> memref<64x128xf32, #tpu.memory_space<vmem>>
    %dma_start3A_312 = arith.constant 0 : i32
    %dma_start3A_313 = tpu.memref_slice %arg7[%dma_start3A_306, %dma_start3A_312] : memref<40x64xi32, #tpu.memory_space<vmem>> -> memref<1x64xi32, #tpu.memory_space<vmem>>
    %dma_start3A_314 = tpu.memref_squeeze %dma_start3A_313 : memref<1x64xi32, #tpu.memory_space<vmem>> -> memref<64xi32, #tpu.memory_space<vmem>>
    %dma_start3A_315 = arith.constant 0 : i32
    %dma_start3A_316 = arith.constant 0 : i32
    %dma_start3A_317 = tpu.memref_slice %arg2[%dma_start3A_315, %dma_start3A_316] : memref<10000x128xf32, #tpu.memory_space<hbm>> -> memref<10000x128xf32, #tpu.memory_space<hbm>>
    tpu.enqueue_indirect_dma source(%dma_start3A_317 : memref<10000x128xf32, #tpu.memory_space<hbm>>) target(%dma_start3A_311 : memref<64x128xf32, #tpu.memory_space<vmem>>) offsets(%dma_start3A_314 : memref<64xi32, #tpu.memory_space<vmem>>) semaphore(%arg10 : memref<!tpu.dma_semaphore, #tpu.memory_space<semaphore_mem>>)
    %barrier3A_318 = arith.constant 0 : index
    tpu.barrier barrier_id(%barrier3A_318)
    %mul3A_319 = arith.constant 4 : i32
    %mul3A_320 = arith.muli %arg0, %mul3A_319 : i32
    %add3A_321 = arith.constant 3 : i32
    %add3A_322 = arith.addi %mul3A_320, %add3A_321 : i32
    %scan3A_323 = arith.constant 0 : i32
    %scan3A_324 = arith.constant 0 : i32
    %scan3A_325 = arith.constant 10 : i32
    %scan3A_326 = arith.addi %scan3A_324, %scan3A_325 : i32
    %scan3A_327 = arith.constant 1 : i32
    scf.for %scan3A_345 = %scan3A_324 to %scan3A_326 step %scan3A_327  : i32 {
      %mul3A_346 = arith.constant 4 : i32
      %mul3A_347 = arith.muli %mul3A_346, %scan3A_345 : i32
      %add3A_348 = arith.constant 0 : i32
      %add3A_349 = arith.addi %mul3A_347, %add3A_348 : i32
      %dma_wait3A = arith.constant 0 : i32
      %dma_wait3A_350 = arith.constant 0 : i32
      %dma_wait3A_351 = arith.constant 0 : i32
      %dma_wait3A_352 = tpu.memref_slice %arg9[%dma_wait3A, %dma_wait3A_350, %dma_wait3A_351] : memref<4x64x128xf32, #tpu.memory_space<vmem>> -> memref<1x64x128xf32, #tpu.memory_space<vmem>>
      %dma_wait3A_353 = tpu.memref_squeeze %dma_wait3A_352 : memref<1x64x128xf32, #tpu.memory_space<vmem>> -> memref<64x128xf32, #tpu.memory_space<vmem>>
      %dma_wait3A_354 = arith.constant 0 : i32
      %dma_wait3A_355 = tpu.memref_slice %arg7[%add3A_349, %dma_wait3A_354] : memref<40x64xi32, #tpu.memory_space<vmem>> -> memref<1x64xi32, #tpu.memory_space<vmem>>
      %dma_wait3A_356 = tpu.memref_squeeze %dma_wait3A_355 : memref<1x64xi32, #tpu.memory_space<vmem>> -> memref<64xi32, #tpu.memory_space<vmem>>
      %dma_wait3A_357 = arith.constant 0 : i32
      %dma_wait3A_358 = arith.constant 0 : i32
      %dma_wait3A_359 = tpu.memref_slice %arg2[%dma_wait3A_357, %dma_wait3A_358] : memref<10000x128xf32, #tpu.memory_space<hbm>> -> memref<10000x128xf32, #tpu.memory_space<hbm>>
      tpu.wait_indirect_dma semaphore(%arg10 : memref<!tpu.dma_semaphore, #tpu.memory_space<semaphore_mem>>) src(%dma_wait3A_359 : memref<10000x128xf32, #tpu.memory_space<hbm>>) dst(%dma_wait3A_353 : memref<64x128xf32, #tpu.memory_space<vmem>>)
      %dma_start3A_360 = arith.constant 0 : i32
      %dma_start3A_361 = arith.constant 0 : i32
      %dma_start3A_362 = arith.constant 0 : i32
      %dma_start3A_363 = tpu.memref_slice %arg9[%dma_start3A_360, %dma_start3A_361, %dma_start3A_362] : memref<4x64x128xf32, #tpu.memory_space<vmem>> -> memref<1x64x128xf32, #tpu.memory_space<vmem>>
      %dma_start3A_364 = tpu.memref_squeeze %dma_start3A_363 : memref<1x64x128xf32, #tpu.memory_space<vmem>> -> memref<64x128xf32, #tpu.memory_space<vmem>>
      %dma_start3A_365 = arith.constant 0 : i32
      %dma_start3A_366 = tpu.memref_slice %arg8[%add3A_349, %dma_start3A_365] : memref<40x64xi32, #tpu.memory_space<vmem>> -> memref<1x64xi32, #tpu.memory_space<vmem>>
      %dma_start3A_367 = tpu.memref_squeeze %dma_start3A_366 : memref<1x64xi32, #tpu.memory_space<vmem>> -> memref<64xi32, #tpu.memory_space<vmem>>
      %dma_start3A_368 = arith.constant 0 : i32
      %dma_start3A_369 = arith.constant 0 : i32
      %dma_start3A_370 = tpu.memref_slice %arg18[%dma_start3A_368, %dma_start3A_369] : memref<10240x128xf32, #tpu.memory_space<vmem_shared>> -> memref<10240x128xf32, #tpu.memory_space<vmem_shared>>
      tpu.enqueue_indirect_dma source(%dma_start3A_364 : memref<64x128xf32, #tpu.memory_space<vmem>>) target(%dma_start3A_370 : memref<10240x128xf32, #tpu.memory_space<vmem_shared>>) offsets(%dma_start3A_367 : memref<64xi32, #tpu.memory_space<vmem>>) semaphore(%arg14 : memref<!tpu.dma_semaphore, #tpu.memory_space<semaphore_mem>>) {add = true}
      %mul3A_371 = arith.constant 4 : i32
      %mul3A_372 = arith.muli %mul3A_371, %scan3A_345 : i32
      %add3A_373 = arith.constant 1 : i32
      %add3A_374 = arith.addi %mul3A_372, %add3A_373 : i32
      %dma_wait3A_375 = arith.constant 1 : i32
      %dma_wait3A_376 = arith.constant 0 : i32
      %dma_wait3A_377 = arith.constant 0 : i32
      %dma_wait3A_378 = tpu.memref_slice %arg9[%dma_wait3A_375, %dma_wait3A_376, %dma_wait3A_377] : memref<4x64x128xf32, #tpu.memory_space<vmem>> -> memref<1x64x128xf32, #tpu.memory_space<vmem>>
      %dma_wait3A_379 = tpu.memref_squeeze %dma_wait3A_378 : memref<1x64x128xf32, #tpu.memory_space<vmem>> -> memref<64x128xf32, #tpu.memory_space<vmem>>
      %dma_wait3A_380 = arith.constant 0 : i32
      %dma_wait3A_381 = tpu.memref_slice %arg7[%add3A_374, %dma_wait3A_380] : memref<40x64xi32, #tpu.memory_space<vmem>> -> memref<1x64xi32, #tpu.memory_space<vmem>>
      %dma_wait3A_382 = tpu.memref_squeeze %dma_wait3A_381 : memref<1x64xi32, #tpu.memory_space<vmem>> -> memref<64xi32, #tpu.memory_space<vmem>>
      %dma_wait3A_383 = arith.constant 0 : i32
      %dma_wait3A_384 = arith.constant 0 : i32
      %dma_wait3A_385 = tpu.memref_slice %arg2[%dma_wait3A_383, %dma_wait3A_384] : memref<10000x128xf32, #tpu.memory_space<hbm>> -> memref<10000x128xf32, #tpu.memory_space<hbm>>
      tpu.wait_indirect_dma semaphore(%arg11 : memref<!tpu.dma_semaphore, #tpu.memory_space<semaphore_mem>>) src(%dma_wait3A_385 : memref<10000x128xf32, #tpu.memory_space<hbm>>) dst(%dma_wait3A_379 : memref<64x128xf32, #tpu.memory_space<vmem>>)
      %dma_start3A_386 = arith.constant 1 : i32
      %dma_start3A_387 = arith.constant 0 : i32
      %dma_start3A_388 = arith.constant 0 : i32
      %dma_start3A_389 = tpu.memref_slice %arg9[%dma_start3A_386, %dma_start3A_387, %dma_start3A_388] : memref<4x64x128xf32, #tpu.memory_space<vmem>> -> memref<1x64x128xf32, #tpu.memory_space<vmem>>
      %dma_start3A_390 = tpu.memref_squeeze %dma_start3A_389 : memref<1x64x128xf32, #tpu.memory_space<vmem>> -> memref<64x128xf32, #tpu.memory_space<vmem>>
      %dma_start3A_391 = arith.constant 0 : i32
      %dma_start3A_392 = tpu.memref_slice %arg8[%add3A_374, %dma_start3A_391] : memref<40x64xi32, #tpu.memory_space<vmem>> -> memref<1x64xi32, #tpu.memory_space<vmem>>
      %dma_start3A_393 = tpu.memref_squeeze %dma_start3A_392 : memref<1x64xi32, #tpu.memory_space<vmem>> -> memref<64xi32, #tpu.memory_space<vmem>>
      %dma_start3A_394 = arith.constant 0 : i32
      %dma_start3A_395 = arith.constant 0 : i32
      %dma_start3A_396 = tpu.memref_slice %arg18[%dma_start3A_394, %dma_start3A_395] : memref<10240x128xf32, #tpu.memory_space<vmem_shared>> -> memref<10240x128xf32, #tpu.memory_space<vmem_shared>>
      tpu.enqueue_indirect_dma source(%dma_start3A_390 : memref<64x128xf32, #tpu.memory_space<vmem>>) target(%dma_start3A_396 : memref<10240x128xf32, #tpu.memory_space<vmem_shared>>) offsets(%dma_start3A_393 : memref<64xi32, #tpu.memory_space<vmem>>) semaphore(%arg15 : memref<!tpu.dma_semaphore, #tpu.memory_space<semaphore_mem>>) {add = true}
      %mul3A_397 = arith.constant 4 : i32
      %mul3A_398 = arith.muli %mul3A_397, %scan3A_345 : i32
      %add3A_399 = arith.constant 2 : i32
      %add3A_400 = arith.addi %mul3A_398, %add3A_399 : i32
      %dma_wait3A_401 = arith.constant 2 : i32
      %dma_wait3A_402 = arith.constant 0 : i32
      %dma_wait3A_403 = arith.constant 0 : i32
      %dma_wait3A_404 = tpu.memref_slice %arg9[%dma_wait3A_401, %dma_wait3A_402, %dma_wait3A_403] : memref<4x64x128xf32, #tpu.memory_space<vmem>> -> memref<1x64x128xf32, #tpu.memory_space<vmem>>
      %dma_wait3A_405 = tpu.memref_squeeze %dma_wait3A_404 : memref<1x64x128xf32, #tpu.memory_space<vmem>> -> memref<64x128xf32, #tpu.memory_space<vmem>>
      %dma_wait3A_406 = arith.constant 0 : i32
      %dma_wait3A_407 = tpu.memref_slice %arg7[%add3A_400, %dma_wait3A_406] : memref<40x64xi32, #tpu.memory_space<vmem>> -> memref<1x64xi32, #tpu.memory_space<vmem>>
      %dma_wait3A_408 = tpu.memref_squeeze %dma_wait3A_407 : memref<1x64xi32, #tpu.memory_space<vmem>> -> memref<64xi32, #tpu.memory_space<vmem>>
      %dma_wait3A_409 = arith.constant 0 : i32
      %dma_wait3A_410 = arith.constant 0 : i32
      %dma_wait3A_411 = tpu.memref_slice %arg2[%dma_wait3A_409, %dma_wait3A_410] : memref<10000x128xf32, #tpu.memory_space<hbm>> -> memref<10000x128xf32, #tpu.memory_space<hbm>>
      tpu.wait_indirect_dma semaphore(%arg12 : memref<!tpu.dma_semaphore, #tpu.memory_space<semaphore_mem>>) src(%dma_wait3A_411 : memref<10000x128xf32, #tpu.memory_space<hbm>>) dst(%dma_wait3A_405 : memref<64x128xf32, #tpu.memory_space<vmem>>)
      %dma_start3A_412 = arith.constant 2 : i32
      %dma_start3A_413 = arith.constant 0 : i32
      %dma_start3A_414 = arith.constant 0 : i32
      %dma_start3A_415 = tpu.memref_slice %arg9[%dma_start3A_412, %dma_start3A_413, %dma_start3A_414] : memref<4x64x128xf32, #tpu.memory_space<vmem>> -> memref<1x64x128xf32, #tpu.memory_space<vmem>>
      %dma_start3A_416 = tpu.memref_squeeze %dma_start3A_415 : memref<1x64x128xf32, #tpu.memory_space<vmem>> -> memref<64x128xf32, #tpu.memory_space<vmem>>
      %dma_start3A_417 = arith.constant 0 : i32
      %dma_start3A_418 = tpu.memref_slice %arg8[%add3A_400, %dma_start3A_417] : memref<40x64xi32, #tpu.memory_space<vmem>> -> memref<1x64xi32, #tpu.memory_space<vmem>>
      %dma_start3A_419 = tpu.memref_squeeze %dma_start3A_418 : memref<1x64xi32, #tpu.memory_space<vmem>> -> memref<64xi32, #tpu.memory_space<vmem>>
      %dma_start3A_420 = arith.constant 0 : i32
      %dma_start3A_421 = arith.constant 0 : i32
      %dma_start3A_422 = tpu.memref_slice %arg18[%dma_start3A_420, %dma_start3A_421] : memref<10240x128xf32, #tpu.memory_space<vmem_shared>> -> memref<10240x128xf32, #tpu.memory_space<vmem_shared>>
      tpu.enqueue_indirect_dma source(%dma_start3A_416 : memref<64x128xf32, #tpu.memory_space<vmem>>) target(%dma_start3A_422 : memref<10240x128xf32, #tpu.memory_space<vmem_shared>>) offsets(%dma_start3A_419 : memref<64xi32, #tpu.memory_space<vmem>>) semaphore(%arg16 : memref<!tpu.dma_semaphore, #tpu.memory_space<semaphore_mem>>) {add = true}
      %mul3A_423 = arith.constant 4 : i32
      %mul3A_424 = arith.muli %mul3A_423, %scan3A_345 : i32
      %add3A_425 = arith.constant 3 : i32
      %add3A_426 = arith.addi %mul3A_424, %add3A_425 : i32
      %dma_wait3A_427 = arith.constant 3 : i32
      %dma_wait3A_428 = arith.constant 0 : i32
      %dma_wait3A_429 = arith.constant 0 : i32
      %dma_wait3A_430 = tpu.memref_slice %arg9[%dma_wait3A_427, %dma_wait3A_428, %dma_wait3A_429] : memref<4x64x128xf32, #tpu.memory_space<vmem>> -> memref<1x64x128xf32, #tpu.memory_space<vmem>>
      %dma_wait3A_431 = tpu.memref_squeeze %dma_wait3A_430 : memref<1x64x128xf32, #tpu.memory_space<vmem>> -> memref<64x128xf32, #tpu.memory_space<vmem>>
      %dma_wait3A_432 = arith.constant 0 : i32
      %dma_wait3A_433 = tpu.memref_slice %arg7[%add3A_426, %dma_wait3A_432] : memref<40x64xi32, #tpu.memory_space<vmem>> -> memref<1x64xi32, #tpu.memory_space<vmem>>
      %dma_wait3A_434 = tpu.memref_squeeze %dma_wait3A_433 : memref<1x64xi32, #tpu.memory_space<vmem>> -> memref<64xi32, #tpu.memory_space<vmem>>
      %dma_wait3A_435 = arith.constant 0 : i32
      %dma_wait3A_436 = arith.constant 0 : i32
      %dma_wait3A_437 = tpu.memref_slice %arg2[%dma_wait3A_435, %dma_wait3A_436] : memref<10000x128xf32, #tpu.memory_space<hbm>> -> memref<10000x128xf32, #tpu.memory_space<hbm>>
      tpu.wait_indirect_dma semaphore(%arg13 : memref<!tpu.dma_semaphore, #tpu.memory_space<semaphore_mem>>) src(%dma_wait3A_437 : memref<10000x128xf32, #tpu.memory_space<hbm>>) dst(%dma_wait3A_431 : memref<64x128xf32, #tpu.memory_space<vmem>>)
      %dma_start3A_438 = arith.constant 3 : i32
      %dma_start3A_439 = arith.constant 0 : i32
      %dma_start3A_440 = arith.constant 0 : i32
      %dma_start3A_441 = tpu.memref_slice %arg9[%dma_start3A_438, %dma_start3A_439, %dma_start3A_440] : memref<4x64x128xf32, #tpu.memory_space<vmem>> -> memref<1x64x128xf32, #tpu.memory_space<vmem>>
      %dma_start3A_442 = tpu.memref_squeeze %dma_start3A_441 : memref<1x64x128xf32, #tpu.memory_space<vmem>> -> memref<64x128xf32, #tpu.memory_space<vmem>>
      %dma_start3A_443 = arith.constant 0 : i32
      %dma_start3A_444 = tpu.memref_slice %arg8[%add3A_426, %dma_start3A_443] : memref<40x64xi32, #tpu.memory_space<vmem>> -> memref<1x64xi32, #tpu.memory_space<vmem>>
      %dma_start3A_445 = tpu.memref_squeeze %dma_start3A_444 : memref<1x64xi32, #tpu.memory_space<vmem>> -> memref<64xi32, #tpu.memory_space<vmem>>
      %dma_start3A_446 = arith.constant 0 : i32
      %dma_start3A_447 = arith.constant 0 : i32
      %dma_start3A_448 = tpu.memref_slice %arg18[%dma_start3A_446, %dma_start3A_447] : memref<10240x128xf32, #tpu.memory_space<vmem_shared>> -> memref<10240x128xf32, #tpu.memory_space<vmem_shared>>
      tpu.enqueue_indirect_dma source(%dma_start3A_442 : memref<64x128xf32, #tpu.memory_space<vmem>>) target(%dma_start3A_448 : memref<10240x128xf32, #tpu.memory_space<vmem_shared>>) offsets(%dma_start3A_445 : memref<64xi32, #tpu.memory_space<vmem>>) semaphore(%arg17 : memref<!tpu.dma_semaphore, #tpu.memory_space<semaphore_mem>>) {add = true}
      %mul3A_449 = arith.constant 4 : i32
      %mul3A_450 = arith.muli %mul3A_449, %scan3A_345 : i32
      %add3A_451 = arith.constant 0 : i32
      %add3A_452 = arith.addi %mul3A_450, %add3A_451 : i32
      %dma_wait3A_453 = arith.constant 0 : i32
      %dma_wait3A_454 = arith.constant 0 : i32
      %dma_wait3A_455 = arith.constant 0 : i32
      %dma_wait3A_456 = tpu.memref_slice %arg9[%dma_wait3A_453, %dma_wait3A_454, %dma_wait3A_455] : memref<4x64x128xf32, #tpu.memory_space<vmem>> -> memref<1x64x128xf32, #tpu.memory_space<vmem>>
      %dma_wait3A_457 = tpu.memref_squeeze %dma_wait3A_456 : memref<1x64x128xf32, #tpu.memory_space<vmem>> -> memref<64x128xf32, #tpu.memory_space<vmem>>
      %dma_wait3A_458 = arith.constant 0 : i32
      %dma_wait3A_459 = tpu.memref_slice %arg8[%add3A_452, %dma_wait3A_458] : memref<40x64xi32, #tpu.memory_space<vmem>> -> memref<1x64xi32, #tpu.memory_space<vmem>>
      %dma_wait3A_460 = tpu.memref_squeeze %dma_wait3A_459 : memref<1x64xi32, #tpu.memory_space<vmem>> -> memref<64xi32, #tpu.memory_space<vmem>>
      %dma_wait3A_461 = arith.constant 0 : i32
      %dma_wait3A_462 = arith.constant 0 : i32
      %dma_wait3A_463 = tpu.memref_slice %arg18[%dma_wait3A_461, %dma_wait3A_462] : memref<10240x128xf32, #tpu.memory_space<vmem_shared>> -> memref<10240x128xf32, #tpu.memory_space<vmem_shared>>
      tpu.wait_indirect_dma semaphore(%arg14 : memref<!tpu.dma_semaphore, #tpu.memory_space<semaphore_mem>>) src(%dma_wait3A_457 : memref<64x128xf32, #tpu.memory_space<vmem>>) dst(%dma_wait3A_463 : memref<10240x128xf32, #tpu.memory_space<vmem_shared>>)
      %lt3A = arith.constant 9 : i32
      %lt3A_464 = arith.cmpi slt, %scan3A_345, %lt3A : i32
      %convert_element_type3A = arith.extui %lt3A_464 : i1 to i32
      %cond3A = arith.constant 0 : i32
      %cond3A_465 = arith.cmpi ne, %convert_element_type3A, %cond3A : i32
      scf.if %cond3A_465 {
        %add3A_526 = arith.constant 4 : i32
        %add3A_527 = arith.addi %add3A_452, %add3A_526 : i32
        %dma_start3A_528 = arith.constant 0 : i32
        %dma_start3A_529 = arith.constant 0 : i32
        %dma_start3A_530 = arith.constant 0 : i32
        %dma_start3A_531 = tpu.memref_slice %arg9[%dma_start3A_528, %dma_start3A_529, %dma_start3A_530] : memref<4x64x128xf32, #tpu.memory_space<vmem>> -> memref<1x64x128xf32, #tpu.memory_space<vmem>>
        %dma_start3A_532 = tpu.memref_squeeze %dma_start3A_531 : memref<1x64x128xf32, #tpu.memory_space<vmem>> -> memref<64x128xf32, #tpu.memory_space<vmem>>
        %dma_start3A_533 = arith.constant 0 : i32
        %dma_start3A_534 = tpu.memref_slice %arg7[%add3A_527, %dma_start3A_533] : memref<40x64xi32, #tpu.memory_space<vmem>> -> memref<1x64xi32, #tpu.memory_space<vmem>>
        %dma_start3A_535 = tpu.memref_squeeze %dma_start3A_534 : memref<1x64xi32, #tpu.memory_space<vmem>> -> memref<64xi32, #tpu.memory_space<vmem>>
        %dma_start3A_536 = arith.constant 0 : i32
        %dma_start3A_537 = arith.constant 0 : i32
        %dma_start3A_538 = tpu.memref_slice %arg2[%dma_start3A_536, %dma_start3A_537] : memref<10000x128xf32, #tpu.memory_space<hbm>> -> memref<10000x128xf32, #tpu.memory_space<hbm>>
        tpu.enqueue_indirect_dma source(%dma_start3A_538 : memref<10000x128xf32, #tpu.memory_space<hbm>>) target(%dma_start3A_532 : memref<64x128xf32, #tpu.memory_space<vmem>>) offsets(%dma_start3A_535 : memref<64xi32, #tpu.memory_space<vmem>>) semaphore(%arg10 : memref<!tpu.dma_semaphore, #tpu.memory_space<semaphore_mem>>)
      } else {
      }
      %mul3A_466 = arith.constant 4 : i32
      %mul3A_467 = arith.muli %mul3A_466, %scan3A_345 : i32
      %add3A_468 = arith.constant 1 : i32
      %add3A_469 = arith.addi %mul3A_467, %add3A_468 : i32
      %dma_wait3A_470 = arith.constant 1 : i32
      %dma_wait3A_471 = arith.constant 0 : i32
      %dma_wait3A_472 = arith.constant 0 : i32
      %dma_wait3A_473 = tpu.memref_slice %arg9[%dma_wait3A_470, %dma_wait3A_471, %dma_wait3A_472] : memref<4x64x128xf32, #tpu.memory_space<vmem>> -> memref<1x64x128xf32, #tpu.memory_space<vmem>>
      %dma_wait3A_474 = tpu.memref_squeeze %dma_wait3A_473 : memref<1x64x128xf32, #tpu.memory_space<vmem>> -> memref<64x128xf32, #tpu.memory_space<vmem>>
      %dma_wait3A_475 = arith.constant 0 : i32
      %dma_wait3A_476 = tpu.memref_slice %arg8[%add3A_469, %dma_wait3A_475] : memref<40x64xi32, #tpu.memory_space<vmem>> -> memref<1x64xi32, #tpu.memory_space<vmem>>
      %dma_wait3A_477 = tpu.memref_squeeze %dma_wait3A_476 : memref<1x64xi32, #tpu.memory_space<vmem>> -> memref<64xi32, #tpu.memory_space<vmem>>
      %dma_wait3A_478 = arith.constant 0 : i32
      %dma_wait3A_479 = arith.constant 0 : i32
      %dma_wait3A_480 = tpu.memref_slice %arg18[%dma_wait3A_478, %dma_wait3A_479] : memref<10240x128xf32, #tpu.memory_space<vmem_shared>> -> memref<10240x128xf32, #tpu.memory_space<vmem_shared>>
      tpu.wait_indirect_dma semaphore(%arg15 : memref<!tpu.dma_semaphore, #tpu.memory_space<semaphore_mem>>) src(%dma_wait3A_474 : memref<64x128xf32, #tpu.memory_space<vmem>>) dst(%dma_wait3A_480 : memref<10240x128xf32, #tpu.memory_space<vmem_shared>>)
      %lt3A_481 = arith.constant 9 : i32
      %lt3A_482 = arith.cmpi slt, %scan3A_345, %lt3A_481 : i32
      %convert_element_type3A_483 = arith.extui %lt3A_482 : i1 to i32
      %cond3A_484 = arith.constant 0 : i32
      %cond3A_485 = arith.cmpi ne, %convert_element_type3A_483, %cond3A_484 : i32
      scf.if %cond3A_485 {
        %add3A_526 = arith.constant 4 : i32
        %add3A_527 = arith.addi %add3A_469, %add3A_526 : i32
        %dma_start3A_528 = arith.constant 1 : i32
        %dma_start3A_529 = arith.constant 0 : i32
        %dma_start3A_530 = arith.constant 0 : i32
        %dma_start3A_531 = tpu.memref_slice %arg9[%dma_start3A_528, %dma_start3A_529, %dma_start3A_530] : memref<4x64x128xf32, #tpu.memory_space<vmem>> -> memref<1x64x128xf32, #tpu.memory_space<vmem>>
        %dma_start3A_532 = tpu.memref_squeeze %dma_start3A_531 : memref<1x64x128xf32, #tpu.memory_space<vmem>> -> memref<64x128xf32, #tpu.memory_space<vmem>>
        %dma_start3A_533 = arith.constant 0 : i32
        %dma_start3A_534 = tpu.memref_slice %arg7[%add3A_527, %dma_start3A_533] : memref<40x64xi32, #tpu.memory_space<vmem>> -> memref<1x64xi32, #tpu.memory_space<vmem>>
        %dma_start3A_535 = tpu.memref_squeeze %dma_start3A_534 : memref<1x64xi32, #tpu.memory_space<vmem>> -> memref<64xi32, #tpu.memory_space<vmem>>
        %dma_start3A_536 = arith.constant 0 : i32
        %dma_start3A_537 = arith.constant 0 : i32
        %dma_start3A_538 = tpu.memref_slice %arg2[%dma_start3A_536, %dma_start3A_537] : memref<10000x128xf32, #tpu.memory_space<hbm>> -> memref<10000x128xf32, #tpu.memory_space<hbm>>
        tpu.enqueue_indirect_dma source(%dma_start3A_538 : memref<10000x128xf32, #tpu.memory_space<hbm>>) target(%dma_start3A_532 : memref<64x128xf32, #tpu.memory_space<vmem>>) offsets(%dma_start3A_535 : memref<64xi32, #tpu.memory_space<vmem>>) semaphore(%arg11 : memref<!tpu.dma_semaphore, #tpu.memory_space<semaphore_mem>>)
      } else {
      }
      %mul3A_486 = arith.constant 4 : i32
      %mul3A_487 = arith.muli %mul3A_486, %scan3A_345 : i32
      %add3A_488 = arith.constant 2 : i32
      %add3A_489 = arith.addi %mul3A_487, %add3A_488 : i32
      %dma_wait3A_490 = arith.constant 2 : i32
      %dma_wait3A_491 = arith.constant 0 : i32
      %dma_wait3A_492 = arith.constant 0 : i32
      %dma_wait3A_493 = tpu.memref_slice %arg9[%dma_wait3A_490, %dma_wait3A_491, %dma_wait3A_492] : memref<4x64x128xf32, #tpu.memory_space<vmem>> -> memref<1x64x128xf32, #tpu.memory_space<vmem>>
      %dma_wait3A_494 = tpu.memref_squeeze %dma_wait3A_493 : memref<1x64x128xf32, #tpu.memory_space<vmem>> -> memref<64x128xf32, #tpu.memory_space<vmem>>
      %dma_wait3A_495 = arith.constant 0 : i32
      %dma_wait3A_496 = tpu.memref_slice %arg8[%add3A_489, %dma_wait3A_495] : memref<40x64xi32, #tpu.memory_space<vmem>> -> memref<1x64xi32, #tpu.memory_space<vmem>>
      %dma_wait3A_497 = tpu.memref_squeeze %dma_wait3A_496 : memref<1x64xi32, #tpu.memory_space<vmem>> -> memref<64xi32, #tpu.memory_space<vmem>>
      %dma_wait3A_498 = arith.constant 0 : i32
      %dma_wait3A_499 = arith.constant 0 : i32
      %dma_wait3A_500 = tpu.memref_slice %arg18[%dma_wait3A_498, %dma_wait3A_499] : memref<10240x128xf32, #tpu.memory_space<vmem_shared>> -> memref<10240x128xf32, #tpu.memory_space<vmem_shared>>
      tpu.wait_indirect_dma semaphore(%arg16 : memref<!tpu.dma_semaphore, #tpu.memory_space<semaphore_mem>>) src(%dma_wait3A_494 : memref<64x128xf32, #tpu.memory_space<vmem>>) dst(%dma_wait3A_500 : memref<10240x128xf32, #tpu.memory_space<vmem_shared>>)
      %lt3A_501 = arith.constant 9 : i32
      %lt3A_502 = arith.cmpi slt, %scan3A_345, %lt3A_501 : i32
      %convert_element_type3A_503 = arith.extui %lt3A_502 : i1 to i32
      %cond3A_504 = arith.constant 0 : i32
      %cond3A_505 = arith.cmpi ne, %convert_element_type3A_503, %cond3A_504 : i32
      scf.if %cond3A_505 {
        %add3A_526 = arith.constant 4 : i32
        %add3A_527 = arith.addi %add3A_489, %add3A_526 : i32
        %dma_start3A_528 = arith.constant 2 : i32
        %dma_start3A_529 = arith.constant 0 : i32
        %dma_start3A_530 = arith.constant 0 : i32
        %dma_start3A_531 = tpu.memref_slice %arg9[%dma_start3A_528, %dma_start3A_529, %dma_start3A_530] : memref<4x64x128xf32, #tpu.memory_space<vmem>> -> memref<1x64x128xf32, #tpu.memory_space<vmem>>
        %dma_start3A_532 = tpu.memref_squeeze %dma_start3A_531 : memref<1x64x128xf32, #tpu.memory_space<vmem>> -> memref<64x128xf32, #tpu.memory_space<vmem>>
        %dma_start3A_533 = arith.constant 0 : i32
        %dma_start3A_534 = tpu.memref_slice %arg7[%add3A_527, %dma_start3A_533] : memref<40x64xi32, #tpu.memory_space<vmem>> -> memref<1x64xi32, #tpu.memory_space<vmem>>
        %dma_start3A_535 = tpu.memref_squeeze %dma_start3A_534 : memref<1x64xi32, #tpu.memory_space<vmem>> -> memref<64xi32, #tpu.memory_space<vmem>>
        %dma_start3A_536 = arith.constant 0 : i32
        %dma_start3A_537 = arith.constant 0 : i32
        %dma_start3A_538 = tpu.memref_slice %arg2[%dma_start3A_536, %dma_start3A_537] : memref<10000x128xf32, #tpu.memory_space<hbm>> -> memref<10000x128xf32, #tpu.memory_space<hbm>>
        tpu.enqueue_indirect_dma source(%dma_start3A_538 : memref<10000x128xf32, #tpu.memory_space<hbm>>) target(%dma_start3A_532 : memref<64x128xf32, #tpu.memory_space<vmem>>) offsets(%dma_start3A_535 : memref<64xi32, #tpu.memory_space<vmem>>) semaphore(%arg12 : memref<!tpu.dma_semaphore, #tpu.memory_space<semaphore_mem>>)
      } else {
      }
      %mul3A_506 = arith.constant 4 : i32
      %mul3A_507 = arith.muli %mul3A_506, %scan3A_345 : i32
      %add3A_508 = arith.constant 3 : i32
      %add3A_509 = arith.addi %mul3A_507, %add3A_508 : i32
      %dma_wait3A_510 = arith.constant 3 : i32
      %dma_wait3A_511 = arith.constant 0 : i32
      %dma_wait3A_512 = arith.constant 0 : i32
      %dma_wait3A_513 = tpu.memref_slice %arg9[%dma_wait3A_510, %dma_wait3A_511, %dma_wait3A_512] : memref<4x64x128xf32, #tpu.memory_space<vmem>> -> memref<1x64x128xf32, #tpu.memory_space<vmem>>
      %dma_wait3A_514 = tpu.memref_squeeze %dma_wait3A_513 : memref<1x64x128xf32, #tpu.memory_space<vmem>> -> memref<64x128xf32, #tpu.memory_space<vmem>>
      %dma_wait3A_515 = arith.constant 0 : i32
      %dma_wait3A_516 = tpu.memref_slice %arg8[%add3A_509, %dma_wait3A_515] : memref<40x64xi32, #tpu.memory_space<vmem>> -> memref<1x64xi32, #tpu.memory_space<vmem>>
      %dma_wait3A_517 = tpu.memref_squeeze %dma_wait3A_516 : memref<1x64xi32, #tpu.memory_space<vmem>> -> memref<64xi32, #tpu.memory_space<vmem>>
      %dma_wait3A_518 = arith.constant 0 : i32
      %dma_wait3A_519 = arith.constant 0 : i32
      %dma_wait3A_520 = tpu.memref_slice %arg18[%dma_wait3A_518, %dma_wait3A_519] : memref<10240x128xf32, #tpu.memory_space<vmem_shared>> -> memref<10240x128xf32, #tpu.memory_space<vmem_shared>>
      tpu.wait_indirect_dma semaphore(%arg17 : memref<!tpu.dma_semaphore, #tpu.memory_space<semaphore_mem>>) src(%dma_wait3A_514 : memref<64x128xf32, #tpu.memory_space<vmem>>) dst(%dma_wait3A_520 : memref<10240x128xf32, #tpu.memory_space<vmem_shared>>)
      %lt3A_521 = arith.constant 9 : i32
      %lt3A_522 = arith.cmpi slt, %scan3A_345, %lt3A_521 : i32
      %convert_element_type3A_523 = arith.extui %lt3A_522 : i1 to i32
      %cond3A_524 = arith.constant 0 : i32
      %cond3A_525 = arith.cmpi ne, %convert_element_type3A_523, %cond3A_524 : i32
      scf.if %cond3A_525 {
        %add3A_526 = arith.constant 4 : i32
        %add3A_527 = arith.addi %add3A_509, %add3A_526 : i32
        %dma_start3A_528 = arith.constant 3 : i32
        %dma_start3A_529 = arith.constant 0 : i32
        %dma_start3A_530 = arith.constant 0 : i32
        %dma_start3A_531 = tpu.memref_slice %arg9[%dma_start3A_528, %dma_start3A_529, %dma_start3A_530] : memref<4x64x128xf32, #tpu.memory_space<vmem>> -> memref<1x64x128xf32, #tpu.memory_space<vmem>>
        %dma_start3A_532 = tpu.memref_squeeze %dma_start3A_531 : memref<1x64x128xf32, #tpu.memory_space<vmem>> -> memref<64x128xf32, #tpu.memory_space<vmem>>
        %dma_start3A_533 = arith.constant 0 : i32
        %dma_start3A_534 = tpu.memref_slice %arg7[%add3A_527, %dma_start3A_533] : memref<40x64xi32, #tpu.memory_space<vmem>> -> memref<1x64xi32, #tpu.memory_space<vmem>>
        %dma_start3A_535 = tpu.memref_squeeze %dma_start3A_534 : memref<1x64xi32, #tpu.memory_space<vmem>> -> memref<64xi32, #tpu.memory_space<vmem>>
        %dma_start3A_536 = arith.constant 0 : i32
        %dma_start3A_537 = arith.constant 0 : i32
        %dma_start3A_538 = tpu.memref_slice %arg2[%dma_start3A_536, %dma_start3A_537] : memref<10000x128xf32, #tpu.memory_space<hbm>> -> memref<10000x128xf32, #tpu.memory_space<hbm>>
        tpu.enqueue_indirect_dma source(%dma_start3A_538 : memref<10000x128xf32, #tpu.memory_space<hbm>>) target(%dma_start3A_532 : memref<64x128xf32, #tpu.memory_space<vmem>>) offsets(%dma_start3A_535 : memref<64xi32, #tpu.memory_space<vmem>>) semaphore(%arg13 : memref<!tpu.dma_semaphore, #tpu.memory_space<semaphore_mem>>)
      } else {
      }
    }
    %scan3A_328 = arith.constant 10 : i32
    %barrier3A_329 = arith.constant 0 : index
    tpu.barrier barrier_id(%barrier3A_329)
    "tpu.region"() ({
      %run_scoped3A_345 = tpu.sem_alloc : memref<!tpu.dma_semaphore, #tpu.memory_space<semaphore_mem>>
      %dma_start3A_346 = arith.constant 0 : i32
      %dma_start3A_347 = tpu.memref_slice %arg5[%add3A_322, %mul3A_0, %dma_start3A_346] : memref<8x10240x128xf32, #tpu.memory_space<hbm>> -> memref<1x640x128xf32, #tpu.memory_space<hbm>>
      %dma_start3A_348 = tpu.memref_squeeze %dma_start3A_347 : memref<1x640x128xf32, #tpu.memory_space<hbm>> -> memref<640x128xf32, #tpu.memory_space<hbm>>
      %dma_start3A_349 = arith.constant 0 : i32
      %dma_start3A_350 = tpu.memref_slice %arg18[%mul3A_0, %dma_start3A_349] : memref<10240x128xf32, #tpu.memory_space<vmem_shared>> -> memref<640x128xf32, #tpu.memory_space<vmem_shared>>
      tpu.enqueue_dma source(%dma_start3A_350 : memref<640x128xf32, #tpu.memory_space<vmem_shared>>) target(%dma_start3A_348 : memref<640x128xf32, #tpu.memory_space<hbm>>) target_semaphore(%run_scoped3A_345 : memref<!tpu.dma_semaphore, #tpu.memory_space<semaphore_mem>>)
      %dma_wait3A = arith.constant 0 : i32
      %dma_wait3A_351 = tpu.memref_slice %arg5[%add3A_322, %mul3A_0, %dma_wait3A] : memref<8x10240x128xf32, #tpu.memory_space<hbm>> -> memref<1x640x128xf32, #tpu.memory_space<hbm>>
      %dma_wait3A_352 = tpu.memref_squeeze %dma_wait3A_351 : memref<1x640x128xf32, #tpu.memory_space<hbm>> -> memref<640x128xf32, #tpu.memory_space<hbm>>
      %dma_wait3A_353 = arith.constant 0 : i32
      %dma_wait3A_354 = tpu.memref_slice %arg18[%mul3A_0, %dma_wait3A_353] : memref<10240x128xf32, #tpu.memory_space<vmem_shared>> -> memref<640x128xf32, #tpu.memory_space<vmem_shared>>
      tpu.wait_dma2 semaphore(%run_scoped3A_345 : memref<!tpu.dma_semaphore, #tpu.memory_space<semaphore_mem>>) src(%dma_wait3A_354 : memref<640x128xf32, #tpu.memory_space<vmem_shared>>) dst(%dma_wait3A_352 : memref<640x128xf32, #tpu.memory_space<hbm>>)
      tpu.yield
    }) : () -> ()
    %barrier3A_330 = arith.constant 0 : index
    tpu.barrier barrier_id(%barrier3A_330)
    %scan3A_331 = arith.constant 0 : i32
    %scan3A_332 = arith.constant 0 : i32
    %scan3A_333 = arith.constant 64 : i32
    %scan3A_334 = arith.addi %scan3A_332, %scan3A_333 : i32
    %scan3A_335 = arith.constant 1 : i32
    scf.for %scan3A_345 = %scan3A_332 to %scan3A_334 step %scan3A_335  : i32 {
      %broadcast_in_dim3A = arith.constant 1.000000e+00 : f32
      %broadcast_in_dim3A_346 = vector.broadcast %broadcast_in_dim3A : f32 to vector<16xf32>
      %swap3A = arith.constant 0 : i32
      %swap3A_347 = arith.index_cast %swap3A : i32 to index
      %swap3A_348 = arith.index_cast %scan3A_345 : i32 to index
      %swap3A_349 = arith.constant 0 : index
      %swap3A_350 = tpu.vector_load %arg9[%swap3A_347, %swap3A_348, %swap3A_349] {strides = array<i32>} : memref<4x64x128xf32, #tpu.memory_space<vmem>>, vector<1x1x16xf32>,
      %swap3A_351 = vector.shape_cast %swap3A_350 : vector<1x1x16xf32> to vector<16xf32>
      %swap3A_352 = vector.shape_cast %broadcast_in_dim3A_346 : vector<16xf32> to vector<1x1x16xf32>
      tpu.vector_store %arg9[%swap3A_347, %swap3A_348, %swap3A_349], %swap3A_352 {strides = array<i32>} : memref<4x64x128xf32, #tpu.memory_space<vmem>>, vector<1x1x16xf32>,
      %broadcast_in_dim3A_353 = arith.constant 1.000000e+00 : f32
      %broadcast_in_dim3A_354 = vector.broadcast %broadcast_in_dim3A_353 : f32 to vector<16xf32>
      %swap3A_355 = arith.constant 0 : i32
      %swap3A_356 = arith.index_cast %swap3A_355 : i32 to index
      %swap3A_357 = arith.index_cast %scan3A_345 : i32 to index
      %swap3A_358 = arith.constant 16 : index
      %swap3A_359 = tpu.vector_load %arg9[%swap3A_356, %swap3A_357, %swap3A_358] {strides = array<i32>} : memref<4x64x128xf32, #tpu.memory_space<vmem>>, vector<1x1x16xf32>,
      %swap3A_360 = vector.shape_cast %swap3A_359 : vector<1x1x16xf32> to vector<16xf32>
      %swap3A_361 = vector.shape_cast %broadcast_in_dim3A_354 : vector<16xf32> to vector<1x1x16xf32>
      tpu.vector_store %arg9[%swap3A_356, %swap3A_357, %swap3A_358], %swap3A_361 {strides = array<i32>} : memref<4x64x128xf32, #tpu.memory_space<vmem>>, vector<1x1x16xf32>,
      %broadcast_in_dim3A_362 = arith.constant 1.000000e+00 : f32
      %broadcast_in_dim3A_363 = vector.broadcast %broadcast_in_dim3A_362 : f32 to vector<16xf32>
      %swap3A_364 = arith.constant 0 : i32
      %swap3A_365 = arith.index_cast %swap3A_364 : i32 to index
      %swap3A_366 = arith.index_cast %scan3A_345 : i32 to index
      %swap3A_367 = arith.constant 32 : index
      %swap3A_368 = tpu.vector_load %arg9[%swap3A_365, %swap3A_366, %swap3A_367] {strides = array<i32>} : memref<4x64x128xf32, #tpu.memory_space<vmem>>, vector<1x1x16xf32>,
      %swap3A_369 = vector.shape_cast %swap3A_368 : vector<1x1x16xf32> to vector<16xf32>
      %swap3A_370 = vector.shape_cast %broadcast_in_dim3A_363 : vector<16xf32> to vector<1x1x16xf32>
      tpu.vector_store %arg9[%swap3A_365, %swap3A_366, %swap3A_367], %swap3A_370 {strides = array<i32>} : memref<4x64x128xf32, #tpu.memory_space<vmem>>, vector<1x1x16xf32>,
      %broadcast_in_dim3A_371 = arith.constant 1.000000e+00 : f32
      %broadcast_in_dim3A_372 = vector.broadcast %broadcast_in_dim3A_371 : f32 to vector<16xf32>
      %swap3A_373 = arith.constant 0 : i32
      %swap3A_374 = arith.index_cast %swap3A_373 : i32 to index
      %swap3A_375 = arith.index_cast %scan3A_345 : i32 to index
      %swap3A_376 = arith.constant 48 : index
      %swap3A_377 = tpu.vector_load %arg9[%swap3A_374, %swap3A_375, %swap3A_376] {strides = array<i32>} : memref<4x64x128xf32, #tpu.memory_space<vmem>>, vector<1x1x16xf32>,
      %swap3A_378 = vector.shape_cast %swap3A_377 : vector<1x1x16xf32> to vector<16xf32>
      %swap3A_379 = vector.shape_cast %broadcast_in_dim3A_372 : vector<16xf32> to vector<1x1x16xf32>
      tpu.vector_store %arg9[%swap3A_374, %swap3A_375, %swap3A_376], %swap3A_379 {strides = array<i32>} : memref<4x64x128xf32, #tpu.memory_space<vmem>>, vector<1x1x16xf32>,
      %broadcast_in_dim3A_380 = arith.constant 1.000000e+00 : f32
      %broadcast_in_dim3A_381 = vector.broadcast %broadcast_in_dim3A_380 : f32 to vector<16xf32>
      %swap3A_382 = arith.constant 0 : i32
      %swap3A_383 = arith.index_cast %swap3A_382 : i32 to index
      %swap3A_384 = arith.index_cast %scan3A_345 : i32 to index
      %swap3A_385 = arith.constant 64 : index
      %swap3A_386 = tpu.vector_load %arg9[%swap3A_383, %swap3A_384, %swap3A_385] {strides = array<i32>} : memref<4x64x128xf32, #tpu.memory_space<vmem>>, vector<1x1x16xf32>,
      %swap3A_387 = vector.shape_cast %swap3A_386 : vector<1x1x16xf32> to vector<16xf32>
      %swap3A_388 = vector.shape_cast %broadcast_in_dim3A_381 : vector<16xf32> to vector<1x1x16xf32>
      tpu.vector_store %arg9[%swap3A_383, %swap3A_384, %swap3A_385], %swap3A_388 {strides = array<i32>} : memref<4x64x128xf32, #tpu.memory_space<vmem>>, vector<1x1x16xf32>,
      %broadcast_in_dim3A_389 = arith.constant 1.000000e+00 : f32
      %broadcast_in_dim3A_390 = vector.broadcast %broadcast_in_dim3A_389 : f32 to vector<16xf32>
      %swap3A_391 = arith.constant 0 : i32
      %swap3A_392 = arith.index_cast %swap3A_391 : i32 to index
      %swap3A_393 = arith.index_cast %scan3A_345 : i32 to index
      %swap3A_394 = arith.constant 80 : index
      %swap3A_395 = tpu.vector_load %arg9[%swap3A_392, %swap3A_393, %swap3A_394] {strides = array<i32>} : memref<4x64x128xf32, #tpu.memory_space<vmem>>, vector<1x1x16xf32>,
      %swap3A_396 = vector.shape_cast %swap3A_395 : vector<1x1x16xf32> to vector<16xf32>
      %swap3A_397 = vector.shape_cast %broadcast_in_dim3A_390 : vector<16xf32> to vector<1x1x16xf32>
      tpu.vector_store %arg9[%swap3A_392, %swap3A_393, %swap3A_394], %swap3A_397 {strides = array<i32>} : memref<4x64x128xf32, #tpu.memory_space<vmem>>, vector<1x1x16xf32>,
      %broadcast_in_dim3A_398 = arith.constant 1.000000e+00 : f32
      %broadcast_in_dim3A_399 = vector.broadcast %broadcast_in_dim3A_398 : f32 to vector<16xf32>
      %swap3A_400 = arith.constant 0 : i32
      %swap3A_401 = arith.index_cast %swap3A_400 : i32 to index
      %swap3A_402 = arith.index_cast %scan3A_345 : i32 to index
      %swap3A_403 = arith.constant 96 : index
      %swap3A_404 = tpu.vector_load %arg9[%swap3A_401, %swap3A_402, %swap3A_403] {strides = array<i32>} : memref<4x64x128xf32, #tpu.memory_space<vmem>>, vector<1x1x16xf32>,
      %swap3A_405 = vector.shape_cast %swap3A_404 : vector<1x1x16xf32> to vector<16xf32>
      %swap3A_406 = vector.shape_cast %broadcast_in_dim3A_399 : vector<16xf32> to vector<1x1x16xf32>
      tpu.vector_store %arg9[%swap3A_401, %swap3A_402, %swap3A_403], %swap3A_406 {strides = array<i32>} : memref<4x64x128xf32, #tpu.memory_space<vmem>>, vector<1x1x16xf32>,
      %broadcast_in_dim3A_407 = arith.constant 1.000000e+00 : f32
      %broadcast_in_dim3A_408 = vector.broadcast %broadcast_in_dim3A_407 : f32 to vector<16xf32>
      %swap3A_409 = arith.constant 0 : i32
      %swap3A_410 = arith.index_cast %swap3A_409 : i32 to index
      %swap3A_411 = arith.index_cast %scan3A_345 : i32 to index
      %swap3A_412 = arith.constant 112 : index
      %swap3A_413 = tpu.vector_load %arg9[%swap3A_410, %swap3A_411, %swap3A_412] {strides = array<i32>} : memref<4x64x128xf32, #tpu.memory_space<vmem>>, vector<1x1x16xf32>,
      %swap3A_414 = vector.shape_cast %swap3A_413 : vector<1x1x16xf32> to vector<16xf32>
      %swap3A_415 = vector.shape_cast %broadcast_in_dim3A_408 : vector<16xf32> to vector<1x1x16xf32>
      tpu.vector_store %arg9[%swap3A_410, %swap3A_411, %swap3A_412], %swap3A_415 {strides = array<i32>} : memref<4x64x128xf32, #tpu.memory_space<vmem>>, vector<1x1x16xf32>,
    }
    %scan3A_336 = arith.constant 64 : i32
    %scan3A_337 = arith.constant 0 : i32
    %scan3A_338 = arith.constant 0 : i32
    %scan3A_339 = arith.constant 10 : i32
    %scan3A_340 = arith.addi %scan3A_338, %scan3A_339 : i32
    %scan3A_341 = arith.constant 1 : i32
    scf.for %scan3A_345 = %scan3A_338 to %scan3A_340 step %scan3A_341  : i32 {
      %mul3A_346 = arith.constant 4 : i32
      %mul3A_347 = arith.muli %mul3A_346, %scan3A_345 : i32
      %add3A_348 = arith.constant 0 : i32
      %add3A_349 = arith.addi %mul3A_347, %add3A_348 : i32
      %dma_start3A_350 = arith.constant 0 : i32
      %dma_start3A_351 = arith.constant 0 : i32
      %dma_start3A_352 = arith.constant 0 : i32
      %dma_start3A_353 = tpu.memref_slice %arg9[%dma_start3A_350, %dma_start3A_351, %dma_start3A_352] : memref<4x64x128xf32, #tpu.memory_space<vmem>> -> memref<1x64x128xf32, #tpu.memory_space<vmem>>
      %dma_start3A_354 = tpu.memref_squeeze %dma_start3A_353 : memref<1x64x128xf32, #tpu.memory_space<vmem>> -> memref<64x128xf32, #tpu.memory_space<vmem>>
      %dma_start3A_355 = arith.constant 0 : i32
      %dma_start3A_356 = tpu.memref_slice %arg8[%add3A_349, %dma_start3A_355] : memref<40x64xi32, #tpu.memory_space<vmem>> -> memref<1x64xi32, #tpu.memory_space<vmem>>
      %dma_start3A_357 = tpu.memref_squeeze %dma_start3A_356 : memref<1x64xi32, #tpu.memory_space<vmem>> -> memref<64xi32, #tpu.memory_space<vmem>>
      %dma_start3A_358 = arith.constant 0 : i32
      %dma_start3A_359 = arith.constant 0 : i32
      %dma_start3A_360 = tpu.memref_slice %arg18[%dma_start3A_358, %dma_start3A_359] : memref<10240x128xf32, #tpu.memory_space<vmem_shared>> -> memref<10240x128xf32, #tpu.memory_space<vmem_shared>>
      tpu.enqueue_indirect_dma source(%dma_start3A_354 : memref<64x128xf32, #tpu.memory_space<vmem>>) target(%dma_start3A_360 : memref<10240x128xf32, #tpu.memory_space<vmem_shared>>) offsets(%dma_start3A_357 : memref<64xi32, #tpu.memory_space<vmem>>) semaphore(%arg14 : memref<!tpu.dma_semaphore, #tpu.memory_space<semaphore_mem>>) {add = true}
      %mul3A_361 = arith.constant 4 : i32
      %mul3A_362 = arith.muli %mul3A_361, %scan3A_345 : i32
      %add3A_363 = arith.constant 1 : i32
      %add3A_364 = arith.addi %mul3A_362, %add3A_363 : i32
      %dma_start3A_365 = arith.constant 0 : i32
      %dma_start3A_366 = arith.constant 0 : i32
      %dma_start3A_367 = arith.constant 0 : i32
      %dma_start3A_368 = tpu.memref_slice %arg9[%dma_start3A_365, %dma_start3A_366, %dma_start3A_367] : memref<4x64x128xf32, #tpu.memory_space<vmem>> -> memref<1x64x128xf32, #tpu.memory_space<vmem>>
      %dma_start3A_369 = tpu.memref_squeeze %dma_start3A_368 : memref<1x64x128xf32, #tpu.memory_space<vmem>> -> memref<64x128xf32, #tpu.memory_space<vmem>>
      %dma_start3A_370 = arith.constant 0 : i32
      %dma_start3A_371 = tpu.memref_slice %arg8[%add3A_364, %dma_start3A_370] : memref<40x64xi32, #tpu.memory_space<vmem>> -> memref<1x64xi32, #tpu.memory_space<vmem>>
      %dma_start3A_372 = tpu.memref_squeeze %dma_start3A_371 : memref<1x64xi32, #tpu.memory_space<vmem>> -> memref<64xi32, #tpu.memory_space<vmem>>
      %dma_start3A_373 = arith.constant 0 : i32
      %dma_start3A_374 = arith.constant 0 : i32
      %dma_start3A_375 = tpu.memref_slice %arg18[%dma_start3A_373, %dma_start3A_374] : memref<10240x128xf32, #tpu.memory_space<vmem_shared>> -> memref<10240x128xf32, #tpu.memory_space<vmem_shared>>
      tpu.enqueue_indirect_dma source(%dma_start3A_369 : memref<64x128xf32, #tpu.memory_space<vmem>>) target(%dma_start3A_375 : memref<10240x128xf32, #tpu.memory_space<vmem_shared>>) offsets(%dma_start3A_372 : memref<64xi32, #tpu.memory_space<vmem>>) semaphore(%arg15 : memref<!tpu.dma_semaphore, #tpu.memory_space<semaphore_mem>>) {add = true}
      %mul3A_376 = arith.constant 4 : i32
      %mul3A_377 = arith.muli %mul3A_376, %scan3A_345 : i32
      %add3A_378 = arith.constant 2 : i32
      %add3A_379 = arith.addi %mul3A_377, %add3A_378 : i32
      %dma_start3A_380 = arith.constant 0 : i32
      %dma_start3A_381 = arith.constant 0 : i32
      %dma_start3A_382 = arith.constant 0 : i32
      %dma_start3A_383 = tpu.memref_slice %arg9[%dma_start3A_380, %dma_start3A_381, %dma_start3A_382] : memref<4x64x128xf32, #tpu.memory_space<vmem>> -> memref<1x64x128xf32, #tpu.memory_space<vmem>>
      %dma_start3A_384 = tpu.memref_squeeze %dma_start3A_383 : memref<1x64x128xf32, #tpu.memory_space<vmem>> -> memref<64x128xf32, #tpu.memory_space<vmem>>
      %dma_start3A_385 = arith.constant 0 : i32
      %dma_start3A_386 = tpu.memref_slice %arg8[%add3A_379, %dma_start3A_385] : memref<40x64xi32, #tpu.memory_space<vmem>> -> memref<1x64xi32, #tpu.memory_space<vmem>>
      %dma_start3A_387 = tpu.memref_squeeze %dma_start3A_386 : memref<1x64xi32, #tpu.memory_space<vmem>> -> memref<64xi32, #tpu.memory_space<vmem>>
      %dma_start3A_388 = arith.constant 0 : i32
      %dma_start3A_389 = arith.constant 0 : i32
      %dma_start3A_390 = tpu.memref_slice %arg18[%dma_start3A_388, %dma_start3A_389] : memref<10240x128xf32, #tpu.memory_space<vmem_shared>> -> memref<10240x128xf32, #tpu.memory_space<vmem_shared>>
      tpu.enqueue_indirect_dma source(%dma_start3A_384 : memref<64x128xf32, #tpu.memory_space<vmem>>) target(%dma_start3A_390 : memref<10240x128xf32, #tpu.memory_space<vmem_shared>>) offsets(%dma_start3A_387 : memref<64xi32, #tpu.memory_space<vmem>>) semaphore(%arg16 : memref<!tpu.dma_semaphore, #tpu.memory_space<semaphore_mem>>) {add = true}
      %mul3A_391 = arith.constant 4 : i32
      %mul3A_392 = arith.muli %mul3A_391, %scan3A_345 : i32
      %add3A_393 = arith.constant 3 : i32
      %add3A_394 = arith.addi %mul3A_392, %add3A_393 : i32
      %dma_start3A_395 = arith.constant 0 : i32
      %dma_start3A_396 = arith.constant 0 : i32
      %dma_start3A_397 = arith.constant 0 : i32
      %dma_start3A_398 = tpu.memref_slice %arg9[%dma_start3A_395, %dma_start3A_396, %dma_start3A_397] : memref<4x64x128xf32, #tpu.memory_space<vmem>> -> memref<1x64x128xf32, #tpu.memory_space<vmem>>
      %dma_start3A_399 = tpu.memref_squeeze %dma_start3A_398 : memref<1x64x128xf32, #tpu.memory_space<vmem>> -> memref<64x128xf32, #tpu.memory_space<vmem>>
      %dma_start3A_400 = arith.constant 0 : i32
      %dma_start3A_401 = tpu.memref_slice %arg8[%add3A_394, %dma_start3A_400] : memref<40x64xi32, #tpu.memory_space<vmem>> -> memref<1x64xi32, #tpu.memory_space<vmem>>
      %dma_start3A_402 = tpu.memref_squeeze %dma_start3A_401 : memref<1x64xi32, #tpu.memory_space<vmem>> -> memref<64xi32, #tpu.memory_space<vmem>>
      %dma_start3A_403 = arith.constant 0 : i32
      %dma_start3A_404 = arith.constant 0 : i32
      %dma_start3A_405 = tpu.memref_slice %arg18[%dma_start3A_403, %dma_start3A_404] : memref<10240x128xf32, #tpu.memory_space<vmem_shared>> -> memref<10240x128xf32, #tpu.memory_space<vmem_shared>>
      tpu.enqueue_indirect_dma source(%dma_start3A_399 : memref<64x128xf32, #tpu.memory_space<vmem>>) target(%dma_start3A_405 : memref<10240x128xf32, #tpu.memory_space<vmem_shared>>) offsets(%dma_start3A_402 : memref<64xi32, #tpu.memory_space<vmem>>) semaphore(%arg17 : memref<!tpu.dma_semaphore, #tpu.memory_space<semaphore_mem>>) {add = true}
      %mul3A_406 = arith.constant 4 : i32
      %mul3A_407 = arith.muli %mul3A_406, %scan3A_345 : i32
      %add3A_408 = arith.constant 0 : i32
      %add3A_409 = arith.addi %mul3A_407, %add3A_408 : i32
      %dma_wait3A = arith.constant 0 : i32
      %dma_wait3A_410 = arith.constant 0 : i32
      %dma_wait3A_411 = arith.constant 0 : i32
      %dma_wait3A_412 = tpu.memref_slice %arg9[%dma_wait3A, %dma_wait3A_410, %dma_wait3A_411] : memref<4x64x128xf32, #tpu.memory_space<vmem>> -> memref<1x64x128xf32, #tpu.memory_space<vmem>>
      %dma_wait3A_413 = tpu.memref_squeeze %dma_wait3A_412 : memref<1x64x128xf32, #tpu.memory_space<vmem>> -> memref<64x128xf32, #tpu.memory_space<vmem>>
      %dma_wait3A_414 = arith.constant 0 : i32
      %dma_wait3A_415 = tpu.memref_slice %arg8[%add3A_409, %dma_wait3A_414] : memref<40x64xi32, #tpu.memory_space<vmem>> -> memref<1x64xi32, #tpu.memory_space<vmem>>
      %dma_wait3A_416 = tpu.memref_squeeze %dma_wait3A_415 : memref<1x64xi32, #tpu.memory_space<vmem>> -> memref<64xi32, #tpu.memory_space<vmem>>
      %dma_wait3A_417 = arith.constant 0 : i32
      %dma_wait3A_418 = arith.constant 0 : i32
      %dma_wait3A_419 = tpu.memref_slice %arg18[%dma_wait3A_417, %dma_wait3A_418] : memref<10240x128xf32, #tpu.memory_space<vmem_shared>> -> memref<10240x128xf32, #tpu.memory_space<vmem_shared>>
      tpu.wait_indirect_dma semaphore(%arg14 : memref<!tpu.dma_semaphore, #tpu.memory_space<semaphore_mem>>) src(%dma_wait3A_413 : memref<64x128xf32, #tpu.memory_space<vmem>>) dst(%dma_wait3A_419 : memref<10240x128xf32, #tpu.memory_space<vmem_shared>>)
      %mul3A_420 = arith.constant 4 : i32
      %mul3A_421 = arith.muli %mul3A_420, %scan3A_345 : i32
      %add3A_422 = arith.constant 1 : i32
      %add3A_423 = arith.addi %mul3A_421, %add3A_422 : i32
      %dma_wait3A_424 = arith.constant 0 : i32
      %dma_wait3A_425 = arith.constant 0 : i32
      %dma_wait3A_426 = arith.constant 0 : i32
      %dma_wait3A_427 = tpu.memref_slice %arg9[%dma_wait3A_424, %dma_wait3A_425, %dma_wait3A_426] : memref<4x64x128xf32, #tpu.memory_space<vmem>> -> memref<1x64x128xf32, #tpu.memory_space<vmem>>
      %dma_wait3A_428 = tpu.memref_squeeze %dma_wait3A_427 : memref<1x64x128xf32, #tpu.memory_space<vmem>> -> memref<64x128xf32, #tpu.memory_space<vmem>>
      %dma_wait3A_429 = arith.constant 0 : i32
      %dma_wait3A_430 = tpu.memref_slice %arg8[%add3A_423, %dma_wait3A_429] : memref<40x64xi32, #tpu.memory_space<vmem>> -> memref<1x64xi32, #tpu.memory_space<vmem>>
      %dma_wait3A_431 = tpu.memref_squeeze %dma_wait3A_430 : memref<1x64xi32, #tpu.memory_space<vmem>> -> memref<64xi32, #tpu.memory_space<vmem>>
      %dma_wait3A_432 = arith.constant 0 : i32
      %dma_wait3A_433 = arith.constant 0 : i32
      %dma_wait3A_434 = tpu.memref_slice %arg18[%dma_wait3A_432, %dma_wait3A_433] : memref<10240x128xf32, #tpu.memory_space<vmem_shared>> -> memref<10240x128xf32, #tpu.memory_space<vmem_shared>>
      tpu.wait_indirect_dma semaphore(%arg15 : memref<!tpu.dma_semaphore, #tpu.memory_space<semaphore_mem>>) src(%dma_wait3A_428 : memref<64x128xf32, #tpu.memory_space<vmem>>) dst(%dma_wait3A_434 : memref<10240x128xf32, #tpu.memory_space<vmem_shared>>)
      %mul3A_435 = arith.constant 4 : i32
      %mul3A_436 = arith.muli %mul3A_435, %scan3A_345 : i32
      %add3A_437 = arith.constant 2 : i32
      %add3A_438 = arith.addi %mul3A_436, %add3A_437 : i32
      %dma_wait3A_439 = arith.constant 0 : i32
      %dma_wait3A_440 = arith.constant 0 : i32
      %dma_wait3A_441 = arith.constant 0 : i32
      %dma_wait3A_442 = tpu.memref_slice %arg9[%dma_wait3A_439, %dma_wait3A_440, %dma_wait3A_441] : memref<4x64x128xf32, #tpu.memory_space<vmem>> -> memref<1x64x128xf32, #tpu.memory_space<vmem>>
      %dma_wait3A_443 = tpu.memref_squeeze %dma_wait3A_442 : memref<1x64x128xf32, #tpu.memory_space<vmem>> -> memref<64x128xf32, #tpu.memory_space<vmem>>
      %dma_wait3A_444 = arith.constant 0 : i32
      %dma_wait3A_445 = tpu.memref_slice %arg8[%add3A_438, %dma_wait3A_444] : memref<40x64xi32, #tpu.memory_space<vmem>> -> memref<1x64xi32, #tpu.memory_space<vmem>>
      %dma_wait3A_446 = tpu.memref_squeeze %dma_wait3A_445 : memref<1x64xi32, #tpu.memory_space<vmem>> -> memref<64xi32, #tpu.memory_space<vmem>>
      %dma_wait3A_447 = arith.constant 0 : i32
      %dma_wait3A_448 = arith.constant 0 : i32
      %dma_wait3A_449 = tpu.memref_slice %arg18[%dma_wait3A_447, %dma_wait3A_448] : memref<10240x128xf32, #tpu.memory_space<vmem_shared>> -> memref<10240x128xf32, #tpu.memory_space<vmem_shared>>
      tpu.wait_indirect_dma semaphore(%arg16 : memref<!tpu.dma_semaphore, #tpu.memory_space<semaphore_mem>>) src(%dma_wait3A_443 : memref<64x128xf32, #tpu.memory_space<vmem>>) dst(%dma_wait3A_449 : memref<10240x128xf32, #tpu.memory_space<vmem_shared>>)
      %mul3A_450 = arith.constant 4 : i32
      %mul3A_451 = arith.muli %mul3A_450, %scan3A_345 : i32
      %add3A_452 = arith.constant 3 : i32
      %add3A_453 = arith.addi %mul3A_451, %add3A_452 : i32
      %dma_wait3A_454 = arith.constant 0 : i32
      %dma_wait3A_455 = arith.constant 0 : i32
      %dma_wait3A_456 = arith.constant 0 : i32
      %dma_wait3A_457 = tpu.memref_slice %arg9[%dma_wait3A_454, %dma_wait3A_455, %dma_wait3A_456] : memref<4x64x128xf32, #tpu.memory_space<vmem>> -> memref<1x64x128xf32, #tpu.memory_space<vmem>>
      %dma_wait3A_458 = tpu.memref_squeeze %dma_wait3A_457 : memref<1x64x128xf32, #tpu.memory_space<vmem>> -> memref<64x128xf32, #tpu.memory_space<vmem>>
      %dma_wait3A_459 = arith.constant 0 : i32
      %dma_wait3A_460 = tpu.memref_slice %arg8[%add3A_453, %dma_wait3A_459] : memref<40x64xi32, #tpu.memory_space<vmem>> -> memref<1x64xi32, #tpu.memory_space<vmem>>
      %dma_wait3A_461 = tpu.memref_squeeze %dma_wait3A_460 : memref<1x64xi32, #tpu.memory_space<vmem>> -> memref<64xi32, #tpu.memory_space<vmem>>
      %dma_wait3A_462 = arith.constant 0 : i32
      %dma_wait3A_463 = arith.constant 0 : i32
      %dma_wait3A_464 = tpu.memref_slice %arg18[%dma_wait3A_462, %dma_wait3A_463] : memref<10240x128xf32, #tpu.memory_space<vmem_shared>> -> memref<10240x128xf32, #tpu.memory_space<vmem_shared>>
      tpu.wait_indirect_dma semaphore(%arg17 : memref<!tpu.dma_semaphore, #tpu.memory_space<semaphore_mem>>) src(%dma_wait3A_458 : memref<64x128xf32, #tpu.memory_space<vmem>>) dst(%dma_wait3A_464 : memref<10240x128xf32, #tpu.memory_space<vmem_shared>>)
    }
    %scan3A_342 = arith.constant 10 : i32
    %barrier3A_343 = arith.constant 0 : index
    tpu.barrier barrier_id(%barrier3A_343)
    "tpu.region"() ({
      %run_scoped3A_345 = tpu.sem_alloc : memref<!tpu.dma_semaphore, #tpu.memory_space<semaphore_mem>>
      %dma_start3A_346 = arith.constant 0 : i32
      %dma_start3A_347 = tpu.memref_slice %arg6[%add3A_322, %mul3A_0, %dma_start3A_346] : memref<8x10240x128xf32, #tpu.memory_space<hbm>> -> memref<1x640x128xf32, #tpu.memory_space<hbm>>
      %dma_start3A_348 = tpu.memref_squeeze %dma_start3A_347 : memref<1x640x128xf32, #tpu.memory_space<hbm>> -> memref<640x128xf32, #tpu.memory_space<hbm>>
      %dma_start3A_349 = arith.constant 0 : i32
      %dma_start3A_350 = tpu.memref_slice %arg18[%mul3A_0, %dma_start3A_349] : memref<10240x128xf32, #tpu.memory_space<vmem_shared>> -> memref<640x128xf32, #tpu.memory_space<vmem_shared>>
      tpu.enqueue_dma source(%dma_start3A_350 : memref<640x128xf32, #tpu.memory_space<vmem_shared>>) target(%dma_start3A_348 : memref<640x128xf32, #tpu.memory_space<hbm>>) target_semaphore(%run_scoped3A_345 : memref<!tpu.dma_semaphore, #tpu.memory_space<semaphore_mem>>)
      %dma_wait3A = arith.constant 0 : i32
      %dma_wait3A_351 = tpu.memref_slice %arg6[%add3A_322, %mul3A_0, %dma_wait3A] : memref<8x10240x128xf32, #tpu.memory_space<hbm>> -> memref<1x640x128xf32, #tpu.memory_space<hbm>>
      %dma_wait3A_352 = tpu.memref_squeeze %dma_wait3A_351 : memref<1x640x128xf32, #tpu.memory_space<hbm>> -> memref<640x128xf32, #tpu.memory_space<hbm>>
      %dma_wait3A_353 = arith.constant 0 : i32
      %dma_wait3A_354 = tpu.memref_slice %arg18[%mul3A_0, %dma_wait3A_353] : memref<10240x128xf32, #tpu.memory_space<vmem_shared>> -> memref<640x128xf32, #tpu.memory_space<vmem_shared>>
      tpu.wait_dma2 semaphore(%run_scoped3A_345 : memref<!tpu.dma_semaphore, #tpu.memory_space<semaphore_mem>>) src(%dma_wait3A_354 : memref<640x128xf32, #tpu.memory_space<vmem_shared>>) dst(%dma_wait3A_352 : memref<640x128xf32, #tpu.memory_space<hbm>>)
      tpu.yield
    }) : () -> ()
    %barrier3A_344 = arith.constant 0 : index
    tpu.barrier barrier_id(%barrier3A_344)
    return
  }
}

module attributes {stable_mosaic.version = 14 : i64} {
  func.func @_tc_body(%arg0: i32, %arg1: memref<512x128xf32, #tpu.memory_space<vmem>>, %arg2: memref<8x512x128xf32, #tpu.memory_space<vmem>>, %arg3: memref<8x512x128xf32, #tpu.memory_space<vmem>>, %arg4: memref<4x128x128xf32, #tpu.memory_space<vmem>>, %arg5: memref<8x4xf32, #tpu.memory_space<smem>>, %arg6: memref<128x128xf32, #tpu.memory_space<vmem>>, %arg7: memref<1x128xf32, #tpu.memory_space<vmem>>, %arg8: memref<512x128xf32, #tpu.memory_space<vmem>>) attributes {dimension_semantics = [#tpu.dimension_semantics<arbitrary>], iteration_bounds = array<i64: 20>, scalar_prefetch = 0 : i64, scratch_operands = 0 : i64, tpu.core_type = #tpu.core_type<tc>, window_params = [{transform_indices = @transform_0, window_bounds = array<i64: 512, 128>}, {transform_indices = @transform_1, window_bounds = array<i64: 8, 512, 128>}, {transform_indices = @transform_2, window_bounds = array<i64: 8, 512, 128>}, {pipeline_mode = #tpu.pipeline_mode<synchronous>, transform_indices = @transform_3, window_bounds = array<i64: 4, 128, 128>}, {transform_indices = @transform_4, window_bounds = array<i64: 8, 4>}, {pipeline_mode = #tpu.pipeline_mode<synchronous>, transform_indices = @transform_5, window_bounds = array<i64: 128, 128>}, {pipeline_mode = #tpu.pipeline_mode<synchronous>, transform_indices = @transform_6, window_bounds = array<i64: 1, 128>}, {transform_indices = @transform_7, window_bounds = array<i64: 512, 128>}]} {
    %get3A = arith.constant 0 : index
    %get3A_0 = arith.constant 0 : index
    %get3A_1 = vector.load %arg1[%get3A, %get3A_0] : memref<512x128xf32, #tpu.memory_space<vmem>>, vector<512x128xf32>
    %get3A_2 = arith.constant 0 : index
    %get3A_3 = arith.constant 0 : index
    %get3A_4 = vector.load %arg6[%get3A_2, %get3A_3] : memref<128x128xf32, #tpu.memory_space<vmem>>, vector<128x128xf32>
    %dot_general3A = arith.constant dense<0.000000e+00> : vector<512x128xf32>
    %dot_general3A_5 = tpu.matmul %get3A_1, %get3A_4, %dot_general3A {dimension_numbers = #tpu.dot_dimension_numbers<[1], [0], [0], [1], [0, 0, 1, 1], [], []>, transpose_lhs_hint = false} : vector<512x128xf32>, vector<128x128xf32>, vector<512x128xf32> -> vector<512x128xf32>
    %get3A_6 = arith.constant 0 : index
    %get3A_7 = arith.constant 0 : index
    %get3A_8 = vector.load %arg7[%get3A_6, %get3A_7] : memref<1x128xf32, #tpu.memory_space<vmem>>, vector<1x128xf32>
    %add3A = vector.broadcast %get3A_8 : vector<1x128xf32> to vector<512x128xf32>
    %add3A_9 = arith.addf %dot_general3A_5, %add3A : vector<512x128xf32>
    %broadcast_in_dim3A = arith.constant 1.000000e+00 : f32
    %broadcast_in_dim3A_10 = vector.broadcast %broadcast_in_dim3A : f32 to vector<512x128xf32>
    %get3A_11 = arith.constant 7 : index
    %get3A_12 = arith.constant 0 : index
    %get3A_13 = arith.constant 0 : index
    %get3A_14 = vector.load %arg3[%get3A_11, %get3A_12, %get3A_13] : memref<8x512x128xf32, #tpu.memory_space<vmem>>, vector<1x512x128xf32>
    %get3A_15 = vector.shape_cast %get3A_14 : vector<1x512x128xf32> to vector<512x128xf32>
    %get3A_16 = arith.constant 7 : index
    %get3A_17 = arith.constant 0 : index
    %get3A_18 = arith.constant 0 : index
    %get3A_19 = vector.load %arg2[%get3A_16, %get3A_17, %get3A_18] : memref<8x512x128xf32, #tpu.memory_space<vmem>>, vector<1x512x128xf32>
    %get3A_20 = vector.shape_cast %get3A_19 : vector<1x512x128xf32> to vector<512x128xf32>
    %sub3A = arith.subf %get3A_15, %get3A_20 : vector<512x128xf32>
    %round3A = math.roundeven %sub3A : vector<512x128xf32>
    %max3A = arith.constant 1.000000e+00 : f32
    %max3A_21 = vector.broadcast %max3A : f32 to vector<512x128xf32>
    %max3A_22 = arith.maximumf %round3A, %max3A_21 : vector<512x128xf32>
    %div3A = arith.divf %broadcast_in_dim3A_10, %max3A_22 : vector<512x128xf32>
    %get3A_23 = arith.constant 7 : index
    %get3A_24 = arith.constant 0 : index
    %get3A_25 = arith.constant 0 : index
    %get3A_26 = vector.load %arg2[%get3A_23, %get3A_24, %get3A_25] : memref<8x512x128xf32, #tpu.memory_space<vmem>>, vector<1x512x128xf32>
    %get3A_27 = vector.shape_cast %get3A_26 : vector<1x512x128xf32> to vector<512x128xf32>
    %get3A_28 = arith.constant 6 : index
    %get3A_29 = arith.constant 0 : index
    %get3A_30 = arith.constant 0 : index
    %get3A_31 = vector.load %arg3[%get3A_28, %get3A_29, %get3A_30] : memref<8x512x128xf32, #tpu.memory_space<vmem>>, vector<1x512x128xf32>
    %get3A_32 = vector.shape_cast %get3A_31 : vector<1x512x128xf32> to vector<512x128xf32>
    %sub3A_33 = arith.subf %get3A_27, %get3A_32 : vector<512x128xf32>
    %get3A_34 = arith.constant 7 : index
    %get3A_35 = arith.constant 0 : index
    %get3A_36 = memref.load %arg5[%get3A_34, %get3A_35] : memref<8x4xf32, #tpu.memory_space<smem>>
    %get3A_37 = arith.constant 0 : index
    %get3A_38 = arith.constant 0 : index
    %get3A_39 = arith.constant 0 : index
    %get3A_40 = vector.load %arg4[%get3A_37, %get3A_38, %get3A_39] : memref<4x128x128xf32, #tpu.memory_space<vmem>>, vector<1x128x128xf32>
    %get3A_41 = vector.shape_cast %get3A_40 : vector<1x128x128xf32> to vector<128x128xf32>
    %mul3A = vector.broadcast %get3A_36 : f32 to vector<128x128xf32>
    %mul3A_42 = arith.mulf %mul3A, %get3A_41 : vector<128x128xf32>
    %get3A_43 = arith.constant 7 : index
    %get3A_44 = arith.constant 1 : index
    %get3A_45 = memref.load %arg5[%get3A_43, %get3A_44] : memref<8x4xf32, #tpu.memory_space<smem>>
    %get3A_46 = arith.constant 1 : index
    %get3A_47 = arith.constant 0 : index
    %get3A_48 = arith.constant 0 : index
    %get3A_49 = vector.load %arg4[%get3A_46, %get3A_47, %get3A_48] : memref<4x128x128xf32, #tpu.memory_space<vmem>>, vector<1x128x128xf32>
    %get3A_50 = vector.shape_cast %get3A_49 : vector<1x128x128xf32> to vector<128x128xf32>
    %mul3A_51 = vector.broadcast %get3A_45 : f32 to vector<128x128xf32>
    %mul3A_52 = arith.mulf %mul3A_51, %get3A_50 : vector<128x128xf32>
    %add3A_53 = arith.addf %mul3A_42, %mul3A_52 : vector<128x128xf32>
    %get3A_54 = arith.constant 7 : index
    %get3A_55 = arith.constant 2 : index
    %get3A_56 = memref.load %arg5[%get3A_54, %get3A_55] : memref<8x4xf32, #tpu.memory_space<smem>>
    %get3A_57 = arith.constant 2 : index
    %get3A_58 = arith.constant 0 : index
    %get3A_59 = arith.constant 0 : index
    %get3A_60 = vector.load %arg4[%get3A_57, %get3A_58, %get3A_59] : memref<4x128x128xf32, #tpu.memory_space<vmem>>, vector<1x128x128xf32>
    %get3A_61 = vector.shape_cast %get3A_60 : vector<1x128x128xf32> to vector<128x128xf32>
    %mul3A_62 = vector.broadcast %get3A_56 : f32 to vector<128x128xf32>
    %mul3A_63 = arith.mulf %mul3A_62, %get3A_61 : vector<128x128xf32>
    %add3A_64 = arith.addf %add3A_53, %mul3A_63 : vector<128x128xf32>
    %get3A_65 = arith.constant 7 : index
    %get3A_66 = arith.constant 3 : index
    %get3A_67 = memref.load %arg5[%get3A_65, %get3A_66] : memref<8x4xf32, #tpu.memory_space<smem>>
    %get3A_68 = arith.constant 3 : index
    %get3A_69 = arith.constant 0 : index
    %get3A_70 = arith.constant 0 : index
    %get3A_71 = vector.load %arg4[%get3A_68, %get3A_69, %get3A_70] : memref<4x128x128xf32, #tpu.memory_space<vmem>>, vector<1x128x128xf32>
    %get3A_72 = vector.shape_cast %get3A_71 : vector<1x128x128xf32> to vector<128x128xf32>
    %mul3A_73 = vector.broadcast %get3A_67 : f32 to vector<128x128xf32>
    %mul3A_74 = arith.mulf %mul3A_73, %get3A_72 : vector<128x128xf32>
    %add3A_75 = arith.addf %add3A_64, %mul3A_74 : vector<128x128xf32>
    %dot_general3A_76 = arith.constant dense<0.000000e+00> : vector<512x128xf32>
    %dot_general3A_77 = tpu.matmul %sub3A_33, %add3A_75, %dot_general3A_76 {dimension_numbers = #tpu.dot_dimension_numbers<[1], [0], [0], [1], [0, 0, 1, 1], [], []>, transpose_lhs_hint = false} : vector<512x128xf32>, vector<128x128xf32>, vector<512x128xf32> -> vector<512x128xf32>
    %mul3A_78 = arith.mulf %dot_general3A_77, %div3A : vector<512x128xf32>
    %add3A_79 = arith.addf %add3A_9, %mul3A_78 : vector<512x128xf32>
    %get3A_80 = arith.constant 6 : index
    %get3A_81 = arith.constant 0 : index
    %get3A_82 = arith.constant 0 : index
    %get3A_83 = vector.load %arg3[%get3A_80, %get3A_81, %get3A_82] : memref<8x512x128xf32, #tpu.memory_space<vmem>>, vector<1x512x128xf32>
    %get3A_84 = vector.shape_cast %get3A_83 : vector<1x512x128xf32> to vector<512x128xf32>
    %get3A_85 = arith.constant 6 : index
    %get3A_86 = arith.constant 0 : index
    %get3A_87 = arith.constant 0 : index
    %get3A_88 = vector.load %arg2[%get3A_85, %get3A_86, %get3A_87] : memref<8x512x128xf32, #tpu.memory_space<vmem>>, vector<1x512x128xf32>
    %get3A_89 = vector.shape_cast %get3A_88 : vector<1x512x128xf32> to vector<512x128xf32>
    %sub3A_90 = arith.subf %get3A_84, %get3A_89 : vector<512x128xf32>
    %round3A_91 = math.roundeven %sub3A_90 : vector<512x128xf32>
    %max3A_92 = arith.constant 1.000000e+00 : f32
    %max3A_93 = vector.broadcast %max3A_92 : f32 to vector<512x128xf32>
    %max3A_94 = arith.maximumf %round3A_91, %max3A_93 : vector<512x128xf32>
    %div3A_95 = arith.divf %div3A, %max3A_94 : vector<512x128xf32>
    %get3A_96 = arith.constant 6 : index
    %get3A_97 = arith.constant 0 : index
    %get3A_98 = arith.constant 0 : index
    %get3A_99 = vector.load %arg2[%get3A_96, %get3A_97, %get3A_98] : memref<8x512x128xf32, #tpu.memory_space<vmem>>, vector<1x512x128xf32>
    %get3A_100 = vector.shape_cast %get3A_99 : vector<1x512x128xf32> to vector<512x128xf32>
    %get3A_101 = arith.constant 5 : index
    %get3A_102 = arith.constant 0 : index
    %get3A_103 = arith.constant 0 : index
    %get3A_104 = vector.load %arg3[%get3A_101, %get3A_102, %get3A_103] : memref<8x512x128xf32, #tpu.memory_space<vmem>>, vector<1x512x128xf32>
    %get3A_105 = vector.shape_cast %get3A_104 : vector<1x512x128xf32> to vector<512x128xf32>
    %sub3A_106 = arith.subf %get3A_100, %get3A_105 : vector<512x128xf32>
    %get3A_107 = arith.constant 6 : index
    %get3A_108 = arith.constant 0 : index
    %get3A_109 = memref.load %arg5[%get3A_107, %get3A_108] : memref<8x4xf32, #tpu.memory_space<smem>>
    %get3A_110 = arith.constant 0 : index
    %get3A_111 = arith.constant 0 : index
    %get3A_112 = arith.constant 0 : index
    %get3A_113 = vector.load %arg4[%get3A_110, %get3A_111, %get3A_112] : memref<4x128x128xf32, #tpu.memory_space<vmem>>, vector<1x128x128xf32>
    %get3A_114 = vector.shape_cast %get3A_113 : vector<1x128x128xf32> to vector<128x128xf32>
    %mul3A_115 = vector.broadcast %get3A_109 : f32 to vector<128x128xf32>
    %mul3A_116 = arith.mulf %mul3A_115, %get3A_114 : vector<128x128xf32>
    %get3A_117 = arith.constant 6 : index
    %get3A_118 = arith.constant 1 : index
    %get3A_119 = memref.load %arg5[%get3A_117, %get3A_118] : memref<8x4xf32, #tpu.memory_space<smem>>
    %get3A_120 = arith.constant 1 : index
    %get3A_121 = arith.constant 0 : index
    %get3A_122 = arith.constant 0 : index
    %get3A_123 = vector.load %arg4[%get3A_120, %get3A_121, %get3A_122] : memref<4x128x128xf32, #tpu.memory_space<vmem>>, vector<1x128x128xf32>
    %get3A_124 = vector.shape_cast %get3A_123 : vector<1x128x128xf32> to vector<128x128xf32>
    %mul3A_125 = vector.broadcast %get3A_119 : f32 to vector<128x128xf32>
    %mul3A_126 = arith.mulf %mul3A_125, %get3A_124 : vector<128x128xf32>
    %add3A_127 = arith.addf %mul3A_116, %mul3A_126 : vector<128x128xf32>
    %get3A_128 = arith.constant 6 : index
    %get3A_129 = arith.constant 2 : index
    %get3A_130 = memref.load %arg5[%get3A_128, %get3A_129] : memref<8x4xf32, #tpu.memory_space<smem>>
    %get3A_131 = arith.constant 2 : index
    %get3A_132 = arith.constant 0 : index
    %get3A_133 = arith.constant 0 : index
    %get3A_134 = vector.load %arg4[%get3A_131, %get3A_132, %get3A_133] : memref<4x128x128xf32, #tpu.memory_space<vmem>>, vector<1x128x128xf32>
    %get3A_135 = vector.shape_cast %get3A_134 : vector<1x128x128xf32> to vector<128x128xf32>
    %mul3A_136 = vector.broadcast %get3A_130 : f32 to vector<128x128xf32>
    %mul3A_137 = arith.mulf %mul3A_136, %get3A_135 : vector<128x128xf32>
    %add3A_138 = arith.addf %add3A_127, %mul3A_137 : vector<128x128xf32>
    %get3A_139 = arith.constant 6 : index
    %get3A_140 = arith.constant 3 : index
    %get3A_141 = memref.load %arg5[%get3A_139, %get3A_140] : memref<8x4xf32, #tpu.memory_space<smem>>
    %get3A_142 = arith.constant 3 : index
    %get3A_143 = arith.constant 0 : index
    %get3A_144 = arith.constant 0 : index
    %get3A_145 = vector.load %arg4[%get3A_142, %get3A_143, %get3A_144] : memref<4x128x128xf32, #tpu.memory_space<vmem>>, vector<1x128x128xf32>
    %get3A_146 = vector.shape_cast %get3A_145 : vector<1x128x128xf32> to vector<128x128xf32>
    %mul3A_147 = vector.broadcast %get3A_141 : f32 to vector<128x128xf32>
    %mul3A_148 = arith.mulf %mul3A_147, %get3A_146 : vector<128x128xf32>
    %add3A_149 = arith.addf %add3A_138, %mul3A_148 : vector<128x128xf32>
    %dot_general3A_150 = arith.constant dense<0.000000e+00> : vector<512x128xf32>
    %dot_general3A_151 = tpu.matmul %sub3A_106, %add3A_149, %dot_general3A_150 {dimension_numbers = #tpu.dot_dimension_numbers<[1], [0], [0], [1], [0, 0, 1, 1], [], []>, transpose_lhs_hint = false} : vector<512x128xf32>, vector<128x128xf32>, vector<512x128xf32> -> vector<512x128xf32>
    %mul3A_152 = arith.mulf %dot_general3A_151, %div3A_95 : vector<512x128xf32>
    %add3A_153 = arith.addf %add3A_79, %mul3A_152 : vector<512x128xf32>
    %get3A_154 = arith.constant 5 : index
    %get3A_155 = arith.constant 0 : index
    %get3A_156 = arith.constant 0 : index
    %get3A_157 = vector.load %arg3[%get3A_154, %get3A_155, %get3A_156] : memref<8x512x128xf32, #tpu.memory_space<vmem>>, vector<1x512x128xf32>
    %get3A_158 = vector.shape_cast %get3A_157 : vector<1x512x128xf32> to vector<512x128xf32>
    %get3A_159 = arith.constant 5 : index
    %get3A_160 = arith.constant 0 : index
    %get3A_161 = arith.constant 0 : index
    %get3A_162 = vector.load %arg2[%get3A_159, %get3A_160, %get3A_161] : memref<8x512x128xf32, #tpu.memory_space<vmem>>, vector<1x512x128xf32>
    %get3A_163 = vector.shape_cast %get3A_162 : vector<1x512x128xf32> to vector<512x128xf32>
    %sub3A_164 = arith.subf %get3A_158, %get3A_163 : vector<512x128xf32>
    %round3A_165 = math.roundeven %sub3A_164 : vector<512x128xf32>
    %max3A_166 = arith.constant 1.000000e+00 : f32
    %max3A_167 = vector.broadcast %max3A_166 : f32 to vector<512x128xf32>
    %max3A_168 = arith.maximumf %round3A_165, %max3A_167 : vector<512x128xf32>
    %div3A_169 = arith.divf %div3A_95, %max3A_168 : vector<512x128xf32>
    %get3A_170 = arith.constant 5 : index
    %get3A_171 = arith.constant 0 : index
    %get3A_172 = arith.constant 0 : index
    %get3A_173 = vector.load %arg2[%get3A_170, %get3A_171, %get3A_172] : memref<8x512x128xf32, #tpu.memory_space<vmem>>, vector<1x512x128xf32>
    %get3A_174 = vector.shape_cast %get3A_173 : vector<1x512x128xf32> to vector<512x128xf32>
    %get3A_175 = arith.constant 4 : index
    %get3A_176 = arith.constant 0 : index
    %get3A_177 = arith.constant 0 : index
    %get3A_178 = vector.load %arg3[%get3A_175, %get3A_176, %get3A_177] : memref<8x512x128xf32, #tpu.memory_space<vmem>>, vector<1x512x128xf32>
    %get3A_179 = vector.shape_cast %get3A_178 : vector<1x512x128xf32> to vector<512x128xf32>
    %sub3A_180 = arith.subf %get3A_174, %get3A_179 : vector<512x128xf32>
    %get3A_181 = arith.constant 5 : index
    %get3A_182 = arith.constant 0 : index
    %get3A_183 = memref.load %arg5[%get3A_181, %get3A_182] : memref<8x4xf32, #tpu.memory_space<smem>>
    %get3A_184 = arith.constant 0 : index
    %get3A_185 = arith.constant 0 : index
    %get3A_186 = arith.constant 0 : index
    %get3A_187 = vector.load %arg4[%get3A_184, %get3A_185, %get3A_186] : memref<4x128x128xf32, #tpu.memory_space<vmem>>, vector<1x128x128xf32>
    %get3A_188 = vector.shape_cast %get3A_187 : vector<1x128x128xf32> to vector<128x128xf32>
    %mul3A_189 = vector.broadcast %get3A_183 : f32 to vector<128x128xf32>
    %mul3A_190 = arith.mulf %mul3A_189, %get3A_188 : vector<128x128xf32>
    %get3A_191 = arith.constant 5 : index
    %get3A_192 = arith.constant 1 : index
    %get3A_193 = memref.load %arg5[%get3A_191, %get3A_192] : memref<8x4xf32, #tpu.memory_space<smem>>
    %get3A_194 = arith.constant 1 : index
    %get3A_195 = arith.constant 0 : index
    %get3A_196 = arith.constant 0 : index
    %get3A_197 = vector.load %arg4[%get3A_194, %get3A_195, %get3A_196] : memref<4x128x128xf32, #tpu.memory_space<vmem>>, vector<1x128x128xf32>
    %get3A_198 = vector.shape_cast %get3A_197 : vector<1x128x128xf32> to vector<128x128xf32>
    %mul3A_199 = vector.broadcast %get3A_193 : f32 to vector<128x128xf32>
    %mul3A_200 = arith.mulf %mul3A_199, %get3A_198 : vector<128x128xf32>
    %add3A_201 = arith.addf %mul3A_190, %mul3A_200 : vector<128x128xf32>
    %get3A_202 = arith.constant 5 : index
    %get3A_203 = arith.constant 2 : index
    %get3A_204 = memref.load %arg5[%get3A_202, %get3A_203] : memref<8x4xf32, #tpu.memory_space<smem>>
    %get3A_205 = arith.constant 2 : index
    %get3A_206 = arith.constant 0 : index
    %get3A_207 = arith.constant 0 : index
    %get3A_208 = vector.load %arg4[%get3A_205, %get3A_206, %get3A_207] : memref<4x128x128xf32, #tpu.memory_space<vmem>>, vector<1x128x128xf32>
    %get3A_209 = vector.shape_cast %get3A_208 : vector<1x128x128xf32> to vector<128x128xf32>
    %mul3A_210 = vector.broadcast %get3A_204 : f32 to vector<128x128xf32>
    %mul3A_211 = arith.mulf %mul3A_210, %get3A_209 : vector<128x128xf32>
    %add3A_212 = arith.addf %add3A_201, %mul3A_211 : vector<128x128xf32>
    %get3A_213 = arith.constant 5 : index
    %get3A_214 = arith.constant 3 : index
    %get3A_215 = memref.load %arg5[%get3A_213, %get3A_214] : memref<8x4xf32, #tpu.memory_space<smem>>
    %get3A_216 = arith.constant 3 : index
    %get3A_217 = arith.constant 0 : index
    %get3A_218 = arith.constant 0 : index
    %get3A_219 = vector.load %arg4[%get3A_216, %get3A_217, %get3A_218] : memref<4x128x128xf32, #tpu.memory_space<vmem>>, vector<1x128x128xf32>
    %get3A_220 = vector.shape_cast %get3A_219 : vector<1x128x128xf32> to vector<128x128xf32>
    %mul3A_221 = vector.broadcast %get3A_215 : f32 to vector<128x128xf32>
    %mul3A_222 = arith.mulf %mul3A_221, %get3A_220 : vector<128x128xf32>
    %add3A_223 = arith.addf %add3A_212, %mul3A_222 : vector<128x128xf32>
    %dot_general3A_224 = arith.constant dense<0.000000e+00> : vector<512x128xf32>
    %dot_general3A_225 = tpu.matmul %sub3A_180, %add3A_223, %dot_general3A_224 {dimension_numbers = #tpu.dot_dimension_numbers<[1], [0], [0], [1], [0, 0, 1, 1], [], []>, transpose_lhs_hint = false} : vector<512x128xf32>, vector<128x128xf32>, vector<512x128xf32> -> vector<512x128xf32>
    %mul3A_226 = arith.mulf %dot_general3A_225, %div3A_169 : vector<512x128xf32>
    %add3A_227 = arith.addf %add3A_153, %mul3A_226 : vector<512x128xf32>
    %get3A_228 = arith.constant 4 : index
    %get3A_229 = arith.constant 0 : index
    %get3A_230 = arith.constant 0 : index
    %get3A_231 = vector.load %arg3[%get3A_228, %get3A_229, %get3A_230] : memref<8x512x128xf32, #tpu.memory_space<vmem>>, vector<1x512x128xf32>
    %get3A_232 = vector.shape_cast %get3A_231 : vector<1x512x128xf32> to vector<512x128xf32>
    %get3A_233 = arith.constant 4 : index
    %get3A_234 = arith.constant 0 : index
    %get3A_235 = arith.constant 0 : index
    %get3A_236 = vector.load %arg2[%get3A_233, %get3A_234, %get3A_235] : memref<8x512x128xf32, #tpu.memory_space<vmem>>, vector<1x512x128xf32>
    %get3A_237 = vector.shape_cast %get3A_236 : vector<1x512x128xf32> to vector<512x128xf32>
    %sub3A_238 = arith.subf %get3A_232, %get3A_237 : vector<512x128xf32>
    %round3A_239 = math.roundeven %sub3A_238 : vector<512x128xf32>
    %max3A_240 = arith.constant 1.000000e+00 : f32
    %max3A_241 = vector.broadcast %max3A_240 : f32 to vector<512x128xf32>
    %max3A_242 = arith.maximumf %round3A_239, %max3A_241 : vector<512x128xf32>
    %div3A_243 = arith.divf %div3A_169, %max3A_242 : vector<512x128xf32>
    %get3A_244 = arith.constant 4 : index
    %get3A_245 = arith.constant 0 : index
    %get3A_246 = arith.constant 0 : index
    %get3A_247 = vector.load %arg2[%get3A_244, %get3A_245, %get3A_246] : memref<8x512x128xf32, #tpu.memory_space<vmem>>, vector<1x512x128xf32>
    %get3A_248 = vector.shape_cast %get3A_247 : vector<1x512x128xf32> to vector<512x128xf32>
    %get3A_249 = arith.constant 4 : index
    %get3A_250 = arith.constant 0 : index
    %get3A_251 = memref.load %arg5[%get3A_249, %get3A_250] : memref<8x4xf32, #tpu.memory_space<smem>>
    %get3A_252 = arith.constant 0 : index
    %get3A_253 = arith.constant 0 : index
    %get3A_254 = arith.constant 0 : index
    %get3A_255 = vector.load %arg4[%get3A_252, %get3A_253, %get3A_254] : memref<4x128x128xf32, #tpu.memory_space<vmem>>, vector<1x128x128xf32>
    %get3A_256 = vector.shape_cast %get3A_255 : vector<1x128x128xf32> to vector<128x128xf32>
    %mul3A_257 = vector.broadcast %get3A_251 : f32 to vector<128x128xf32>
    %mul3A_258 = arith.mulf %mul3A_257, %get3A_256 : vector<128x128xf32>
    %get3A_259 = arith.constant 4 : index
    %get3A_260 = arith.constant 1 : index
    %get3A_261 = memref.load %arg5[%get3A_259, %get3A_260] : memref<8x4xf32, #tpu.memory_space<smem>>
    %get3A_262 = arith.constant 1 : index
    %get3A_263 = arith.constant 0 : index
    %get3A_264 = arith.constant 0 : index
    %get3A_265 = vector.load %arg4[%get3A_262, %get3A_263, %get3A_264] : memref<4x128x128xf32, #tpu.memory_space<vmem>>, vector<1x128x128xf32>
    %get3A_266 = vector.shape_cast %get3A_265 : vector<1x128x128xf32> to vector<128x128xf32>
    %mul3A_267 = vector.broadcast %get3A_261 : f32 to vector<128x128xf32>
    %mul3A_268 = arith.mulf %mul3A_267, %get3A_266 : vector<128x128xf32>
    %add3A_269 = arith.addf %mul3A_258, %mul3A_268 : vector<128x128xf32>
    %get3A_270 = arith.constant 4 : index
    %get3A_271 = arith.constant 2 : index
    %get3A_272 = memref.load %arg5[%get3A_270, %get3A_271] : memref<8x4xf32, #tpu.memory_space<smem>>
    %get3A_273 = arith.constant 2 : index
    %get3A_274 = arith.constant 0 : index
    %get3A_275 = arith.constant 0 : index
    %get3A_276 = vector.load %arg4[%get3A_273, %get3A_274, %get3A_275] : memref<4x128x128xf32, #tpu.memory_space<vmem>>, vector<1x128x128xf32>
    %get3A_277 = vector.shape_cast %get3A_276 : vector<1x128x128xf32> to vector<128x128xf32>
    %mul3A_278 = vector.broadcast %get3A_272 : f32 to vector<128x128xf32>
    %mul3A_279 = arith.mulf %mul3A_278, %get3A_277 : vector<128x128xf32>
    %add3A_280 = arith.addf %add3A_269, %mul3A_279 : vector<128x128xf32>
    %get3A_281 = arith.constant 4 : index
    %get3A_282 = arith.constant 3 : index
    %get3A_283 = memref.load %arg5[%get3A_281, %get3A_282] : memref<8x4xf32, #tpu.memory_space<smem>>
    %get3A_284 = arith.constant 3 : index
    %get3A_285 = arith.constant 0 : index
    %get3A_286 = arith.constant 0 : index
    %get3A_287 = vector.load %arg4[%get3A_284, %get3A_285, %get3A_286] : memref<4x128x128xf32, #tpu.memory_space<vmem>>, vector<1x128x128xf32>
    %get3A_288 = vector.shape_cast %get3A_287 : vector<1x128x128xf32> to vector<128x128xf32>
    %mul3A_289 = vector.broadcast %get3A_283 : f32 to vector<128x128xf32>
    %mul3A_290 = arith.mulf %mul3A_289, %get3A_288 : vector<128x128xf32>
    %add3A_291 = arith.addf %add3A_280, %mul3A_290 : vector<128x128xf32>
    %dot_general3A_292 = arith.constant dense<0.000000e+00> : vector<512x128xf32>
    %dot_general3A_293 = tpu.matmul %get3A_248, %add3A_291, %dot_general3A_292 {dimension_numbers = #tpu.dot_dimension_numbers<[1], [0], [0], [1], [0, 0, 1, 1], [], []>, transpose_lhs_hint = false} : vector<512x128xf32>, vector<128x128xf32>, vector<512x128xf32> -> vector<512x128xf32>
    %mul3A_294 = arith.mulf %dot_general3A_293, %div3A_243 : vector<512x128xf32>
    %add3A_295 = arith.addf %add3A_227, %mul3A_294 : vector<512x128xf32>
    %get3A_296 = arith.constant 3 : index
    %get3A_297 = arith.constant 0 : index
    %get3A_298 = arith.constant 0 : index
    %get3A_299 = vector.load %arg3[%get3A_296, %get3A_297, %get3A_298] : memref<8x512x128xf32, #tpu.memory_space<vmem>>, vector<1x512x128xf32>
    %get3A_300 = vector.shape_cast %get3A_299 : vector<1x512x128xf32> to vector<512x128xf32>
    %get3A_301 = arith.constant 3 : index
    %get3A_302 = arith.constant 0 : index
    %get3A_303 = arith.constant 0 : index
    %get3A_304 = vector.load %arg2[%get3A_301, %get3A_302, %get3A_303] : memref<8x512x128xf32, #tpu.memory_space<vmem>>, vector<1x512x128xf32>
    %get3A_305 = vector.shape_cast %get3A_304 : vector<1x512x128xf32> to vector<512x128xf32>
    %sub3A_306 = arith.subf %get3A_300, %get3A_305 : vector<512x128xf32>
    %round3A_307 = math.roundeven %sub3A_306 : vector<512x128xf32>
    %max3A_308 = arith.constant 1.000000e+00 : f32
    %max3A_309 = vector.broadcast %max3A_308 : f32 to vector<512x128xf32>
    %max3A_310 = arith.maximumf %round3A_307, %max3A_309 : vector<512x128xf32>
    %div3A_311 = arith.divf %div3A_243, %max3A_310 : vector<512x128xf32>
    %get3A_312 = arith.constant 3 : index
    %get3A_313 = arith.constant 0 : index
    %get3A_314 = arith.constant 0 : index
    %get3A_315 = vector.load %arg2[%get3A_312, %get3A_313, %get3A_314] : memref<8x512x128xf32, #tpu.memory_space<vmem>>, vector<1x512x128xf32>
    %get3A_316 = vector.shape_cast %get3A_315 : vector<1x512x128xf32> to vector<512x128xf32>
    %get3A_317 = arith.constant 2 : index
    %get3A_318 = arith.constant 0 : index
    %get3A_319 = arith.constant 0 : index
    %get3A_320 = vector.load %arg3[%get3A_317, %get3A_318, %get3A_319] : memref<8x512x128xf32, #tpu.memory_space<vmem>>, vector<1x512x128xf32>
    %get3A_321 = vector.shape_cast %get3A_320 : vector<1x512x128xf32> to vector<512x128xf32>
    %sub3A_322 = arith.subf %get3A_316, %get3A_321 : vector<512x128xf32>
    %get3A_323 = arith.constant 3 : index
    %get3A_324 = arith.constant 0 : index
    %get3A_325 = memref.load %arg5[%get3A_323, %get3A_324] : memref<8x4xf32, #tpu.memory_space<smem>>
    %get3A_326 = arith.constant 0 : index
    %get3A_327 = arith.constant 0 : index
    %get3A_328 = arith.constant 0 : index
    %get3A_329 = vector.load %arg4[%get3A_326, %get3A_327, %get3A_328] : memref<4x128x128xf32, #tpu.memory_space<vmem>>, vector<1x128x128xf32>
    %get3A_330 = vector.shape_cast %get3A_329 : vector<1x128x128xf32> to vector<128x128xf32>
    %mul3A_331 = vector.broadcast %get3A_325 : f32 to vector<128x128xf32>
    %mul3A_332 = arith.mulf %mul3A_331, %get3A_330 : vector<128x128xf32>
    %get3A_333 = arith.constant 3 : index
    %get3A_334 = arith.constant 1 : index
    %get3A_335 = memref.load %arg5[%get3A_333, %get3A_334] : memref<8x4xf32, #tpu.memory_space<smem>>
    %get3A_336 = arith.constant 1 : index
    %get3A_337 = arith.constant 0 : index
    %get3A_338 = arith.constant 0 : index
    %get3A_339 = vector.load %arg4[%get3A_336, %get3A_337, %get3A_338] : memref<4x128x128xf32, #tpu.memory_space<vmem>>, vector<1x128x128xf32>
    %get3A_340 = vector.shape_cast %get3A_339 : vector<1x128x128xf32> to vector<128x128xf32>
    %mul3A_341 = vector.broadcast %get3A_335 : f32 to vector<128x128xf32>
    %mul3A_342 = arith.mulf %mul3A_341, %get3A_340 : vector<128x128xf32>
    %add3A_343 = arith.addf %mul3A_332, %mul3A_342 : vector<128x128xf32>
    %get3A_344 = arith.constant 3 : index
    %get3A_345 = arith.constant 2 : index
    %get3A_346 = memref.load %arg5[%get3A_344, %get3A_345] : memref<8x4xf32, #tpu.memory_space<smem>>
    %get3A_347 = arith.constant 2 : index
    %get3A_348 = arith.constant 0 : index
    %get3A_349 = arith.constant 0 : index
    %get3A_350 = vector.load %arg4[%get3A_347, %get3A_348, %get3A_349] : memref<4x128x128xf32, #tpu.memory_space<vmem>>, vector<1x128x128xf32>
    %get3A_351 = vector.shape_cast %get3A_350 : vector<1x128x128xf32> to vector<128x128xf32>
    %mul3A_352 = vector.broadcast %get3A_346 : f32 to vector<128x128xf32>
    %mul3A_353 = arith.mulf %mul3A_352, %get3A_351 : vector<128x128xf32>
    %add3A_354 = arith.addf %add3A_343, %mul3A_353 : vector<128x128xf32>
    %get3A_355 = arith.constant 3 : index
    %get3A_356 = arith.constant 3 : index
    %get3A_357 = memref.load %arg5[%get3A_355, %get3A_356] : memref<8x4xf32, #tpu.memory_space<smem>>
    %get3A_358 = arith.constant 3 : index
    %get3A_359 = arith.constant 0 : index
    %get3A_360 = arith.constant 0 : index
    %get3A_361 = vector.load %arg4[%get3A_358, %get3A_359, %get3A_360] : memref<4x128x128xf32, #tpu.memory_space<vmem>>, vector<1x128x128xf32>
    %get3A_362 = vector.shape_cast %get3A_361 : vector<1x128x128xf32> to vector<128x128xf32>
    %mul3A_363 = vector.broadcast %get3A_357 : f32 to vector<128x128xf32>
    %mul3A_364 = arith.mulf %mul3A_363, %get3A_362 : vector<128x128xf32>
    %add3A_365 = arith.addf %add3A_354, %mul3A_364 : vector<128x128xf32>
    %dot_general3A_366 = arith.constant dense<0.000000e+00> : vector<512x128xf32>
    %dot_general3A_367 = tpu.matmul %sub3A_322, %add3A_365, %dot_general3A_366 {dimension_numbers = #tpu.dot_dimension_numbers<[1], [0], [0], [1], [0, 0, 1, 1], [], []>, transpose_lhs_hint = false} : vector<512x128xf32>, vector<128x128xf32>, vector<512x128xf32> -> vector<512x128xf32>
    %mul3A_368 = arith.mulf %dot_general3A_367, %div3A_311 : vector<512x128xf32>
    %add3A_369 = arith.addf %add3A_295, %mul3A_368 : vector<512x128xf32>
    %get3A_370 = arith.constant 2 : index
    %get3A_371 = arith.constant 0 : index
    %get3A_372 = arith.constant 0 : index
    %get3A_373 = vector.load %arg3[%get3A_370, %get3A_371, %get3A_372] : memref<8x512x128xf32, #tpu.memory_space<vmem>>, vector<1x512x128xf32>
    %get3A_374 = vector.shape_cast %get3A_373 : vector<1x512x128xf32> to vector<512x128xf32>
    %get3A_375 = arith.constant 2 : index
    %get3A_376 = arith.constant 0 : index
    %get3A_377 = arith.constant 0 : index
    %get3A_378 = vector.load %arg2[%get3A_375, %get3A_376, %get3A_377] : memref<8x512x128xf32, #tpu.memory_space<vmem>>, vector<1x512x128xf32>
    %get3A_379 = vector.shape_cast %get3A_378 : vector<1x512x128xf32> to vector<512x128xf32>
    %sub3A_380 = arith.subf %get3A_374, %get3A_379 : vector<512x128xf32>
    %round3A_381 = math.roundeven %sub3A_380 : vector<512x128xf32>
    %max3A_382 = arith.constant 1.000000e+00 : f32
    %max3A_383 = vector.broadcast %max3A_382 : f32 to vector<512x128xf32>
    %max3A_384 = arith.maximumf %round3A_381, %max3A_383 : vector<512x128xf32>
    %div3A_385 = arith.divf %div3A_311, %max3A_384 : vector<512x128xf32>
    %get3A_386 = arith.constant 2 : index
    %get3A_387 = arith.constant 0 : index
    %get3A_388 = arith.constant 0 : index
    %get3A_389 = vector.load %arg2[%get3A_386, %get3A_387, %get3A_388] : memref<8x512x128xf32, #tpu.memory_space<vmem>>, vector<1x512x128xf32>
    %get3A_390 = vector.shape_cast %get3A_389 : vector<1x512x128xf32> to vector<512x128xf32>
    %get3A_391 = arith.constant 1 : index
    %get3A_392 = arith.constant 0 : index
    %get3A_393 = arith.constant 0 : index
    %get3A_394 = vector.load %arg3[%get3A_391, %get3A_392, %get3A_393] : memref<8x512x128xf32, #tpu.memory_space<vmem>>, vector<1x512x128xf32>
    %get3A_395 = vector.shape_cast %get3A_394 : vector<1x512x128xf32> to vector<512x128xf32>
    %sub3A_396 = arith.subf %get3A_390, %get3A_395 : vector<512x128xf32>
    %get3A_397 = arith.constant 2 : index
    %get3A_398 = arith.constant 0 : index
    %get3A_399 = memref.load %arg5[%get3A_397, %get3A_398] : memref<8x4xf32, #tpu.memory_space<smem>>
    %get3A_400 = arith.constant 0 : index
    %get3A_401 = arith.constant 0 : index
    %get3A_402 = arith.constant 0 : index
    %get3A_403 = vector.load %arg4[%get3A_400, %get3A_401, %get3A_402] : memref<4x128x128xf32, #tpu.memory_space<vmem>>, vector<1x128x128xf32>
    %get3A_404 = vector.shape_cast %get3A_403 : vector<1x128x128xf32> to vector<128x128xf32>
    %mul3A_405 = vector.broadcast %get3A_399 : f32 to vector<128x128xf32>
    %mul3A_406 = arith.mulf %mul3A_405, %get3A_404 : vector<128x128xf32>
    %get3A_407 = arith.constant 2 : index
    %get3A_408 = arith.constant 1 : index
    %get3A_409 = memref.load %arg5[%get3A_407, %get3A_408] : memref<8x4xf32, #tpu.memory_space<smem>>
    %get3A_410 = arith.constant 1 : index
    %get3A_411 = arith.constant 0 : index
    %get3A_412 = arith.constant 0 : index
    %get3A_413 = vector.load %arg4[%get3A_410, %get3A_411, %get3A_412] : memref<4x128x128xf32, #tpu.memory_space<vmem>>, vector<1x128x128xf32>
    %get3A_414 = vector.shape_cast %get3A_413 : vector<1x128x128xf32> to vector<128x128xf32>
    %mul3A_415 = vector.broadcast %get3A_409 : f32 to vector<128x128xf32>
    %mul3A_416 = arith.mulf %mul3A_415, %get3A_414 : vector<128x128xf32>
    %add3A_417 = arith.addf %mul3A_406, %mul3A_416 : vector<128x128xf32>
    %get3A_418 = arith.constant 2 : index
    %get3A_419 = arith.constant 2 : index
    %get3A_420 = memref.load %arg5[%get3A_418, %get3A_419] : memref<8x4xf32, #tpu.memory_space<smem>>
    %get3A_421 = arith.constant 2 : index
    %get3A_422 = arith.constant 0 : index
    %get3A_423 = arith.constant 0 : index
    %get3A_424 = vector.load %arg4[%get3A_421, %get3A_422, %get3A_423] : memref<4x128x128xf32, #tpu.memory_space<vmem>>, vector<1x128x128xf32>
    %get3A_425 = vector.shape_cast %get3A_424 : vector<1x128x128xf32> to vector<128x128xf32>
    %mul3A_426 = vector.broadcast %get3A_420 : f32 to vector<128x128xf32>
    %mul3A_427 = arith.mulf %mul3A_426, %get3A_425 : vector<128x128xf32>
    %add3A_428 = arith.addf %add3A_417, %mul3A_427 : vector<128x128xf32>
    %get3A_429 = arith.constant 2 : index
    %get3A_430 = arith.constant 3 : index
    %get3A_431 = memref.load %arg5[%get3A_429, %get3A_430] : memref<8x4xf32, #tpu.memory_space<smem>>
    %get3A_432 = arith.constant 3 : index
    %get3A_433 = arith.constant 0 : index
    %get3A_434 = arith.constant 0 : index
    %get3A_435 = vector.load %arg4[%get3A_432, %get3A_433, %get3A_434] : memref<4x128x128xf32, #tpu.memory_space<vmem>>, vector<1x128x128xf32>
    %get3A_436 = vector.shape_cast %get3A_435 : vector<1x128x128xf32> to vector<128x128xf32>
    %mul3A_437 = vector.broadcast %get3A_431 : f32 to vector<128x128xf32>
    %mul3A_438 = arith.mulf %mul3A_437, %get3A_436 : vector<128x128xf32>
    %add3A_439 = arith.addf %add3A_428, %mul3A_438 : vector<128x128xf32>
    %dot_general3A_440 = arith.constant dense<0.000000e+00> : vector<512x128xf32>
    %dot_general3A_441 = tpu.matmul %sub3A_396, %add3A_439, %dot_general3A_440 {dimension_numbers = #tpu.dot_dimension_numbers<[1], [0], [0], [1], [0, 0, 1, 1], [], []>, transpose_lhs_hint = false} : vector<512x128xf32>, vector<128x128xf32>, vector<512x128xf32> -> vector<512x128xf32>
    %mul3A_442 = arith.mulf %dot_general3A_441, %div3A_385 : vector<512x128xf32>
    %add3A_443 = arith.addf %add3A_369, %mul3A_442 : vector<512x128xf32>
    %get3A_444 = arith.constant 1 : index
    %get3A_445 = arith.constant 0 : index
    %get3A_446 = arith.constant 0 : index
    %get3A_447 = vector.load %arg3[%get3A_444, %get3A_445, %get3A_446] : memref<8x512x128xf32, #tpu.memory_space<vmem>>, vector<1x512x128xf32>
    %get3A_448 = vector.shape_cast %get3A_447 : vector<1x512x128xf32> to vector<512x128xf32>
    %get3A_449 = arith.constant 1 : index
    %get3A_450 = arith.constant 0 : index
    %get3A_451 = arith.constant 0 : index
    %get3A_452 = vector.load %arg2[%get3A_449, %get3A_450, %get3A_451] : memref<8x512x128xf32, #tpu.memory_space<vmem>>, vector<1x512x128xf32>
    %get3A_453 = vector.shape_cast %get3A_452 : vector<1x512x128xf32> to vector<512x128xf32>
    %sub3A_454 = arith.subf %get3A_448, %get3A_453 : vector<512x128xf32>
    %round3A_455 = math.roundeven %sub3A_454 : vector<512x128xf32>
    %max3A_456 = arith.constant 1.000000e+00 : f32
    %max3A_457 = vector.broadcast %max3A_456 : f32 to vector<512x128xf32>
    %max3A_458 = arith.maximumf %round3A_455, %max3A_457 : vector<512x128xf32>
    %div3A_459 = arith.divf %div3A_385, %max3A_458 : vector<512x128xf32>
    %get3A_460 = arith.constant 1 : index
    %get3A_461 = arith.constant 0 : index
    %get3A_462 = arith.constant 0 : index
    %get3A_463 = vector.load %arg2[%get3A_460, %get3A_461, %get3A_462] : memref<8x512x128xf32, #tpu.memory_space<vmem>>, vector<1x512x128xf32>
    %get3A_464 = vector.shape_cast %get3A_463 : vector<1x512x128xf32> to vector<512x128xf32>
    %get3A_465 = arith.constant 0 : index
    %get3A_466 = arith.constant 0 : index
    %get3A_467 = arith.constant 0 : index
    %get3A_468 = vector.load %arg3[%get3A_465, %get3A_466, %get3A_467] : memref<8x512x128xf32, #tpu.memory_space<vmem>>, vector<1x512x128xf32>
    %get3A_469 = vector.shape_cast %get3A_468 : vector<1x512x128xf32> to vector<512x128xf32>
    %sub3A_470 = arith.subf %get3A_464, %get3A_469 : vector<512x128xf32>
    %get3A_471 = arith.constant 1 : index
    %get3A_472 = arith.constant 0 : index
    %get3A_473 = memref.load %arg5[%get3A_471, %get3A_472] : memref<8x4xf32, #tpu.memory_space<smem>>
    %get3A_474 = arith.constant 0 : index
    %get3A_475 = arith.constant 0 : index
    %get3A_476 = arith.constant 0 : index
    %get3A_477 = vector.load %arg4[%get3A_474, %get3A_475, %get3A_476] : memref<4x128x128xf32, #tpu.memory_space<vmem>>, vector<1x128x128xf32>
    %get3A_478 = vector.shape_cast %get3A_477 : vector<1x128x128xf32> to vector<128x128xf32>
    %mul3A_479 = vector.broadcast %get3A_473 : f32 to vector<128x128xf32>
    %mul3A_480 = arith.mulf %mul3A_479, %get3A_478 : vector<128x128xf32>
    %get3A_481 = arith.constant 1 : index
    %get3A_482 = arith.constant 1 : index
    %get3A_483 = memref.load %arg5[%get3A_481, %get3A_482] : memref<8x4xf32, #tpu.memory_space<smem>>
    %get3A_484 = arith.constant 1 : index
    %get3A_485 = arith.constant 0 : index
    %get3A_486 = arith.constant 0 : index
    %get3A_487 = vector.load %arg4[%get3A_484, %get3A_485, %get3A_486] : memref<4x128x128xf32, #tpu.memory_space<vmem>>, vector<1x128x128xf32>
    %get3A_488 = vector.shape_cast %get3A_487 : vector<1x128x128xf32> to vector<128x128xf32>
    %mul3A_489 = vector.broadcast %get3A_483 : f32 to vector<128x128xf32>
    %mul3A_490 = arith.mulf %mul3A_489, %get3A_488 : vector<128x128xf32>
    %add3A_491 = arith.addf %mul3A_480, %mul3A_490 : vector<128x128xf32>
    %get3A_492 = arith.constant 1 : index
    %get3A_493 = arith.constant 2 : index
    %get3A_494 = memref.load %arg5[%get3A_492, %get3A_493] : memref<8x4xf32, #tpu.memory_space<smem>>
    %get3A_495 = arith.constant 2 : index
    %get3A_496 = arith.constant 0 : index
    %get3A_497 = arith.constant 0 : index
    %get3A_498 = vector.load %arg4[%get3A_495, %get3A_496, %get3A_497] : memref<4x128x128xf32, #tpu.memory_space<vmem>>, vector<1x128x128xf32>
    %get3A_499 = vector.shape_cast %get3A_498 : vector<1x128x128xf32> to vector<128x128xf32>
    %mul3A_500 = vector.broadcast %get3A_494 : f32 to vector<128x128xf32>
    %mul3A_501 = arith.mulf %mul3A_500, %get3A_499 : vector<128x128xf32>
    %add3A_502 = arith.addf %add3A_491, %mul3A_501 : vector<128x128xf32>
    %get3A_503 = arith.constant 1 : index
    %get3A_504 = arith.constant 3 : index
    %get3A_505 = memref.load %arg5[%get3A_503, %get3A_504] : memref<8x4xf32, #tpu.memory_space<smem>>
    %get3A_506 = arith.constant 3 : index
    %get3A_507 = arith.constant 0 : index
    %get3A_508 = arith.constant 0 : index
    %get3A_509 = vector.load %arg4[%get3A_506, %get3A_507, %get3A_508] : memref<4x128x128xf32, #tpu.memory_space<vmem>>, vector<1x128x128xf32>
    %get3A_510 = vector.shape_cast %get3A_509 : vector<1x128x128xf32> to vector<128x128xf32>
    %mul3A_511 = vector.broadcast %get3A_505 : f32 to vector<128x128xf32>
    %mul3A_512 = arith.mulf %mul3A_511, %get3A_510 : vector<128x128xf32>
    %add3A_513 = arith.addf %add3A_502, %mul3A_512 : vector<128x128xf32>
    %dot_general3A_514 = arith.constant dense<0.000000e+00> : vector<512x128xf32>
    %dot_general3A_515 = tpu.matmul %sub3A_470, %add3A_513, %dot_general3A_514 {dimension_numbers = #tpu.dot_dimension_numbers<[1], [0], [0], [1], [0, 0, 1, 1], [], []>, transpose_lhs_hint = false} : vector<512x128xf32>, vector<128x128xf32>, vector<512x128xf32> -> vector<512x128xf32>
    %mul3A_516 = arith.mulf %dot_general3A_515, %div3A_459 : vector<512x128xf32>
    %add3A_517 = arith.addf %add3A_443, %mul3A_516 : vector<512x128xf32>
    %get3A_518 = arith.constant 0 : index
    %get3A_519 = arith.constant 0 : index
    %get3A_520 = arith.constant 0 : index
    %get3A_521 = vector.load %arg3[%get3A_518, %get3A_519, %get3A_520] : memref<8x512x128xf32, #tpu.memory_space<vmem>>, vector<1x512x128xf32>
    %get3A_522 = vector.shape_cast %get3A_521 : vector<1x512x128xf32> to vector<512x128xf32>
    %get3A_523 = arith.constant 0 : index
    %get3A_524 = arith.constant 0 : index
    %get3A_525 = arith.constant 0 : index
    %get3A_526 = vector.load %arg2[%get3A_523, %get3A_524, %get3A_525] : memref<8x512x128xf32, #tpu.memory_space<vmem>>, vector<1x512x128xf32>
    %get3A_527 = vector.shape_cast %get3A_526 : vector<1x512x128xf32> to vector<512x128xf32>
    %sub3A_528 = arith.subf %get3A_522, %get3A_527 : vector<512x128xf32>
    %round3A_529 = math.roundeven %sub3A_528 : vector<512x128xf32>
    %max3A_530 = arith.constant 1.000000e+00 : f32
    %max3A_531 = vector.broadcast %max3A_530 : f32 to vector<512x128xf32>
    %max3A_532 = arith.maximumf %round3A_529, %max3A_531 : vector<512x128xf32>
    %div3A_533 = arith.divf %div3A_459, %max3A_532 : vector<512x128xf32>
    %get3A_534 = arith.constant 0 : index
    %get3A_535 = arith.constant 0 : index
    %get3A_536 = arith.constant 0 : index
    %get3A_537 = vector.load %arg2[%get3A_534, %get3A_535, %get3A_536] : memref<8x512x128xf32, #tpu.memory_space<vmem>>, vector<1x512x128xf32>
    %get3A_538 = vector.shape_cast %get3A_537 : vector<1x512x128xf32> to vector<512x128xf32>
    %get3A_539 = arith.constant 0 : index
    %get3A_540 = arith.constant 0 : index
    %get3A_541 = memref.load %arg5[%get3A_539, %get3A_540] : memref<8x4xf32, #tpu.memory_space<smem>>
    %get3A_542 = arith.constant 0 : index
    %get3A_543 = arith.constant 0 : index
    %get3A_544 = arith.constant 0 : index
    %get3A_545 = vector.load %arg4[%get3A_542, %get3A_543, %get3A_544] : memref<4x128x128xf32, #tpu.memory_space<vmem>>, vector<1x128x128xf32>
    %get3A_546 = vector.shape_cast %get3A_545 : vector<1x128x128xf32> to vector<128x128xf32>
    %mul3A_547 = vector.broadcast %get3A_541 : f32 to vector<128x128xf32>
    %mul3A_548 = arith.mulf %mul3A_547, %get3A_546 : vector<128x128xf32>
    %get3A_549 = arith.constant 0 : index
    %get3A_550 = arith.constant 1 : index
    %get3A_551 = memref.load %arg5[%get3A_549, %get3A_550] : memref<8x4xf32, #tpu.memory_space<smem>>
    %get3A_552 = arith.constant 1 : index
    %get3A_553 = arith.constant 0 : index
    %get3A_554 = arith.constant 0 : index
    %get3A_555 = vector.load %arg4[%get3A_552, %get3A_553, %get3A_554] : memref<4x128x128xf32, #tpu.memory_space<vmem>>, vector<1x128x128xf32>
    %get3A_556 = vector.shape_cast %get3A_555 : vector<1x128x128xf32> to vector<128x128xf32>
    %mul3A_557 = vector.broadcast %get3A_551 : f32 to vector<128x128xf32>
    %mul3A_558 = arith.mulf %mul3A_557, %get3A_556 : vector<128x128xf32>
    %add3A_559 = arith.addf %mul3A_548, %mul3A_558 : vector<128x128xf32>
    %get3A_560 = arith.constant 0 : index
    %get3A_561 = arith.constant 2 : index
    %get3A_562 = memref.load %arg5[%get3A_560, %get3A_561] : memref<8x4xf32, #tpu.memory_space<smem>>
    %get3A_563 = arith.constant 2 : index
    %get3A_564 = arith.constant 0 : index
    %get3A_565 = arith.constant 0 : index
    %get3A_566 = vector.load %arg4[%get3A_563, %get3A_564, %get3A_565] : memref<4x128x128xf32, #tpu.memory_space<vmem>>, vector<1x128x128xf32>
    %get3A_567 = vector.shape_cast %get3A_566 : vector<1x128x128xf32> to vector<128x128xf32>
    %mul3A_568 = vector.broadcast %get3A_562 : f32 to vector<128x128xf32>
    %mul3A_569 = arith.mulf %mul3A_568, %get3A_567 : vector<128x128xf32>
    %add3A_570 = arith.addf %add3A_559, %mul3A_569 : vector<128x128xf32>
    %get3A_571 = arith.constant 0 : index
    %get3A_572 = arith.constant 3 : index
    %get3A_573 = memref.load %arg5[%get3A_571, %get3A_572] : memref<8x4xf32, #tpu.memory_space<smem>>
    %get3A_574 = arith.constant 3 : index
    %get3A_575 = arith.constant 0 : index
    %get3A_576 = arith.constant 0 : index
    %get3A_577 = vector.load %arg4[%get3A_574, %get3A_575, %get3A_576] : memref<4x128x128xf32, #tpu.memory_space<vmem>>, vector<1x128x128xf32>
    %get3A_578 = vector.shape_cast %get3A_577 : vector<1x128x128xf32> to vector<128x128xf32>
    %mul3A_579 = vector.broadcast %get3A_573 : f32 to vector<128x128xf32>
    %mul3A_580 = arith.mulf %mul3A_579, %get3A_578 : vector<128x128xf32>
    %add3A_581 = arith.addf %add3A_570, %mul3A_580 : vector<128x128xf32>
    %dot_general3A_582 = arith.constant dense<0.000000e+00> : vector<512x128xf32>
    %dot_general3A_583 = tpu.matmul %get3A_538, %add3A_581, %dot_general3A_582 {dimension_numbers = #tpu.dot_dimension_numbers<[1], [0], [0], [1], [0, 0, 1, 1], [], []>, transpose_lhs_hint = false} : vector<512x128xf32>, vector<128x128xf32>, vector<512x128xf32> -> vector<512x128xf32>
    %mul3A_584 = arith.mulf %dot_general3A_583, %div3A_533 : vector<512x128xf32>
    %add3A_585 = arith.addf %add3A_517, %mul3A_584 : vector<512x128xf32>
    %swap3A = arith.constant 0 : index
    %swap3A_586 = arith.constant 0 : index
    %swap3A_587 = vector.load %arg8[%swap3A, %swap3A_586] : memref<512x128xf32, #tpu.memory_space<vmem>>, vector<512x128xf32>
    tpu.vector_store %arg8[%swap3A, %swap3A_586], %add3A_585 {strides = array<i32>} : memref<512x128xf32, #tpu.memory_space<vmem>>, vector<512x128xf32>,
    return
  }
  func.func @transform_0(%arg0: i32) -> (i32, i32) {
    %c0_i32 = arith.constant 0 : i32
    %c0_i32_0 = arith.constant 0 : i32
    return %arg0, %c0_i32 : i32, i32
  }
  func.func @transform_1(%arg0: i32) -> (i32, i32, i32) {
    %c0_i32 = arith.constant 0 : i32
    %c0_i32_0 = arith.constant 0 : i32
    %c0_i32_1 = arith.constant 0 : i32
    return %c0_i32, %arg0, %c0_i32_0 : i32, i32, i32
  }
  func.func @transform_2(%arg0: i32) -> (i32, i32, i32) {
    %c0_i32 = arith.constant 0 : i32
    %c0_i32_0 = arith.constant 0 : i32
    %c0_i32_1 = arith.constant 0 : i32
    return %c0_i32, %arg0, %c0_i32_0 : i32, i32, i32
  }
  func.func @transform_3(%arg0: i32) -> (i32, i32, i32) {
    %c0_i32 = arith.constant 0 : i32
    %c0_i32_0 = arith.constant 0 : i32
    %c0_i32_1 = arith.constant 0 : i32
    %c0_i32_2 = arith.constant 0 : i32
    return %c0_i32, %c0_i32_0, %c0_i32_1 : i32, i32, i32
  }
  func.func @transform_4(%arg0: i32) -> (i32, i32) {
    %c0_i32 = arith.constant 0 : i32
    %c0_i32_0 = arith.constant 0 : i32
    %c0_i32_1 = arith.constant 0 : i32
    return %c0_i32, %c0_i32_0 : i32, i32
  }
  func.func @transform_5(%arg0: i32) -> (i32, i32) {
    %c0_i32 = arith.constant 0 : i32
    %c0_i32_0 = arith.constant 0 : i32
    %c0_i32_1 = arith.constant 0 : i32
    return %c0_i32, %c0_i32_0 : i32, i32
  }
  func.func @transform_6(%arg0: i32) -> (i32, i32) {
    %c0_i32 = arith.constant 0 : i32
    %c0_i32_0 = arith.constant 0 : i32
    %c0_i32_1 = arith.constant 0 : i32
    return %c0_i32, %c0_i32_0 : i32, i32
  }
  func.func @transform_7(%arg0: i32) -> (i32, i32) {
    %c0_i32 = arith.constant 0 : i32
    %c0_i32_0 = arith.constant 0 : i32
    return %arg0, %c0_i32 : i32, i32
  }
}

</mosaic_0001>

<sc_bundles>
// kernel: kernel.4.cloned.1.call-start
scs
__scs_entry_jumppad:
0x0: {  	(pc) =	sbr.rel $0x88, $3  }
0x1: {  	(tag) =	ssettag $0x0;
	lr =	simm.s32 $0x1  }
0x2: {  	[smem:$0x3F9B] =	sst lr;
	_ =	strace $0xD0000000  }
0x3: {  	_ = 	snop  }
0x4: {  	_ = 	snop  }
0x5: {  	_ = 	snop  }
0x6: {  	_ = 	snop  }
0x7: {  	_ = 	snop  }
__scs_overlays_trampoline_lowered:
0x8: {  	[smem:$0x3FAA] =	sst s0  }
0x9: {  	[smem:$0x3FAB] =	sst s1  }
0xa: {  	[smem:$0x3FAC] =	sst s2  }
0xb: {  	[smem:$0x3FAD] =	sst s3  }
0xc: {  	[smem:$0x3FAE] =	sst s4  }
0xd: {  	[smem:$0x3FAF] =	sst s5  }
0xe: {  	[smem:$0x3FB0] =	sst s6  }
0xf: {  	[smem:$0x3FB1] =	sst s7  }
0x10: {  	[smem:$0x3FB2] =	sst s8  }
0x11: {  	[smem:$0x3FB3] =	sst s9;
	s0 =	simm.s32 @!p0 $0x0  }
0x12: {  	s1 =	sld [smem:$0x3F99];
	s0 =	simm.s32 @p0 $0x1  }
0x13: {  	[smem:$0x3FB4] =	sst s0;
	s0 =	simm.s32 @!p1 $0x0  }
0x14: {  	s2 =	sld [smem:$0x3F98];
	s0 =	simm.s32 @p1 $0x1  }
0x15: {  	[smem:$0x3FB5] =	sst s0;
	s0 =	simm.s32 @!p2 $0x0  }
0x16: {  	s3 =	sld [smem:$0x3FDB];
	s0 =	simm.s32 @p2 $0x1  }
0x17: {  	s4 =	simm.s32 $0x1BF5;
	[smem:$0x3FB7] =	sst s0  }
0x18: {  	s0 =	sld [smem:$0x3F9A];
	_ =	swait.ge [sflag:s4], $0x0  }
0x19: {  	s7 =	sld [smem:$0x3F9B]  }
0x1a: {  	s8 =	sadd.s32 $0xFFFFE003, lr  }
0x1b: {  	s9 =	sadd.s32 $0xFFFFFEF7, lr;
	s5 =	simm.s32 $0xFFFFFFFF;
	p2 =	slt.u32 s8, $0xFFFFF086  }
0x1c: {  	p1 =	slt.u32 s9, $0xF7A;
	s5 =	simm.s32 @!p2 $0x0  }
0x1d: {  	s5 =	simm.s32 @p1 $0x1;
	p0 =	seq.s32 s7, s2  }
0x1e: {  	s7 =	smul.u32 @!p0 $0xF7A, s2;
	p2 =	seq.s32 @!p0 s5, $0x0  }
0x1f: {  	s9 =	smul.u32 $0xF7A, s1;
	s8 =	simm.s32 @!p0 $0x1BF5;
	p2 =	por !p2, p0  }
0x20: {  	[sflag:s8] =	ssyncset.s32 @!p0 $0xFFFFF086;
	s6 =	sadd.s32 @!p0 s3, s7;
	s7 =	simm.s32 @!p0 $0x108  }
0x21: {  	s3 =	sadd.s32 s3, s9;
	s6 =	sadd.s32 @!p0 $0x88, s6;
	s7 =	simm.s32 @p2 $0x1082  }
0x22: {  	[simem:s7], [sflag:s8] =	dma.local @!p0 [hbm:s6], $0xF7A  }
0x23: {  	s9 =	sor.u32 $0xD0000000, s2;
	s6 =	simm.s32 $0x108;
	_ =	swait.ge @!p0 [sflag:s8], $0x0  }
0x24: {  	s3 =	sadd.s32 $0x88, s3;
	s6 =	simm.s32 @!p1 $0x1082;
	[sflag:s4] =	ssyncset.s32 $0xFFFFF086  }
0x25: {  	[simem:s6], [sflag:s4] =	dma.local [hbm:s3], $0xF7A  }
0x26: {  	[smem:$0x3F9B] =	sst s1;
	(tag) =	ssettag s2;
	_ =	strace s9  }
0x27: {  	s1 =	sld [smem:$0x3FAB]  }
0x28: {  	s2 =	sld [smem:$0x3FAC]  }
0x29: {  	s4 =	sld [smem:$0x3FAE]  }
0x2a: {  	p0 =	seq.s32 s5, $0x0;
	s5 =	sld [smem:$0x3FAF]  }
0x2b: {  	s6 =	sld [smem:$0x3FB0]  }
0x2c: {  	s7 =	sld [smem:$0x3FB1]  }
0x2d: {  	s3 =	simm.s32 $0x108;
	s8 =	sld [smem:$0x3FB2]  }
0x2e: {  	s3 =	simm.s32 @!p0 $0x1082;
	s9 =	sld [smem:$0x3FB3]  }
0x2f: {  	lr =	sadd.s32 s0, s3;
	s0 =	sld [smem:$0x3FAA]  }
0x30: {  	s3 =	sld [smem:$0x3FAD]  }
0x31: {  	[smem:$0x3FB6] =	sst s10  }
0x32: {  	s10 =	sld [smem:$0x3FB4];
	_ =	sdelay $0x3  }
0x33: {  	p0 =	seq.s32 s10, $0x1;
	s10 =	sld [smem:$0x3FB6];
	_ =	sdelay $0x3  }
0x34: {  	[smem:$0x3FB6] =	sst s10  }
0x35: {  	s10 =	sld [smem:$0x3FB5];
	_ =	sdelay $0x3  }
0x36: {  	p1 =	seq.s32 s10, $0x1;
	s10 =	sld [smem:$0x3FB6];
	_ =	sdelay $0x3  }
0x37: {  	[smem:$0x3FB6] =	sst s10  }
0x38: {  	s10 =	sld [smem:$0x3FB7]  }
0x39: {  	_ = 	snop;
	(pc) =	sbr.ind lr, $3  }
0x3a: {  	_ = 	snop  }
0x3b: {  	_ = 	snop  }
0x3c: {  	p2 =	seq.s32 s10, $0x1;
	s10 =	sld [smem:$0x3FB6]  }
0x3d: {  	_ =	shalt  }
0x3e: {  	_ =	shalt  }
0x3f: {  	_ =	shalt  }
0x40: {  	_ =	shalt  }
0x41: {  	_ =	shalt  }
0x42: {  	_ =	shalt  }
0x43: {  	_ =	shalt  }
0x44: {  	_ =	shalt  }
0x45: {  	_ =	shalt  }
0x46: {  	_ =	shalt  }
0x47: {  	_ =	shalt  }
0x48: {  	_ =	shalt  }
0x49: {  	_ =	shalt  }
0x4a: {  	_ =	shalt  }
0x4b: {  	_ =	shalt  }
0x4c: {  	_ =	shalt  }
0x4d: {  	_ =	shalt  }
0x4e: {  	_ =	shalt  }
0x4f: {  	_ =	shalt  }
0x50: {  	_ =	shalt  }
0x51: {  	_ =	shalt  }
0x52: {  	_ =	shalt  }
0x53: {  	_ =	shalt  }
0x54: {  	_ =	shalt  }
0x55: {  	_ =	shalt  }
0x56: {  	_ =	shalt  }
0x57: {  	_ =	shalt  }
0x58: {  	_ =	shalt  }
0x59: {  	_ =	shalt  }
0x5a: {  	_ =	shalt  }
0x5b: {  	_ =	shalt  }
0x5c: {  	_ =	shalt  }
0x5d: {  	_ =	shalt  }
0x5e: {  	_ =	shalt  }
0x5f: {  	_ =	shalt  }
0x60: {  	_ =	shalt  }
0x61: {  	_ =	shalt  }
0x62: {  	_ =	shalt  }
0x63: {  	_ =	shalt  }
0x64: {  	_ =	shalt  }
0x65: {  	_ =	shalt  }
0x66: {  	_ =	shalt  }
0x67: {  	_ =	shalt  }
0x68: {  	_ =	shalt  }
0x69: {  	_ =	shalt  }
0x6a: {  	_ =	shalt  }
0x6b: {  	_ =	shalt  }
0x6c: {  	_ =	shalt  }
0x6d: {  	_ =	shalt  }
0x6e: {  	_ =	shalt  }
0x6f: {  	_ =	shalt  }
0x70: {  	_ =	shalt  }
0x71: {  	_ =	shalt  }
0x72: {  	_ =	shalt  }
0x73: {  	_ =	shalt  }
0x74: {  	_ =	shalt  }
0x75: {  	_ =	shalt  }
0x76: {  	_ =	shalt  }
0x77: {  	_ =	shalt  }
0x78: {  	_ =	shalt  }
0x79: {  	_ =	shalt  }
0x7a: {  	_ =	shalt  }
0x7b: {  	_ =	shalt  }
0x7c: {  	_ =	shalt  }
0x7d: {  	_ =	shalt  }
0x7e: {  	_ =	shalt  }
0x7f: {  	_ =	shalt  }
0x80: {  	_ =	shalt  }
0x81: {  	_ =	shalt  }
0x82: {  	_ =	shalt  }
0x83: {  	_ =	shalt  }
0x84: {  	_ =	shalt  }
0x85: {  	_ =	shalt  }
0x86: {  	_ =	shalt  }
0x87: {  	_ =	shalt  }
.Lfunc_end0:
.L_simem_size_0:
called_computation_lowered:
.L_overlay_start_0:
0x88: {  	s2 =	sld [smem:$0x3FD9]  }
0x89: {  	s3 =	sld [smem:$0x3FFE];
	_ =	sdelay $0x1  }
0x8a: {  	s1 =	srdreg.scid  }
0x8b: {  	s0 =	sand.u32 $0x1, s1  }
0x8c: {  	s17 =	sshll.u32 s0, $0xA;
	s2 =	sadd.s32 s3, s2  }
0x8d: {  	s2 =	sadd.s32 s2, s17  }
0x8e: {  	[smem:$0x3FC2] =	sst s2  }
0x8f: {  	_ = 	snop  }
0x90: {  	s2 =	sld [smem:$0x3FC9]  }
0x91: {  	s18 =	sld [smem:$0x3FD0];
	(tm) =	ssettm $0x1  }
0x92: {  	s4 =	sld [smem:$0x3FFB];
	_ =	sdelay $0x3  }
0x93: {  	_ =	strace s4  }
0x94: {  	s4 =	sld [smem:$0x3FFC];
	_ =	sdelay $0x3  }
0x95: {  	_ =	strace s4  }
0x96: {  	s4 =	sld [smem:$0x3FFD];
	_ =	sdelay $0x3  }
0x97: {  	_ =	strace s4  }
0x98: {  	_ =	strace $0x8FFFFFFF  }
0x99: {  	s19 =	sld [smem:$0x3FDB];
	_ =	sdelay $0x1  }
0x9a: {  	s5 =	simm.s32 $_scs_section_size  }
0x9b: {  	s6 =	simm.s32 $_size__tile_overlayer_lowered;
	s7 =	simm.s32 $_tile_overlayer_lowered  }
0x9c: {  	s22 =	simm.s32 $0x1BFF;
	s21 =	sshll.u32 s7, $0x1;
	s4 =	sadd.s32 s5, s19  }
0x9d: {  	s8 =	simm.s32 $0x0;
	s20 =	sshll.u32 s6, $0x1;
	s6 =	sadd.s32 s21, s4  }
0x9e: {  	[timem:s8], [sflag:s22] =	dma.local [hbm:s6], s20  }
0x9f: {  	_ =	swait.ge [sflag:s22], s20  }
0xa0: {  	s5 =	ssub.s32 $0x0, s20;
	[sflag:s22] =	ssyncset.done $0x0  }
0xa1: {  	[sflag:s22] =	ssyncadd.s32 s5;
	_ =	sdelay $0x1  }
0xa2: {  	s23 =	simm.s32 $0x1B8B  }
0xa3: {  	_ =	swait.ge [sflag:s23], $0x1  }
0xa4: {  	[sflag:s23] =	ssyncset.done $0x0  }
0xa5: {  	s25 =	simm.s32 $0x1B8E;
	s24 =	sld [smem:$0x3FFE];
	[sflag:s23] =	ssyncadd.s32 $0xFFFFFFFF  }
0xa6: {  	s26 =	simm.s32 $execute0_lowered;
	[smem:$0x3FD2] =	sst s25  }
0xa7: {  	s6 =	sshll.u32 s26, $0x1;
	_ =	strace $0x80000046;
	[dreg:$0x1] =	wrdreg $0xFFFFFFFF  }
0xa8: {  	s28 =	simm.s32 $_size_execute0_lowered;
	s4 =	sadd.s32 s4, s6;
	[dreg:$0x0] =	wrdreg $0x0  }
0xa9: {  	s6 =	sshll.u32 s28, $0x1;
	[dreg:$0x2] =	wrdreg s4  }
0xaa: {  	[dreg:$0x3] =	wrdreg s6  }
0xab: {  	[dreg:$0x4] =	wrdreg $0xC0  }
0xac: {  	_ =	task [dreg:s8], $0x5FFFF  }
0xad: {  	[dreg:$0x1] =	wrdreg $0xFFFFFFFF  }
0xae: {  	[dreg:$0x0] =	wrdreg $0x60  }
0xaf: {  	[dreg:$0x2] =	wrdreg s2  }
0xb0: {  	[dreg:$0x3] =	wrdreg s18  }
0xb1: {  	[dreg:$0x4] =	wrdreg s24  }
0xb2: {  	[dreg:$0x5] =	wrdreg $0xA8000  }
0xb3: {  	[dreg:$0x6] =	wrdreg $0x9  }
0xb4: {  	_ =	task.clear_ibuf [dreg:s8], $0x7FFFF;
	_ =	strace $0x90000046  }
0xb5: {  	s29 =	simm.s32 $0x9;
	_ =	strace $0x80000048  }
0xb6: {  	_ =	swait.ge [sflag:s29], $0x1  }
0xb7: {  	[sflag:s29] =	ssyncadd.s32 $0xFFFFFFFF  }
0xb8: {  	_ =	strace $0x90000048  }
0xb9: {  	_ =	sfence  }
0xba: {  	s30 =	sld [smem:$0x0];
	_ =	sdelay $0x2  }
0xbb: {  	s31 =	sshll.u32 s1, $0xD;
	s1 =	sshrl.u32 s1, $0x2  }
0xbc: {  	s3 =	sand.u32 $0x4000, s31;
	s1 =	sadd.s32 s1, s30  }
0xbd: {  	s0 =	sor.u32 s3, s0;
	s1 =	sshll.u32 s1, $0x11  }
0xbe: {  	s0 =	sor.u32 s1, s0  }
0xbf: {  	s0 =	sadd.s32 $0x8F2B, s0  }
0xc0: {  	[sflag:s0] =	ssyncadd.remote.s32 $0x1  }
0xc1: {  	_ =	sfence.sel $0xFFFF  }
0xc2: {  	[dreg:$0x0] =	wrdreg $0xFFFFFFFF;
	(pc) =	sbr.abs _section_cstart, $3  }
0xc3: {  	[dreg:$0x1] =	wrdreg $0xFFFFFFFF  }
0xc4: {  	_ =	task.clear_ibuf [dreg:s8], $0x2FFFF;
	_ =	strace $0x9FFFFFFF  }
0xc5: {  	(tm) =	ssettm $0x7FFFFFFF  }
tec
execute0_lowered:
.L_overlay_start_1:
0x0: {  	(tag) =	ssettag $0x1  }
0x1: {  	s1 =	rddreg [dreg:$0x0]  }
0x2: {  	s0 =	rddreg [dreg:$0x1];
	s14 =	stileid.u32  }
0x3: {  	s3 =	rddreg [dreg:$0x2];
	s8 =	smul.u32 $0x1400, s14  }
0x4: {  	s5 =	srdreg.scid;
	s12 =	smul.u32 $0x50000, s14  }
0x5: {  	s2 =	rddreg [dreg:$0x3];
	s5 =	sand.u32 $0x1, s5;
	s14 =	smul.u32 $0x14000, s14  }
0x6: {  	s4 =	simm.s32 $0x0;
	s6 =	ssub.s32 $0x2, s5;
	s9 =	smul.u32 $0x50000, s5  }
0x7: {  	s11 =	sshll.u32 s5, $0x2;
	s25 =	smul.u32 $0x500000, s5;
	s5 =	sshllo.u32 s5, $0x2  }
0x8: {  	[smem:$0x7FF] =	sst s4;
	s19 =	sadd.s32 $0x1C00, s3;
	s30 =	smul.u32 $0x14000, s5  }
0x9: {  	s7 =	sadd.s32 $0x15C00, s3;
	s21 =	sor.u32 $0x1, s11;
	s5 =	smul.u32 $0x140000, s5  }
0xa: {  	s3 =	sadd.s32 $0x155C00, s3;
	s11 =	sor.u32 $0x2, s11;
	s23 =	smul.u32 $0x14000, s21  }
0xb: {  	_ =	strace $0x80000047;
	s10 =	sshrl.u32 s6, $0x1;
	s28 =	smul.u32 $0x14000, s11  }
0xc: {  	s22 =	sshrl.u32 s12, $0x2;
	s20 =	sadd.s32 s8, s9;
	s9 =	smul.u32 $0x140000, s21  }
0xd: {  	s10 =	ssub.s32 s6, s10;
	s6 =	sadd.s32 s22, s2;
	s11 =	smul.u32 $0x140000, s11  }
0xe: {  	s13 =	sshrl.u32 s20, $0x3;
	s24 =	sadd.s32 $0x2000, s6;
	s26 =	sadd.s32 $0x4000, s6  }
0xf: {  	s5 =	sadd.s32 s14, s5;
	s15 =	sadd.s32 s0, s13;
	[dreg:$0x7] =	wrdreg s24  }
0x10: {  	s13 =	sadd.s32 s19, s13;
	[dreg:$0x8] =	wrdreg s26;
	s12 =	sadd.s32 s8, s23  }
0x11: {  	s31 =	sadd.s32 s8, s28;
	s8 =	sadd.s32 s8, s30;
	s9 =	sadd.s32 s14, s9  }
0x12: {  	s11 =	sadd.s32 s14, s11;
	s20 =	sshrl.u32 s5, $0x3;
	s23 =	sadd.s32 $0x6000, s6  }
0x13: {  	s24 =	smax.u32 s10, $0x1;
	s26 =	sadd.s32 $0xA000, s6;
	[dreg:$0x5] =	wrdreg s15  }
0x14: {  	s28 =	sadd.s32 $0xC000, s6;
	s30 =	sadd.s32 $0x10000, s6;
	[dreg:$0x6] =	wrdreg s13  }
0x15: {  	s5 =	simm.s32 $0x40;
	s10 =	simm.s32 $0x6800;
	[dreg:$0x17] =	wrdreg s23  }
0x16: {  	s12 =	sshrl.u32 s12, $0x3;
	s13 =	sadd.s32 s14, s25;
	[dreg:$0x18] =	wrdreg s24  }
0x17: {  	s15 =	sshrl.u32 s31, $0x3;
	s9 =	sshrl.u32 s9, $0x3;
	[dreg:$0x1a] =	wrdreg s26  }
0x18: {  	s8 =	sshrl.u32 s8, $0x3;
	s18 =	sshrl.u32 s11, $0x3;
	[dreg:$0x1b] =	wrdreg s28  }
0x19: {  	s21 =	sadd.s32 s7, s20;
	s22 =	sadd.s32 s3, s20;
	[dreg:$0x1d] =	wrdreg s30  }
0x1a: {  	s25 =	sadd.s32 $0x8000, s6;
	s31 =	sadd.s32 $0x12000, s6;
	[dreg:$0x15] =	wrdreg s21  }
0x1b: {  	s14 =	simm.s32 $0x1;
	s20 =	simm.s32 $0x7;
	[dreg:$0x16] =	wrdreg s22  }
0x1c: {  	s23 =	simm.s32 $0x2680;
	s24 =	simm.s32 $0x2700;
	[dreg:$0x19] =	wrdreg s25  }
0x1d: {  	s11 =	simm.s32 $0x0;
	s16 =	sadd.s32 s0, s12;
	[dreg:$0x1e] =	wrdreg s31  }
0x1e: {  	s13 =	sshrl.u32 s13, $0x3;
	s12 =	sadd.s32 s19, s12;
	[dreg:$0x9] =	wrdreg s16  }
0x1f: {  	s17 =	sadd.s32 s19, s15;
	s4 =	sadd.s32 s19, s8;
	[dreg:$0xc] =	wrdreg s12  }
0x20: {  	s19 =	sadd.s32 s7, s18;
	s21 =	simm.s32 $0x8;
	[dreg:$0x10] =	wrdreg s17  }
0x21: {  	s22 =	simm.s32 $0x2600;
	s25 =	simm.s32 $0x2780;
	[dreg:$0x12] =	wrdreg s4  }
0x22: {  	s29 =	sadd.s32 s7, s13;
	s13 =	sadd.s32 s3, s13;
	[dreg:$0x13] =	wrdreg s19  }
0x23: {  	s16 =	sadd.s32 s7, s9;
	s9 =	sadd.s32 s3, s9;
	[dreg:$0xa] =	wrdreg s29  }
0x24: {  	s4 =	simm.s32 $0x9;
	s12 =	simm.s32 $0x8800;
	[dreg:$0xb] =	wrdreg s13  }
0x25: {  	s17 =	simm.s32 $0x4;
	s19 =	simm.s32 $0x6;
	[dreg:$0xe] =	wrdreg s16  }
0x26: {  	s7 =	simm.s32 $0x2500;
	s13 =	sadd.s32 s0, s15;
	[dreg:$0xf] =	wrdreg s9  }
0x27: {  	s0 =	sadd.s32 s0, s8;
	s29 =	sadd.s32 $0xE000, s6;
	s8 =	simm.s32 $0x4800  }
0x28: {  	s15 =	simm.s32 $0x2;
	s16 =	simm.s32 $0x3;
	[dreg:$0xd] =	wrdreg s13  }
0x29: {  	s9 =	simm.s32 $0x2580;
	[dreg:$0x11] =	wrdreg s0;
	s0 =	sadd.s32 s3, s18  }
0x2a: {  	[dreg:$0x1c] =	wrdreg s29;
	s3 =	simm.s32 $0x1400;
	s13 =	simm.s32 $0x2800  }
0x2b: {  	v0 =	vimm.f32 $0.0e+00;
	v1 =	vimm.f32 $1.000000000e+00;
	s18 =	simm.s32 $0x5;
	[dreg:$0x14] =	wrdreg s0;
	s0 =	simm.s32 $0x2480  }
.LBB2_1:
0x2c: {  	s26 =	simm.s32 $0x0;
	s28 =	rddreg [dreg:$0x5]  }
0x2d: {  	[tilespmem:s26], [sflag:$0x9] =	stream.linear.gather [hbm4b:s28+s26], $0x1400, $0x38;
	[tilespmem:$0x1E800] =	vst v63  }
0x2e: {  	_ =	swait.ge [sflag:s4], $0x1400  }
0x2f: {  	[sflag:s4] =	ssyncset.done $0x0  }
0x30: {  	s28 =	rddreg [dreg:$0x6];
	[sflag:s4] =	ssyncadd.s32 $0xFFFFEC00  }
0x31: {  	[tilespmem:s3], [sflag:$0x9] =	stream.linear.gather [hbm4b:s28+s26], $0x1400, $0x38;
	[tilespmem:$0x1E800] =	vst v63  }
0x32: {  	_ =	swait.ge [sflag:s4], $0x1400  }
0x33: {  	[sflag:s4] =	ssyncset.done $0x0  }
0x34: {  	s29 =	simm.s32 $0x80;
	[sflag:s4] =	ssyncadd.s32 $0xFFFFEC00  }
0x35: {  	[tilespmem:s8], [sflag:$0x2] =	stream.indirect.gather [hbm4b:s1+s5], $0x80, s29, s5, $0xb8;
	[tilespmem:$0x1E800] =	vst v63  }
0x36: {  	s30 =	simm.s32 $0x100  }
0x37: {  	[tilespmem:s10], [sflag:$0x3] =	stream.indirect.gather [hbm4b:s1+s5], $0x80, s30, s5, $0xb8;
	[tilespmem:$0x1E800] =	vst v63  }
0x38: {  	s31 =	simm.s32 $0x180;
	s26 =	simm.s32 $0x0;
	s28 =	simm.s32 $0x200  }
0x39: {  	[tilespmem:s12], [sflag:$0x4] =	stream.indirect.gather [hbm4b:s1+s5], $0x80, s31, s5, $0xb8;
	[tilespmem:$0x1E800] =	vst v63  }
.LBB2_2:
0x3a: {  	p0 =	sne.s32 s28, $0x7E00;
	[tilespmem:s26+$0x2870] =	vst v0  }
0x3b: {  	[tilespmem:s26+$0x2800] =	vst v0  }
0x3c: {  	[tilespmem:s26+$0x2810] =	vst v0  }
.Ltmp0:
0x3d: {  	[tilespmem:s26+$0x2820] =	vst v0;
	(pc) =	sbr.rel @p0 .LBB2_2-.Ltmp0, $4  }
0x3e: {  	[tilespmem:s26+$0x2830] =	vst v0  }
0x3f: {  	[tilespmem:s26+$0x2840] =	vst v0  }
0x40: {  	[tilespmem:s26+$0x2850] =	vst v0  }
0x41: {  	[tilespmem:s26+$0x2860] =	vst v0;
	s26 =	sshra.s32 s28, $0x2;
	s28 =	sadd.s32 $0x200, s28  }
0x42: {  	[tilespmem:s26+$0x2870] =	vst v0  }
0x43: {  	[tilespmem:s26+$0x2800] =	vst v0  }
0x44: {  	[tilespmem:s26+$0x2810] =	vst v0  }
0x45: {  	[tilespmem:s26+$0x2820] =	vst v0  }
0x46: {  	[tilespmem:s26+$0x2830] =	vst v0  }
0x47: {  	[tilespmem:s26+$0x2840] =	vst v0  }
0x48: {  	[tilespmem:s26+$0x2850] =	vst v0  }
0x49: {  	[tilespmem:s26+$0x2860] =	vst v0  }
0x4a: {  	[spmem:s6] =	stream.linear.scatter [tilespmem:s13], [sflag:$0x9], $0x2000, $0x38;
	[tilespmem:$0x1E800] =	vst v63  }
0x4b: {  	_ =	swait.ge [sflag:s4], $0x2000  }
0x4c: {  	[sflag:s4] =	ssyncset.done $0x0  }
0x4d: {  	s30 =	rddreg [dreg:$0x7];
	[sflag:s4] =	ssyncadd.s32 $0xFFFFE000  }
0x4e: {  	[spmem:s30] =	stream.linear.scatter [tilespmem:s13], [sflag:$0x9], $0x2000, $0x38;
	[tilespmem:$0x1E800] =	vst v63  }
0x4f: {  	_ =	swait.ge [sflag:s4], $0x2000  }
0x50: {  	[sflag:s4] =	ssyncset.done $0x0  }
0x51: {  	s31 =	rddreg [dreg:$0x8];
	[sflag:s4] =	ssyncadd.s32 $0xFFFFE000  }
0x52: {  	[spmem:s31] =	stream.linear.scatter [tilespmem:s13], [sflag:$0x9], $0x2000, $0x38;
	[tilespmem:$0x1E800] =	vst v63  }
0x53: {  	_ =	swait.ge [sflag:s4], $0x2000  }
0x54: {  	[sflag:s4] =	ssyncset.done $0x0  }
0x55: {  	s29 =	rddreg [dreg:$0x17];
	[sflag:s4] =	ssyncadd.s32 $0xFFFFE000  }
0x56: {  	[spmem:s29] =	stream.linear.scatter [tilespmem:s13], [sflag:$0x9], $0x2000, $0x38;
	[tilespmem:$0x1E800] =	vst v63  }
0x57: {  	_ =	swait.ge [sflag:s4], $0x2000  }
0x58: {  	[sflag:s4] =	ssyncset.done $0x0  }
0x59: {  	s30 =	rddreg [dreg:$0x19];
	[sflag:s4] =	ssyncadd.s32 $0xFFFFE000  }
0x5a: {  	[spmem:s30] =	stream.linear.scatter [tilespmem:s13], [sflag:$0x9], $0x2000, $0x38;
	[tilespmem:$0x1E800] =	vst v63  }
0x5b: {  	_ =	swait.ge [sflag:s4], $0x2000  }
0x5c: {  	[sflag:s4] =	ssyncset.done $0x0  }
0x5d: {  	s31 =	rddreg [dreg:$0x1a];
	[sflag:s4] =	ssyncadd.s32 $0xFFFFE000  }
0x5e: {  	[spmem:s31] =	stream.linear.scatter [tilespmem:s13], [sflag:$0x9], $0x2000, $0x38;
	[tilespmem:$0x1E800] =	vst v63  }
0x5f: {  	_ =	swait.ge [sflag:s4], $0x2000  }
0x60: {  	[sflag:s4] =	ssyncset.done $0x0  }
0x61: {  	s29 =	rddreg [dreg:$0x1b];
	[sflag:s4] =	ssyncadd.s32 $0xFFFFE000  }
0x62: {  	[spmem:s29] =	stream.linear.scatter [tilespmem:s13], [sflag:$0x9], $0x2000, $0x38;
	[tilespmem:$0x1E800] =	vst v63  }
0x63: {  	_ =	swait.ge [sflag:s4], $0x2000  }
0x64: {  	[sflag:s4] =	ssyncset.done $0x0  }
0x65: {  	s30 =	rddreg [dreg:$0x1c];
	[sflag:s4] =	ssyncadd.s32 $0xFFFFE000  }
0x66: {  	[spmem:s30] =	stream.linear.scatter [tilespmem:s13], [sflag:$0x9], $0x2000, $0x38;
	[tilespmem:$0x1E800] =	vst v63  }
0x67: {  	_ =	swait.ge [sflag:s4], $0x2000  }
0x68: {  	[sflag:s4] =	ssyncset.done $0x0  }
0x69: {  	s31 =	rddreg [dreg:$0x1d];
	[sflag:s4] =	ssyncadd.s32 $0xFFFFE000  }
0x6a: {  	[spmem:s31] =	stream.linear.scatter [tilespmem:s13], [sflag:$0x9], $0x2000, $0x38;
	[tilespmem:$0x1E800] =	vst v63  }
0x6b: {  	_ =	swait.ge [sflag:s4], $0x2000  }
0x6c: {  	[sflag:s4] =	ssyncset.done $0x0  }
0x6d: {  	s29 =	rddreg [dreg:$0x1e];
	[sflag:s4] =	ssyncadd.s32 $0xFFFFE000  }
0x6e: {  	[spmem:s29] =	stream.linear.scatter [tilespmem:s13], [sflag:$0x9], $0x2000, $0x38;
	[tilespmem:$0x1E800] =	vst v63  }
0x6f: {  	_ =	swait.ge [sflag:s4], $0x2000  }
0x70: {  	[sflag:s4] =	ssyncset.done $0x0  }
0x71: {  	s30 =	simm.s32 $0x0;
	[sflag:s4] =	ssyncadd.s32 $0xFFFFE000  }
0x72: {  	[tilespmem:s13], [sflag:$0x1] =	stream.indirect.gather [hbm4b:s1+s5], $0x80, s30, s5, $0xb8;
	[tilespmem:$0x1E800] =	vst v63  }
0x73: {  	[bflag:$0x0] =	sbarrier.arrive $0xFFFF  }
0x74: {  	_ =	swait.ge [sflag:s14], $0x2000  }
0x75: {  	[sflag:s14] =	ssyncset.done $0x0  }
0x76: {  	s31 =	simm.s32 $0x1400;
	[sflag:s14] =	ssyncadd.s32 $0xFFFFE000  }
0x77: {  	[spmem:s2] =	stream.indirect.scatter.add.f32 [tilespmem:s13], [sflag:$0x5], $0x80, s31, s5, $0xb8;
	[tilespmem:$0x1E800] =	vst v63  }
0x78: {  	_ =	swait.ge [sflag:s15], $0x2000  }
0x79: {  	[sflag:s15] =	ssyncset.done $0x0  }
0x7a: {  	s29 =	simm.s32 $0x1480;
	[sflag:s15] =	ssyncadd.s32 $0xFFFFE000  }
0x7b: {  	[spmem:s2] =	stream.indirect.scatter.add.f32 [tilespmem:s8], [sflag:$0x6], $0x80, s29, s5, $0xb8;
	[tilespmem:$0x1E800] =	vst v63  }
0x7c: {  	_ =	swait.ge [sflag:s16], $0x2000  }
0x7d: {  	[sflag:s16] =	ssyncset.done $0x0  }
0x7e: {  	s30 =	simm.s32 $0x1500;
	[sflag:s16] =	ssyncadd.s32 $0xFFFFE000  }
0x7f: {  	[spmem:s2] =	stream.indirect.scatter.add.f32 [tilespmem:s10], [sflag:$0x7], $0x80, s30, s5, $0xb8;
	[tilespmem:$0x1E800] =	vst v63  }
0x80: {  	_ =	swait.ge [sflag:s17], $0x2000  }
0x81: {  	[sflag:s17] =	ssyncset.done $0x0  }
0x82: {  	s31 =	simm.s32 $0x1580;
	[sflag:s17] =	ssyncadd.s32 $0xFFFFE000  }
0x83: {  	[spmem:s2] =	stream.indirect.scatter.add.f32 [tilespmem:s12], [sflag:$0x8], $0x80, s31, s5, $0xb8;
	[tilespmem:$0x1E800] =	vst v63  }
0x84: {  	_ =	swait.ge [sflag:s18], $0x2000  }
0x85: {  	[sflag:s18] =	ssyncset.done $0x0  }
0x86: {  	s29 =	simm.s32 $0x200;
	[sflag:s18] =	ssyncadd.s32 $0xFFFFE000  }
0x87: {  	[tilespmem:s13], [sflag:$0x1] =	stream.indirect.gather [hbm4b:s1+s5], $0x80, s29, s5, $0xb8;
	[tilespmem:$0x1E800] =	vst v63  }
0x88: {  	_ =	swait.ge [sflag:s19], $0x2000  }
0x89: {  	[sflag:s19] =	ssyncset.done $0x0  }
0x8a: {  	s30 =	simm.s32 $0x280;
	[sflag:s19] =	ssyncadd.s32 $0xFFFFE000  }
0x8b: {  	[tilespmem:s8], [sflag:$0x2] =	stream.indirect.gather [hbm4b:s1+s5], $0x80, s30, s5, $0xb8;
	[tilespmem:$0x1E800] =	vst v63  }
0x8c: {  	_ =	swait.ge [sflag:s20], $0x2000  }
0x8d: {  	[sflag:s20] =	ssyncset.done $0x0  }
0x8e: {  	s31 =	simm.s32 $0x300;
	[sflag:s20] =	ssyncadd.s32 $0xFFFFE000  }
0x8f: {  	[tilespmem:s10], [sflag:$0x3] =	stream.indirect.gather [hbm4b:s1+s5], $0x80, s31, s5, $0xb8;
	[tilespmem:$0x1E800] =	vst v63  }
0x90: {  	_ =	swait.ge [sflag:s21], $0x2000  }
0x91: {  	[sflag:s21] =	ssyncset.done $0x0  }
0x92: {  	s26 =	simm.s32 $0x800;
	s28 =	simm.s32 $0x380;
	[sflag:s21] =	ssyncadd.s32 $0xFFFFE000  }
.LBB2_4:
0x93: {  	[tilespmem:s12], [sflag:$0x4] =	stream.indirect.gather [hbm4b:s1+s5], $0x80, s28, s5, $0xb8;
	[tilespmem:$0x1E800] =	vst v63  }
0x94: {  	s28 =	smov.u32 s26  }
0x95: {  	p0 =	sne.s32 s26, $0x4000;
	s26 =	sadd.s32 $0x800, s26;
	_ =	swait.ge [sflag:s14], $0x2000  }
0x96: {  	s28 =	sshra.s32 s28, $0x2;
	[sflag:s14] =	ssyncset.done $0x0  }
0x97: {  	s29 =	sadd.s32 $0x1400, s28;
	[sflag:s14] =	ssyncadd.s32 $0xFFFFE000  }
0x98: {  	[spmem:s2] =	stream.indirect.scatter.add.f32 [tilespmem:s13], [sflag:$0x5], $0x80, s29, s5, $0xb8;
	[tilespmem:$0x1E800] =	vst v63  }
0x99: {  	_ =	swait.ge [sflag:s15], $0x2000  }
0x9a: {  	[sflag:s15] =	ssyncset.done $0x0  }
0x9b: {  	s29 =	sadd.s32 $0x1480, s28;
	[sflag:s15] =	ssyncadd.s32 $0xFFFFE000  }
0x9c: {  	[spmem:s2] =	stream.indirect.scatter.add.f32 [tilespmem:s8], [sflag:$0x6], $0x80, s29, s5, $0xb8;
	[tilespmem:$0x1E800] =	vst v63  }
0x9d: {  	_ =	swait.ge [sflag:s16], $0x2000  }
0x9e: {  	[sflag:s16] =	ssyncset.done $0x0  }
0x9f: {  	s29 =	sadd.s32 $0x1500, s28;
	[sflag:s16] =	ssyncadd.s32 $0xFFFFE000  }
0xa0: {  	[spmem:s2] =	stream.indirect.scatter.add.f32 [tilespmem:s10], [sflag:$0x7], $0x80, s29, s5, $0xb8;
	[tilespmem:$0x1E800] =	vst v63  }
0xa1: {  	_ =	swait.ge [sflag:s17], $0x2000  }
0xa2: {  	[sflag:s17] =	ssyncset.done $0x0  }
0xa3: {  	s29 =	sadd.s32 $0x1580, s28;
	[sflag:s17] =	ssyncadd.s32 $0xFFFFE000  }
0xa4: {  	[spmem:s2] =	stream.indirect.scatter.add.f32 [tilespmem:s12], [sflag:$0x8], $0x80, s29, s5, $0xb8;
	[tilespmem:$0x1E800] =	vst v63  }
0xa5: {  	_ =	swait.ge [sflag:s18], $0x2000  }
0xa6: {  	[sflag:s18] =	ssyncset.done $0x0  }
0xa7: {  	s29 =	sadd.s32 $0x200, s28;
	[sflag:s18] =	ssyncadd.s32 $0xFFFFE000  }
0xa8: {  	[tilespmem:s13], [sflag:$0x1] =	stream.indirect.gather [hbm4b:s1+s5], $0x80, s29, s5, $0xb8;
	[tilespmem:$0x1E800] =	vst v63  }
0xa9: {  	_ =	swait.ge [sflag:s19], $0x2000  }
0xaa: {  	[sflag:s19] =	ssyncset.done $0x0  }
0xab: {  	s29 =	sadd.s32 $0x280, s28;
	[sflag:s19] =	ssyncadd.s32 $0xFFFFE000  }
0xac: {  	[tilespmem:s8], [sflag:$0x2] =	stream.indirect.gather [hbm4b:s1+s5], $0x80, s29, s5, $0xb8;
	[tilespmem:$0x1E800] =	vst v63  }
0xad: {  	_ =	swait.ge [sflag:s20], $0x2000  }
0xae: {  	[sflag:s20] =	ssyncset.done $0x0  }
.Ltmp1:
0xaf: {  	s29 =	sadd.s32 $0x300, s28;
	[sflag:s20] =	ssyncadd.s32 $0xFFFFE000;
	(pc) =	sbr.rel @p0 .LBB2_4-.Ltmp1, $4  }
0xb0: {  	[tilespmem:s10], [sflag:$0x3] =	stream.indirect.gather [hbm4b:s1+s5], $0x80, s29, s5, $0xb8;
	[tilespmem:$0x1E800] =	vst v63  }
0xb1: {  	_ =	swait.ge [sflag:s21], $0x2000  }
0xb2: {  	[sflag:s21] =	ssyncset.done $0x0  }
0xb3: {  	s28 =	sadd.s32 $0x380, s28;
	[sflag:s21] =	ssyncadd.s32 $0xFFFFE000  }
0xb4: {  	[tilespmem:s12], [sflag:$0x4] =	stream.indirect.gather [hbm4b:s1+s5], $0x80, s28, s5, $0xb8;
	[tilespmem:$0x1E800] =	vst v63  }
0xb5: {  	_ =	swait.ge [sflag:s14], $0x2000  }
0xb6: {  	[sflag:s14] =	ssyncset.done $0x0  }
0xb7: {  	[sflag:s14] =	ssyncadd.s32 $0xFFFFE000  }
0xb8: {  	[spmem:s2] =	stream.indirect.scatter.add.f32 [tilespmem:s13], [sflag:$0x5], $0x80, s22, s5, $0xb8;
	[tilespmem:$0x1E800] =	vst v63  }
0xb9: {  	_ =	swait.ge [sflag:s15], $0x2000  }
0xba: {  	[sflag:s15] =	ssyncset.done $0x0  }
0xbb: {  	[sflag:s15] =	ssyncadd.s32 $0xFFFFE000  }
0xbc: {  	[spmem:s2] =	stream.indirect.scatter.add.f32 [tilespmem:s8], [sflag:$0x6], $0x80, s23, s5, $0xb8;
	[tilespmem:$0x1E800] =	vst v63  }
0xbd: {  	_ =	swait.ge [sflag:s16], $0x2000  }
0xbe: {  	[sflag:s16] =	ssyncset.done $0x0  }
0xbf: {  	[sflag:s16] =	ssyncadd.s32 $0xFFFFE000  }
0xc0: {  	[spmem:s2] =	stream.indirect.scatter.add.f32 [tilespmem:s10], [sflag:$0x7], $0x80, s24, s5, $0xb8;
	[tilespmem:$0x1E800] =	vst v63  }
0xc1: {  	_ =	swait.ge [sflag:s17], $0x2000  }
0xc2: {  	[sflag:s17] =	ssyncset.done $0x0  }
0xc3: {  	[sflag:s17] =	ssyncadd.s32 $0xFFFFE000  }
0xc4: {  	[spmem:s2] =	stream.indirect.scatter.add.f32 [tilespmem:s12], [sflag:$0x8], $0x80, s25, s5, $0xb8;
	[tilespmem:$0x1E800] =	vst v63  }
0xc5: {  	_ =	swait.ge [sflag:s18], $0x2000  }
0xc6: {  	[sflag:s18] =	ssyncset.done $0x0  }
0xc7: {  	[sflag:s18] =	ssyncadd.s32 $0xFFFFE000  }
0xc8: {  	_ =	swait.ge [sflag:s19], $0x2000  }
0xc9: {  	[sflag:s19] =	ssyncset.done $0x0  }
0xca: {  	[sflag:s19] =	ssyncadd.s32 $0xFFFFE000  }
0xcb: {  	_ =	swait.ge [sflag:s20], $0x2000  }
0xcc: {  	[sflag:s20] =	ssyncset.done $0x0  }
0xcd: {  	[sflag:s20] =	ssyncadd.s32 $0xFFFFE000  }
0xce: {  	_ =	swait.ge [sflag:s21], $0x2000  }
0xcf: {  	[sflag:s21] =	ssyncset.done $0x0  }
0xd0: {  	s26 =	simm.s32 $0x0;
	s28 =	rddreg [dreg:$0x9];
	[sflag:s21] =	ssyncadd.s32 $0xFFFFE000  }
0xd1: {  	[tilespmem:s26], [sflag:$0x9] =	stream.linear.gather [hbm4b:s28+s26], $0x1400, $0x38;
	[tilespmem:$0x1E800] =	vst v63  }
0xd2: {  	_ =	swait.ge [sflag:s4], $0x1400  }
0xd3: {  	[sflag:s4] =	ssyncset.done $0x0  }
0xd4: {  	s31 =	simm.s32 $0x80;
	[sflag:s4] =	ssyncadd.s32 $0xFFFFEC00  }
0xd5: {  	[tilespmem:s8], [sflag:$0x2] =	stream.indirect.gather [hbm4b:s1+s5], $0x80, s31, s5, $0xb8;
	[tilespmem:$0x1E800] =	vst v63  }
0xd6: {  	s31 =	simm.s32 $0x100  }
0xd7: {  	[tilespmem:s10], [sflag:$0x3] =	stream.indirect.gather [hbm4b:s1+s5], $0x80, s31, s5, $0xb8;
	[tilespmem:$0x1E800] =	vst v63  }
0xd8: {  	s31 =	simm.s32 $0x180  }
0xd9: {  	[tilespmem:s12], [sflag:$0x4] =	stream.indirect.gather [hbm4b:s1+s5], $0x80, s31, s5, $0xb8;
	[tilespmem:$0x1E800] =	vst v63  }
0xda: {  	s31 =	stileid.u32  }
0xdb: {  	s26 =	sshll.u32 s31, $0x6;
	[bflag:$0x0] =	sbarrier.arrive $0xFFFF  }
0xdc: {  	s28 =	sshrl.u32 s6, $0x3;
	s26 =	sor.u32 $0x1C09, s26;
	s29 =	rddreg [dreg:$0xa]  }
0xdd: {  	[hbm:s29], [sflag:s26] =	dma.local [spmem:s28], $0x2800  }
0xde: {  	_ =	swait.ge [sflag:s4], $0x2800  }
0xdf: {  	[sflag:s4] =	ssyncset.done $0x0  }
0xe0: {  	[sflag:s4] =	ssyncadd.s32 $0xFFFFD800  }
0xe1: {  	s30 =	simm.s32 $0x200;
	s29 =	simm.s32 $0x0;
	[bflag:$0x0] =	sbarrier.arrive $0xFFFF  }
.LBB2_6:
0xe2: {  	p0 =	sne.s32 s30, $0x7E00;
	[tilespmem:s29+$0x2870] =	vst v1  }
0xe3: {  	[tilespmem:s29+$0x2800] =	vst v1  }
0xe4: {  	[tilespmem:s29+$0x2810] =	vst v1  }
.Ltmp2:
0xe5: {  	[tilespmem:s29+$0x2820] =	vst v1;
	(pc) =	sbr.rel @p0 .LBB2_6-.Ltmp2, $4  }
0xe6: {  	[tilespmem:s29+$0x2830] =	vst v1  }
0xe7: {  	[tilespmem:s29+$0x2840] =	vst v1  }
0xe8: {  	[tilespmem:s29+$0x2850] =	vst v1  }
0xe9: {  	[tilespmem:s29+$0x2860] =	vst v1;
	s29 =	sshra.s32 s30, $0x2;
	s30 =	sadd.s32 $0x200, s30  }
0xea: {  	[tilespmem:s29+$0x2870] =	vst v1  }
0xeb: {  	[tilespmem:s29+$0x2800] =	vst v1  }
0xec: {  	[tilespmem:s29+$0x2810] =	vst v1  }
0xed: {  	[tilespmem:s29+$0x2820] =	vst v1  }
0xee: {  	[tilespmem:s29+$0x2830] =	vst v1  }
0xef: {  	[tilespmem:s29+$0x2840] =	vst v1  }
0xf0: {  	[tilespmem:s29+$0x2850] =	vst v1  }
0xf1: {  	[tilespmem:s29+$0x2860] =	vst v1  }
0xf2: {  	[spmem:s2] =	stream.indirect.scatter.add.f32 [tilespmem:s13], [sflag:$0x5], $0x80, s3, s5, $0xb8;
	[tilespmem:$0x1E800] =	vst v63  }
0xf3: {  	s29 =	simm.s32 $0x1480  }
0xf4: {  	[spmem:s2] =	stream.indirect.scatter.add.f32 [tilespmem:s13], [sflag:$0x6], $0x80, s29, s5, $0xb8;
	[tilespmem:$0x1E800] =	vst v63  }
0xf5: {  	s29 =	simm.s32 $0x1500  }
0xf6: {  	[spmem:s2] =	stream.indirect.scatter.add.f32 [tilespmem:s13], [sflag:$0x7], $0x80, s29, s5, $0xb8;
	[tilespmem:$0x1E800] =	vst v63  }
0xf7: {  	s29 =	simm.s32 $0x1580  }
0xf8: {  	[spmem:s2] =	stream.indirect.scatter.add.f32 [tilespmem:s13], [sflag:$0x8], $0x80, s29, s5, $0xb8;
	[tilespmem:$0x1E800] =	vst v63  }
0xf9: {  	_ =	swait.ge [sflag:s18], $0x2000  }
0xfa: {  	[sflag:s18] =	ssyncset.done $0x0  }
0xfb: {  	[sflag:s18] =	ssyncadd.s32 $0xFFFFE000  }
0xfc: {  	_ =	swait.ge [sflag:s19], $0x2000  }
0xfd: {  	[sflag:s19] =	ssyncset.done $0x0  }
0xfe: {  	[sflag:s19] =	ssyncadd.s32 $0xFFFFE000  }
0xff: {  	_ =	swait.ge [sflag:s20], $0x2000  }
0x100: {  	[sflag:s20] =	ssyncset.done $0x0  }
0x101: {  	[sflag:s20] =	ssyncadd.s32 $0xFFFFE000  }
0x102: {  	_ =	swait.ge [sflag:s21], $0x2000  }
0x103: {  	[sflag:s21] =	ssyncset.done $0x0  }
0x104: {  	s29 =	simm.s32 $0x1600;
	[sflag:s21] =	ssyncadd.s32 $0xFFFFE000  }
0x105: {  	[spmem:s2] =	stream.indirect.scatter.add.f32 [tilespmem:s13], [sflag:$0x5], $0x80, s29, s5, $0xb8;
	[tilespmem:$0x1E800] =	vst v63  }
0x106: {  	s29 =	simm.s32 $0x1680  }
0x107: {  	[spmem:s2] =	stream.indirect.scatter.add.f32 [tilespmem:s13], [sflag:$0x6], $0x80, s29, s5, $0xb8;
	[tilespmem:$0x1E800] =	vst v63  }
0x108: {  	s29 =	simm.s32 $0x1700  }
0x109: {  	[spmem:s2] =	stream.indirect.scatter.add.f32 [tilespmem:s13], [sflag:$0x7], $0x80, s29, s5, $0xb8;
	[tilespmem:$0x1E800] =	vst v63  }
0x10a: {  	s29 =	simm.s32 $0x1780  }
0x10b: {  	[spmem:s2] =	stream.indirect.scatter.add.f32 [tilespmem:s13], [sflag:$0x8], $0x80, s29, s5, $0xb8;
	[tilespmem:$0x1E800] =	vst v63  }
0x10c: {  	_ =	swait.ge [sflag:s18], $0x2000  }
0x10d: {  	[sflag:s18] =	ssyncset.done $0x0  }
0x10e: {  	[sflag:s18] =	ssyncadd.s32 $0xFFFFE000  }
0x10f: {  	_ =	swait.ge [sflag:s19], $0x2000  }
0x110: {  	[sflag:s19] =	ssyncset.done $0x0  }
0x111: {  	[sflag:s19] =	ssyncadd.s32 $0xFFFFE000  }
0x112: {  	_ =	swait.ge [sflag:s20], $0x2000  }
0x113: {  	[sflag:s20] =	ssyncset.done $0x0  }
0x114: {  	[sflag:s20] =	ssyncadd.s32 $0xFFFFE000  }
0x115: {  	_ =	swait.ge [sflag:s21], $0x2000  }
0x116: {  	[sflag:s21] =	ssyncset.done $0x0  }
0x117: {  	s29 =	simm.s32 $0x1800;
	[sflag:s21] =	ssyncadd.s32 $0xFFFFE000  }
0x118: {  	[spmem:s2] =	stream.indirect.scatter.add.f32 [tilespmem:s13], [sflag:$0x5], $0x80, s29, s5, $0xb8;
	[tilespmem:$0x1E800] =	vst v63  }
0x119: {  	s29 =	simm.s32 $0x1880  }
0x11a: {  	[spmem:s2] =	stream.indirect.scatter.add.f32 [tilespmem:s13], [sflag:$0x6], $0x80, s29, s5, $0xb8;
	[tilespmem:$0x1E800] =	vst v63  }
0x11b: {  	s29 =	simm.s32 $0x1900  }
0x11c: {  	[spmem:s2] =	stream.indirect.scatter.add.f32 [tilespmem:s13], [sflag:$0x7], $0x80, s29, s5, $0xb8;
	[tilespmem:$0x1E800] =	vst v63  }
0x11d: {  	s29 =	simm.s32 $0x1980  }
0x11e: {  	[spmem:s2] =	stream.indirect.scatter.add.f32 [tilespmem:s13], [sflag:$0x8], $0x80, s29, s5, $0xb8;
	[tilespmem:$0x1E800] =	vst v63  }
0x11f: {  	_ =	swait.ge [sflag:s18], $0x2000  }
0x120: {  	[sflag:s18] =	ssyncset.done $0x0  }
0x121: {  	[sflag:s18] =	ssyncadd.s32 $0xFFFFE000  }
0x122: {  	_ =	swait.ge [sflag:s19], $0x2000  }
0x123: {  	[sflag:s19] =	ssyncset.done $0x0  }
0x124: {  	[sflag:s19] =	ssyncadd.s32 $0xFFFFE000  }
0x125: {  	_ =	swait.ge [sflag:s20], $0x2000  }
0x126: {  	[sflag:s20] =	ssyncset.done $0x0  }
0x127: {  	[sflag:s20] =	ssyncadd.s32 $0xFFFFE000  }
0x128: {  	_ =	swait.ge [sflag:s21], $0x2000  }
0x129: {  	[sflag:s21] =	ssyncset.done $0x0  }
0x12a: {  	s29 =	simm.s32 $0x1A00;
	[sflag:s21] =	ssyncadd.s32 $0xFFFFE000  }
0x12b: {  	[spmem:s2] =	stream.indirect.scatter.add.f32 [tilespmem:s13], [sflag:$0x5], $0x80, s29, s5, $0xb8;
	[tilespmem:$0x1E800] =	vst v63  }
0x12c: {  	s29 =	simm.s32 $0x1A80  }
0x12d: {  	[spmem:s2] =	stream.indirect.scatter.add.f32 [tilespmem:s13], [sflag:$0x6], $0x80, s29, s5, $0xb8;
	[tilespmem:$0x1E800] =	vst v63  }
0x12e: {  	s29 =	simm.s32 $0x1B00  }
0x12f: {  	[spmem:s2] =	stream.indirect.scatter.add.f32 [tilespmem:s13], [sflag:$0x7], $0x80, s29, s5, $0xb8;
	[tilespmem:$0x1E800] =	vst v63  }
0x130: {  	s29 =	simm.s32 $0x1B80  }
0x131: {  	[spmem:s2] =	stream.indirect.scatter.add.f32 [tilespmem:s13], [sflag:$0x8], $0x80, s29, s5, $0xb8;
	[tilespmem:$0x1E800] =	vst v63  }
0x132: {  	_ =	swait.ge [sflag:s18], $0x2000  }
0x133: {  	[sflag:s18] =	ssyncset.done $0x0  }
0x134: {  	[sflag:s18] =	ssyncadd.s32 $0xFFFFE000  }
0x135: {  	_ =	swait.ge [sflag:s19], $0x2000  }
0x136: {  	[sflag:s19] =	ssyncset.done $0x0  }
0x137: {  	[sflag:s19] =	ssyncadd.s32 $0xFFFFE000  }
0x138: {  	_ =	swait.ge [sflag:s20], $0x2000  }
0x139: {  	[sflag:s20] =	ssyncset.done $0x0  }
0x13a: {  	[sflag:s20] =	ssyncadd.s32 $0xFFFFE000  }
0x13b: {  	_ =	swait.ge [sflag:s21], $0x2000  }
0x13c: {  	[sflag:s21] =	ssyncset.done $0x0  }
0x13d: {  	s29 =	simm.s32 $0x1C00;
	[sflag:s21] =	ssyncadd.s32 $0xFFFFE000  }
0x13e: {  	[spmem:s2] =	stream.indirect.scatter.add.f32 [tilespmem:s13], [sflag:$0x5], $0x80, s29, s5, $0xb8;
	[tilespmem:$0x1E800] =	vst v63  }
0x13f: {  	s29 =	simm.s32 $0x1C80  }
0x140: {  	[spmem:s2] =	stream.indirect.scatter.add.f32 [tilespmem:s13], [sflag:$0x6], $0x80, s29, s5, $0xb8;
	[tilespmem:$0x1E800] =	vst v63  }
0x141: {  	s29 =	simm.s32 $0x1D00  }
0x142: {  	[spmem:s2] =	stream.indirect.scatter.add.f32 [tilespmem:s13], [sflag:$0x7], $0x80, s29, s5, $0xb8;
	[tilespmem:$0x1E800] =	vst v63  }
0x143: {  	s29 =	simm.s32 $0x1D80  }
0x144: {  	[spmem:s2] =	stream.indirect.scatter.add.f32 [tilespmem:s13], [sflag:$0x8], $0x80, s29, s5, $0xb8;
	[tilespmem:$0x1E800] =	vst v63  }
0x145: {  	_ =	swait.ge [sflag:s18], $0x2000  }
0x146: {  	[sflag:s18] =	ssyncset.done $0x0  }
0x147: {  	[sflag:s18] =	ssyncadd.s32 $0xFFFFE000  }
0x148: {  	_ =	swait.ge [sflag:s19], $0x2000  }
0x149: {  	[sflag:s19] =	ssyncset.done $0x0  }
0x14a: {  	[sflag:s19] =	ssyncadd.s32 $0xFFFFE000  }
0x14b: {  	_ =	swait.ge [sflag:s20], $0x2000  }
0x14c: {  	[sflag:s20] =	ssyncset.done $0x0  }
0x14d: {  	[sflag:s20] =	ssyncadd.s32 $0xFFFFE000  }
0x14e: {  	_ =	swait.ge [sflag:s21], $0x2000  }
0x14f: {  	[sflag:s21] =	ssyncset.done $0x0  }
0x150: {  	s29 =	simm.s32 $0x1E00;
	[sflag:s21] =	ssyncadd.s32 $0xFFFFE000  }
0x151: {  	[spmem:s2] =	stream.indirect.scatter.add.f32 [tilespmem:s13], [sflag:$0x5], $0x80, s29, s5, $0xb8;
	[tilespmem:$0x1E800] =	vst v63  }
0x152: {  	s29 =	simm.s32 $0x1E80  }
0x153: {  	[spmem:s2] =	stream.indirect.scatter.add.f32 [tilespmem:s13], [sflag:$0x6], $0x80, s29, s5, $0xb8;
	[tilespmem:$0x1E800] =	vst v63  }
0x154: {  	s29 =	simm.s32 $0x1F00  }
0x155: {  	[spmem:s2] =	stream.indirect.scatter.add.f32 [tilespmem:s13], [sflag:$0x7], $0x80, s29, s5, $0xb8;
	[tilespmem:$0x1E800] =	vst v63  }
0x156: {  	s29 =	simm.s32 $0x1F80  }
0x157: {  	[spmem:s2] =	stream.indirect.scatter.add.f32 [tilespmem:s13], [sflag:$0x8], $0x80, s29, s5, $0xb8;
	[tilespmem:$0x1E800] =	vst v63  }
0x158: {  	_ =	swait.ge [sflag:s18], $0x2000  }
0x159: {  	[sflag:s18] =	ssyncset.done $0x0  }
0x15a: {  	[sflag:s18] =	ssyncadd.s32 $0xFFFFE000  }
0x15b: {  	_ =	swait.ge [sflag:s19], $0x2000  }
0x15c: {  	[sflag:s19] =	ssyncset.done $0x0  }
0x15d: {  	[sflag:s19] =	ssyncadd.s32 $0xFFFFE000  }
0x15e: {  	_ =	swait.ge [sflag:s20], $0x2000  }
0x15f: {  	[sflag:s20] =	ssyncset.done $0x0  }
0x160: {  	[sflag:s20] =	ssyncadd.s32 $0xFFFFE000  }
0x161: {  	_ =	swait.ge [sflag:s21], $0x2000  }
0x162: {  	[sflag:s21] =	ssyncset.done $0x0  }
0x163: {  	s29 =	simm.s32 $0x2000;
	[sflag:s21] =	ssyncadd.s32 $0xFFFFE000  }
0x164: {  	[spmem:s2] =	stream.indirect.scatter.add.f32 [tilespmem:s13], [sflag:$0x5], $0x80, s29, s5, $0xb8;
	[tilespmem:$0x1E800] =	vst v63  }
0x165: {  	s29 =	simm.s32 $0x2080  }
0x166: {  	[spmem:s2] =	stream.indirect.scatter.add.f32 [tilespmem:s13], [sflag:$0x6], $0x80, s29, s5, $0xb8;
	[tilespmem:$0x1E800] =	vst v63  }
0x167: {  	s29 =	simm.s32 $0x2100  }
0x168: {  	[spmem:s2] =	stream.indirect.scatter.add.f32 [tilespmem:s13], [sflag:$0x7], $0x80, s29, s5, $0xb8;
	[tilespmem:$0x1E800] =	vst v63  }
0x169: {  	s29 =	simm.s32 $0x2180  }
0x16a: {  	[spmem:s2] =	stream.indirect.scatter.add.f32 [tilespmem:s13], [sflag:$0x8], $0x80, s29, s5, $0xb8;
	[tilespmem:$0x1E800] =	vst v63  }
0x16b: {  	_ =	swait.ge [sflag:s18], $0x2000  }
0x16c: {  	[sflag:s18] =	ssyncset.done $0x0  }
0x16d: {  	[sflag:s18] =	ssyncadd.s32 $0xFFFFE000  }
0x16e: {  	_ =	swait.ge [sflag:s19], $0x2000  }
0x16f: {  	[sflag:s19] =	ssyncset.done $0x0  }
0x170: {  	[sflag:s19] =	ssyncadd.s32 $0xFFFFE000  }
0x171: {  	_ =	swait.ge [sflag:s20], $0x2000  }
0x172: {  	[sflag:s20] =	ssyncset.done $0x0  }
0x173: {  	[sflag:s20] =	ssyncadd.s32 $0xFFFFE000  }
0x174: {  	_ =	swait.ge [sflag:s21], $0x2000  }
0x175: {  	[sflag:s21] =	ssyncset.done $0x0  }
0x176: {  	s29 =	simm.s32 $0x2200;
	[sflag:s21] =	ssyncadd.s32 $0xFFFFE000  }
0x177: {  	[spmem:s2] =	stream.indirect.scatter.add.f32 [tilespmem:s13], [sflag:$0x5], $0x80, s29, s5, $0xb8;
	[tilespmem:$0x1E800] =	vst v63  }
0x178: {  	s29 =	simm.s32 $0x2280  }
0x179: {  	[spmem:s2] =	stream.indirect.scatter.add.f32 [tilespmem:s13], [sflag:$0x6], $0x80, s29, s5, $0xb8;
	[tilespmem:$0x1E800] =	vst v63  }
0x17a: {  	s29 =	simm.s32 $0x2300  }
0x17b: {  	[spmem:s2] =	stream.indirect.scatter.add.f32 [tilespmem:s13], [sflag:$0x7], $0x80, s29, s5, $0xb8;
	[tilespmem:$0x1E800] =	vst v63  }
0x17c: {  	s29 =	simm.s32 $0x2380  }
0x17d: {  	[spmem:s2] =	stream.indirect.scatter.add.f32 [tilespmem:s13], [sflag:$0x8], $0x80, s29, s5, $0xb8;
	[tilespmem:$0x1E800] =	vst v63  }
0x17e: {  	_ =	swait.ge [sflag:s18], $0x2000  }
0x17f: {  	[sflag:s18] =	ssyncset.done $0x0  }
0x180: {  	[sflag:s18] =	ssyncadd.s32 $0xFFFFE000  }
0x181: {  	_ =	swait.ge [sflag:s19], $0x2000  }
0x182: {  	[sflag:s19] =	ssyncset.done $0x0  }
0x183: {  	[sflag:s19] =	ssyncadd.s32 $0xFFFFE000  }
0x184: {  	_ =	swait.ge [sflag:s20], $0x2000  }
0x185: {  	[sflag:s20] =	ssyncset.done $0x0  }
0x186: {  	[sflag:s20] =	ssyncadd.s32 $0xFFFFE000  }
0x187: {  	_ =	swait.ge [sflag:s21], $0x2000  }
0x188: {  	[sflag:s21] =	ssyncset.done $0x0  }
0x189: {  	s29 =	simm.s32 $0x2400;
	[sflag:s21] =	ssyncadd.s32 $0xFFFFE000  }
0x18a: {  	[spmem:s2] =	stream.indirect.scatter.add.f32 [tilespmem:s13], [sflag:$0x5], $0x80, s29, s5, $0xb8;
	[tilespmem:$0x1E800] =	vst v63  }
0x18b: {  	_ = 	snop  }
0x18c: {  	[spmem:s2] =	stream.indirect.scatter.add.f32 [tilespmem:s13], [sflag:$0x6], $0x80, s0, s5, $0xb8;
	[tilespmem:$0x1E800] =	vst v63  }
0x18d: {  	_ = 	snop  }
0x18e: {  	[spmem:s2] =	stream.indirect.scatter.add.f32 [tilespmem:s13], [sflag:$0x7], $0x80, s7, s5, $0xb8;
	[tilespmem:$0x1E800] =	vst v63  }
0x18f: {  	_ = 	snop  }
0x190: {  	[spmem:s2] =	stream.indirect.scatter.add.f32 [tilespmem:s13], [sflag:$0x8], $0x80, s9, s5, $0xb8;
	[tilespmem:$0x1E800] =	vst v63  }
0x191: {  	_ =	swait.ge [sflag:s18], $0x2000  }
0x192: {  	[sflag:s18] =	ssyncset.done $0x0  }
0x193: {  	[sflag:s18] =	ssyncadd.s32 $0xFFFFE000  }
0x194: {  	_ =	swait.ge [sflag:s19], $0x2000  }
0x195: {  	[sflag:s19] =	ssyncset.done $0x0  }
0x196: {  	[sflag:s19] =	ssyncadd.s32 $0xFFFFE000  }
0x197: {  	_ =	swait.ge [sflag:s20], $0x2000  }
0x198: {  	[sflag:s20] =	ssyncset.done $0x0  }
0x199: {  	[sflag:s20] =	ssyncadd.s32 $0xFFFFE000  }
0x19a: {  	_ =	swait.ge [sflag:s21], $0x2000  }
0x19b: {  	[sflag:s21] =	ssyncset.done $0x0  }
0x19c: {  	[sflag:s21] =	ssyncadd.s32 $0xFFFFE000  }
0x19d: {  	[spmem:s2] =	stream.indirect.scatter.add.f32 [tilespmem:s13], [sflag:$0x5], $0x80, s22, s5, $0xb8;
	[tilespmem:$0x1E800] =	vst v63  }
0x19e: {  	_ = 	snop  }
0x19f: {  	[spmem:s2] =	stream.indirect.scatter.add.f32 [tilespmem:s13], [sflag:$0x6], $0x80, s23, s5, $0xb8;
	[tilespmem:$0x1E800] =	vst v63  }
0x1a0: {  	_ = 	snop  }
0x1a1: {  	[spmem:s2] =	stream.indirect.scatter.add.f32 [tilespmem:s13], [sflag:$0x7], $0x80, s24, s5, $0xb8;
	[tilespmem:$0x1E800] =	vst v63  }
0x1a2: {  	_ = 	snop  }
0x1a3: {  	[spmem:s2] =	stream.indirect.scatter.add.f32 [tilespmem:s13], [sflag:$0x8], $0x80, s25, s5, $0xb8;
	[tilespmem:$0x1E800] =	vst v63  }
0x1a4: {  	_ =	swait.ge [sflag:s18], $0x2000  }
0x1a5: {  	[sflag:s18] =	ssyncset.done $0x0  }
0x1a6: {  	[sflag:s18] =	ssyncadd.s32 $0xFFFFE000  }
0x1a7: {  	_ =	swait.ge [sflag:s19], $0x2000  }
0x1a8: {  	[sflag:s19] =	ssyncset.done $0x0  }
0x1a9: {  	[sflag:s19] =	ssyncadd.s32 $0xFFFFE000  }
0x1aa: {  	_ =	swait.ge [sflag:s20], $0x2000  }
0x1ab: {  	[sflag:s20] =	ssyncset.done $0x0  }
0x1ac: {  	[sflag:s20] =	ssyncadd.s32 $0xFFFFE000  }
0x1ad: {  	_ =	swait.ge [sflag:s21], $0x2000  }
0x1ae: {  	[sflag:s21] =	ssyncset.done $0x0  }
0x1af: {  	[sflag:s21] =	ssyncadd.s32 $0xFFFFE000  }
0x1b0: {  	[bflag:$0x0] =	sbarrier.arrive $0xFFFF  }
0x1b1: {  	s29 =	rddreg [dreg:$0xb]  }
0x1b2: {  	[hbm:s29], [sflag:s26] =	dma.local [spmem:s28], $0x2800  }
0x1b3: {  	_ =	swait.ge [sflag:s4], $0x2800  }
0x1b4: {  	[sflag:s4] =	ssyncset.done $0x0  }
0x1b5: {  	s29 =	simm.s32 $0x0;
	s30 =	rddreg [dreg:$0xc];
	[sflag:s4] =	ssyncadd.s32 $0xFFFFD800  }
0x1b6: {  	[tilespmem:s3], [sflag:$0x9] =	stream.linear.gather [hbm4b:s30+s29], $0x1400, $0x38;
	[tilespmem:$0x1E800] =	vst v63  }
0x1b7: {  	_ =	swait.ge [sflag:s4], $0x1400  }
0x1b8: {  	[sflag:s4] =	ssyncset.done $0x0  }
0x1b9: {  	[sflag:s4] =	ssyncadd.s32 $0xFFFFEC00  }
0x1ba: {  	[tilespmem:s13], [sflag:$0x1] =	stream.indirect.gather [hbm4b:s1+s5], $0x80, s29, s5, $0xb8;
	[tilespmem:$0x1E800] =	vst v63  }
0x1bb: {  	[bflag:$0x0] =	sbarrier.arrive $0xFFFF  }
0x1bc: {  	_ =	swait.ge [sflag:s14], $0x2000  }
0x1bd: {  	[sflag:s14] =	ssyncset.done $0x0  }
0x1be: {  	s29 =	simm.s32 $0x1400;
	[sflag:s14] =	ssyncadd.s32 $0xFFFFE000  }
0x1bf: {  	[spmem:s2] =	stream.indirect.scatter.add.f32 [tilespmem:s13], [sflag:$0x5], $0x80, s29, s5, $0xb8;
	[tilespmem:$0x1E800] =	vst v63  }
0x1c0: {  	_ =	swait.ge [sflag:s15], $0x2000  }
0x1c1: {  	[sflag:s15] =	ssyncset.done $0x0  }
0x1c2: {  	s29 =	simm.s32 $0x1480;
	[sflag:s15] =	ssyncadd.s32 $0xFFFFE000  }
0x1c3: {  	[spmem:s2] =	stream.indirect.scatter.add.f32 [tilespmem:s8], [sflag:$0x6], $0x80, s29, s5, $0xb8;
	[tilespmem:$0x1E800] =	vst v63  }
0x1c4: {  	_ =	swait.ge [sflag:s16], $0x2000  }
0x1c5: {  	[sflag:s16] =	ssyncset.done $0x0  }
0x1c6: {  	s29 =	simm.s32 $0x1500;
	[sflag:s16] =	ssyncadd.s32 $0xFFFFE000  }
0x1c7: {  	[spmem:s2] =	stream.indirect.scatter.add.f32 [tilespmem:s10], [sflag:$0x7], $0x80, s29, s5, $0xb8;
	[tilespmem:$0x1E800] =	vst v63  }
0x1c8: {  	_ =	swait.ge [sflag:s17], $0x2000  }
0x1c9: {  	[sflag:s17] =	ssyncset.done $0x0  }
0x1ca: {  	s29 =	simm.s32 $0x1580;
	[sflag:s17] =	ssyncadd.s32 $0xFFFFE000  }
0x1cb: {  	[spmem:s2] =	stream.indirect.scatter.add.f32 [tilespmem:s12], [sflag:$0x8], $0x80, s29, s5, $0xb8;
	[tilespmem:$0x1E800] =	vst v63  }
0x1cc: {  	_ =	swait.ge [sflag:s18], $0x2000  }
0x1cd: {  	[sflag:s18] =	ssyncset.done $0x0  }
0x1ce: {  	s29 =	simm.s32 $0x200;
	[sflag:s18] =	ssyncadd.s32 $0xFFFFE000  }
0x1cf: {  	[tilespmem:s13], [sflag:$0x1] =	stream.indirect.gather [hbm4b:s1+s5], $0x80, s29, s5, $0xb8;
	[tilespmem:$0x1E800] =	vst v63  }
0x1d0: {  	_ =	swait.ge [sflag:s19], $0x2000  }
0x1d1: {  	[sflag:s19] =	ssyncset.done $0x0  }
0x1d2: {  	s29 =	simm.s32 $0x280;
	[sflag:s19] =	ssyncadd.s32 $0xFFFFE000  }
0x1d3: {  	[tilespmem:s8], [sflag:$0x2] =	stream.indirect.gather [hbm4b:s1+s5], $0x80, s29, s5, $0xb8;
	[tilespmem:$0x1E800] =	vst v63  }
0x1d4: {  	_ =	swait.ge [sflag:s20], $0x2000  }
0x1d5: {  	[sflag:s20] =	ssyncset.done $0x0  }
0x1d6: {  	s29 =	simm.s32 $0x300;
	[sflag:s20] =	ssyncadd.s32 $0xFFFFE000  }
0x1d7: {  	[tilespmem:s10], [sflag:$0x3] =	stream.indirect.gather [hbm4b:s1+s5], $0x80, s29, s5, $0xb8;
	[tilespmem:$0x1E800] =	vst v63  }
0x1d8: {  	_ =	swait.ge [sflag:s21], $0x2000  }
0x1d9: {  	[sflag:s21] =	ssyncset.done $0x0  }
0x1da: {  	s30 =	simm.s32 $0x380;
	s29 =	simm.s32 $0x800;
	[sflag:s21] =	ssyncadd.s32 $0xFFFFE000  }
.LBB2_8:
0x1db: {  	[tilespmem:s12], [sflag:$0x4] =	stream.indirect.gather [hbm4b:s1+s5], $0x80, s30, s5, $0xb8;
	[tilespmem:$0x1E800] =	vst v63  }
0x1dc: {  	s30 =	smov.u32 s29  }
0x1dd: {  	p0 =	sne.s32 s29, $0x4000;
	s29 =	sadd.s32 $0x800, s29;
	_ =	swait.ge [sflag:s14], $0x2000  }
0x1de: {  	s30 =	sshra.s32 s30, $0x2;
	[sflag:s14] =	ssyncset.done $0x0  }
0x1df: {  	s31 =	sadd.s32 $0x1400, s30;
	[sflag:s14] =	ssyncadd.s32 $0xFFFFE000  }
0x1e0: {  	[spmem:s2] =	stream.indirect.scatter.add.f32 [tilespmem:s13], [sflag:$0x5], $0x80, s31, s5, $0xb8;
	[tilespmem:$0x1E800] =	vst v63  }
0x1e1: {  	_ =	swait.ge [sflag:s15], $0x2000  }
0x1e2: {  	[sflag:s15] =	ssyncset.done $0x0  }
0x1e3: {  	s31 =	sadd.s32 $0x1480, s30;
	[sflag:s15] =	ssyncadd.s32 $0xFFFFE000  }
0x1e4: {  	[spmem:s2] =	stream.indirect.scatter.add.f32 [tilespmem:s8], [sflag:$0x6], $0x80, s31, s5, $0xb8;
	[tilespmem:$0x1E800] =	vst v63  }
0x1e5: {  	_ =	swait.ge [sflag:s16], $0x2000  }
0x1e6: {  	[sflag:s16] =	ssyncset.done $0x0  }
0x1e7: {  	s31 =	sadd.s32 $0x1500, s30;
	[sflag:s16] =	ssyncadd.s32 $0xFFFFE000  }
0x1e8: {  	[spmem:s2] =	stream.indirect.scatter.add.f32 [tilespmem:s10], [sflag:$0x7], $0x80, s31, s5, $0xb8;
	[tilespmem:$0x1E800] =	vst v63  }
0x1e9: {  	_ =	swait.ge [sflag:s17], $0x2000  }
0x1ea: {  	[sflag:s17] =	ssyncset.done $0x0  }
0x1eb: {  	s31 =	sadd.s32 $0x1580, s30;
	[sflag:s17] =	ssyncadd.s32 $0xFFFFE000  }
0x1ec: {  	[spmem:s2] =	stream.indirect.scatter.add.f32 [tilespmem:s12], [sflag:$0x8], $0x80, s31, s5, $0xb8;
	[tilespmem:$0x1E800] =	vst v63  }
0x1ed: {  	_ =	swait.ge [sflag:s18], $0x2000  }
0x1ee: {  	[sflag:s18] =	ssyncset.done $0x0  }
0x1ef: {  	s31 =	sadd.s32 $0x200, s30;
	[sflag:s18] =	ssyncadd.s32 $0xFFFFE000  }
0x1f0: {  	[tilespmem:s13], [sflag:$0x1] =	stream.indirect.gather [hbm4b:s1+s5], $0x80, s31, s5, $0xb8;
	[tilespmem:$0x1E800] =	vst v63  }
0x1f1: {  	_ =	swait.ge [sflag:s19], $0x2000  }
0x1f2: {  	[sflag:s19] =	ssyncset.done $0x0  }
0x1f3: {  	s31 =	sadd.s32 $0x280, s30;
	[sflag:s19] =	ssyncadd.s32 $0xFFFFE000  }
0x1f4: {  	[tilespmem:s8], [sflag:$0x2] =	stream.indirect.gather [hbm4b:s1+s5], $0x80, s31, s5, $0xb8;
	[tilespmem:$0x1E800] =	vst v63  }
0x1f5: {  	_ =	swait.ge [sflag:s20], $0x2000  }
0x1f6: {  	[sflag:s20] =	ssyncset.done $0x0  }
.Ltmp3:
0x1f7: {  	s31 =	sadd.s32 $0x300, s30;
	[sflag:s20] =	ssyncadd.s32 $0xFFFFE000;
	(pc) =	sbr.rel @p0 .LBB2_8-.Ltmp3, $4  }
0x1f8: {  	[tilespmem:s10], [sflag:$0x3] =	stream.indirect.gather [hbm4b:s1+s5], $0x80, s31, s5, $0xb8;
	[tilespmem:$0x1E800] =	vst v63  }
0x1f9: {  	_ =	swait.ge [sflag:s21], $0x2000  }
0x1fa: {  	[sflag:s21] =	ssyncset.done $0x0  }
0x1fb: {  	s30 =	sadd.s32 $0x380, s30;
	[sflag:s21] =	ssyncadd.s32 $0xFFFFE000  }
0x1fc: {  	[tilespmem:s12], [sflag:$0x4] =	stream.indirect.gather [hbm4b:s1+s5], $0x80, s30, s5, $0xb8;
	[tilespmem:$0x1E800] =	vst v63  }
0x1fd: {  	_ =	swait.ge [sflag:s14], $0x2000  }
0x1fe: {  	[sflag:s14] =	ssyncset.done $0x0  }
0x1ff: {  	[sflag:s14] =	ssyncadd.s32 $0xFFFFE000  }
0x200: {  	[spmem:s2] =	stream.indirect.scatter.add.f32 [tilespmem:s13], [sflag:$0x5], $0x80, s22, s5, $0xb8;
	[tilespmem:$0x1E800] =	vst v63  }
0x201: {  	_ =	swait.ge [sflag:s15], $0x2000  }
0x202: {  	[sflag:s15] =	ssyncset.done $0x0  }
0x203: {  	[sflag:s15] =	ssyncadd.s32 $0xFFFFE000  }
0x204: {  	[spmem:s2] =	stream.indirect.scatter.add.f32 [tilespmem:s8], [sflag:$0x6], $0x80, s23, s5, $0xb8;
	[tilespmem:$0x1E800] =	vst v63  }
0x205: {  	_ =	swait.ge [sflag:s16], $0x2000  }
0x206: {  	[sflag:s16] =	ssyncset.done $0x0  }
0x207: {  	[sflag:s16] =	ssyncadd.s32 $0xFFFFE000  }
0x208: {  	[spmem:s2] =	stream.indirect.scatter.add.f32 [tilespmem:s10], [sflag:$0x7], $0x80, s24, s5, $0xb8;
	[tilespmem:$0x1E800] =	vst v63  }
0x209: {  	_ =	swait.ge [sflag:s17], $0x2000  }
0x20a: {  	[sflag:s17] =	ssyncset.done $0x0  }
0x20b: {  	[sflag:s17] =	ssyncadd.s32 $0xFFFFE000  }
0x20c: {  	[spmem:s2] =	stream.indirect.scatter.add.f32 [tilespmem:s12], [sflag:$0x8], $0x80, s25, s5, $0xb8;
	[tilespmem:$0x1E800] =	vst v63  }
0x20d: {  	_ =	swait.ge [sflag:s18], $0x2000  }
0x20e: {  	[sflag:s18] =	ssyncset.done $0x0  }
0x20f: {  	[sflag:s18] =	ssyncadd.s32 $0xFFFFE000  }
0x210: {  	_ =	swait.ge [sflag:s19], $0x2000  }
0x211: {  	[sflag:s19] =	ssyncset.done $0x0  }
0x212: {  	[sflag:s19] =	ssyncadd.s32 $0xFFFFE000  }
0x213: {  	_ =	swait.ge [sflag:s20], $0x2000  }
0x214: {  	[sflag:s20] =	ssyncset.done $0x0  }
0x215: {  	[sflag:s20] =	ssyncadd.s32 $0xFFFFE000  }
0x216: {  	_ =	swait.ge [sflag:s21], $0x2000  }
0x217: {  	[sflag:s21] =	ssyncset.done $0x0  }
0x218: {  	s29 =	simm.s32 $0x0;
	s30 =	rddreg [dreg:$0xd];
	[sflag:s21] =	ssyncadd.s32 $0xFFFFE000  }
0x219: {  	[tilespmem:s29], [sflag:$0x9] =	stream.linear.gather [hbm4b:s30+s29], $0x1400, $0x38;
	[tilespmem:$0x1E800] =	vst v63  }
0x21a: {  	_ =	swait.ge [sflag:s4], $0x1400  }
0x21b: {  	[sflag:s4] =	ssyncset.done $0x0  }
0x21c: {  	s29 =	simm.s32 $0x80;
	[sflag:s4] =	ssyncadd.s32 $0xFFFFEC00  }
0x21d: {  	[tilespmem:s8], [sflag:$0x2] =	stream.indirect.gather [hbm4b:s1+s5], $0x80, s29, s5, $0xb8;
	[tilespmem:$0x1E800] =	vst v63  }
0x21e: {  	s29 =	simm.s32 $0x100  }
0x21f: {  	[tilespmem:s10], [sflag:$0x3] =	stream.indirect.gather [hbm4b:s1+s5], $0x80, s29, s5, $0xb8;
	[tilespmem:$0x1E800] =	vst v63  }
0x220: {  	s29 =	simm.s32 $0x180  }
0x221: {  	[tilespmem:s12], [sflag:$0x4] =	stream.indirect.gather [hbm4b:s1+s5], $0x80, s29, s5, $0xb8;
	[tilespmem:$0x1E800] =	vst v63  }
0x222: {  	[bflag:$0x0] =	sbarrier.arrive $0xFFFF  }
0x223: {  	s29 =	rddreg [dreg:$0xe]  }
0x224: {  	[hbm:s29], [sflag:s26] =	dma.local [spmem:s28], $0x2800  }
0x225: {  	_ =	swait.ge [sflag:s4], $0x2800  }
0x226: {  	[sflag:s4] =	ssyncset.done $0x0  }
0x227: {  	[sflag:s4] =	ssyncadd.s32 $0xFFFFD800  }
0x228: {  	s30 =	simm.s32 $0x200;
	s29 =	simm.s32 $0x0;
	[bflag:$0x0] =	sbarrier.arrive $0xFFFF  }
.LBB2_10:
0x229: {  	p0 =	sne.s32 s30, $0x7E00;
	[tilespmem:s29+$0x2870] =	vst v1  }
0x22a: {  	[tilespmem:s29+$0x2800] =	vst v1  }
0x22b: {  	[tilespmem:s29+$0x2810] =	vst v1  }
.Ltmp4:
0x22c: {  	[tilespmem:s29+$0x2820] =	vst v1;
	(pc) =	sbr.rel @p0 .LBB2_10-.Ltmp4, $4  }
0x22d: {  	[tilespmem:s29+$0x2830] =	vst v1  }
0x22e: {  	[tilespmem:s29+$0x2840] =	vst v1  }
0x22f: {  	[tilespmem:s29+$0x2850] =	vst v1  }
0x230: {  	[tilespmem:s29+$0x2860] =	vst v1;
	s29 =	sshra.s32 s30, $0x2;
	s30 =	sadd.s32 $0x200, s30  }
0x231: {  	[tilespmem:s29+$0x2870] =	vst v1  }
0x232: {  	[tilespmem:s29+$0x2800] =	vst v1  }
0x233: {  	[tilespmem:s29+$0x2810] =	vst v1  }
0x234: {  	[tilespmem:s29+$0x2820] =	vst v1  }
0x235: {  	[tilespmem:s29+$0x2830] =	vst v1  }
0x236: {  	[tilespmem:s29+$0x2840] =	vst v1  }
0x237: {  	[tilespmem:s29+$0x2850] =	vst v1  }
0x238: {  	[tilespmem:s29+$0x2860] =	vst v1  }
0x239: {  	[spmem:s2] =	stream.indirect.scatter.add.f32 [tilespmem:s13], [sflag:$0x5], $0x80, s3, s5, $0xb8;
	[tilespmem:$0x1E800] =	vst v63  }
0x23a: {  	s29 =	simm.s32 $0x1480  }
0x23b: {  	[spmem:s2] =	stream.indirect.scatter.add.f32 [tilespmem:s13], [sflag:$0x6], $0x80, s29, s5, $0xb8;
	[tilespmem:$0x1E800] =	vst v63  }
0x23c: {  	s29 =	simm.s32 $0x1500  }
0x23d: {  	[spmem:s2] =	stream.indirect.scatter.add.f32 [tilespmem:s13], [sflag:$0x7], $0x80, s29, s5, $0xb8;
	[tilespmem:$0x1E800] =	vst v63  }
0x23e: {  	s29 =	simm.s32 $0x1580  }
0x23f: {  	[spmem:s2] =	stream.indirect.scatter.add.f32 [tilespmem:s13], [sflag:$0x8], $0x80, s29, s5, $0xb8;
	[tilespmem:$0x1E800] =	vst v63  }
0x240: {  	_ =	swait.ge [sflag:s18], $0x2000  }
0x241: {  	[sflag:s18] =	ssyncset.done $0x0  }
0x242: {  	[sflag:s18] =	ssyncadd.s32 $0xFFFFE000  }
0x243: {  	_ =	swait.ge [sflag:s19], $0x2000  }
0x244: {  	[sflag:s19] =	ssyncset.done $0x0  }
0x245: {  	[sflag:s19] =	ssyncadd.s32 $0xFFFFE000  }
0x246: {  	_ =	swait.ge [sflag:s20], $0x2000  }
0x247: {  	[sflag:s20] =	ssyncset.done $0x0  }
0x248: {  	[sflag:s20] =	ssyncadd.s32 $0xFFFFE000  }
0x249: {  	_ =	swait.ge [sflag:s21], $0x2000  }
0x24a: {  	[sflag:s21] =	ssyncset.done $0x0  }
0x24b: {  	s29 =	simm.s32 $0x1600;
	[sflag:s21] =	ssyncadd.s32 $0xFFFFE000  }
0x24c: {  	[spmem:s2] =	stream.indirect.scatter.add.f32 [tilespmem:s13], [sflag:$0x5], $0x80, s29, s5, $0xb8;
	[tilespmem:$0x1E800] =	vst v63  }
0x24d: {  	s29 =	simm.s32 $0x1680  }
0x24e: {  	[spmem:s2] =	stream.indirect.scatter.add.f32 [tilespmem:s13], [sflag:$0x6], $0x80, s29, s5, $0xb8;
	[tilespmem:$0x1E800] =	vst v63  }
0x24f: {  	s29 =	simm.s32 $0x1700  }
0x250: {  	[spmem:s2] =	stream.indirect.scatter.add.f32 [tilespmem:s13], [sflag:$0x7], $0x80, s29, s5, $0xb8;
	[tilespmem:$0x1E800] =	vst v63  }
0x251: {  	s29 =	simm.s32 $0x1780  }
0x252: {  	[spmem:s2] =	stream.indirect.scatter.add.f32 [tilespmem:s13], [sflag:$0x8], $0x80, s29, s5, $0xb8;
	[tilespmem:$0x1E800] =	vst v63  }
0x253: {  	_ =	swait.ge [sflag:s18], $0x2000  }
0x254: {  	[sflag:s18] =	ssyncset.done $0x0  }
0x255: {  	[sflag:s18] =	ssyncadd.s32 $0xFFFFE000  }
0x256: {  	_ =	swait.ge [sflag:s19], $0x2000  }
0x257: {  	[sflag:s19] =	ssyncset.done $0x0  }
0x258: {  	[sflag:s19] =	ssyncadd.s32 $0xFFFFE000  }
0x259: {  	_ =	swait.ge [sflag:s20], $0x2000  }
0x25a: {  	[sflag:s20] =	ssyncset.done $0x0  }
0x25b: {  	[sflag:s20] =	ssyncadd.s32 $0xFFFFE000  }
0x25c: {  	_ =	swait.ge [sflag:s21], $0x2000  }
0x25d: {  	[sflag:s21] =	ssyncset.done $0x0  }
0x25e: {  	s29 =	simm.s32 $0x1800;
	[sflag:s21] =	ssyncadd.s32 $0xFFFFE000  }
0x25f: {  	[spmem:s2] =	stream.indirect.scatter.add.f32 [tilespmem:s13], [sflag:$0x5], $0x80, s29, s5, $0xb8;
	[tilespmem:$0x1E800] =	vst v63  }
0x260: {  	s29 =	simm.s32 $0x1880  }
0x261: {  	[spmem:s2] =	stream.indirect.scatter.add.f32 [tilespmem:s13], [sflag:$0x6], $0x80, s29, s5, $0xb8;
	[tilespmem:$0x1E800] =	vst v63  }
0x262: {  	s29 =	simm.s32 $0x1900  }
0x263: {  	[spmem:s2] =	stream.indirect.scatter.add.f32 [tilespmem:s13], [sflag:$0x7], $0x80, s29, s5, $0xb8;
	[tilespmem:$0x1E800] =	vst v63  }
0x264: {  	s29 =	simm.s32 $0x1980  }
0x265: {  	[spmem:s2] =	stream.indirect.scatter.add.f32 [tilespmem:s13], [sflag:$0x8], $0x80, s29, s5, $0xb8;
	[tilespmem:$0x1E800] =	vst v63  }
0x266: {  	_ =	swait.ge [sflag:s18], $0x2000  }
0x267: {  	[sflag:s18] =	ssyncset.done $0x0  }
0x268: {  	[sflag:s18] =	ssyncadd.s32 $0xFFFFE000  }
0x269: {  	_ =	swait.ge [sflag:s19], $0x2000  }
0x26a: {  	[sflag:s19] =	ssyncset.done $0x0  }
0x26b: {  	[sflag:s19] =	ssyncadd.s32 $0xFFFFE000  }
0x26c: {  	_ =	swait.ge [sflag:s20], $0x2000  }
0x26d: {  	[sflag:s20] =	ssyncset.done $0x0  }
0x26e: {  	[sflag:s20] =	ssyncadd.s32 $0xFFFFE000  }
0x26f: {  	_ =	swait.ge [sflag:s21], $0x2000  }
0x270: {  	[sflag:s21] =	ssyncset.done $0x0  }
0x271: {  	s29 =	simm.s32 $0x1A00;
	[sflag:s21] =	ssyncadd.s32 $0xFFFFE000  }
0x272: {  	[spmem:s2] =	stream.indirect.scatter.add.f32 [tilespmem:s13], [sflag:$0x5], $0x80, s29, s5, $0xb8;
	[tilespmem:$0x1E800] =	vst v63  }
0x273: {  	s29 =	simm.s32 $0x1A80  }
0x274: {  	[spmem:s2] =	stream.indirect.scatter.add.f32 [tilespmem:s13], [sflag:$0x6], $0x80, s29, s5, $0xb8;
	[tilespmem:$0x1E800] =	vst v63  }
0x275: {  	s29 =	simm.s32 $0x1B00  }
0x276: {  	[spmem:s2] =	stream.indirect.scatter.add.f32 [tilespmem:s13], [sflag:$0x7], $0x80, s29, s5, $0xb8;
	[tilespmem:$0x1E800] =	vst v63  }
0x277: {  	s29 =	simm.s32 $0x1B80  }
0x278: {  	[spmem:s2] =	stream.indirect.scatter.add.f32 [tilespmem:s13], [sflag:$0x8], $0x80, s29, s5, $0xb8;
	[tilespmem:$0x1E800] =	vst v63  }
0x279: {  	_ =	swait.ge [sflag:s18], $0x2000  }
0x27a: {  	[sflag:s18] =	ssyncset.done $0x0  }
0x27b: {  	[sflag:s18] =	ssyncadd.s32 $0xFFFFE000  }
0x27c: {  	_ =	swait.ge [sflag:s19], $0x2000  }
0x27d: {  	[sflag:s19] =	ssyncset.done $0x0  }
0x27e: {  	[sflag:s19] =	ssyncadd.s32 $0xFFFFE000  }
0x27f: {  	_ =	swait.ge [sflag:s20], $0x2000  }
0x280: {  	[sflag:s20] =	ssyncset.done $0x0  }
0x281: {  	[sflag:s20] =	ssyncadd.s32 $0xFFFFE000  }
0x282: {  	_ =	swait.ge [sflag:s21], $0x2000  }
0x283: {  	[sflag:s21] =	ssyncset.done $0x0  }
0x284: {  	s29 =	simm.s32 $0x1C00;
	[sflag:s21] =	ssyncadd.s32 $0xFFFFE000  }
0x285: {  	[spmem:s2] =	stream.indirect.scatter.add.f32 [tilespmem:s13], [sflag:$0x5], $0x80, s29, s5, $0xb8;
	[tilespmem:$0x1E800] =	vst v63  }
0x286: {  	s29 =	simm.s32 $0x1C80  }
0x287: {  	[spmem:s2] =	stream.indirect.scatter.add.f32 [tilespmem:s13], [sflag:$0x6], $0x80, s29, s5, $0xb8;
	[tilespmem:$0x1E800] =	vst v63  }
0x288: {  	s29 =	simm.s32 $0x1D00  }
0x289: {  	[spmem:s2] =	stream.indirect.scatter.add.f32 [tilespmem:s13], [sflag:$0x7], $0x80, s29, s5, $0xb8;
	[tilespmem:$0x1E800] =	vst v63  }
0x28a: {  	s29 =	simm.s32 $0x1D80  }
0x28b: {  	[spmem:s2] =	stream.indirect.scatter.add.f32 [tilespmem:s13], [sflag:$0x8], $0x80, s29, s5, $0xb8;
	[tilespmem:$0x1E800] =	vst v63  }
0x28c: {  	_ =	swait.ge [sflag:s18], $0x2000  }
0x28d: {  	[sflag:s18] =	ssyncset.done $0x0  }
0x28e: {  	[sflag:s18] =	ssyncadd.s32 $0xFFFFE000  }
0x28f: {  	_ =	swait.ge [sflag:s19], $0x2000  }
0x290: {  	[sflag:s19] =	ssyncset.done $0x0  }
0x291: {  	[sflag:s19] =	ssyncadd.s32 $0xFFFFE000  }
0x292: {  	_ =	swait.ge [sflag:s20], $0x2000  }
0x293: {  	[sflag:s20] =	ssyncset.done $0x0  }
0x294: {  	[sflag:s20] =	ssyncadd.s32 $0xFFFFE000  }
0x295: {  	_ =	swait.ge [sflag:s21], $0x2000  }
0x296: {  	[sflag:s21] =	ssyncset.done $0x0  }
0x297: {  	s29 =	simm.s32 $0x1E00;
	[sflag:s21] =	ssyncadd.s32 $0xFFFFE000  }
0x298: {  	[spmem:s2] =	stream.indirect.scatter.add.f32 [tilespmem:s13], [sflag:$0x5], $0x80, s29, s5, $0xb8;
	[tilespmem:$0x1E800] =	vst v63  }
0x299: {  	s29 =	simm.s32 $0x1E80  }
0x29a: {  	[spmem:s2] =	stream.indirect.scatter.add.f32 [tilespmem:s13], [sflag:$0x6], $0x80, s29, s5, $0xb8;
	[tilespmem:$0x1E800] =	vst v63  }
0x29b: {  	s29 =	simm.s32 $0x1F00  }
0x29c: {  	[spmem:s2] =	stream.indirect.scatter.add.f32 [tilespmem:s13], [sflag:$0x7], $0x80, s29, s5, $0xb8;
	[tilespmem:$0x1E800] =	vst v63  }
0x29d: {  	s29 =	simm.s32 $0x1F80  }
0x29e: {  	[spmem:s2] =	stream.indirect.scatter.add.f32 [tilespmem:s13], [sflag:$0x8], $0x80, s29, s5, $0xb8;
	[tilespmem:$0x1E800] =	vst v63  }
0x29f: {  	_ =	swait.ge [sflag:s18], $0x2000  }
0x2a0: {  	[sflag:s18] =	ssyncset.done $0x0  }
0x2a1: {  	[sflag:s18] =	ssyncadd.s32 $0xFFFFE000  }
0x2a2: {  	_ =	swait.ge [sflag:s19], $0x2000  }
0x2a3: {  	[sflag:s19] =	ssyncset.done $0x0  }
0x2a4: {  	[sflag:s19] =	ssyncadd.s32 $0xFFFFE000  }
0x2a5: {  	_ =	swait.ge [sflag:s20], $0x2000  }
0x2a6: {  	[sflag:s20] =	ssyncset.done $0x0  }
0x2a7: {  	[sflag:s20] =	ssyncadd.s32 $0xFFFFE000  }
0x2a8: {  	_ =	swait.ge [sflag:s21], $0x2000  }
0x2a9: {  	[sflag:s21] =	ssyncset.done $0x0  }
0x2aa: {  	s29 =	simm.s32 $0x2000;
	[sflag:s21] =	ssyncadd.s32 $0xFFFFE000  }
0x2ab: {  	[spmem:s2] =	stream.indirect.scatter.add.f32 [tilespmem:s13], [sflag:$0x5], $0x80, s29, s5, $0xb8;
	[tilespmem:$0x1E800] =	vst v63  }
0x2ac: {  	s29 =	simm.s32 $0x2080  }
0x2ad: {  	[spmem:s2] =	stream.indirect.scatter.add.f32 [tilespmem:s13], [sflag:$0x6], $0x80, s29, s5, $0xb8;
	[tilespmem:$0x1E800] =	vst v63  }
0x2ae: {  	s29 =	simm.s32 $0x2100  }
0x2af: {  	[spmem:s2] =	stream.indirect.scatter.add.f32 [tilespmem:s13], [sflag:$0x7], $0x80, s29, s5, $0xb8;
	[tilespmem:$0x1E800] =	vst v63  }
0x2b0: {  	s29 =	simm.s32 $0x2180  }
0x2b1: {  	[spmem:s2] =	stream.indirect.scatter.add.f32 [tilespmem:s13], [sflag:$0x8], $0x80, s29, s5, $0xb8;
	[tilespmem:$0x1E800] =	vst v63  }
0x2b2: {  	_ =	swait.ge [sflag:s18], $0x2000  }
0x2b3: {  	[sflag:s18] =	ssyncset.done $0x0  }
0x2b4: {  	[sflag:s18] =	ssyncadd.s32 $0xFFFFE000  }
0x2b5: {  	_ =	swait.ge [sflag:s19], $0x2000  }
0x2b6: {  	[sflag:s19] =	ssyncset.done $0x0  }
0x2b7: {  	[sflag:s19] =	ssyncadd.s32 $0xFFFFE000  }
0x2b8: {  	_ =	swait.ge [sflag:s20], $0x2000  }
0x2b9: {  	[sflag:s20] =	ssyncset.done $0x0  }
0x2ba: {  	[sflag:s20] =	ssyncadd.s32 $0xFFFFE000  }
0x2bb: {  	_ =	swait.ge [sflag:s21], $0x2000  }
0x2bc: {  	[sflag:s21] =	ssyncset.done $0x0  }
0x2bd: {  	s29 =	simm.s32 $0x2200;
	[sflag:s21] =	ssyncadd.s32 $0xFFFFE000  }
0x2be: {  	[spmem:s2] =	stream.indirect.scatter.add.f32 [tilespmem:s13], [sflag:$0x5], $0x80, s29, s5, $0xb8;
	[tilespmem:$0x1E800] =	vst v63  }
0x2bf: {  	s29 =	simm.s32 $0x2280  }
0x2c0: {  	[spmem:s2] =	stream.indirect.scatter.add.f32 [tilespmem:s13], [sflag:$0x6], $0x80, s29, s5, $0xb8;
	[tilespmem:$0x1E800] =	vst v63  }
0x2c1: {  	s29 =	simm.s32 $0x2300  }
0x2c2: {  	[spmem:s2] =	stream.indirect.scatter.add.f32 [tilespmem:s13], [sflag:$0x7], $0x80, s29, s5, $0xb8;
	[tilespmem:$0x1E800] =	vst v63  }
0x2c3: {  	s29 =	simm.s32 $0x2380  }
0x2c4: {  	[spmem:s2] =	stream.indirect.scatter.add.f32 [tilespmem:s13], [sflag:$0x8], $0x80, s29, s5, $0xb8;
	[tilespmem:$0x1E800] =	vst v63  }
0x2c5: {  	_ =	swait.ge [sflag:s18], $0x2000  }
0x2c6: {  	[sflag:s18] =	ssyncset.done $0x0  }
0x2c7: {  	[sflag:s18] =	ssyncadd.s32 $0xFFFFE000  }
0x2c8: {  	_ =	swait.ge [sflag:s19], $0x2000  }
0x2c9: {  	[sflag:s19] =	ssyncset.done $0x0  }
0x2ca: {  	[sflag:s19] =	ssyncadd.s32 $0xFFFFE000  }
0x2cb: {  	_ =	swait.ge [sflag:s20], $0x2000  }
0x2cc: {  	[sflag:s20] =	ssyncset.done $0x0  }
0x2cd: {  	[sflag:s20] =	ssyncadd.s32 $0xFFFFE000  }
0x2ce: {  	_ =	swait.ge [sflag:s21], $0x2000  }
0x2cf: {  	[sflag:s21] =	ssyncset.done $0x0  }
0x2d0: {  	s29 =	simm.s32 $0x2400;
	[sflag:s21] =	ssyncadd.s32 $0xFFFFE000  }
0x2d1: {  	[spmem:s2] =	stream.indirect.scatter.add.f32 [tilespmem:s13], [sflag:$0x5], $0x80, s29, s5, $0xb8;
	[tilespmem:$0x1E800] =	vst v63  }
0x2d2: {  	_ = 	snop  }
0x2d3: {  	[spmem:s2] =	stream.indirect.scatter.add.f32 [tilespmem:s13], [sflag:$0x6], $0x80, s0, s5, $0xb8;
	[tilespmem:$0x1E800] =	vst v63  }
0x2d4: {  	_ = 	snop  }
0x2d5: {  	[spmem:s2] =	stream.indirect.scatter.add.f32 [tilespmem:s13], [sflag:$0x7], $0x80, s7, s5, $0xb8;
	[tilespmem:$0x1E800] =	vst v63  }
0x2d6: {  	_ = 	snop  }
0x2d7: {  	[spmem:s2] =	stream.indirect.scatter.add.f32 [tilespmem:s13], [sflag:$0x8], $0x80, s9, s5, $0xb8;
	[tilespmem:$0x1E800] =	vst v63  }
0x2d8: {  	_ =	swait.ge [sflag:s18], $0x2000  }
0x2d9: {  	[sflag:s18] =	ssyncset.done $0x0  }
0x2da: {  	[sflag:s18] =	ssyncadd.s32 $0xFFFFE000  }
0x2db: {  	_ =	swait.ge [sflag:s19], $0x2000  }
0x2dc: {  	[sflag:s19] =	ssyncset.done $0x0  }
0x2dd: {  	[sflag:s19] =	ssyncadd.s32 $0xFFFFE000  }
0x2de: {  	_ =	swait.ge [sflag:s20], $0x2000  }
0x2df: {  	[sflag:s20] =	ssyncset.done $0x0  }
0x2e0: {  	[sflag:s20] =	ssyncadd.s32 $0xFFFFE000  }
0x2e1: {  	_ =	swait.ge [sflag:s21], $0x2000  }
0x2e2: {  	[sflag:s21] =	ssyncset.done $0x0  }
0x2e3: {  	[sflag:s21] =	ssyncadd.s32 $0xFFFFE000  }
0x2e4: {  	[spmem:s2] =	stream.indirect.scatter.add.f32 [tilespmem:s13], [sflag:$0x5], $0x80, s22, s5, $0xb8;
	[tilespmem:$0x1E800] =	vst v63  }
0x2e5: {  	_ = 	snop  }
0x2e6: {  	[spmem:s2] =	stream.indirect.scatter.add.f32 [tilespmem:s13], [sflag:$0x6], $0x80, s23, s5, $0xb8;
	[tilespmem:$0x1E800] =	vst v63  }
0x2e7: {  	_ = 	snop  }
0x2e8: {  	[spmem:s2] =	stream.indirect.scatter.add.f32 [tilespmem:s13], [sflag:$0x7], $0x80, s24, s5, $0xb8;
	[tilespmem:$0x1E800] =	vst v63  }
0x2e9: {  	_ = 	snop  }
0x2ea: {  	[spmem:s2] =	stream.indirect.scatter.add.f32 [tilespmem:s13], [sflag:$0x8], $0x80, s25, s5, $0xb8;
	[tilespmem:$0x1E800] =	vst v63  }
0x2eb: {  	_ =	swait.ge [sflag:s18], $0x2000  }
0x2ec: {  	[sflag:s18] =	ssyncset.done $0x0  }
0x2ed: {  	[sflag:s18] =	ssyncadd.s32 $0xFFFFE000  }
0x2ee: {  	_ =	swait.ge [sflag:s19], $0x2000  }
0x2ef: {  	[sflag:s19] =	ssyncset.done $0x0  }
0x2f0: {  	[sflag:s19] =	ssyncadd.s32 $0xFFFFE000  }
0x2f1: {  	_ =	swait.ge [sflag:s20], $0x2000  }
0x2f2: {  	[sflag:s20] =	ssyncset.done $0x0  }
0x2f3: {  	[sflag:s20] =	ssyncadd.s32 $0xFFFFE000  }
0x2f4: {  	_ =	swait.ge [sflag:s21], $0x2000  }
0x2f5: {  	[sflag:s21] =	ssyncset.done $0x0  }
0x2f6: {  	[sflag:s21] =	ssyncadd.s32 $0xFFFFE000  }
0x2f7: {  	[bflag:$0x0] =	sbarrier.arrive $0xFFFF  }
0x2f8: {  	s29 =	rddreg [dreg:$0xf]  }
0x2f9: {  	[hbm:s29], [sflag:s26] =	dma.local [spmem:s28], $0x2800  }
0x2fa: {  	_ =	swait.ge [sflag:s4], $0x2800  }
0x2fb: {  	[sflag:s4] =	ssyncset.done $0x0  }
0x2fc: {  	s29 =	simm.s32 $0x0;
	s30 =	rddreg [dreg:$0x10];
	[sflag:s4] =	ssyncadd.s32 $0xFFFFD800  }
0x2fd: {  	[tilespmem:s3], [sflag:$0x9] =	stream.linear.gather [hbm4b:s30+s29], $0x1400, $0x38;
	[tilespmem:$0x1E800] =	vst v63  }
0x2fe: {  	_ =	swait.ge [sflag:s4], $0x1400  }
0x2ff: {  	[sflag:s4] =	ssyncset.done $0x0  }
0x300: {  	[sflag:s4] =	ssyncadd.s32 $0xFFFFEC00  }
0x301: {  	[tilespmem:s13], [sflag:$0x1] =	stream.indirect.gather [hbm4b:s1+s5], $0x80, s29, s5, $0xb8;
	[tilespmem:$0x1E800] =	vst v63  }
0x302: {  	[bflag:$0x0] =	sbarrier.arrive $0xFFFF  }
0x303: {  	_ =	swait.ge [sflag:s14], $0x2000  }
0x304: {  	[sflag:s14] =	ssyncset.done $0x0  }
0x305: {  	s29 =	simm.s32 $0x1400;
	[sflag:s14] =	ssyncadd.s32 $0xFFFFE000  }
0x306: {  	[spmem:s2] =	stream.indirect.scatter.add.f32 [tilespmem:s13], [sflag:$0x5], $0x80, s29, s5, $0xb8;
	[tilespmem:$0x1E800] =	vst v63  }
0x307: {  	_ =	swait.ge [sflag:s15], $0x2000  }
0x308: {  	[sflag:s15] =	ssyncset.done $0x0  }
0x309: {  	s29 =	simm.s32 $0x1480;
	[sflag:s15] =	ssyncadd.s32 $0xFFFFE000  }
0x30a: {  	[spmem:s2] =	stream.indirect.scatter.add.f32 [tilespmem:s8], [sflag:$0x6], $0x80, s29, s5, $0xb8;
	[tilespmem:$0x1E800] =	vst v63  }
0x30b: {  	_ =	swait.ge [sflag:s16], $0x2000  }
0x30c: {  	[sflag:s16] =	ssyncset.done $0x0  }
0x30d: {  	s29 =	simm.s32 $0x1500;
	[sflag:s16] =	ssyncadd.s32 $0xFFFFE000  }
0x30e: {  	[spmem:s2] =	stream.indirect.scatter.add.f32 [tilespmem:s10], [sflag:$0x7], $0x80, s29, s5, $0xb8;
	[tilespmem:$0x1E800] =	vst v63  }
0x30f: {  	_ =	swait.ge [sflag:s17], $0x2000  }
0x310: {  	[sflag:s17] =	ssyncset.done $0x0  }
0x311: {  	s29 =	simm.s32 $0x1580;
	[sflag:s17] =	ssyncadd.s32 $0xFFFFE000  }
0x312: {  	[spmem:s2] =	stream.indirect.scatter.add.f32 [tilespmem:s12], [sflag:$0x8], $0x80, s29, s5, $0xb8;
	[tilespmem:$0x1E800] =	vst v63  }
0x313: {  	_ =	swait.ge [sflag:s18], $0x2000  }
0x314: {  	[sflag:s18] =	ssyncset.done $0x0  }
0x315: {  	s29 =	simm.s32 $0x200;
	[sflag:s18] =	ssyncadd.s32 $0xFFFFE000  }
0x316: {  	[tilespmem:s13], [sflag:$0x1] =	stream.indirect.gather [hbm4b:s1+s5], $0x80, s29, s5, $0xb8;
	[tilespmem:$0x1E800] =	vst v63  }
0x317: {  	_ =	swait.ge [sflag:s19], $0x2000  }
0x318: {  	[sflag:s19] =	ssyncset.done $0x0  }
0x319: {  	s29 =	simm.s32 $0x280;
	[sflag:s19] =	ssyncadd.s32 $0xFFFFE000  }
0x31a: {  	[tilespmem:s8], [sflag:$0x2] =	stream.indirect.gather [hbm4b:s1+s5], $0x80, s29, s5, $0xb8;
	[tilespmem:$0x1E800] =	vst v63  }
0x31b: {  	_ =	swait.ge [sflag:s20], $0x2000  }
0x31c: {  	[sflag:s20] =	ssyncset.done $0x0  }
0x31d: {  	s29 =	simm.s32 $0x300;
	[sflag:s20] =	ssyncadd.s32 $0xFFFFE000  }
0x31e: {  	[tilespmem:s10], [sflag:$0x3] =	stream.indirect.gather [hbm4b:s1+s5], $0x80, s29, s5, $0xb8;
	[tilespmem:$0x1E800] =	vst v63  }
0x31f: {  	_ =	swait.ge [sflag:s21], $0x2000  }
0x320: {  	[sflag:s21] =	ssyncset.done $0x0  }
0x321: {  	s30 =	simm.s32 $0x380;
	s29 =	simm.s32 $0x800;
	[sflag:s21] =	ssyncadd.s32 $0xFFFFE000  }
.LBB2_12:
0x322: {  	[tilespmem:s12], [sflag:$0x4] =	stream.indirect.gather [hbm4b:s1+s5], $0x80, s30, s5, $0xb8;
	[tilespmem:$0x1E800] =	vst v63  }
0x323: {  	s30 =	smov.u32 s29  }
0x324: {  	p0 =	sne.s32 s29, $0x4000;
	s29 =	sadd.s32 $0x800, s29;
	_ =	swait.ge [sflag:s14], $0x2000  }
0x325: {  	s30 =	sshra.s32 s30, $0x2;
	[sflag:s14] =	ssyncset.done $0x0  }
0x326: {  	s31 =	sadd.s32 $0x1400, s30;
	[sflag:s14] =	ssyncadd.s32 $0xFFFFE000  }
0x327: {  	[spmem:s2] =	stream.indirect.scatter.add.f32 [tilespmem:s13], [sflag:$0x5], $0x80, s31, s5, $0xb8;
	[tilespmem:$0x1E800] =	vst v63  }
0x328: {  	_ =	swait.ge [sflag:s15], $0x2000  }
0x329: {  	[sflag:s15] =	ssyncset.done $0x0  }
0x32a: {  	s31 =	sadd.s32 $0x1480, s30;
	[sflag:s15] =	ssyncadd.s32 $0xFFFFE000  }
0x32b: {  	[spmem:s2] =	stream.indirect.scatter.add.f32 [tilespmem:s8], [sflag:$0x6], $0x80, s31, s5, $0xb8;
	[tilespmem:$0x1E800] =	vst v63  }
0x32c: {  	_ =	swait.ge [sflag:s16], $0x2000  }
0x32d: {  	[sflag:s16] =	ssyncset.done $0x0  }
0x32e: {  	s31 =	sadd.s32 $0x1500, s30;
	[sflag:s16] =	ssyncadd.s32 $0xFFFFE000  }
0x32f: {  	[spmem:s2] =	stream.indirect.scatter.add.f32 [tilespmem:s10], [sflag:$0x7], $0x80, s31, s5, $0xb8;
	[tilespmem:$0x1E800] =	vst v63  }
0x330: {  	_ =	swait.ge [sflag:s17], $0x2000  }
0x331: {  	[sflag:s17] =	ssyncset.done $0x0  }
0x332: {  	s31 =	sadd.s32 $0x1580, s30;
	[sflag:s17] =	ssyncadd.s32 $0xFFFFE000  }
0x333: {  	[spmem:s2] =	stream.indirect.scatter.add.f32 [tilespmem:s12], [sflag:$0x8], $0x80, s31, s5, $0xb8;
	[tilespmem:$0x1E800] =	vst v63  }
0x334: {  	_ =	swait.ge [sflag:s18], $0x2000  }
0x335: {  	[sflag:s18] =	ssyncset.done $0x0  }
0x336: {  	s31 =	sadd.s32 $0x200, s30;
	[sflag:s18] =	ssyncadd.s32 $0xFFFFE000  }
0x337: {  	[tilespmem:s13], [sflag:$0x1] =	stream.indirect.gather [hbm4b:s1+s5], $0x80, s31, s5, $0xb8;
	[tilespmem:$0x1E800] =	vst v63  }
0x338: {  	_ =	swait.ge [sflag:s19], $0x2000  }
0x339: {  	[sflag:s19] =	ssyncset.done $0x0  }
0x33a: {  	s31 =	sadd.s32 $0x280, s30;
	[sflag:s19] =	ssyncadd.s32 $0xFFFFE000  }
0x33b: {  	[tilespmem:s8], [sflag:$0x2] =	stream.indirect.gather [hbm4b:s1+s5], $0x80, s31, s5, $0xb8;
	[tilespmem:$0x1E800] =	vst v63  }
0x33c: {  	_ =	swait.ge [sflag:s20], $0x2000  }
0x33d: {  	[sflag:s20] =	ssyncset.done $0x0  }
.Ltmp5:
0x33e: {  	s31 =	sadd.s32 $0x300, s30;
	[sflag:s20] =	ssyncadd.s32 $0xFFFFE000;
	(pc) =	sbr.rel @p0 .LBB2_12-.Ltmp5, $4  }
0x33f: {  	[tilespmem:s10], [sflag:$0x3] =	stream.indirect.gather [hbm4b:s1+s5], $0x80, s31, s5, $0xb8;
	[tilespmem:$0x1E800] =	vst v63  }
0x340: {  	_ =	swait.ge [sflag:s21], $0x2000  }
0x341: {  	[sflag:s21] =	ssyncset.done $0x0  }
0x342: {  	s30 =	sadd.s32 $0x380, s30;
	[sflag:s21] =	ssyncadd.s32 $0xFFFFE000  }
0x343: {  	[tilespmem:s12], [sflag:$0x4] =	stream.indirect.gather [hbm4b:s1+s5], $0x80, s30, s5, $0xb8;
	[tilespmem:$0x1E800] =	vst v63  }
0x344: {  	_ =	swait.ge [sflag:s14], $0x2000  }
0x345: {  	[sflag:s14] =	ssyncset.done $0x0  }
0x346: {  	[sflag:s14] =	ssyncadd.s32 $0xFFFFE000  }
0x347: {  	[spmem:s2] =	stream.indirect.scatter.add.f32 [tilespmem:s13], [sflag:$0x5], $0x80, s22, s5, $0xb8;
	[tilespmem:$0x1E800] =	vst v63  }
0x348: {  	_ =	swait.ge [sflag:s15], $0x2000  }
0x349: {  	[sflag:s15] =	ssyncset.done $0x0  }
0x34a: {  	[sflag:s15] =	ssyncadd.s32 $0xFFFFE000  }
0x34b: {  	[spmem:s2] =	stream.indirect.scatter.add.f32 [tilespmem:s8], [sflag:$0x6], $0x80, s23, s5, $0xb8;
	[tilespmem:$0x1E800] =	vst v63  }
0x34c: {  	_ =	swait.ge [sflag:s16], $0x2000  }
0x34d: {  	[sflag:s16] =	ssyncset.done $0x0  }
0x34e: {  	[sflag:s16] =	ssyncadd.s32 $0xFFFFE000  }
0x34f: {  	[spmem:s2] =	stream.indirect.scatter.add.f32 [tilespmem:s10], [sflag:$0x7], $0x80, s24, s5, $0xb8;
	[tilespmem:$0x1E800] =	vst v63  }
0x350: {  	_ =	swait.ge [sflag:s17], $0x2000  }
0x351: {  	[sflag:s17] =	ssyncset.done $0x0  }
0x352: {  	[sflag:s17] =	ssyncadd.s32 $0xFFFFE000  }
0x353: {  	[spmem:s2] =	stream.indirect.scatter.add.f32 [tilespmem:s12], [sflag:$0x8], $0x80, s25, s5, $0xb8;
	[tilespmem:$0x1E800] =	vst v63  }
0x354: {  	_ =	swait.ge [sflag:s18], $0x2000  }
0x355: {  	[sflag:s18] =	ssyncset.done $0x0  }
0x356: {  	[sflag:s18] =	ssyncadd.s32 $0xFFFFE000  }
0x357: {  	_ =	swait.ge [sflag:s19], $0x2000  }
0x358: {  	[sflag:s19] =	ssyncset.done $0x0  }
0x359: {  	[sflag:s19] =	ssyncadd.s32 $0xFFFFE000  }
0x35a: {  	_ =	swait.ge [sflag:s20], $0x2000  }
0x35b: {  	[sflag:s20] =	ssyncset.done $0x0  }
0x35c: {  	[sflag:s20] =	ssyncadd.s32 $0xFFFFE000  }
0x35d: {  	_ =	swait.ge [sflag:s21], $0x2000  }
0x35e: {  	[sflag:s21] =	ssyncset.done $0x0  }
0x35f: {  	s29 =	simm.s32 $0x0;
	s30 =	rddreg [dreg:$0x11];
	[sflag:s21] =	ssyncadd.s32 $0xFFFFE000  }
0x360: {  	[tilespmem:s29], [sflag:$0x9] =	stream.linear.gather [hbm4b:s30+s29], $0x1400, $0x38;
	[tilespmem:$0x1E800] =	vst v63  }
0x361: {  	_ =	swait.ge [sflag:s4], $0x1400  }
0x362: {  	[sflag:s4] =	ssyncset.done $0x0  }
0x363: {  	s29 =	simm.s32 $0x80;
	[sflag:s4] =	ssyncadd.s32 $0xFFFFEC00  }
0x364: {  	[tilespmem:s8], [sflag:$0x2] =	stream.indirect.gather [hbm4b:s1+s5], $0x80, s29, s5, $0xb8;
	[tilespmem:$0x1E800] =	vst v63  }
0x365: {  	s29 =	simm.s32 $0x100  }
0x366: {  	[tilespmem:s10], [sflag:$0x3] =	stream.indirect.gather [hbm4b:s1+s5], $0x80, s29, s5, $0xb8;
	[tilespmem:$0x1E800] =	vst v63  }
0x367: {  	s29 =	simm.s32 $0x180  }
0x368: {  	[tilespmem:s12], [sflag:$0x4] =	stream.indirect.gather [hbm4b:s1+s5], $0x80, s29, s5, $0xb8;
	[tilespmem:$0x1E800] =	vst v63  }
0x369: {  	[bflag:$0x0] =	sbarrier.arrive $0xFFFF  }
0x36a: {  	s29 =	rddreg [dreg:$0x13]  }
0x36b: {  	[hbm:s29], [sflag:s26] =	dma.local [spmem:s28], $0x2800  }
0x36c: {  	_ =	swait.ge [sflag:s4], $0x2800  }
0x36d: {  	[sflag:s4] =	ssyncset.done $0x0  }
0x36e: {  	[sflag:s4] =	ssyncadd.s32 $0xFFFFD800  }
0x36f: {  	s30 =	simm.s32 $0x200;
	s29 =	simm.s32 $0x0;
	[bflag:$0x0] =	sbarrier.arrive $0xFFFF  }
.LBB2_14:
0x370: {  	p0 =	sne.s32 s30, $0x7E00;
	[tilespmem:s29+$0x2870] =	vst v1  }
0x371: {  	[tilespmem:s29+$0x2800] =	vst v1  }
0x372: {  	[tilespmem:s29+$0x2810] =	vst v1  }
.Ltmp6:
0x373: {  	[tilespmem:s29+$0x2820] =	vst v1;
	(pc) =	sbr.rel @p0 .LBB2_14-.Ltmp6, $4  }
0x374: {  	[tilespmem:s29+$0x2830] =	vst v1  }
0x375: {  	[tilespmem:s29+$0x2840] =	vst v1  }
0x376: {  	[tilespmem:s29+$0x2850] =	vst v1  }
0x377: {  	[tilespmem:s29+$0x2860] =	vst v1;
	s29 =	sshra.s32 s30, $0x2;
	s30 =	sadd.s32 $0x200, s30  }
0x378: {  	[tilespmem:s29+$0x2870] =	vst v1  }
0x379: {  	[tilespmem:s29+$0x2800] =	vst v1  }
0x37a: {  	[tilespmem:s29+$0x2810] =	vst v1  }
0x37b: {  	[tilespmem:s29+$0x2820] =	vst v1  }
0x37c: {  	[tilespmem:s29+$0x2830] =	vst v1  }
0x37d: {  	[tilespmem:s29+$0x2840] =	vst v1  }
0x37e: {  	[tilespmem:s29+$0x2850] =	vst v1  }
0x37f: {  	[tilespmem:s29+$0x2860] =	vst v1  }
0x380: {  	[spmem:s2] =	stream.indirect.scatter.add.f32 [tilespmem:s13], [sflag:$0x5], $0x80, s3, s5, $0xb8;
	[tilespmem:$0x1E800] =	vst v63  }
0x381: {  	s29 =	simm.s32 $0x1480  }
0x382: {  	[spmem:s2] =	stream.indirect.scatter.add.f32 [tilespmem:s13], [sflag:$0x6], $0x80, s29, s5, $0xb8;
	[tilespmem:$0x1E800] =	vst v63  }
0x383: {  	s29 =	simm.s32 $0x1500  }
0x384: {  	[spmem:s2] =	stream.indirect.scatter.add.f32 [tilespmem:s13], [sflag:$0x7], $0x80, s29, s5, $0xb8;
	[tilespmem:$0x1E800] =	vst v63  }
0x385: {  	s29 =	simm.s32 $0x1580  }
0x386: {  	[spmem:s2] =	stream.indirect.scatter.add.f32 [tilespmem:s13], [sflag:$0x8], $0x80, s29, s5, $0xb8;
	[tilespmem:$0x1E800] =	vst v63  }
0x387: {  	_ =	swait.ge [sflag:s18], $0x2000  }
0x388: {  	[sflag:s18] =	ssyncset.done $0x0  }
0x389: {  	[sflag:s18] =	ssyncadd.s32 $0xFFFFE000  }
0x38a: {  	_ =	swait.ge [sflag:s19], $0x2000  }
0x38b: {  	[sflag:s19] =	ssyncset.done $0x0  }
0x38c: {  	[sflag:s19] =	ssyncadd.s32 $0xFFFFE000  }
0x38d: {  	_ =	swait.ge [sflag:s20], $0x2000  }
0x38e: {  	[sflag:s20] =	ssyncset.done $0x0  }
0x38f: {  	[sflag:s20] =	ssyncadd.s32 $0xFFFFE000  }
0x390: {  	_ =	swait.ge [sflag:s21], $0x2000  }
0x391: {  	[sflag:s21] =	ssyncset.done $0x0  }
0x392: {  	s29 =	simm.s32 $0x1600;
	[sflag:s21] =	ssyncadd.s32 $0xFFFFE000  }
0x393: {  	[spmem:s2] =	stream.indirect.scatter.add.f32 [tilespmem:s13], [sflag:$0x5], $0x80, s29, s5, $0xb8;
	[tilespmem:$0x1E800] =	vst v63  }
0x394: {  	s29 =	simm.s32 $0x1680  }
0x395: {  	[spmem:s2] =	stream.indirect.scatter.add.f32 [tilespmem:s13], [sflag:$0x6], $0x80, s29, s5, $0xb8;
	[tilespmem:$0x1E800] =	vst v63  }
0x396: {  	s29 =	simm.s32 $0x1700  }
0x397: {  	[spmem:s2] =	stream.indirect.scatter.add.f32 [tilespmem:s13], [sflag:$0x7], $0x80, s29, s5, $0xb8;
	[tilespmem:$0x1E800] =	vst v63  }
0x398: {  	s29 =	simm.s32 $0x1780  }
0x399: {  	[spmem:s2] =	stream.indirect.scatter.add.f32 [tilespmem:s13], [sflag:$0x8], $0x80, s29, s5, $0xb8;
	[tilespmem:$0x1E800] =	vst v63  }
0x39a: {  	_ =	swait.ge [sflag:s18], $0x2000  }
0x39b: {  	[sflag:s18] =	ssyncset.done $0x0  }
0x39c: {  	[sflag:s18] =	ssyncadd.s32 $0xFFFFE000  }
0x39d: {  	_ =	swait.ge [sflag:s19], $0x2000  }
0x39e: {  	[sflag:s19] =	ssyncset.done $0x0  }
0x39f: {  	[sflag:s19] =	ssyncadd.s32 $0xFFFFE000  }
0x3a0: {  	_ =	swait.ge [sflag:s20], $0x2000  }
0x3a1: {  	[sflag:s20] =	ssyncset.done $0x0  }
0x3a2: {  	[sflag:s20] =	ssyncadd.s32 $0xFFFFE000  }
0x3a3: {  	_ =	swait.ge [sflag:s21], $0x2000  }
0x3a4: {  	[sflag:s21] =	ssyncset.done $0x0  }
0x3a5: {  	s29 =	simm.s32 $0x1800;
	[sflag:s21] =	ssyncadd.s32 $0xFFFFE000  }
0x3a6: {  	[spmem:s2] =	stream.indirect.scatter.add.f32 [tilespmem:s13], [sflag:$0x5], $0x80, s29, s5, $0xb8;
	[tilespmem:$0x1E800] =	vst v63  }
0x3a7: {  	s29 =	simm.s32 $0x1880  }
0x3a8: {  	[spmem:s2] =	stream.indirect.scatter.add.f32 [tilespmem:s13], [sflag:$0x6], $0x80, s29, s5, $0xb8;
	[tilespmem:$0x1E800] =	vst v63  }
0x3a9: {  	s29 =	simm.s32 $0x1900  }
0x3aa: {  	[spmem:s2] =	stream.indirect.scatter.add.f32 [tilespmem:s13], [sflag:$0x7], $0x80, s29, s5, $0xb8;
	[tilespmem:$0x1E800] =	vst v63  }
0x3ab: {  	s29 =	simm.s32 $0x1980  }
0x3ac: {  	[spmem:s2] =	stream.indirect.scatter.add.f32 [tilespmem:s13], [sflag:$0x8], $0x80, s29, s5, $0xb8;
	[tilespmem:$0x1E800] =	vst v63  }
0x3ad: {  	_ =	swait.ge [sflag:s18], $0x2000  }
0x3ae: {  	[sflag:s18] =	ssyncset.done $0x0  }
0x3af: {  	[sflag:s18] =	ssyncadd.s32 $0xFFFFE000  }
0x3b0: {  	_ =	swait.ge [sflag:s19], $0x2000  }
0x3b1: {  	[sflag:s19] =	ssyncset.done $0x0  }
0x3b2: {  	[sflag:s19] =	ssyncadd.s32 $0xFFFFE000  }
0x3b3: {  	_ =	swait.ge [sflag:s20], $0x2000  }
0x3b4: {  	[sflag:s20] =	ssyncset.done $0x0  }
0x3b5: {  	[sflag:s20] =	ssyncadd.s32 $0xFFFFE000  }
0x3b6: {  	_ =	swait.ge [sflag:s21], $0x2000  }
0x3b7: {  	[sflag:s21] =	ssyncset.done $0x0  }
0x3b8: {  	s29 =	simm.s32 $0x1A00;
	[sflag:s21] =	ssyncadd.s32 $0xFFFFE000  }
0x3b9: {  	[spmem:s2] =	stream.indirect.scatter.add.f32 [tilespmem:s13], [sflag:$0x5], $0x80, s29, s5, $0xb8;
	[tilespmem:$0x1E800] =	vst v63  }
0x3ba: {  	s29 =	simm.s32 $0x1A80  }
0x3bb: {  	[spmem:s2] =	stream.indirect.scatter.add.f32 [tilespmem:s13], [sflag:$0x6], $0x80, s29, s5, $0xb8;
	[tilespmem:$0x1E800] =	vst v63  }
0x3bc: {  	s29 =	simm.s32 $0x1B00  }
0x3bd: {  	[spmem:s2] =	stream.indirect.scatter.add.f32 [tilespmem:s13], [sflag:$0x7], $0x80, s29, s5, $0xb8;
	[tilespmem:$0x1E800] =	vst v63  }
0x3be: {  	s29 =	simm.s32 $0x1B80  }
0x3bf: {  	[spmem:s2] =	stream.indirect.scatter.add.f32 [tilespmem:s13], [sflag:$0x8], $0x80, s29, s5, $0xb8;
	[tilespmem:$0x1E800] =	vst v63  }
0x3c0: {  	_ =	swait.ge [sflag:s18], $0x2000  }
0x3c1: {  	[sflag:s18] =	ssyncset.done $0x0  }
0x3c2: {  	[sflag:s18] =	ssyncadd.s32 $0xFFFFE000  }
0x3c3: {  	_ =	swait.ge [sflag:s19], $0x2000  }
0x3c4: {  	[sflag:s19] =	ssyncset.done $0x0  }
0x3c5: {  	[sflag:s19] =	ssyncadd.s32 $0xFFFFE000  }
0x3c6: {  	_ =	swait.ge [sflag:s20], $0x2000  }
0x3c7: {  	[sflag:s20] =	ssyncset.done $0x0  }
0x3c8: {  	[sflag:s20] =	ssyncadd.s32 $0xFFFFE000  }
0x3c9: {  	_ =	swait.ge [sflag:s21], $0x2000  }
0x3ca: {  	[sflag:s21] =	ssyncset.done $0x0  }
0x3cb: {  	s29 =	simm.s32 $0x1C00;
	[sflag:s21] =	ssyncadd.s32 $0xFFFFE000  }
0x3cc: {  	[spmem:s2] =	stream.indirect.scatter.add.f32 [tilespmem:s13], [sflag:$0x5], $0x80, s29, s5, $0xb8;
	[tilespmem:$0x1E800] =	vst v63  }
0x3cd: {  	s29 =	simm.s32 $0x1C80  }
0x3ce: {  	[spmem:s2] =	stream.indirect.scatter.add.f32 [tilespmem:s13], [sflag:$0x6], $0x80, s29, s5, $0xb8;
	[tilespmem:$0x1E800] =	vst v63  }
0x3cf: {  	s29 =	simm.s32 $0x1D00  }
0x3d0: {  	[spmem:s2] =	stream.indirect.scatter.add.f32 [tilespmem:s13], [sflag:$0x7], $0x80, s29, s5, $0xb8;
	[tilespmem:$0x1E800] =	vst v63  }
0x3d1: {  	s29 =	simm.s32 $0x1D80  }
0x3d2: {  	[spmem:s2] =	stream.indirect.scatter.add.f32 [tilespmem:s13], [sflag:$0x8], $0x80, s29, s5, $0xb8;
	[tilespmem:$0x1E800] =	vst v63  }
0x3d3: {  	_ =	swait.ge [sflag:s18], $0x2000  }
0x3d4: {  	[sflag:s18] =	ssyncset.done $0x0  }
0x3d5: {  	[sflag:s18] =	ssyncadd.s32 $0xFFFFE000  }
0x3d6: {  	_ =	swait.ge [sflag:s19], $0x2000  }
0x3d7: {  	[sflag:s19] =	ssyncset.done $0x0  }
0x3d8: {  	[sflag:s19] =	ssyncadd.s32 $0xFFFFE000  }
0x3d9: {  	_ =	swait.ge [sflag:s20], $0x2000  }
0x3da: {  	[sflag:s20] =	ssyncset.done $0x0  }
0x3db: {  	[sflag:s20] =	ssyncadd.s32 $0xFFFFE000  }
0x3dc: {  	_ =	swait.ge [sflag:s21], $0x2000  }
0x3dd: {  	[sflag:s21] =	ssyncset.done $0x0  }
0x3de: {  	s29 =	simm.s32 $0x1E00;
	[sflag:s21] =	ssyncadd.s32 $0xFFFFE000  }
0x3df: {  	[spmem:s2] =	stream.indirect.scatter.add.f32 [tilespmem:s13], [sflag:$0x5], $0x80, s29, s5, $0xb8;
	[tilespmem:$0x1E800] =	vst v63  }
0x3e0: {  	s29 =	simm.s32 $0x1E80  }
0x3e1: {  	[spmem:s2] =	stream.indirect.scatter.add.f32 [tilespmem:s13], [sflag:$0x6], $0x80, s29, s5, $0xb8;
	[tilespmem:$0x1E800] =	vst v63  }
0x3e2: {  	s29 =	simm.s32 $0x1F00  }
0x3e3: {  	[spmem:s2] =	stream.indirect.scatter.add.f32 [tilespmem:s13], [sflag:$0x7], $0x80, s29, s5, $0xb8;
	[tilespmem:$0x1E800] =	vst v63  }
0x3e4: {  	s29 =	simm.s32 $0x1F80  }
0x3e5: {  	[spmem:s2] =	stream.indirect.scatter.add.f32 [tilespmem:s13], [sflag:$0x8], $0x80, s29, s5, $0xb8;
	[tilespmem:$0x1E800] =	vst v63  }
0x3e6: {  	_ =	swait.ge [sflag:s18], $0x2000  }
0x3e7: {  	[sflag:s18] =	ssyncset.done $0x0  }
0x3e8: {  	[sflag:s18] =	ssyncadd.s32 $0xFFFFE000  }
0x3e9: {  	_ =	swait.ge [sflag:s19], $0x2000  }
0x3ea: {  	[sflag:s19] =	ssyncset.done $0x0  }
0x3eb: {  	[sflag:s19] =	ssyncadd.s32 $0xFFFFE000  }
0x3ec: {  	_ =	swait.ge [sflag:s20], $0x2000  }
0x3ed: {  	[sflag:s20] =	ssyncset.done $0x0  }
0x3ee: {  	[sflag:s20] =	ssyncadd.s32 $0xFFFFE000  }
0x3ef: {  	_ =	swait.ge [sflag:s21], $0x2000  }
0x3f0: {  	[sflag:s21] =	ssyncset.done $0x0  }
0x3f1: {  	s29 =	simm.s32 $0x2000;
	[sflag:s21] =	ssyncadd.s32 $0xFFFFE000  }
0x3f2: {  	[spmem:s2] =	stream.indirect.scatter.add.f32 [tilespmem:s13], [sflag:$0x5], $0x80, s29, s5, $0xb8;
	[tilespmem:$0x1E800] =	vst v63  }
0x3f3: {  	s29 =	simm.s32 $0x2080  }
0x3f4: {  	[spmem:s2] =	stream.indirect.scatter.add.f32 [tilespmem:s13], [sflag:$0x6], $0x80, s29, s5, $0xb8;
	[tilespmem:$0x1E800] =	vst v63  }
0x3f5: {  	s29 =	simm.s32 $0x2100  }
0x3f6: {  	[spmem:s2] =	stream.indirect.scatter.add.f32 [tilespmem:s13], [sflag:$0x7], $0x80, s29, s5, $0xb8;
	[tilespmem:$0x1E800] =	vst v63  }
0x3f7: {  	s29 =	simm.s32 $0x2180  }
0x3f8: {  	[spmem:s2] =	stream.indirect.scatter.add.f32 [tilespmem:s13], [sflag:$0x8], $0x80, s29, s5, $0xb8;
	[tilespmem:$0x1E800] =	vst v63  }
0x3f9: {  	_ =	swait.ge [sflag:s18], $0x2000  }
0x3fa: {  	[sflag:s18] =	ssyncset.done $0x0  }
0x3fb: {  	[sflag:s18] =	ssyncadd.s32 $0xFFFFE000  }
0x3fc: {  	_ =	swait.ge [sflag:s19], $0x2000  }
0x3fd: {  	[sflag:s19] =	ssyncset.done $0x0  }
0x3fe: {  	[sflag:s19] =	ssyncadd.s32 $0xFFFFE000  }
0x3ff: {  	_ =	swait.ge [sflag:s20], $0x2000  }
0x400: {  	[sflag:s20] =	ssyncset.done $0x0  }
0x401: {  	[sflag:s20] =	ssyncadd.s32 $0xFFFFE000  }
0x402: {  	_ =	swait.ge [sflag:s21], $0x2000  }
0x403: {  	[sflag:s21] =	ssyncset.done $0x0  }
0x404: {  	s29 =	simm.s32 $0x2200;
	[sflag:s21] =	ssyncadd.s32 $0xFFFFE000  }
0x405: {  	[spmem:s2] =	stream.indirect.scatter.add.f32 [tilespmem:s13], [sflag:$0x5], $0x80, s29, s5, $0xb8;
	[tilespmem:$0x1E800] =	vst v63  }
0x406: {  	s29 =	simm.s32 $0x2280  }
0x407: {  	[spmem:s2] =	stream.indirect.scatter.add.f32 [tilespmem:s13], [sflag:$0x6], $0x80, s29, s5, $0xb8;
	[tilespmem:$0x1E800] =	vst v63  }
0x408: {  	s29 =	simm.s32 $0x2300  }
0x409: {  	[spmem:s2] =	stream.indirect.scatter.add.f32 [tilespmem:s13], [sflag:$0x7], $0x80, s29, s5, $0xb8;
	[tilespmem:$0x1E800] =	vst v63  }
0x40a: {  	s29 =	simm.s32 $0x2380  }
0x40b: {  	[spmem:s2] =	stream.indirect.scatter.add.f32 [tilespmem:s13], [sflag:$0x8], $0x80, s29, s5, $0xb8;
	[tilespmem:$0x1E800] =	vst v63  }
0x40c: {  	_ =	swait.ge [sflag:s18], $0x2000  }
0x40d: {  	[sflag:s18] =	ssyncset.done $0x0  }
0x40e: {  	[sflag:s18] =	ssyncadd.s32 $0xFFFFE000  }
0x40f: {  	_ =	swait.ge [sflag:s19], $0x2000  }
0x410: {  	[sflag:s19] =	ssyncset.done $0x0  }
0x411: {  	[sflag:s19] =	ssyncadd.s32 $0xFFFFE000  }
0x412: {  	_ =	swait.ge [sflag:s20], $0x2000  }
0x413: {  	[sflag:s20] =	ssyncset.done $0x0  }
0x414: {  	[sflag:s20] =	ssyncadd.s32 $0xFFFFE000  }
0x415: {  	_ =	swait.ge [sflag:s21], $0x2000  }
0x416: {  	[sflag:s21] =	ssyncset.done $0x0  }
0x417: {  	s29 =	simm.s32 $0x2400;
	[sflag:s21] =	ssyncadd.s32 $0xFFFFE000  }
0x418: {  	[spmem:s2] =	stream.indirect.scatter.add.f32 [tilespmem:s13], [sflag:$0x5], $0x80, s29, s5, $0xb8;
	[tilespmem:$0x1E800] =	vst v63  }
0x419: {  	_ = 	snop  }
0x41a: {  	[spmem:s2] =	stream.indirect.scatter.add.f32 [tilespmem:s13], [sflag:$0x6], $0x80, s0, s5, $0xb8;
	[tilespmem:$0x1E800] =	vst v63  }
0x41b: {  	_ = 	snop  }
0x41c: {  	[spmem:s2] =	stream.indirect.scatter.add.f32 [tilespmem:s13], [sflag:$0x7], $0x80, s7, s5, $0xb8;
	[tilespmem:$0x1E800] =	vst v63  }
0x41d: {  	_ = 	snop  }
0x41e: {  	[spmem:s2] =	stream.indirect.scatter.add.f32 [tilespmem:s13], [sflag:$0x8], $0x80, s9, s5, $0xb8;
	[tilespmem:$0x1E800] =	vst v63  }
0x41f: {  	_ =	swait.ge [sflag:s18], $0x2000  }
0x420: {  	[sflag:s18] =	ssyncset.done $0x0  }
0x421: {  	[sflag:s18] =	ssyncadd.s32 $0xFFFFE000  }
0x422: {  	_ =	swait.ge [sflag:s19], $0x2000  }
0x423: {  	[sflag:s19] =	ssyncset.done $0x0  }
0x424: {  	[sflag:s19] =	ssyncadd.s32 $0xFFFFE000  }
0x425: {  	_ =	swait.ge [sflag:s20], $0x2000  }
0x426: {  	[sflag:s20] =	ssyncset.done $0x0  }
0x427: {  	[sflag:s20] =	ssyncadd.s32 $0xFFFFE000  }
0x428: {  	_ =	swait.ge [sflag:s21], $0x2000  }
0x429: {  	[sflag:s21] =	ssyncset.done $0x0  }
0x42a: {  	[sflag:s21] =	ssyncadd.s32 $0xFFFFE000  }
0x42b: {  	[spmem:s2] =	stream.indirect.scatter.add.f32 [tilespmem:s13], [sflag:$0x5], $0x80, s22, s5, $0xb8;
	[tilespmem:$0x1E800] =	vst v63  }
0x42c: {  	_ = 	snop  }
0x42d: {  	[spmem:s2] =	stream.indirect.scatter.add.f32 [tilespmem:s13], [sflag:$0x6], $0x80, s23, s5, $0xb8;
	[tilespmem:$0x1E800] =	vst v63  }
0x42e: {  	_ = 	snop  }
0x42f: {  	[spmem:s2] =	stream.indirect.scatter.add.f32 [tilespmem:s13], [sflag:$0x7], $0x80, s24, s5, $0xb8;
	[tilespmem:$0x1E800] =	vst v63  }
0x430: {  	_ = 	snop  }
0x431: {  	[spmem:s2] =	stream.indirect.scatter.add.f32 [tilespmem:s13], [sflag:$0x8], $0x80, s25, s5, $0xb8;
	[tilespmem:$0x1E800] =	vst v63  }
0x432: {  	_ =	swait.ge [sflag:s18], $0x2000  }
0x433: {  	[sflag:s18] =	ssyncset.done $0x0  }
0x434: {  	[sflag:s18] =	ssyncadd.s32 $0xFFFFE000  }
0x435: {  	_ =	swait.ge [sflag:s19], $0x2000  }
0x436: {  	[sflag:s19] =	ssyncset.done $0x0  }
0x437: {  	[sflag:s19] =	ssyncadd.s32 $0xFFFFE000  }
0x438: {  	_ =	swait.ge [sflag:s20], $0x2000  }
0x439: {  	[sflag:s20] =	ssyncset.done $0x0  }
0x43a: {  	[sflag:s20] =	ssyncadd.s32 $0xFFFFE000  }
0x43b: {  	_ =	swait.ge [sflag:s21], $0x2000  }
0x43c: {  	[sflag:s21] =	ssyncset.done $0x0  }
0x43d: {  	[sflag:s21] =	ssyncadd.s32 $0xFFFFE000  }
0x43e: {  	[bflag:$0x0] =	sbarrier.arrive $0xFFFF  }
0x43f: {  	s29 =	rddreg [dreg:$0x14]  }
0x440: {  	[hbm:s29], [sflag:s26] =	dma.local [spmem:s28], $0x2800  }
0x441: {  	_ =	swait.ge [sflag:s4], $0x2800  }
0x442: {  	[sflag:s4] =	ssyncset.done $0x0  }
0x443: {  	s29 =	simm.s32 $0x0;
	s30 =	rddreg [dreg:$0x12];
	[sflag:s4] =	ssyncadd.s32 $0xFFFFD800  }
0x444: {  	[tilespmem:s3], [sflag:$0x9] =	stream.linear.gather [hbm4b:s30+s29], $0x1400, $0x38;
	[tilespmem:$0x1E800] =	vst v63  }
0x445: {  	_ =	swait.ge [sflag:s4], $0x1400  }
0x446: {  	[sflag:s4] =	ssyncset.done $0x0  }
0x447: {  	[sflag:s4] =	ssyncadd.s32 $0xFFFFEC00  }
0x448: {  	[tilespmem:s13], [sflag:$0x1] =	stream.indirect.gather [hbm4b:s1+s5], $0x80, s29, s5, $0xb8;
	[tilespmem:$0x1E800] =	vst v63  }
0x449: {  	[bflag:$0x0] =	sbarrier.arrive $0xFFFF  }
0x44a: {  	_ =	swait.ge [sflag:s14], $0x2000  }
0x44b: {  	[sflag:s14] =	ssyncset.done $0x0  }
0x44c: {  	s29 =	simm.s32 $0x1400;
	[sflag:s14] =	ssyncadd.s32 $0xFFFFE000  }
0x44d: {  	[spmem:s2] =	stream.indirect.scatter.add.f32 [tilespmem:s13], [sflag:$0x5], $0x80, s29, s5, $0xb8;
	[tilespmem:$0x1E800] =	vst v63  }
0x44e: {  	_ =	swait.ge [sflag:s15], $0x2000  }
0x44f: {  	[sflag:s15] =	ssyncset.done $0x0  }
0x450: {  	s29 =	simm.s32 $0x1480;
	[sflag:s15] =	ssyncadd.s32 $0xFFFFE000  }
0x451: {  	[spmem:s2] =	stream.indirect.scatter.add.f32 [tilespmem:s8], [sflag:$0x6], $0x80, s29, s5, $0xb8;
	[tilespmem:$0x1E800] =	vst v63  }
0x452: {  	_ =	swait.ge [sflag:s16], $0x2000  }
0x453: {  	[sflag:s16] =	ssyncset.done $0x0  }
0x454: {  	s29 =	simm.s32 $0x1500;
	[sflag:s16] =	ssyncadd.s32 $0xFFFFE000  }
0x455: {  	[spmem:s2] =	stream.indirect.scatter.add.f32 [tilespmem:s10], [sflag:$0x7], $0x80, s29, s5, $0xb8;
	[tilespmem:$0x1E800] =	vst v63  }
0x456: {  	_ =	swait.ge [sflag:s17], $0x2000  }
0x457: {  	[sflag:s17] =	ssyncset.done $0x0  }
0x458: {  	s29 =	simm.s32 $0x1580;
	[sflag:s17] =	ssyncadd.s32 $0xFFFFE000  }
0x459: {  	[spmem:s2] =	stream.indirect.scatter.add.f32 [tilespmem:s12], [sflag:$0x8], $0x80, s29, s5, $0xb8;
	[tilespmem:$0x1E800] =	vst v63  }
0x45a: {  	_ =	swait.ge [sflag:s18], $0x2000  }
0x45b: {  	[sflag:s18] =	ssyncset.done $0x0  }
0x45c: {  	s29 =	simm.s32 $0x200;
	[sflag:s18] =	ssyncadd.s32 $0xFFFFE000  }
0x45d: {  	[tilespmem:s13], [sflag:$0x1] =	stream.indirect.gather [hbm4b:s1+s5], $0x80, s29, s5, $0xb8;
	[tilespmem:$0x1E800] =	vst v63  }
0x45e: {  	_ =	swait.ge [sflag:s19], $0x2000  }
0x45f: {  	[sflag:s19] =	ssyncset.done $0x0  }
0x460: {  	s29 =	simm.s32 $0x280;
	[sflag:s19] =	ssyncadd.s32 $0xFFFFE000  }
0x461: {  	[tilespmem:s8], [sflag:$0x2] =	stream.indirect.gather [hbm4b:s1+s5], $0x80, s29, s5, $0xb8;
	[tilespmem:$0x1E800] =	vst v63  }
0x462: {  	_ =	swait.ge [sflag:s20], $0x2000  }
0x463: {  	[sflag:s20] =	ssyncset.done $0x0  }
0x464: {  	s29 =	simm.s32 $0x300;
	[sflag:s20] =	ssyncadd.s32 $0xFFFFE000  }
0x465: {  	[tilespmem:s10], [sflag:$0x3] =	stream.indirect.gather [hbm4b:s1+s5], $0x80, s29, s5, $0xb8;
	[tilespmem:$0x1E800] =	vst v63  }
0x466: {  	_ =	swait.ge [sflag:s21], $0x2000  }
0x467: {  	[sflag:s21] =	ssyncset.done $0x0  }
0x468: {  	s30 =	simm.s32 $0x380;
	s29 =	simm.s32 $0x800;
	[sflag:s21] =	ssyncadd.s32 $0xFFFFE000  }
.LBB2_16:
0x469: {  	[tilespmem:s12], [sflag:$0x4] =	stream.indirect.gather [hbm4b:s1+s5], $0x80, s30, s5, $0xb8;
	[tilespmem:$0x1E800] =	vst v63  }
0x46a: {  	s30 =	smov.u32 s29  }
0x46b: {  	p0 =	sne.s32 s29, $0x4000;
	s29 =	sadd.s32 $0x800, s29;
	_ =	swait.ge [sflag:s14], $0x2000  }
0x46c: {  	s30 =	sshra.s32 s30, $0x2;
	[sflag:s14] =	ssyncset.done $0x0  }
0x46d: {  	s31 =	sadd.s32 $0x1400, s30;
	[sflag:s14] =	ssyncadd.s32 $0xFFFFE000  }
0x46e: {  	[spmem:s2] =	stream.indirect.scatter.add.f32 [tilespmem:s13], [sflag:$0x5], $0x80, s31, s5, $0xb8;
	[tilespmem:$0x1E800] =	vst v63  }
0x46f: {  	_ =	swait.ge [sflag:s15], $0x2000  }
0x470: {  	[sflag:s15] =	ssyncset.done $0x0  }
0x471: {  	s31 =	sadd.s32 $0x1480, s30;
	[sflag:s15] =	ssyncadd.s32 $0xFFFFE000  }
0x472: {  	[spmem:s2] =	stream.indirect.scatter.add.f32 [tilespmem:s8], [sflag:$0x6], $0x80, s31, s5, $0xb8;
	[tilespmem:$0x1E800] =	vst v63  }
0x473: {  	_ =	swait.ge [sflag:s16], $0x2000  }
0x474: {  	[sflag:s16] =	ssyncset.done $0x0  }
0x475: {  	s31 =	sadd.s32 $0x1500, s30;
	[sflag:s16] =	ssyncadd.s32 $0xFFFFE000  }
0x476: {  	[spmem:s2] =	stream.indirect.scatter.add.f32 [tilespmem:s10], [sflag:$0x7], $0x80, s31, s5, $0xb8;
	[tilespmem:$0x1E800] =	vst v63  }
0x477: {  	_ =	swait.ge [sflag:s17], $0x2000  }
0x478: {  	[sflag:s17] =	ssyncset.done $0x0  }
0x479: {  	s31 =	sadd.s32 $0x1580, s30;
	[sflag:s17] =	ssyncadd.s32 $0xFFFFE000  }
0x47a: {  	[spmem:s2] =	stream.indirect.scatter.add.f32 [tilespmem:s12], [sflag:$0x8], $0x80, s31, s5, $0xb8;
	[tilespmem:$0x1E800] =	vst v63  }
0x47b: {  	_ =	swait.ge [sflag:s18], $0x2000  }
0x47c: {  	[sflag:s18] =	ssyncset.done $0x0  }
0x47d: {  	s31 =	sadd.s32 $0x200, s30;
	[sflag:s18] =	ssyncadd.s32 $0xFFFFE000  }
0x47e: {  	[tilespmem:s13], [sflag:$0x1] =	stream.indirect.gather [hbm4b:s1+s5], $0x80, s31, s5, $0xb8;
	[tilespmem:$0x1E800] =	vst v63  }
0x47f: {  	_ =	swait.ge [sflag:s19], $0x2000  }
0x480: {  	[sflag:s19] =	ssyncset.done $0x0  }
0x481: {  	s31 =	sadd.s32 $0x280, s30;
	[sflag:s19] =	ssyncadd.s32 $0xFFFFE000  }
0x482: {  	[tilespmem:s8], [sflag:$0x2] =	stream.indirect.gather [hbm4b:s1+s5], $0x80, s31, s5, $0xb8;
	[tilespmem:$0x1E800] =	vst v63  }
0x483: {  	_ =	swait.ge [sflag:s20], $0x2000  }
0x484: {  	[sflag:s20] =	ssyncset.done $0x0  }
.Ltmp7:
0x485: {  	s31 =	sadd.s32 $0x300, s30;
	[sflag:s20] =	ssyncadd.s32 $0xFFFFE000;
	(pc) =	sbr.rel @p0 .LBB2_16-.Ltmp7, $4  }
0x486: {  	[tilespmem:s10], [sflag:$0x3] =	stream.indirect.gather [hbm4b:s1+s5], $0x80, s31, s5, $0xb8;
	[tilespmem:$0x1E800] =	vst v63  }
0x487: {  	_ =	swait.ge [sflag:s21], $0x2000  }
0x488: {  	[sflag:s21] =	ssyncset.done $0x0  }
0x489: {  	s30 =	sadd.s32 $0x380, s30;
	[sflag:s21] =	ssyncadd.s32 $0xFFFFE000  }
0x48a: {  	[tilespmem:s12], [sflag:$0x4] =	stream.indirect.gather [hbm4b:s1+s5], $0x80, s30, s5, $0xb8;
	[tilespmem:$0x1E800] =	vst v63  }
0x48b: {  	_ =	swait.ge [sflag:s14], $0x2000  }
0x48c: {  	[sflag:s14] =	ssyncset.done $0x0  }
0x48d: {  	[sflag:s14] =	ssyncadd.s32 $0xFFFFE000  }
0x48e: {  	[spmem:s2] =	stream.indirect.scatter.add.f32 [tilespmem:s13], [sflag:$0x5], $0x80, s22, s5, $0xb8;
	[tilespmem:$0x1E800] =	vst v63  }
0x48f: {  	_ =	swait.ge [sflag:s15], $0x2000  }
0x490: {  	[sflag:s15] =	ssyncset.done $0x0  }
0x491: {  	[sflag:s15] =	ssyncadd.s32 $0xFFFFE000  }
0x492: {  	[spmem:s2] =	stream.indirect.scatter.add.f32 [tilespmem:s8], [sflag:$0x6], $0x80, s23, s5, $0xb8;
	[tilespmem:$0x1E800] =	vst v63  }
0x493: {  	_ =	swait.ge [sflag:s16], $0x2000  }
0x494: {  	[sflag:s16] =	ssyncset.done $0x0  }
0x495: {  	[sflag:s16] =	ssyncadd.s32 $0xFFFFE000  }
0x496: {  	[spmem:s2] =	stream.indirect.scatter.add.f32 [tilespmem:s10], [sflag:$0x7], $0x80, s24, s5, $0xb8;
	[tilespmem:$0x1E800] =	vst v63  }
0x497: {  	_ =	swait.ge [sflag:s17], $0x2000  }
0x498: {  	[sflag:s17] =	ssyncset.done $0x0  }
0x499: {  	[sflag:s17] =	ssyncadd.s32 $0xFFFFE000  }
0x49a: {  	[spmem:s2] =	stream.indirect.scatter.add.f32 [tilespmem:s12], [sflag:$0x8], $0x80, s25, s5, $0xb8;
	[tilespmem:$0x1E800] =	vst v63  }
0x49b: {  	_ =	swait.ge [sflag:s18], $0x2000  }
0x49c: {  	[sflag:s18] =	ssyncset.done $0x0  }
0x49d: {  	[sflag:s18] =	ssyncadd.s32 $0xFFFFE000  }
0x49e: {  	_ =	swait.ge [sflag:s19], $0x2000  }
0x49f: {  	[sflag:s19] =	ssyncset.done $0x0  }
0x4a0: {  	[sflag:s19] =	ssyncadd.s32 $0xFFFFE000  }
0x4a1: {  	_ =	swait.ge [sflag:s20], $0x2000  }
0x4a2: {  	[sflag:s20] =	ssyncset.done $0x0  }
0x4a3: {  	[sflag:s20] =	ssyncadd.s32 $0xFFFFE000  }
0x4a4: {  	_ =	swait.ge [sflag:s21], $0x2000  }
0x4a5: {  	[sflag:s21] =	ssyncset.done $0x0  }
0x4a6: {  	[sflag:s21] =	ssyncadd.s32 $0xFFFFE000  }
0x4a7: {  	[bflag:$0x0] =	sbarrier.arrive $0xFFFF  }
0x4a8: {  	s29 =	rddreg [dreg:$0x15]  }
0x4a9: {  	[hbm:s29], [sflag:s26] =	dma.local [spmem:s28], $0x2800  }
0x4aa: {  	_ =	swait.ge [sflag:s4], $0x2800  }
0x4ab: {  	[sflag:s4] =	ssyncset.done $0x0  }
0x4ac: {  	[sflag:s4] =	ssyncadd.s32 $0xFFFFD800  }
0x4ad: {  	s30 =	simm.s32 $0x200;
	s29 =	simm.s32 $0x0;
	[bflag:$0x0] =	sbarrier.arrive $0xFFFF  }
.LBB2_18:
0x4ae: {  	p0 =	sne.s32 s30, $0x7E00;
	[tilespmem:s29+$0x2870] =	vst v1  }
0x4af: {  	[tilespmem:s29+$0x2800] =	vst v1  }
0x4b0: {  	[tilespmem:s29+$0x2810] =	vst v1  }
.Ltmp8:
0x4b1: {  	[tilespmem:s29+$0x2820] =	vst v1;
	(pc) =	sbr.rel @p0 .LBB2_18-.Ltmp8, $4  }
0x4b2: {  	[tilespmem:s29+$0x2830] =	vst v1  }
0x4b3: {  	[tilespmem:s29+$0x2840] =	vst v1  }
0x4b4: {  	[tilespmem:s29+$0x2850] =	vst v1  }
0x4b5: {  	[tilespmem:s29+$0x2860] =	vst v1;
	s29 =	sshra.s32 s30, $0x2;
	s30 =	sadd.s32 $0x200, s30  }
0x4b6: {  	[tilespmem:s29+$0x2870] =	vst v1  }
0x4b7: {  	[tilespmem:s29+$0x2800] =	vst v1  }
0x4b8: {  	[tilespmem:s29+$0x2810] =	vst v1  }
0x4b9: {  	[tilespmem:s29+$0x2820] =	vst v1  }
0x4ba: {  	[tilespmem:s29+$0x2830] =	vst v1  }
0x4bb: {  	[tilespmem:s29+$0x2840] =	vst v1  }
0x4bc: {  	[tilespmem:s29+$0x2850] =	vst v1  }
0x4bd: {  	[tilespmem:s29+$0x2860] =	vst v1  }
0x4be: {  	[spmem:s2] =	stream.indirect.scatter.add.f32 [tilespmem:s13], [sflag:$0x5], $0x80, s3, s5, $0xb8;
	[tilespmem:$0x1E800] =	vst v63  }
0x4bf: {  	s30 =	simm.s32 $0x1480  }
0x4c0: {  	[spmem:s2] =	stream.indirect.scatter.add.f32 [tilespmem:s13], [sflag:$0x6], $0x80, s30, s5, $0xb8;
	[tilespmem:$0x1E800] =	vst v63  }
0x4c1: {  	s31 =	simm.s32 $0x1500  }
0x4c2: {  	[spmem:s2] =	stream.indirect.scatter.add.f32 [tilespmem:s13], [sflag:$0x7], $0x80, s31, s5, $0xb8;
	[tilespmem:$0x1E800] =	vst v63  }
0x4c3: {  	s30 =	simm.s32 $0x1580  }
0x4c4: {  	[spmem:s2] =	stream.indirect.scatter.add.f32 [tilespmem:s13], [sflag:$0x8], $0x80, s30, s5, $0xb8;
	[tilespmem:$0x1E800] =	vst v63  }
0x4c5: {  	_ =	swait.ge [sflag:s18], $0x2000  }
0x4c6: {  	[sflag:s18] =	ssyncset.done $0x0  }
0x4c7: {  	[sflag:s18] =	ssyncadd.s32 $0xFFFFE000  }
0x4c8: {  	_ =	swait.ge [sflag:s19], $0x2000  }
0x4c9: {  	[sflag:s19] =	ssyncset.done $0x0  }
0x4ca: {  	[sflag:s19] =	ssyncadd.s32 $0xFFFFE000  }
0x4cb: {  	_ =	swait.ge [sflag:s20], $0x2000  }
0x4cc: {  	[sflag:s20] =	ssyncset.done $0x0  }
0x4cd: {  	[sflag:s20] =	ssyncadd.s32 $0xFFFFE000  }
0x4ce: {  	_ =	swait.ge [sflag:s21], $0x2000  }
0x4cf: {  	[sflag:s21] =	ssyncset.done $0x0  }
0x4d0: {  	s31 =	simm.s32 $0x1600;
	[sflag:s21] =	ssyncadd.s32 $0xFFFFE000  }
0x4d1: {  	[spmem:s2] =	stream.indirect.scatter.add.f32 [tilespmem:s13], [sflag:$0x5], $0x80, s31, s5, $0xb8;
	[tilespmem:$0x1E800] =	vst v63  }
0x4d2: {  	s30 =	simm.s32 $0x1680  }
0x4d3: {  	[spmem:s2] =	stream.indirect.scatter.add.f32 [tilespmem:s13], [sflag:$0x6], $0x80, s30, s5, $0xb8;
	[tilespmem:$0x1E800] =	vst v63  }
0x4d4: {  	s31 =	simm.s32 $0x1700  }
0x4d5: {  	[spmem:s2] =	stream.indirect.scatter.add.f32 [tilespmem:s13], [sflag:$0x7], $0x80, s31, s5, $0xb8;
	[tilespmem:$0x1E800] =	vst v63  }
0x4d6: {  	s30 =	simm.s32 $0x1780  }
0x4d7: {  	[spmem:s2] =	stream.indirect.scatter.add.f32 [tilespmem:s13], [sflag:$0x8], $0x80, s30, s5, $0xb8;
	[tilespmem:$0x1E800] =	vst v63  }
0x4d8: {  	_ =	swait.ge [sflag:s18], $0x2000  }
0x4d9: {  	[sflag:s18] =	ssyncset.done $0x0  }
0x4da: {  	[sflag:s18] =	ssyncadd.s32 $0xFFFFE000  }
0x4db: {  	_ =	swait.ge [sflag:s19], $0x2000  }
0x4dc: {  	[sflag:s19] =	ssyncset.done $0x0  }
0x4dd: {  	[sflag:s19] =	ssyncadd.s32 $0xFFFFE000  }
0x4de: {  	_ =	swait.ge [sflag:s20], $0x2000  }
0x4df: {  	[sflag:s20] =	ssyncset.done $0x0  }
0x4e0: {  	[sflag:s20] =	ssyncadd.s32 $0xFFFFE000  }
0x4e1: {  	_ =	swait.ge [sflag:s21], $0x2000  }
0x4e2: {  	[sflag:s21] =	ssyncset.done $0x0  }
0x4e3: {  	s31 =	simm.s32 $0x1800;
	[sflag:s21] =	ssyncadd.s32 $0xFFFFE000  }
0x4e4: {  	[spmem:s2] =	stream.indirect.scatter.add.f32 [tilespmem:s13], [sflag:$0x5], $0x80, s31, s5, $0xb8;
	[tilespmem:$0x1E800] =	vst v63  }
0x4e5: {  	s30 =	simm.s32 $0x1880  }
0x4e6: {  	[spmem:s2] =	stream.indirect.scatter.add.f32 [tilespmem:s13], [sflag:$0x6], $0x80, s30, s5, $0xb8;
	[tilespmem:$0x1E800] =	vst v63  }
0x4e7: {  	s31 =	simm.s32 $0x1900  }
0x4e8: {  	[spmem:s2] =	stream.indirect.scatter.add.f32 [tilespmem:s13], [sflag:$0x7], $0x80, s31, s5, $0xb8;
	[tilespmem:$0x1E800] =	vst v63  }
0x4e9: {  	s30 =	simm.s32 $0x1980  }
0x4ea: {  	[spmem:s2] =	stream.indirect.scatter.add.f32 [tilespmem:s13], [sflag:$0x8], $0x80, s30, s5, $0xb8;
	[tilespmem:$0x1E800] =	vst v63  }
0x4eb: {  	_ =	swait.ge [sflag:s18], $0x2000  }
0x4ec: {  	[sflag:s18] =	ssyncset.done $0x0  }
0x4ed: {  	[sflag:s18] =	ssyncadd.s32 $0xFFFFE000  }
0x4ee: {  	_ =	swait.ge [sflag:s19], $0x2000  }
0x4ef: {  	[sflag:s19] =	ssyncset.done $0x0  }
0x4f0: {  	[sflag:s19] =	ssyncadd.s32 $0xFFFFE000  }
0x4f1: {  	_ =	swait.ge [sflag:s20], $0x2000  }
0x4f2: {  	[sflag:s20] =	ssyncset.done $0x0  }
0x4f3: {  	[sflag:s20] =	ssyncadd.s32 $0xFFFFE000  }
0x4f4: {  	_ =	swait.ge [sflag:s21], $0x2000  }
0x4f5: {  	[sflag:s21] =	ssyncset.done $0x0  }
0x4f6: {  	s31 =	simm.s32 $0x1A00;
	[sflag:s21] =	ssyncadd.s32 $0xFFFFE000  }
0x4f7: {  	[spmem:s2] =	stream.indirect.scatter.add.f32 [tilespmem:s13], [sflag:$0x5], $0x80, s31, s5, $0xb8;
	[tilespmem:$0x1E800] =	vst v63  }
0x4f8: {  	s30 =	simm.s32 $0x1A80  }
0x4f9: {  	[spmem:s2] =	stream.indirect.scatter.add.f32 [tilespmem:s13], [sflag:$0x6], $0x80, s30, s5, $0xb8;
	[tilespmem:$0x1E800] =	vst v63  }
0x4fa: {  	s31 =	simm.s32 $0x1B00  }
0x4fb: {  	[spmem:s2] =	stream.indirect.scatter.add.f32 [tilespmem:s13], [sflag:$0x7], $0x80, s31, s5, $0xb8;
	[tilespmem:$0x1E800] =	vst v63  }
0x4fc: {  	s30 =	simm.s32 $0x1B80  }
0x4fd: {  	[spmem:s2] =	stream.indirect.scatter.add.f32 [tilespmem:s13], [sflag:$0x8], $0x80, s30, s5, $0xb8;
	[tilespmem:$0x1E800] =	vst v63  }
0x4fe: {  	_ =	swait.ge [sflag:s18], $0x2000  }
0x4ff: {  	[sflag:s18] =	ssyncset.done $0x0  }
0x500: {  	[sflag:s18] =	ssyncadd.s32 $0xFFFFE000  }
0x501: {  	_ =	swait.ge [sflag:s19], $0x2000  }
0x502: {  	[sflag:s19] =	ssyncset.done $0x0  }
0x503: {  	[sflag:s19] =	ssyncadd.s32 $0xFFFFE000  }
0x504: {  	_ =	swait.ge [sflag:s20], $0x2000  }
0x505: {  	[sflag:s20] =	ssyncset.done $0x0  }
0x506: {  	[sflag:s20] =	ssyncadd.s32 $0xFFFFE000  }
0x507: {  	_ =	swait.ge [sflag:s21], $0x2000  }
0x508: {  	[sflag:s21] =	ssyncset.done $0x0  }
0x509: {  	s31 =	simm.s32 $0x1C00;
	[sflag:s21] =	ssyncadd.s32 $0xFFFFE000  }
0x50a: {  	[spmem:s2] =	stream.indirect.scatter.add.f32 [tilespmem:s13], [sflag:$0x5], $0x80, s31, s5, $0xb8;
	[tilespmem:$0x1E800] =	vst v63  }
0x50b: {  	s30 =	simm.s32 $0x1C80  }
0x50c: {  	[spmem:s2] =	stream.indirect.scatter.add.f32 [tilespmem:s13], [sflag:$0x6], $0x80, s30, s5, $0xb8;
	[tilespmem:$0x1E800] =	vst v63  }
0x50d: {  	s31 =	simm.s32 $0x1D00  }
0x50e: {  	[spmem:s2] =	stream.indirect.scatter.add.f32 [tilespmem:s13], [sflag:$0x7], $0x80, s31, s5, $0xb8;
	[tilespmem:$0x1E800] =	vst v63  }
0x50f: {  	s30 =	simm.s32 $0x1D80  }
0x510: {  	[spmem:s2] =	stream.indirect.scatter.add.f32 [tilespmem:s13], [sflag:$0x8], $0x80, s30, s5, $0xb8;
	[tilespmem:$0x1E800] =	vst v63  }
0x511: {  	_ =	swait.ge [sflag:s18], $0x2000  }
0x512: {  	[sflag:s18] =	ssyncset.done $0x0  }
0x513: {  	[sflag:s18] =	ssyncadd.s32 $0xFFFFE000  }
0x514: {  	_ =	swait.ge [sflag:s19], $0x2000  }
0x515: {  	[sflag:s19] =	ssyncset.done $0x0  }
0x516: {  	[sflag:s19] =	ssyncadd.s32 $0xFFFFE000  }
0x517: {  	_ =	swait.ge [sflag:s20], $0x2000  }
0x518: {  	[sflag:s20] =	ssyncset.done $0x0  }
0x519: {  	[sflag:s20] =	ssyncadd.s32 $0xFFFFE000  }
0x51a: {  	_ =	swait.ge [sflag:s21], $0x2000  }
0x51b: {  	[sflag:s21] =	ssyncset.done $0x0  }
0x51c: {  	s31 =	simm.s32 $0x1E00;
	[sflag:s21] =	ssyncadd.s32 $0xFFFFE000  }
0x51d: {  	[spmem:s2] =	stream.indirect.scatter.add.f32 [tilespmem:s13], [sflag:$0x5], $0x80, s31, s5, $0xb8;
	[tilespmem:$0x1E800] =	vst v63  }
0x51e: {  	s30 =	simm.s32 $0x1E80  }
0x51f: {  	[spmem:s2] =	stream.indirect.scatter.add.f32 [tilespmem:s13], [sflag:$0x6], $0x80, s30, s5, $0xb8;
	[tilespmem:$0x1E800] =	vst v63  }
0x520: {  	s31 =	simm.s32 $0x1F00  }
0x521: {  	[spmem:s2] =	stream.indirect.scatter.add.f32 [tilespmem:s13], [sflag:$0x7], $0x80, s31, s5, $0xb8;
	[tilespmem:$0x1E800] =	vst v63  }
0x522: {  	s30 =	simm.s32 $0x1F80  }
0x523: {  	[spmem:s2] =	stream.indirect.scatter.add.f32 [tilespmem:s13], [sflag:$0x8], $0x80, s30, s5, $0xb8;
	[tilespmem:$0x1E800] =	vst v63  }
0x524: {  	_ =	swait.ge [sflag:s18], $0x2000  }
0x525: {  	[sflag:s18] =	ssyncset.done $0x0  }
0x526: {  	[sflag:s18] =	ssyncadd.s32 $0xFFFFE000  }
0x527: {  	_ =	swait.ge [sflag:s19], $0x2000  }
0x528: {  	[sflag:s19] =	ssyncset.done $0x0  }
0x529: {  	[sflag:s19] =	ssyncadd.s32 $0xFFFFE000  }
0x52a: {  	_ =	swait.ge [sflag:s20], $0x2000  }
0x52b: {  	[sflag:s20] =	ssyncset.done $0x0  }
0x52c: {  	[sflag:s20] =	ssyncadd.s32 $0xFFFFE000  }
0x52d: {  	_ =	swait.ge [sflag:s21], $0x2000  }
0x52e: {  	[sflag:s21] =	ssyncset.done $0x0  }
0x52f: {  	s31 =	simm.s32 $0x2000;
	[sflag:s21] =	ssyncadd.s32 $0xFFFFE000  }
0x530: {  	[spmem:s2] =	stream.indirect.scatter.add.f32 [tilespmem:s13], [sflag:$0x5], $0x80, s31, s5, $0xb8;
	[tilespmem:$0x1E800] =	vst v63  }
0x531: {  	s30 =	simm.s32 $0x2080  }
0x532: {  	[spmem:s2] =	stream.indirect.scatter.add.f32 [tilespmem:s13], [sflag:$0x6], $0x80, s30, s5, $0xb8;
	[tilespmem:$0x1E800] =	vst v63  }
0x533: {  	s31 =	simm.s32 $0x2100  }
0x534: {  	[spmem:s2] =	stream.indirect.scatter.add.f32 [tilespmem:s13], [sflag:$0x7], $0x80, s31, s5, $0xb8;
	[tilespmem:$0x1E800] =	vst v63  }
0x535: {  	s30 =	simm.s32 $0x2180  }
0x536: {  	[spmem:s2] =	stream.indirect.scatter.add.f32 [tilespmem:s13], [sflag:$0x8], $0x80, s30, s5, $0xb8;
	[tilespmem:$0x1E800] =	vst v63  }
0x537: {  	_ =	swait.ge [sflag:s18], $0x2000  }
0x538: {  	[sflag:s18] =	ssyncset.done $0x0  }
0x539: {  	[sflag:s18] =	ssyncadd.s32 $0xFFFFE000  }
0x53a: {  	_ =	swait.ge [sflag:s19], $0x2000  }
0x53b: {  	[sflag:s19] =	ssyncset.done $0x0  }
0x53c: {  	[sflag:s19] =	ssyncadd.s32 $0xFFFFE000  }
0x53d: {  	_ =	swait.ge [sflag:s20], $0x2000  }
0x53e: {  	[sflag:s20] =	ssyncset.done $0x0  }
0x53f: {  	[sflag:s20] =	ssyncadd.s32 $0xFFFFE000  }
0x540: {  	_ =	swait.ge [sflag:s21], $0x2000  }
0x541: {  	[sflag:s21] =	ssyncset.done $0x0  }
0x542: {  	s31 =	simm.s32 $0x2200;
	[sflag:s21] =	ssyncadd.s32 $0xFFFFE000  }
0x543: {  	[spmem:s2] =	stream.indirect.scatter.add.f32 [tilespmem:s13], [sflag:$0x5], $0x80, s31, s5, $0xb8;
	[tilespmem:$0x1E800] =	vst v63  }
0x544: {  	s30 =	simm.s32 $0x2280  }
0x545: {  	[spmem:s2] =	stream.indirect.scatter.add.f32 [tilespmem:s13], [sflag:$0x6], $0x80, s30, s5, $0xb8;
	[tilespmem:$0x1E800] =	vst v63  }
0x546: {  	s31 =	simm.s32 $0x2300  }
0x547: {  	[spmem:s2] =	stream.indirect.scatter.add.f32 [tilespmem:s13], [sflag:$0x7], $0x80, s31, s5, $0xb8;
	[tilespmem:$0x1E800] =	vst v63  }
0x548: {  	s30 =	simm.s32 $0x2380  }
0x549: {  	[spmem:s2] =	stream.indirect.scatter.add.f32 [tilespmem:s13], [sflag:$0x8], $0x80, s30, s5, $0xb8;
	[tilespmem:$0x1E800] =	vst v63  }
0x54a: {  	_ =	swait.ge [sflag:s18], $0x2000  }
0x54b: {  	[sflag:s18] =	ssyncset.done $0x0  }
0x54c: {  	[sflag:s18] =	ssyncadd.s32 $0xFFFFE000  }
0x54d: {  	_ =	swait.ge [sflag:s19], $0x2000  }
0x54e: {  	[sflag:s19] =	ssyncset.done $0x0  }
0x54f: {  	[sflag:s19] =	ssyncadd.s32 $0xFFFFE000  }
0x550: {  	_ =	swait.ge [sflag:s20], $0x2000  }
0x551: {  	[sflag:s20] =	ssyncset.done $0x0  }
0x552: {  	[sflag:s20] =	ssyncadd.s32 $0xFFFFE000  }
0x553: {  	_ =	swait.ge [sflag:s21], $0x2000  }
0x554: {  	[sflag:s21] =	ssyncset.done $0x0  }
0x555: {  	s31 =	simm.s32 $0x2400;
	[sflag:s21] =	ssyncadd.s32 $0xFFFFE000  }
0x556: {  	[spmem:s2] =	stream.indirect.scatter.add.f32 [tilespmem:s13], [sflag:$0x5], $0x80, s31, s5, $0xb8;
	[tilespmem:$0x1E800] =	vst v63  }
0x557: {  	_ = 	snop  }
0x558: {  	[spmem:s2] =	stream.indirect.scatter.add.f32 [tilespmem:s13], [sflag:$0x6], $0x80, s0, s5, $0xb8;
	[tilespmem:$0x1E800] =	vst v63  }
0x559: {  	_ = 	snop  }
0x55a: {  	[spmem:s2] =	stream.indirect.scatter.add.f32 [tilespmem:s13], [sflag:$0x7], $0x80, s7, s5, $0xb8;
	[tilespmem:$0x1E800] =	vst v63  }
0x55b: {  	_ = 	snop  }
0x55c: {  	[spmem:s2] =	stream.indirect.scatter.add.f32 [tilespmem:s13], [sflag:$0x8], $0x80, s9, s5, $0xb8;
	[tilespmem:$0x1E800] =	vst v63  }
0x55d: {  	_ =	swait.ge [sflag:s18], $0x2000  }
0x55e: {  	[sflag:s18] =	ssyncset.done $0x0  }
0x55f: {  	[sflag:s18] =	ssyncadd.s32 $0xFFFFE000  }
0x560: {  	_ =	swait.ge [sflag:s19], $0x2000  }
0x561: {  	[sflag:s19] =	ssyncset.done $0x0  }
0x562: {  	[sflag:s19] =	ssyncadd.s32 $0xFFFFE000  }
0x563: {  	_ =	swait.ge [sflag:s20], $0x2000  }
0x564: {  	[sflag:s20] =	ssyncset.done $0x0  }
0x565: {  	[sflag:s20] =	ssyncadd.s32 $0xFFFFE000  }
0x566: {  	_ =	swait.ge [sflag:s21], $0x2000  }
0x567: {  	[sflag:s21] =	ssyncset.done $0x0  }
0x568: {  	[sflag:s21] =	ssyncadd.s32 $0xFFFFE000  }
0x569: {  	[spmem:s2] =	stream.indirect.scatter.add.f32 [tilespmem:s13], [sflag:$0x5], $0x80, s22, s5, $0xb8;
	[tilespmem:$0x1E800] =	vst v63  }
0x56a: {  	_ = 	snop  }
0x56b: {  	[spmem:s2] =	stream.indirect.scatter.add.f32 [tilespmem:s13], [sflag:$0x6], $0x80, s23, s5, $0xb8;
	[tilespmem:$0x1E800] =	vst v63  }
0x56c: {  	_ = 	snop  }
0x56d: {  	[spmem:s2] =	stream.indirect.scatter.add.f32 [tilespmem:s13], [sflag:$0x7], $0x80, s24, s5, $0xb8;
	[tilespmem:$0x1E800] =	vst v63  }
0x56e: {  	_ = 	snop  }
0x56f: {  	[spmem:s2] =	stream.indirect.scatter.add.f32 [tilespmem:s13], [sflag:$0x8], $0x80, s25, s5, $0xb8;
	[tilespmem:$0x1E800] =	vst v63  }
0x570: {  	_ =	swait.ge [sflag:s18], $0x2000  }
0x571: {  	[sflag:s18] =	ssyncset.done $0x0  }
0x572: {  	[sflag:s18] =	ssyncadd.s32 $0xFFFFE000  }
0x573: {  	_ =	swait.ge [sflag:s19], $0x2000  }
0x574: {  	[sflag:s19] =	ssyncset.done $0x0  }
0x575: {  	[sflag:s19] =	ssyncadd.s32 $0xFFFFE000  }
0x576: {  	_ =	swait.ge [sflag:s20], $0x2000  }
0x577: {  	[sflag:s20] =	ssyncset.done $0x0  }
0x578: {  	[sflag:s20] =	ssyncadd.s32 $0xFFFFE000  }
0x579: {  	_ =	swait.ge [sflag:s21], $0x2000  }
0x57a: {  	[sflag:s21] =	ssyncset.done $0x0  }
0x57b: {  	[sflag:s21] =	ssyncadd.s32 $0xFFFFE000  }
0x57c: {  	[bflag:$0x0] =	sbarrier.arrive $0xFFFF  }
0x57d: {  	s30 =	rddreg [dreg:$0x16]  }
0x57e: {  	[hbm:s30], [sflag:s26] =	dma.local [spmem:s28], $0x2800  }
0x57f: {  	_ =	swait.ge [sflag:s4], $0x2800  }
0x580: {  	s11 =	sadd.s32 $0x1, s11;
	s31 =	rddreg [dreg:$0x18]  }
0x581: {  	p0 =	sne.s32 s11, s31  }
.Ltmp9:
0x582: {  	_ = 	snop;
	(pc) =	sbr.rel @p0 .LBB2_1-.Ltmp9, $3  }
0x583: {  	[sflag:s4] =	ssyncset.done $0x0  }
0x584: {  	[sflag:s4] =	ssyncadd.s32 $0xFFFFD800  }
0x585: {  	[bflag:$0x0] =	sbarrier.arrive $0xFFFF;
	_ =	sdelay $0x1  }
0x586: {  	_ =	sfence.sel $0x180000  }
0x587: {  	[bflag:$0x0] =	sbarrier.arrive $0xFFFF  }
0x588: {  	_ =	strace $0x90000047  }
0x589: {  	s0 =	stileid.u32;
	[bflag:$0x2] =	sbarrier.arrive $0xFFFF  }
0x58a: {  	p0 =	sne.s32 s0, $0x0;
	s0 =	rddreg [dreg:$0x4]  }
0x58b: {  	s0 =	sadd.s32 @!p0 $0x100000, s0  }
0x58c: {  	[sflag:s0] =	ssyncadd.tile.s32 @!p0 $0x1;
	_ =	shalt  }
.Lfunc_end2:
_tile_overlayer_lowered:
.L_overlay_start_2:
0x58d: {  	(tag) =	ssettag $0x2  }
0x58e: {  	s0 =	rddreg [dreg:$0x0];
	s2 =	stileid.u32  }
0x58f: {  	s1 =	rddreg [dreg:$0x1];
	p0 =	sne.s32 s2, $0x0  }
0x590: {  	s3 =	rddreg [dreg:$0x2];
	[bflag:$0x3] =	sbarrier.arrive $0xFFFF;
	s2 =	simm.s32 @!p0 $0x1C09  }
0x591: {  	[timem:s3], [sflag:s2] =	dma.local @!p0 [hbm:s0], s1  }
0x592: {  	s0 =	simm.s32 @!p0 $0x9  }
0x593: {  	_ =	swait.ge @!p0 [sflag:s0], s1  }
0x594: {  	s1 =	ssub.s32 @!p0 $0x0, s1;
	[sflag:s0] =	ssyncset.done @!p0 $0x0  }
0x595: {  	[sflag:s0] =	ssyncadd.s32 @!p0 s1  }
0x596: {  	[bflag:$0x3] =	sbarrier.arrive $0xFFFF  }
0x597: {  	_ =	shalt  }

</sc_bundles>
